<compile_context>
chip_gen: v7x
topology: tpu7x:2x2x1
jax: 0.10.2.dev20260603
libtpu: 0.0.44.dev20260713+nightly
codegen_flags: <defaults>
</compile_context>

<pallas_src>
import functools

import jax
import jax.numpy as jnp
from jax import lax
from jax.experimental import pallas as pl
from jax.experimental.pallas import tpu as pltpu
from jax.experimental.pallas import tpu_sc as plsc

NC = 2
NS = 16
K = 128


def _make_sc_agg(NP, W, ch0, ch1, dtype):
  SLAB = NP // NS
  D = 4
  NB = 2 * D
  CHM = max(ch0, ch1)
  mesh = plsc.VectorSubcoreMesh(core_axis_name="c", subcore_axis_name="s")

  @functools.partial(
      pl.kernel,
      out_type=jax.ShapeDtypeStruct((NC, NP, W), dtype),
      mesh=mesh,
      compiler_params=pltpu.CompilerParams(use_tc_tiling_on_sc=False),
      scratch_types=(
          [pltpu.VMEM((CHM, K), jnp.int32)] * 2
          + [pltpu.VMEM((K, W), dtype)] * NB
          + [pltpu.VMEM_SHARED((NP, W), dtype)]
          + [pltpu.SemaphoreType.DMA] * (2 * NB)
      ),
  )
  def agg(rows_hbm, src_hbm, dst_hbm, z_hbm, out_hbm, *scr):
    sidx, didx = scr[0], scr[1]
    bufs = scr[2:2 + NB]
    acc = scr[2 + NB]
    sem_g = scr[3 + NB:3 + 2 * NB]
    sem_s = scr[3 + 2 * NB:]
    c = lax.axis_index("c")
    s = lax.axis_index("s")
    pltpu.sync_copy(z_hbm, acc.at[pl.ds(s * SLAB, SLAB)])

    def start_g(t, slot):
      pltpu.async_copy(rows_hbm.at[sidx.at[t]], bufs[slot], sem_g[slot])

    def wait_g(t, slot):
      pltpu.make_async_copy(rows_hbm.at[sidx.at[t]], bufs[slot],
                            sem_g[slot]).wait()

    def start_s(t, slot):
      pltpu.async_copy(bufs[slot], acc.at[didx.at[t]], sem_s[slot], add=True)

    def wait_s(t, slot):
      pltpu.make_async_copy(bufs[slot], acc.at[didx.at[t]],
                            sem_s[slot]).wait()

    def run(ch, row0):
      pltpu.sync_copy(src_hbm.at[pl.ds(row0, ch)], sidx.at[pl.ds(0, ch)])
      pltpu.sync_copy(dst_hbm.at[pl.ds(row0, ch)], didx.at[pl.ds(0, ch)])
      plsc.subcore_barrier()
      for k in range(D):
        start_g(k, k)
      for t in range(NB):
        wait_g(t, t)
        start_s(t, t)
        if t >= D:
          wait_s(t - D, t - D)
        start_g(t + D, (t + D) % NB)

      def body(i, carry):
        base = NB * i
        for k in range(NB):
          t = base + k
          wait_g(t, k)
          start_s(t, k)
          m2 = (k + D) % NB
          wait_s(t - D, m2)
          jn = jnp.minimum(t + D, ch - 1)
          start_g(jn, m2)
        return carry

      lax.fori_loop(1, ch // NB, body, 0)
      for k in range(D):
        wait_s(ch - D + k, D + k)
      for k in range(D):
        wait_g(ch - 1, k)

    if ch0 == ch1:
      run(ch0, (s * NC + c) * ch0)
    else:
      @pl.when(c == 0)
      def _():
        run(ch0, s * ch0)

      @pl.when(c != 0)
      def _():
        run(ch1, NS * ch0 + s * ch1)

    plsc.subcore_barrier()
    pltpu.sync_copy(acc.at[pl.ds(s * SLAB, SLAB)],
                    out_hbm.at[c, pl.ds(s * SLAB, SLAB)])

  return agg


def _make_sc_degree(NP, CH):
  SLAB = NP // NS
  mesh = plsc.VectorSubcoreMesh(core_axis_name="c", subcore_axis_name="s")

  @functools.partial(
      pl.kernel,
      out_type=jax.ShapeDtypeStruct((NC, NP, 8), jnp.float32),
      mesh=mesh,
      compiler_params=pltpu.CompilerParams(use_tc_tiling_on_sc=False),
      scratch_types=[
          pltpu.VMEM((CH, K), jnp.int32),
          pltpu.VMEM((K, 8), jnp.float32),
          pltpu.VMEM_SHARED((NP, 8), jnp.float32),
          pltpu.SemaphoreType.DMA,
          pltpu.SemaphoreType.DMA,
          pltpu.SemaphoreType.DMA,
          pltpu.SemaphoreType.DMA,
      ],
  )
  def degk(dst_hbm, ones_hbm, z_hbm, out_hbm, didx, onesv, acc, *sems):
    c = lax.axis_index("c")
    s = lax.axis_index("s")
    w = s * NC + c
    pltpu.sync_copy(z_hbm, acc.at[pl.ds(s * SLAB, SLAB)])
    pltpu.sync_copy(ones_hbm, onesv)
    pltpu.sync_copy(dst_hbm.at[pl.ds(w * CH, CH)], didx)
    plsc.subcore_barrier()

    for k in range(4):
      pltpu.async_copy(onesv, acc.at[didx.at[k]], sems[k], add=True)

    def body(i, carry):
      base = 4 * i
      for k in range(4):
        j = base + k
        pltpu.make_async_copy(onesv, acc.at[didx.at[j - 4]], sems[k]).wait()
        pltpu.async_copy(onesv, acc.at[didx.at[j]], sems[k], add=True)
      return carry

    lax.fori_loop(1, CH // 4, body, 0)
    for k in range(4):
      pltpu.make_async_copy(onesv, acc.at[didx.at[CH - 4 + k]],
                            sems[k]).wait()
    plsc.subcore_barrier()
    pltpu.sync_copy(acc.at[pl.ds(s * SLAB, SLAB)],
                    out_hbm.at[c, pl.ds(s * SLAB, SLAB)])

  return degk


def _dinv_of(deg_ref):
  deg = deg_ref[0, :, 0:1] + deg_ref[1, :, 0:1] + 1.0
  return lax.rsqrt(deg)


def _tc1_body(x_ref, w_ref, deg_ref, o_ref):
  dinv = _dinv_of(deg_ref)
  o_ref[...] = (jnp.dot(x_ref[...], w_ref[...],
                        preferred_element_type=jnp.float32)
                * dinv).astype(jnp.bfloat16)


def _tc2_body(sp_ref, h_ref, deg_ref, b1_ref, w2_ref, o_ref):
  dinv = _dinv_of(deg_ref)
  s = (sp_ref[0].astype(jnp.float32) + sp_ref[1].astype(jnp.float32)
       + h_ref[...].astype(jnp.float32))
  pre = s * dinv + b1_ref[...]
  h = jnp.maximum(pre, 0.0)
  o_ref[...] = jnp.dot(h, w2_ref[...],
                       preferred_element_type=jnp.float32) * dinv


def _tc3_body(s2_ref, g_ref, deg_ref, x_ref, ws_ref, bv_ref, o_ref):
  dinv = _dinv_of(deg_ref)
  s2 = (s2_ref[0].astype(jnp.float32) + s2_ref[1].astype(jnp.float32)
        + g_ref[...].astype(jnp.float32))
  o_ref[...] = (s2 * dinv
                + jnp.dot(x_ref[...], ws_ref[...],
                          preferred_element_type=jnp.float32)
                + bv_ref[...])


def kernel(x, edge_index, W1, b1, W2, b2, Ws, bs):
  N, DIN = x.shape
  DH = W1.shape[1]
  DO = W2.shape[1]
  E = edge_index.shape[1]
  f32 = jnp.float32

  NP = -(-(N + 1) // 256) * 256
  SLAB = NP // NS
  CH = -(-E // (NC * NS * K))
  CH = -(-CH // 8) * 8
  CH0 = 96
  CH1 = 2 * CH - CH0
  R = max(NC * NS * CH, (NS + 1) * CH0 + (NS - 1) * CH1)
  EP = R * K

  src = edge_index[0]
  dst = edge_index[1]
  epad = jnp.full((EP - E,), N, dtype=jnp.int32)
  srcp = jnp.concatenate([src, epad]).reshape(R, K)
  dstp = jnp.concatenate([dst, epad]).reshape(R, K)
  xp = jnp.pad(x, ((0, NP - N), (0, 0)))
  W2p = jnp.pad(W2, ((0, 0), (0, 8 - DO)))
  Wsp = jnp.pad(Ws, ((0, 0), (0, 8 - DO)))
  bv = jnp.pad((b2 + bs).reshape(1, DO), ((0, 0), (0, 8 - DO)))
  b1r = b1.reshape(1, DH)
  ones8 = jnp.ones((K, 8), f32)
  z_dh = jnp.zeros((SLAB, DH), jnp.bfloat16)
  z_8 = jnp.zeros((SLAB, 8), f32)
  z_8b = jnp.zeros((SLAB, 8), jnp.bfloat16)

  degp = _make_sc_degree(NP, CH)(dstp, ones8, z_8)

  BM = 5120
  grid = (NP // BM,)
  h1p = pl.pallas_call(
      _tc1_body,
      grid=grid,
      in_specs=[
          pl.BlockSpec((BM, DIN), lambda i: (i, 0)),
          pl.BlockSpec((DIN, DH), lambda i: (0, 0)),
          pl.BlockSpec((NC, BM, 8), lambda i: (0, i, 0)),
      ],
      out_specs=pl.BlockSpec((BM, DH), lambda i: (i, 0)),
      out_shape=jax.ShapeDtypeStruct((NP, DH), jnp.bfloat16),
  )(xp, W1, degp)

  Sp = _make_sc_agg(NP, DH, CH0, CH1, jnp.bfloat16)(h1p, srcp, dstp, z_dh)

  gp = pl.pallas_call(
      _tc2_body,
      grid=grid,
      in_specs=[
          pl.BlockSpec((NC, BM, DH), lambda i: (0, i, 0)),
          pl.BlockSpec((BM, DH), lambda i: (i, 0)),
          pl.BlockSpec((NC, BM, 8), lambda i: (0, i, 0)),
          pl.BlockSpec((1, DH), lambda i: (0, 0)),
          pl.BlockSpec((DH, 8), lambda i: (0, 0)),
      ],
      out_specs=pl.BlockSpec((BM, 8), lambda i: (i, 0)),
      out_shape=jax.ShapeDtypeStruct((NP, 8), f32),
  )(Sp, h1p, degp, b1r, W2p)

  S2p = _make_sc_agg(NP, 8, CH, CH, f32)(gp, srcp, dstp, z_8)

  res = pl.pallas_call(
      _tc3_body,
      grid=grid,
      in_specs=[
          pl.BlockSpec((NC, BM, 8), lambda i: (0, i, 0)),
          pl.BlockSpec((BM, 8), lambda i: (i, 0)),
          pl.BlockSpec((NC, BM, 8), lambda i: (0, i, 0)),
          pl.BlockSpec((BM, DIN), lambda i: (i, 0)),
          pl.BlockSpec((DIN, 8), lambda i: (0, 0)),
          pl.BlockSpec((1, 8), lambda i: (0, 0)),
      ],
      out_specs=pl.BlockSpec((BM, 8), lambda i: (i, 0)),
      out_shape=jax.ShapeDtypeStruct((NP, 8), f32),
  )(S2p, gp, degp, xp, Wsp, bv)

  return res[:N, :DO]

# --- scband reference (transcript-rebuilt; emitter-appended) ---
"""Pipeline reference for scband-skip-gcn-52656299049172 (READ-ONLY COPY).

The authoritative reference and input builder live on the scoring server;
editing this copy changes nothing except your own understanding.
"""

import jax, jax.numpy as jnp
import numpy as np

N_NODES = 10000
N_EDGES = 320000
D_IN = 128
D_HID = 128
D_OUT = 2


def setup_inputs(seed: int = 0) -> dict:
    key = jax.random.key(seed)
    ks = jax.random.split(key, 8)
    x = jax.random.normal(ks[0], (N_NODES, D_IN), dtype=jnp.float32)
    edge_index = jax.random.randint(ks[1], (2, N_EDGES), 0, N_NODES, dtype=jnp.int32)
    W1 = jax.random.normal(ks[2], (D_IN, D_HID), dtype=jnp.float32) * (1.0 / np.sqrt(D_IN))
    b1 = jnp.zeros((D_HID,), dtype=jnp.float32)
    W2 = jax.random.normal(ks[3], (D_HID, D_OUT), dtype=jnp.float32) * (1.0 / np.sqrt(D_HID))
    b2 = jnp.zeros((D_OUT,), dtype=jnp.float32)
    Ws = jax.random.normal(ks[4], (D_IN, D_OUT), dtype=jnp.float32) * (1.0 / np.sqrt(D_IN))
    bs = jnp.zeros((D_OUT,), dtype=jnp.float32)
    return {"x": x, "edge_index": edge_index, "W1": W1, "b1": b1, "W2": W2, "b2": b2, "Ws": Ws, "bs": bs}


def gcn_conv(x, edge_index, W, b):
    # Faithful GCNConv: linear transform, add self-loops, symmetric degree norm, scatter-add aggregate, bias.
    n = x.shape[0]
    loop = jnp.arange(n, dtype=edge_index.dtype)
    src = jnp.concatenate([edge_index[0], loop])
    dst = jnp.concatenate([edge_index[1], loop])
    deg = jnp.zeros((n,), dtype=x.dtype).at[dst].add(1.0)
    deg_inv_sqrt = jnp.where(deg > 0, jax.lax.rsqrt(jnp.maximum(deg, 1e-12)), 0.0)
    norm = deg_inv_sqrt[src] * deg_inv_sqrt[dst]
    h = x @ W
    msg = h[src] * norm[:, None]
    agg = jnp.zeros((n, W.shape[1]), dtype=x.dtype).at[dst].add(msg)
    return agg + b


def reference(x, edge_index, W1, b1, W2, b2, Ws, bs):
    h = jax.nn.relu(gcn_conv(x, edge_index, W1, b1))
    # dropout p=0.0 (eval) -> identity
    out = gcn_conv(h, edge_index, W2, b2) + (x @ Ws + bs)
    return out

if __name__ == "__main__":
    import jax
    _d = setup_inputs()
    print(jax.jit(kernel)(*tuple(_d.values())))

</pallas_src>

<mosaic_0001>
#map = affine_map<(d0, d1) -> (0, 0)>
#map1 = affine_map<(d0, d1) -> (0, 0, 0)>
module attributes {stable_mosaic.version = 14 : i64} {
  func.func @agg(%arg0: i32, %arg1: i32, %arg2: memref<10240x8xf32, #tpu.memory_space<hbm>>, %arg3: memref<2592x128xi32, #tpu.memory_space<hbm>>, %arg4: memref<2592x128xi32, #tpu.memory_space<hbm>>, %arg5: memref<640x8xf32, #tpu.memory_space<hbm>>, %arg6: memref<2x10240x8xf32, #tpu.memory_space<hbm>>, %arg7: memref<80x128xi32, #tpu.memory_space<vmem>>, %arg8: memref<80x128xi32, #tpu.memory_space<vmem>>, %arg9: memref<128x8xf32, #tpu.memory_space<vmem>>, %arg10: memref<128x8xf32, #tpu.memory_space<vmem>>, %arg11: memref<128x8xf32, #tpu.memory_space<vmem>>, %arg12: memref<128x8xf32, #tpu.memory_space<vmem>>, %arg13: memref<128x8xf32, #tpu.memory_space<vmem>>, %arg14: memref<128x8xf32, #tpu.memory_space<vmem>>, %arg15: memref<128x8xf32, #tpu.memory_space<vmem>>, %arg16: memref<128x8xf32, #tpu.memory_space<vmem>>, %arg17: memref<10240x8xf32, #tpu.memory_space<vmem_shared>>, %arg18: memref<!tpu.dma_semaphore, #tpu.memory_space<semaphore_mem>>, %arg19: memref<!tpu.dma_semaphore, #tpu.memory_space<semaphore_mem>>, %arg20: memref<!tpu.dma_semaphore, #tpu.memory_space<semaphore_mem>>, %arg21: memref<!tpu.dma_semaphore, #tpu.memory_space<semaphore_mem>>, %arg22: memref<!tpu.dma_semaphore, #tpu.memory_space<semaphore_mem>>, %arg23: memref<!tpu.dma_semaphore, #tpu.memory_space<semaphore_mem>>, %arg24: memref<!tpu.dma_semaphore, #tpu.memory_space<semaphore_mem>>, %arg25: memref<!tpu.dma_semaphore, #tpu.memory_space<semaphore_mem>>, %arg26: memref<!tpu.dma_semaphore, #tpu.memory_space<semaphore_mem>>, %arg27: memref<!tpu.dma_semaphore, #tpu.memory_space<semaphore_mem>>, %arg28: memref<!tpu.dma_semaphore, #tpu.memory_space<semaphore_mem>>, %arg29: memref<!tpu.dma_semaphore, #tpu.memory_space<semaphore_mem>>, %arg30: memref<!tpu.dma_semaphore, #tpu.memory_space<semaphore_mem>>, %arg31: memref<!tpu.dma_semaphore, #tpu.memory_space<semaphore_mem>>, %arg32: memref<!tpu.dma_semaphore, #tpu.memory_space<semaphore_mem>>, %arg33: memref<!tpu.dma_semaphore, #tpu.memory_space<semaphore_mem>>) attributes {dimension_semantics = [#tpu.dimension_semantics<core_parallel>, #tpu.dimension_semantics<subcore_parallel>], iteration_bounds = array<i64: 2, 16>, scalar_prefetch = 0 : i64, scratch_operands = 27 : i64, tpu.core_type = #tpu.core_type<sc_vector_subcore>, window_params = [{transform_indices = #map}, {transform_indices = #map}, {transform_indices = #map}, {transform_indices = #map}, {transform_indices = #map1}]} {
    %mul3A = arith.constant 640 : i32
    %mul3A_0 = arith.muli %arg1, %mul3A : i32
    "tpu.region"() ({
      %run_scoped3A = tpu.sem_alloc : memref<!tpu.dma_semaphore, #tpu.memory_space<semaphore_mem>>
      %dma_start3A_293 = arith.constant 0 : i32
      %dma_start3A_294 = tpu.memref_slice %arg17[%mul3A_0, %dma_start3A_293] : memref<10240x8xf32, #tpu.memory_space<vmem_shared>> -> memref<640x8xf32, #tpu.memory_space<vmem_shared>>
      tpu.enqueue_dma source(%arg5 : memref<640x8xf32, #tpu.memory_space<hbm>>) target(%dma_start3A_294 : memref<640x8xf32, #tpu.memory_space<vmem_shared>>) target_semaphore(%run_scoped3A : memref<!tpu.dma_semaphore, #tpu.memory_space<semaphore_mem>>)
      %dma_wait3A_295 = arith.constant 0 : i32
      %dma_wait3A_296 = tpu.memref_slice %arg17[%mul3A_0, %dma_wait3A_295] : memref<10240x8xf32, #tpu.memory_space<vmem_shared>> -> memref<640x8xf32, #tpu.memory_space<vmem_shared>>
      tpu.wait_dma2 semaphore(%run_scoped3A : memref<!tpu.dma_semaphore, #tpu.memory_space<semaphore_mem>>) src(%arg5 : memref<640x8xf32, #tpu.memory_space<hbm>>) dst(%dma_wait3A_296 : memref<640x8xf32, #tpu.memory_space<vmem_shared>>)
      tpu.yield
    }) : () -> ()
    %mul3A_1 = arith.constant 2 : i32
    %mul3A_2 = arith.muli %arg1, %mul3A_1 : i32
    %add3A = arith.addi %mul3A_2, %arg0 : i32
    %mul3A_3 = arith.constant 80 : i32
    %mul3A_4 = arith.muli %add3A, %mul3A_3 : i32
    "tpu.region"() ({
      %run_scoped3A = tpu.sem_alloc : memref<!tpu.dma_semaphore, #tpu.memory_space<semaphore_mem>>
      %dma_start3A_293 = arith.constant 0 : i32
      %dma_start3A_294 = arith.constant 0 : i32
      %dma_start3A_295 = tpu.memref_slice %arg7[%dma_start3A_293, %dma_start3A_294] : memref<80x128xi32, #tpu.memory_space<vmem>> -> memref<80x128xi32, #tpu.memory_space<vmem>>
      %dma_start3A_296 = arith.constant 0 : i32
      %dma_start3A_297 = tpu.memref_slice %arg3[%mul3A_4, %dma_start3A_296] : memref<2592x128xi32, #tpu.memory_space<hbm>> -> memref<80x128xi32, #tpu.memory_space<hbm>>
      %dma_start3A_298 = arith.constant 0 : i32
      %dma_start3A_299 = arith.constant 0 : i32
      %dma_start3A_300 = tpu.memref_slice %arg7[%dma_start3A_298, %dma_start3A_299] : memref<80x128xi32, #tpu.memory_space<vmem>> -> memref<80x128xi32, #tpu.memory_space<vmem>>
      %dma_start3A_301 = arith.constant 0 : i32
      %dma_start3A_302 = tpu.memref_slice %arg3[%mul3A_4, %dma_start3A_301] : memref<2592x128xi32, #tpu.memory_space<hbm>> -> memref<80x128xi32, #tpu.memory_space<hbm>>
      tpu.enqueue_dma source(%dma_start3A_302 : memref<80x128xi32, #tpu.memory_space<hbm>>) target(%dma_start3A_300 : memref<80x128xi32, #tpu.memory_space<vmem>>) target_semaphore(%run_scoped3A : memref<!tpu.dma_semaphore, #tpu.memory_space<semaphore_mem>>)
      %dma_wait3A_303 = arith.constant 0 : i32
      %dma_wait3A_304 = arith.constant 0 : i32
      %dma_wait3A_305 = tpu.memref_slice %arg7[%dma_wait3A_303, %dma_wait3A_304] : memref<80x128xi32, #tpu.memory_space<vmem>> -> memref<80x128xi32, #tpu.memory_space<vmem>>
      %dma_wait3A_306 = arith.constant 0 : i32
      %dma_wait3A_307 = tpu.memref_slice %arg3[%mul3A_4, %dma_wait3A_306] : memref<2592x128xi32, #tpu.memory_space<hbm>> -> memref<80x128xi32, #tpu.memory_space<hbm>>
      %dma_wait3A_308 = arith.constant 0 : i32
      %dma_wait3A_309 = arith.constant 0 : i32
      %dma_wait3A_310 = tpu.memref_slice %arg7[%dma_wait3A_308, %dma_wait3A_309] : memref<80x128xi32, #tpu.memory_space<vmem>> -> memref<80x128xi32, #tpu.memory_space<vmem>>
      %dma_wait3A_311 = arith.constant 0 : i32
      %dma_wait3A_312 = tpu.memref_slice %arg3[%mul3A_4, %dma_wait3A_311] : memref<2592x128xi32, #tpu.memory_space<hbm>> -> memref<80x128xi32, #tpu.memory_space<hbm>>
      tpu.wait_dma2 semaphore(%run_scoped3A : memref<!tpu.dma_semaphore, #tpu.memory_space<semaphore_mem>>) src(%dma_wait3A_312 : memref<80x128xi32, #tpu.memory_space<hbm>>) dst(%dma_wait3A_310 : memref<80x128xi32, #tpu.memory_space<vmem>>)
      tpu.yield
    }) : () -> ()
    "tpu.region"() ({
      %run_scoped3A = tpu.sem_alloc : memref<!tpu.dma_semaphore, #tpu.memory_space<semaphore_mem>>
      %dma_start3A_293 = arith.constant 0 : i32
      %dma_start3A_294 = arith.constant 0 : i32
      %dma_start3A_295 = tpu.memref_slice %arg8[%dma_start3A_293, %dma_start3A_294] : memref<80x128xi32, #tpu.memory_space<vmem>> -> memref<80x128xi32, #tpu.memory_space<vmem>>
      %dma_start3A_296 = arith.constant 0 : i32
      %dma_start3A_297 = tpu.memref_slice %arg4[%mul3A_4, %dma_start3A_296] : memref<2592x128xi32, #tpu.memory_space<hbm>> -> memref<80x128xi32, #tpu.memory_space<hbm>>
      %dma_start3A_298 = arith.constant 0 : i32
      %dma_start3A_299 = arith.constant 0 : i32
      %dma_start3A_300 = tpu.memref_slice %arg8[%dma_start3A_298, %dma_start3A_299] : memref<80x128xi32, #tpu.memory_space<vmem>> -> memref<80x128xi32, #tpu.memory_space<vmem>>
      %dma_start3A_301 = arith.constant 0 : i32
      %dma_start3A_302 = tpu.memref_slice %arg4[%mul3A_4, %dma_start3A_301] : memref<2592x128xi32, #tpu.memory_space<hbm>> -> memref<80x128xi32, #tpu.memory_space<hbm>>
      tpu.enqueue_dma source(%dma_start3A_302 : memref<80x128xi32, #tpu.memory_space<hbm>>) target(%dma_start3A_300 : memref<80x128xi32, #tpu.memory_space<vmem>>) target_semaphore(%run_scoped3A : memref<!tpu.dma_semaphore, #tpu.memory_space<semaphore_mem>>)
      %dma_wait3A_303 = arith.constant 0 : i32
      %dma_wait3A_304 = arith.constant 0 : i32
      %dma_wait3A_305 = tpu.memref_slice %arg8[%dma_wait3A_303, %dma_wait3A_304] : memref<80x128xi32, #tpu.memory_space<vmem>> -> memref<80x128xi32, #tpu.memory_space<vmem>>
      %dma_wait3A_306 = arith.constant 0 : i32
      %dma_wait3A_307 = tpu.memref_slice %arg4[%mul3A_4, %dma_wait3A_306] : memref<2592x128xi32, #tpu.memory_space<hbm>> -> memref<80x128xi32, #tpu.memory_space<hbm>>
      %dma_wait3A_308 = arith.constant 0 : i32
      %dma_wait3A_309 = arith.constant 0 : i32
      %dma_wait3A_310 = tpu.memref_slice %arg8[%dma_wait3A_308, %dma_wait3A_309] : memref<80x128xi32, #tpu.memory_space<vmem>> -> memref<80x128xi32, #tpu.memory_space<vmem>>
      %dma_wait3A_311 = arith.constant 0 : i32
      %dma_wait3A_312 = tpu.memref_slice %arg4[%mul3A_4, %dma_wait3A_311] : memref<2592x128xi32, #tpu.memory_space<hbm>> -> memref<80x128xi32, #tpu.memory_space<hbm>>
      tpu.wait_dma2 semaphore(%run_scoped3A : memref<!tpu.dma_semaphore, #tpu.memory_space<semaphore_mem>>) src(%dma_wait3A_312 : memref<80x128xi32, #tpu.memory_space<hbm>>) dst(%dma_wait3A_310 : memref<80x128xi32, #tpu.memory_space<vmem>>)
      tpu.yield
    }) : () -> ()
    %barrier3A = arith.constant 0 : index
    tpu.barrier barrier_id(%barrier3A)
    %dma_start3A = arith.constant 0 : i32
    %dma_start3A_5 = arith.constant 0 : i32
    %dma_start3A_6 = tpu.memref_slice %arg7[%dma_start3A, %dma_start3A_5] : memref<80x128xi32, #tpu.memory_space<vmem>> -> memref<1x128xi32, #tpu.memory_space<vmem>>
    %dma_start3A_7 = tpu.memref_squeeze %dma_start3A_6 : memref<1x128xi32, #tpu.memory_space<vmem>> -> memref<128xi32, #tpu.memory_space<vmem>>
    %dma_start3A_8 = arith.constant 0 : i32
    %dma_start3A_9 = arith.constant 0 : i32
    %dma_start3A_10 = tpu.memref_slice %arg2[%dma_start3A_8, %dma_start3A_9] : memref<10240x8xf32, #tpu.memory_space<hbm>> -> memref<10240x8xf32, #tpu.memory_space<hbm>>
    tpu.enqueue_indirect_dma source(%dma_start3A_10 : memref<10240x8xf32, #tpu.memory_space<hbm>>) target(%arg9 : memref<128x8xf32, #tpu.memory_space<vmem>>) offsets(%dma_start3A_7 : memref<128xi32, #tpu.memory_space<vmem>>) semaphore(%arg18 : memref<!tpu.dma_semaphore, #tpu.memory_space<semaphore_mem>>)
    %dma_start3A_11 = arith.constant 1 : i32
    %dma_start3A_12 = arith.constant 0 : i32
    %dma_start3A_13 = tpu.memref_slice %arg7[%dma_start3A_11, %dma_start3A_12] : memref<80x128xi32, #tpu.memory_space<vmem>> -> memref<1x128xi32, #tpu.memory_space<vmem>>
    %dma_start3A_14 = tpu.memref_squeeze %dma_start3A_13 : memref<1x128xi32, #tpu.memory_space<vmem>> -> memref<128xi32, #tpu.memory_space<vmem>>
    %dma_start3A_15 = arith.constant 0 : i32
    %dma_start3A_16 = arith.constant 0 : i32
    %dma_start3A_17 = tpu.memref_slice %arg2[%dma_start3A_15, %dma_start3A_16] : memref<10240x8xf32, #tpu.memory_space<hbm>> -> memref<10240x8xf32, #tpu.memory_space<hbm>>
    tpu.enqueue_indirect_dma source(%dma_start3A_17 : memref<10240x8xf32, #tpu.memory_space<hbm>>) target(%arg10 : memref<128x8xf32, #tpu.memory_space<vmem>>) offsets(%dma_start3A_14 : memref<128xi32, #tpu.memory_space<vmem>>) semaphore(%arg19 : memref<!tpu.dma_semaphore, #tpu.memory_space<semaphore_mem>>)
    %dma_start3A_18 = arith.constant 2 : i32
    %dma_start3A_19 = arith.constant 0 : i32
    %dma_start3A_20 = tpu.memref_slice %arg7[%dma_start3A_18, %dma_start3A_19] : memref<80x128xi32, #tpu.memory_space<vmem>> -> memref<1x128xi32, #tpu.memory_space<vmem>>
    %dma_start3A_21 = tpu.memref_squeeze %dma_start3A_20 : memref<1x128xi32, #tpu.memory_space<vmem>> -> memref<128xi32, #tpu.memory_space<vmem>>
    %dma_start3A_22 = arith.constant 0 : i32
    %dma_start3A_23 = arith.constant 0 : i32
    %dma_start3A_24 = tpu.memref_slice %arg2[%dma_start3A_22, %dma_start3A_23] : memref<10240x8xf32, #tpu.memory_space<hbm>> -> memref<10240x8xf32, #tpu.memory_space<hbm>>
    tpu.enqueue_indirect_dma source(%dma_start3A_24 : memref<10240x8xf32, #tpu.memory_space<hbm>>) target(%arg11 : memref<128x8xf32, #tpu.memory_space<vmem>>) offsets(%dma_start3A_21 : memref<128xi32, #tpu.memory_space<vmem>>) semaphore(%arg20 : memref<!tpu.dma_semaphore, #tpu.memory_space<semaphore_mem>>)
    %dma_start3A_25 = arith.constant 3 : i32
    %dma_start3A_26 = arith.constant 0 : i32
    %dma_start3A_27 = tpu.memref_slice %arg7[%dma_start3A_25, %dma_start3A_26] : memref<80x128xi32, #tpu.memory_space<vmem>> -> memref<1x128xi32, #tpu.memory_space<vmem>>
    %dma_start3A_28 = tpu.memref_squeeze %dma_start3A_27 : memref<1x128xi32, #tpu.memory_space<vmem>> -> memref<128xi32, #tpu.memory_space<vmem>>
    %dma_start3A_29 = arith.constant 0 : i32
    %dma_start3A_30 = arith.constant 0 : i32
    %dma_start3A_31 = tpu.memref_slice %arg2[%dma_start3A_29, %dma_start3A_30] : memref<10240x8xf32, #tpu.memory_space<hbm>> -> memref<10240x8xf32, #tpu.memory_space<hbm>>
    tpu.enqueue_indirect_dma source(%dma_start3A_31 : memref<10240x8xf32, #tpu.memory_space<hbm>>) target(%arg12 : memref<128x8xf32, #tpu.memory_space<vmem>>) offsets(%dma_start3A_28 : memref<128xi32, #tpu.memory_space<vmem>>) semaphore(%arg21 : memref<!tpu.dma_semaphore, #tpu.memory_space<semaphore_mem>>)
    %dma_wait3A = arith.constant 0 : i32
    %dma_wait3A_32 = arith.constant 0 : i32
    %dma_wait3A_33 = tpu.memref_slice %arg7[%dma_wait3A, %dma_wait3A_32] : memref<80x128xi32, #tpu.memory_space<vmem>> -> memref<1x128xi32, #tpu.memory_space<vmem>>
    %dma_wait3A_34 = tpu.memref_squeeze %dma_wait3A_33 : memref<1x128xi32, #tpu.memory_space<vmem>> -> memref<128xi32, #tpu.memory_space<vmem>>
    %dma_wait3A_35 = arith.constant 0 : i32
    %dma_wait3A_36 = arith.constant 0 : i32
    %dma_wait3A_37 = tpu.memref_slice %arg2[%dma_wait3A_35, %dma_wait3A_36] : memref<10240x8xf32, #tpu.memory_space<hbm>> -> memref<10240x8xf32, #tpu.memory_space<hbm>>
    tpu.wait_indirect_dma semaphore(%arg18 : memref<!tpu.dma_semaphore, #tpu.memory_space<semaphore_mem>>) src(%dma_wait3A_37 : memref<10240x8xf32, #tpu.memory_space<hbm>>) dst(%arg9 : memref<128x8xf32, #tpu.memory_space<vmem>>)
    %dma_start3A_38 = arith.constant 0 : i32
    %dma_start3A_39 = arith.constant 0 : i32
    %dma_start3A_40 = tpu.memref_slice %arg8[%dma_start3A_38, %dma_start3A_39] : memref<80x128xi32, #tpu.memory_space<vmem>> -> memref<1x128xi32, #tpu.memory_space<vmem>>
    %dma_start3A_41 = tpu.memref_squeeze %dma_start3A_40 : memref<1x128xi32, #tpu.memory_space<vmem>> -> memref<128xi32, #tpu.memory_space<vmem>>
    %dma_start3A_42 = arith.constant 0 : i32
    %dma_start3A_43 = arith.constant 0 : i32
    %dma_start3A_44 = tpu.memref_slice %arg17[%dma_start3A_42, %dma_start3A_43] : memref<10240x8xf32, #tpu.memory_space<vmem_shared>> -> memref<10240x8xf32, #tpu.memory_space<vmem_shared>>
    tpu.enqueue_indirect_dma source(%arg9 : memref<128x8xf32, #tpu.memory_space<vmem>>) target(%dma_start3A_44 : memref<10240x8xf32, #tpu.memory_space<vmem_shared>>) offsets(%dma_start3A_41 : memref<128xi32, #tpu.memory_space<vmem>>) semaphore(%arg26 : memref<!tpu.dma_semaphore, #tpu.memory_space<semaphore_mem>>) {add = true}
    %dma_start3A_45 = arith.constant 4 : i32
    %dma_start3A_46 = arith.constant 0 : i32
    %dma_start3A_47 = tpu.memref_slice %arg7[%dma_start3A_45, %dma_start3A_46] : memref<80x128xi32, #tpu.memory_space<vmem>> -> memref<1x128xi32, #tpu.memory_space<vmem>>
    %dma_start3A_48 = tpu.memref_squeeze %dma_start3A_47 : memref<1x128xi32, #tpu.memory_space<vmem>> -> memref<128xi32, #tpu.memory_space<vmem>>
    %dma_start3A_49 = arith.constant 0 : i32
    %dma_start3A_50 = arith.constant 0 : i32
    %dma_start3A_51 = tpu.memref_slice %arg2[%dma_start3A_49, %dma_start3A_50] : memref<10240x8xf32, #tpu.memory_space<hbm>> -> memref<10240x8xf32, #tpu.memory_space<hbm>>
    tpu.enqueue_indirect_dma source(%dma_start3A_51 : memref<10240x8xf32, #tpu.memory_space<hbm>>) target(%arg13 : memref<128x8xf32, #tpu.memory_space<vmem>>) offsets(%dma_start3A_48 : memref<128xi32, #tpu.memory_space<vmem>>) semaphore(%arg22 : memref<!tpu.dma_semaphore, #tpu.memory_space<semaphore_mem>>)
    %dma_wait3A_52 = arith.constant 1 : i32
    %dma_wait3A_53 = arith.constant 0 : i32
    %dma_wait3A_54 = tpu.memref_slice %arg7[%dma_wait3A_52, %dma_wait3A_53] : memref<80x128xi32, #tpu.memory_space<vmem>> -> memref<1x128xi32, #tpu.memory_space<vmem>>
    %dma_wait3A_55 = tpu.memref_squeeze %dma_wait3A_54 : memref<1x128xi32, #tpu.memory_space<vmem>> -> memref<128xi32, #tpu.memory_space<vmem>>
    %dma_wait3A_56 = arith.constant 0 : i32
    %dma_wait3A_57 = arith.constant 0 : i32
    %dma_wait3A_58 = tpu.memref_slice %arg2[%dma_wait3A_56, %dma_wait3A_57] : memref<10240x8xf32, #tpu.memory_space<hbm>> -> memref<10240x8xf32, #tpu.memory_space<hbm>>
    tpu.wait_indirect_dma semaphore(%arg19 : memref<!tpu.dma_semaphore, #tpu.memory_space<semaphore_mem>>) src(%dma_wait3A_58 : memref<10240x8xf32, #tpu.memory_space<hbm>>) dst(%arg10 : memref<128x8xf32, #tpu.memory_space<vmem>>)
    %dma_start3A_59 = arith.constant 1 : i32
    %dma_start3A_60 = arith.constant 0 : i32
    %dma_start3A_61 = tpu.memref_slice %arg8[%dma_start3A_59, %dma_start3A_60] : memref<80x128xi32, #tpu.memory_space<vmem>> -> memref<1x128xi32, #tpu.memory_space<vmem>>
    %dma_start3A_62 = tpu.memref_squeeze %dma_start3A_61 : memref<1x128xi32, #tpu.memory_space<vmem>> -> memref<128xi32, #tpu.memory_space<vmem>>
    %dma_start3A_63 = arith.constant 0 : i32
    %dma_start3A_64 = arith.constant 0 : i32
    %dma_start3A_65 = tpu.memref_slice %arg17[%dma_start3A_63, %dma_start3A_64] : memref<10240x8xf32, #tpu.memory_space<vmem_shared>> -> memref<10240x8xf32, #tpu.memory_space<vmem_shared>>
    tpu.enqueue_indirect_dma source(%arg10 : memref<128x8xf32, #tpu.memory_space<vmem>>) target(%dma_start3A_65 : memref<10240x8xf32, #tpu.memory_space<vmem_shared>>) offsets(%dma_start3A_62 : memref<128xi32, #tpu.memory_space<vmem>>) semaphore(%arg27 : memref<!tpu.dma_semaphore, #tpu.memory_space<semaphore_mem>>) {add = true}
    %dma_start3A_66 = arith.constant 5 : i32
    %dma_start3A_67 = arith.constant 0 : i32
    %dma_start3A_68 = tpu.memref_slice %arg7[%dma_start3A_66, %dma_start3A_67] : memref<80x128xi32, #tpu.memory_space<vmem>> -> memref<1x128xi32, #tpu.memory_space<vmem>>
    %dma_start3A_69 = tpu.memref_squeeze %dma_start3A_68 : memref<1x128xi32, #tpu.memory_space<vmem>> -> memref<128xi32, #tpu.memory_space<vmem>>
    %dma_start3A_70 = arith.constant 0 : i32
    %dma_start3A_71 = arith.constant 0 : i32
    %dma_start3A_72 = tpu.memref_slice %arg2[%dma_start3A_70, %dma_start3A_71] : memref<10240x8xf32, #tpu.memory_space<hbm>> -> memref<10240x8xf32, #tpu.memory_space<hbm>>
    tpu.enqueue_indirect_dma source(%dma_start3A_72 : memref<10240x8xf32, #tpu.memory_space<hbm>>) target(%arg14 : memref<128x8xf32, #tpu.memory_space<vmem>>) offsets(%dma_start3A_69 : memref<128xi32, #tpu.memory_space<vmem>>) semaphore(%arg23 : memref<!tpu.dma_semaphore, #tpu.memory_space<semaphore_mem>>)
    %dma_wait3A_73 = arith.constant 2 : i32
    %dma_wait3A_74 = arith.constant 0 : i32
    %dma_wait3A_75 = tpu.memref_slice %arg7[%dma_wait3A_73, %dma_wait3A_74] : memref<80x128xi32, #tpu.memory_space<vmem>> -> memref<1x128xi32, #tpu.memory_space<vmem>>
    %dma_wait3A_76 = tpu.memref_squeeze %dma_wait3A_75 : memref<1x128xi32, #tpu.memory_space<vmem>> -> memref<128xi32, #tpu.memory_space<vmem>>
    %dma_wait3A_77 = arith.constant 0 : i32
    %dma_wait3A_78 = arith.constant 0 : i32
    %dma_wait3A_79 = tpu.memref_slice %arg2[%dma_wait3A_77, %dma_wait3A_78] : memref<10240x8xf32, #tpu.memory_space<hbm>> -> memref<10240x8xf32, #tpu.memory_space<hbm>>
    tpu.wait_indirect_dma semaphore(%arg20 : memref<!tpu.dma_semaphore, #tpu.memory_space<semaphore_mem>>) src(%dma_wait3A_79 : memref<10240x8xf32, #tpu.memory_space<hbm>>) dst(%arg11 : memref<128x8xf32, #tpu.memory_space<vmem>>)
    %dma_start3A_80 = arith.constant 2 : i32
    %dma_start3A_81 = arith.constant 0 : i32
    %dma_start3A_82 = tpu.memref_slice %arg8[%dma_start3A_80, %dma_start3A_81] : memref<80x128xi32, #tpu.memory_space<vmem>> -> memref<1x128xi32, #tpu.memory_space<vmem>>
    %dma_start3A_83 = tpu.memref_squeeze %dma_start3A_82 : memref<1x128xi32, #tpu.memory_space<vmem>> -> memref<128xi32, #tpu.memory_space<vmem>>
    %dma_start3A_84 = arith.constant 0 : i32
    %dma_start3A_85 = arith.constant 0 : i32
    %dma_start3A_86 = tpu.memref_slice %arg17[%dma_start3A_84, %dma_start3A_85] : memref<10240x8xf32, #tpu.memory_space<vmem_shared>> -> memref<10240x8xf32, #tpu.memory_space<vmem_shared>>
    tpu.enqueue_indirect_dma source(%arg11 : memref<128x8xf32, #tpu.memory_space<vmem>>) target(%dma_start3A_86 : memref<10240x8xf32, #tpu.memory_space<vmem_shared>>) offsets(%dma_start3A_83 : memref<128xi32, #tpu.memory_space<vmem>>) semaphore(%arg28 : memref<!tpu.dma_semaphore, #tpu.memory_space<semaphore_mem>>) {add = true}
    %dma_start3A_87 = arith.constant 6 : i32
    %dma_start3A_88 = arith.constant 0 : i32
    %dma_start3A_89 = tpu.memref_slice %arg7[%dma_start3A_87, %dma_start3A_88] : memref<80x128xi32, #tpu.memory_space<vmem>> -> memref<1x128xi32, #tpu.memory_space<vmem>>
    %dma_start3A_90 = tpu.memref_squeeze %dma_start3A_89 : memref<1x128xi32, #tpu.memory_space<vmem>> -> memref<128xi32, #tpu.memory_space<vmem>>
    %dma_start3A_91 = arith.constant 0 : i32
    %dma_start3A_92 = arith.constant 0 : i32
    %dma_start3A_93 = tpu.memref_slice %arg2[%dma_start3A_91, %dma_start3A_92] : memref<10240x8xf32, #tpu.memory_space<hbm>> -> memref<10240x8xf32, #tpu.memory_space<hbm>>
    tpu.enqueue_indirect_dma source(%dma_start3A_93 : memref<10240x8xf32, #tpu.memory_space<hbm>>) target(%arg15 : memref<128x8xf32, #tpu.memory_space<vmem>>) offsets(%dma_start3A_90 : memref<128xi32, #tpu.memory_space<vmem>>) semaphore(%arg24 : memref<!tpu.dma_semaphore, #tpu.memory_space<semaphore_mem>>)
    %dma_wait3A_94 = arith.constant 3 : i32
    %dma_wait3A_95 = arith.constant 0 : i32
    %dma_wait3A_96 = tpu.memref_slice %arg7[%dma_wait3A_94, %dma_wait3A_95] : memref<80x128xi32, #tpu.memory_space<vmem>> -> memref<1x128xi32, #tpu.memory_space<vmem>>
    %dma_wait3A_97 = tpu.memref_squeeze %dma_wait3A_96 : memref<1x128xi32, #tpu.memory_space<vmem>> -> memref<128xi32, #tpu.memory_space<vmem>>
    %dma_wait3A_98 = arith.constant 0 : i32
    %dma_wait3A_99 = arith.constant 0 : i32
    %dma_wait3A_100 = tpu.memref_slice %arg2[%dma_wait3A_98, %dma_wait3A_99] : memref<10240x8xf32, #tpu.memory_space<hbm>> -> memref<10240x8xf32, #tpu.memory_space<hbm>>
    tpu.wait_indirect_dma semaphore(%arg21 : memref<!tpu.dma_semaphore, #tpu.memory_space<semaphore_mem>>) src(%dma_wait3A_100 : memref<10240x8xf32, #tpu.memory_space<hbm>>) dst(%arg12 : memref<128x8xf32, #tpu.memory_space<vmem>>)
    %dma_start3A_101 = arith.constant 3 : i32
    %dma_start3A_102 = arith.constant 0 : i32
    %dma_start3A_103 = tpu.memref_slice %arg8[%dma_start3A_101, %dma_start3A_102] : memref<80x128xi32, #tpu.memory_space<vmem>> -> memref<1x128xi32, #tpu.memory_space<vmem>>
    %dma_start3A_104 = tpu.memref_squeeze %dma_start3A_103 : memref<1x128xi32, #tpu.memory_space<vmem>> -> memref<128xi32, #tpu.memory_space<vmem>>
    %dma_start3A_105 = arith.constant 0 : i32
    %dma_start3A_106 = arith.constant 0 : i32
    %dma_start3A_107 = tpu.memref_slice %arg17[%dma_start3A_105, %dma_start3A_106] : memref<10240x8xf32, #tpu.memory_space<vmem_shared>> -> memref<10240x8xf32, #tpu.memory_space<vmem_shared>>
    tpu.enqueue_indirect_dma source(%arg12 : memref<128x8xf32, #tpu.memory_space<vmem>>) target(%dma_start3A_107 : memref<10240x8xf32, #tpu.memory_space<vmem_shared>>) offsets(%dma_start3A_104 : memref<128xi32, #tpu.memory_space<vmem>>) semaphore(%arg29 : memref<!tpu.dma_semaphore, #tpu.memory_space<semaphore_mem>>) {add = true}
    %dma_start3A_108 = arith.constant 7 : i32
    %dma_start3A_109 = arith.constant 0 : i32
    %dma_start3A_110 = tpu.memref_slice %arg7[%dma_start3A_108, %dma_start3A_109] : memref<80x128xi32, #tpu.memory_space<vmem>> -> memref<1x128xi32, #tpu.memory_space<vmem>>
    %dma_start3A_111 = tpu.memref_squeeze %dma_start3A_110 : memref<1x128xi32, #tpu.memory_space<vmem>> -> memref<128xi32, #tpu.memory_space<vmem>>
    %dma_start3A_112 = arith.constant 0 : i32
    %dma_start3A_113 = arith.constant 0 : i32
    %dma_start3A_114 = tpu.memref_slice %arg2[%dma_start3A_112, %dma_start3A_113] : memref<10240x8xf32, #tpu.memory_space<hbm>> -> memref<10240x8xf32, #tpu.memory_space<hbm>>
    tpu.enqueue_indirect_dma source(%dma_start3A_114 : memref<10240x8xf32, #tpu.memory_space<hbm>>) target(%arg16 : memref<128x8xf32, #tpu.memory_space<vmem>>) offsets(%dma_start3A_111 : memref<128xi32, #tpu.memory_space<vmem>>) semaphore(%arg25 : memref<!tpu.dma_semaphore, #tpu.memory_space<semaphore_mem>>)
    %dma_wait3A_115 = arith.constant 4 : i32
    %dma_wait3A_116 = arith.constant 0 : i32
    %dma_wait3A_117 = tpu.memref_slice %arg7[%dma_wait3A_115, %dma_wait3A_116] : memref<80x128xi32, #tpu.memory_space<vmem>> -> memref<1x128xi32, #tpu.memory_space<vmem>>
    %dma_wait3A_118 = tpu.memref_squeeze %dma_wait3A_117 : memref<1x128xi32, #tpu.memory_space<vmem>> -> memref<128xi32, #tpu.memory_space<vmem>>
    %dma_wait3A_119 = arith.constant 0 : i32
    %dma_wait3A_120 = arith.constant 0 : i32
    %dma_wait3A_121 = tpu.memref_slice %arg2[%dma_wait3A_119, %dma_wait3A_120] : memref<10240x8xf32, #tpu.memory_space<hbm>> -> memref<10240x8xf32, #tpu.memory_space<hbm>>
    tpu.wait_indirect_dma semaphore(%arg22 : memref<!tpu.dma_semaphore, #tpu.memory_space<semaphore_mem>>) src(%dma_wait3A_121 : memref<10240x8xf32, #tpu.memory_space<hbm>>) dst(%arg13 : memref<128x8xf32, #tpu.memory_space<vmem>>)
    %dma_start3A_122 = arith.constant 4 : i32
    %dma_start3A_123 = arith.constant 0 : i32
    %dma_start3A_124 = tpu.memref_slice %arg8[%dma_start3A_122, %dma_start3A_123] : memref<80x128xi32, #tpu.memory_space<vmem>> -> memref<1x128xi32, #tpu.memory_space<vmem>>
    %dma_start3A_125 = tpu.memref_squeeze %dma_start3A_124 : memref<1x128xi32, #tpu.memory_space<vmem>> -> memref<128xi32, #tpu.memory_space<vmem>>
    %dma_start3A_126 = arith.constant 0 : i32
    %dma_start3A_127 = arith.constant 0 : i32
    %dma_start3A_128 = tpu.memref_slice %arg17[%dma_start3A_126, %dma_start3A_127] : memref<10240x8xf32, #tpu.memory_space<vmem_shared>> -> memref<10240x8xf32, #tpu.memory_space<vmem_shared>>
    tpu.enqueue_indirect_dma source(%arg13 : memref<128x8xf32, #tpu.memory_space<vmem>>) target(%dma_start3A_128 : memref<10240x8xf32, #tpu.memory_space<vmem_shared>>) offsets(%dma_start3A_125 : memref<128xi32, #tpu.memory_space<vmem>>) semaphore(%arg30 : memref<!tpu.dma_semaphore, #tpu.memory_space<semaphore_mem>>) {add = true}
    %dma_wait3A_129 = arith.constant 0 : i32
    %dma_wait3A_130 = arith.constant 0 : i32
    %dma_wait3A_131 = tpu.memref_slice %arg8[%dma_wait3A_129, %dma_wait3A_130] : memref<80x128xi32, #tpu.memory_space<vmem>> -> memref<1x128xi32, #tpu.memory_space<vmem>>
    %dma_wait3A_132 = tpu.memref_squeeze %dma_wait3A_131 : memref<1x128xi32, #tpu.memory_space<vmem>> -> memref<128xi32, #tpu.memory_space<vmem>>
    %dma_wait3A_133 = arith.constant 0 : i32
    %dma_wait3A_134 = arith.constant 0 : i32
    %dma_wait3A_135 = tpu.memref_slice %arg17[%dma_wait3A_133, %dma_wait3A_134] : memref<10240x8xf32, #tpu.memory_space<vmem_shared>> -> memref<10240x8xf32, #tpu.memory_space<vmem_shared>>
    tpu.wait_indirect_dma semaphore(%arg26 : memref<!tpu.dma_semaphore, #tpu.memory_space<semaphore_mem>>) src(%arg9 : memref<128x8xf32, #tpu.memory_space<vmem>>) dst(%dma_wait3A_135 : memref<10240x8xf32, #tpu.memory_space<vmem_shared>>)
    %dma_start3A_136 = arith.constant 8 : i32
    %dma_start3A_137 = arith.constant 0 : i32
    %dma_start3A_138 = tpu.memref_slice %arg7[%dma_start3A_136, %dma_start3A_137] : memref<80x128xi32, #tpu.memory_space<vmem>> -> memref<1x128xi32, #tpu.memory_space<vmem>>
    %dma_start3A_139 = tpu.memref_squeeze %dma_start3A_138 : memref<1x128xi32, #tpu.memory_space<vmem>> -> memref<128xi32, #tpu.memory_space<vmem>>
    %dma_start3A_140 = arith.constant 0 : i32
    %dma_start3A_141 = arith.constant 0 : i32
    %dma_start3A_142 = tpu.memref_slice %arg2[%dma_start3A_140, %dma_start3A_141] : memref<10240x8xf32, #tpu.memory_space<hbm>> -> memref<10240x8xf32, #tpu.memory_space<hbm>>
    tpu.enqueue_indirect_dma source(%dma_start3A_142 : memref<10240x8xf32, #tpu.memory_space<hbm>>) target(%arg9 : memref<128x8xf32, #tpu.memory_space<vmem>>) offsets(%dma_start3A_139 : memref<128xi32, #tpu.memory_space<vmem>>) semaphore(%arg18 : memref<!tpu.dma_semaphore, #tpu.memory_space<semaphore_mem>>)
    %dma_wait3A_143 = arith.constant 5 : i32
    %dma_wait3A_144 = arith.constant 0 : i32
    %dma_wait3A_145 = tpu.memref_slice %arg7[%dma_wait3A_143, %dma_wait3A_144] : memref<80x128xi32, #tpu.memory_space<vmem>> -> memref<1x128xi32, #tpu.memory_space<vmem>>
    %dma_wait3A_146 = tpu.memref_squeeze %dma_wait3A_145 : memref<1x128xi32, #tpu.memory_space<vmem>> -> memref<128xi32, #tpu.memory_space<vmem>>
    %dma_wait3A_147 = arith.constant 0 : i32
    %dma_wait3A_148 = arith.constant 0 : i32
    %dma_wait3A_149 = tpu.memref_slice %arg2[%dma_wait3A_147, %dma_wait3A_148] : memref<10240x8xf32, #tpu.memory_space<hbm>> -> memref<10240x8xf32, #tpu.memory_space<hbm>>
    tpu.wait_indirect_dma semaphore(%arg23 : memref<!tpu.dma_semaphore, #tpu.memory_space<semaphore_mem>>) src(%dma_wait3A_149 : memref<10240x8xf32, #tpu.memory_space<hbm>>) dst(%arg14 : memref<128x8xf32, #tpu.memory_space<vmem>>)
    %dma_start3A_150 = arith.constant 5 : i32
    %dma_start3A_151 = arith.constant 0 : i32
    %dma_start3A_152 = tpu.memref_slice %arg8[%dma_start3A_150, %dma_start3A_151] : memref<80x128xi32, #tpu.memory_space<vmem>> -> memref<1x128xi32, #tpu.memory_space<vmem>>
    %dma_start3A_153 = tpu.memref_squeeze %dma_start3A_152 : memref<1x128xi32, #tpu.memory_space<vmem>> -> memref<128xi32, #tpu.memory_space<vmem>>
    %dma_start3A_154 = arith.constant 0 : i32
    %dma_start3A_155 = arith.constant 0 : i32
    %dma_start3A_156 = tpu.memref_slice %arg17[%dma_start3A_154, %dma_start3A_155] : memref<10240x8xf32, #tpu.memory_space<vmem_shared>> -> memref<10240x8xf32, #tpu.memory_space<vmem_shared>>
    tpu.enqueue_indirect_dma source(%arg14 : memref<128x8xf32, #tpu.memory_space<vmem>>) target(%dma_start3A_156 : memref<10240x8xf32, #tpu.memory_space<vmem_shared>>) offsets(%dma_start3A_153 : memref<128xi32, #tpu.memory_space<vmem>>) semaphore(%arg31 : memref<!tpu.dma_semaphore, #tpu.memory_space<semaphore_mem>>) {add = true}
    %dma_wait3A_157 = arith.constant 1 : i32
    %dma_wait3A_158 = arith.constant 0 : i32
    %dma_wait3A_159 = tpu.memref_slice %arg8[%dma_wait3A_157, %dma_wait3A_158] : memref<80x128xi32, #tpu.memory_space<vmem>> -> memref<1x128xi32, #tpu.memory_space<vmem>>
    %dma_wait3A_160 = tpu.memref_squeeze %dma_wait3A_159 : memref<1x128xi32, #tpu.memory_space<vmem>> -> memref<128xi32, #tpu.memory_space<vmem>>
    %dma_wait3A_161 = arith.constant 0 : i32
    %dma_wait3A_162 = arith.constant 0 : i32
    %dma_wait3A_163 = tpu.memref_slice %arg17[%dma_wait3A_161, %dma_wait3A_162] : memref<10240x8xf32, #tpu.memory_space<vmem_shared>> -> memref<10240x8xf32, #tpu.memory_space<vmem_shared>>
    tpu.wait_indirect_dma semaphore(%arg27 : memref<!tpu.dma_semaphore, #tpu.memory_space<semaphore_mem>>) src(%arg10 : memref<128x8xf32, #tpu.memory_space<vmem>>) dst(%dma_wait3A_163 : memref<10240x8xf32, #tpu.memory_space<vmem_shared>>)
    %dma_start3A_164 = arith.constant 9 : i32
    %dma_start3A_165 = arith.constant 0 : i32
    %dma_start3A_166 = tpu.memref_slice %arg7[%dma_start3A_164, %dma_start3A_165] : memref<80x128xi32, #tpu.memory_space<vmem>> -> memref<1x128xi32, #tpu.memory_space<vmem>>
    %dma_start3A_167 = tpu.memref_squeeze %dma_start3A_166 : memref<1x128xi32, #tpu.memory_space<vmem>> -> memref<128xi32, #tpu.memory_space<vmem>>
    %dma_start3A_168 = arith.constant 0 : i32
    %dma_start3A_169 = arith.constant 0 : i32
    %dma_start3A_170 = tpu.memref_slice %arg2[%dma_start3A_168, %dma_start3A_169] : memref<10240x8xf32, #tpu.memory_space<hbm>> -> memref<10240x8xf32, #tpu.memory_space<hbm>>
    tpu.enqueue_indirect_dma source(%dma_start3A_170 : memref<10240x8xf32, #tpu.memory_space<hbm>>) target(%arg10 : memref<128x8xf32, #tpu.memory_space<vmem>>) offsets(%dma_start3A_167 : memref<128xi32, #tpu.memory_space<vmem>>) semaphore(%arg19 : memref<!tpu.dma_semaphore, #tpu.memory_space<semaphore_mem>>)
    %dma_wait3A_171 = arith.constant 6 : i32
    %dma_wait3A_172 = arith.constant 0 : i32
    %dma_wait3A_173 = tpu.memref_slice %arg7[%dma_wait3A_171, %dma_wait3A_172] : memref<80x128xi32, #tpu.memory_space<vmem>> -> memref<1x128xi32, #tpu.memory_space<vmem>>
    %dma_wait3A_174 = tpu.memref_squeeze %dma_wait3A_173 : memref<1x128xi32, #tpu.memory_space<vmem>> -> memref<128xi32, #tpu.memory_space<vmem>>
    %dma_wait3A_175 = arith.constant 0 : i32
    %dma_wait3A_176 = arith.constant 0 : i32
    %dma_wait3A_177 = tpu.memref_slice %arg2[%dma_wait3A_175, %dma_wait3A_176] : memref<10240x8xf32, #tpu.memory_space<hbm>> -> memref<10240x8xf32, #tpu.memory_space<hbm>>
    tpu.wait_indirect_dma semaphore(%arg24 : memref<!tpu.dma_semaphore, #tpu.memory_space<semaphore_mem>>) src(%dma_wait3A_177 : memref<10240x8xf32, #tpu.memory_space<hbm>>) dst(%arg15 : memref<128x8xf32, #tpu.memory_space<vmem>>)
    %dma_start3A_178 = arith.constant 6 : i32
    %dma_start3A_179 = arith.constant 0 : i32
    %dma_start3A_180 = tpu.memref_slice %arg8[%dma_start3A_178, %dma_start3A_179] : memref<80x128xi32, #tpu.memory_space<vmem>> -> memref<1x128xi32, #tpu.memory_space<vmem>>
    %dma_start3A_181 = tpu.memref_squeeze %dma_start3A_180 : memref<1x128xi32, #tpu.memory_space<vmem>> -> memref<128xi32, #tpu.memory_space<vmem>>
    %dma_start3A_182 = arith.constant 0 : i32
    %dma_start3A_183 = arith.constant 0 : i32
    %dma_start3A_184 = tpu.memref_slice %arg17[%dma_start3A_182, %dma_start3A_183] : memref<10240x8xf32, #tpu.memory_space<vmem_shared>> -> memref<10240x8xf32, #tpu.memory_space<vmem_shared>>
    tpu.enqueue_indirect_dma source(%arg15 : memref<128x8xf32, #tpu.memory_space<vmem>>) target(%dma_start3A_184 : memref<10240x8xf32, #tpu.memory_space<vmem_shared>>) offsets(%dma_start3A_181 : memref<128xi32, #tpu.memory_space<vmem>>) semaphore(%arg32 : memref<!tpu.dma_semaphore, #tpu.memory_space<semaphore_mem>>) {add = true}
    %dma_wait3A_185 = arith.constant 2 : i32
    %dma_wait3A_186 = arith.constant 0 : i32
    %dma_wait3A_187 = tpu.memref_slice %arg8[%dma_wait3A_185, %dma_wait3A_186] : memref<80x128xi32, #tpu.memory_space<vmem>> -> memref<1x128xi32, #tpu.memory_space<vmem>>
    %dma_wait3A_188 = tpu.memref_squeeze %dma_wait3A_187 : memref<1x128xi32, #tpu.memory_space<vmem>> -> memref<128xi32, #tpu.memory_space<vmem>>
    %dma_wait3A_189 = arith.constant 0 : i32
    %dma_wait3A_190 = arith.constant 0 : i32
    %dma_wait3A_191 = tpu.memref_slice %arg17[%dma_wait3A_189, %dma_wait3A_190] : memref<10240x8xf32, #tpu.memory_space<vmem_shared>> -> memref<10240x8xf32, #tpu.memory_space<vmem_shared>>
    tpu.wait_indirect_dma semaphore(%arg28 : memref<!tpu.dma_semaphore, #tpu.memory_space<semaphore_mem>>) src(%arg11 : memref<128x8xf32, #tpu.memory_space<vmem>>) dst(%dma_wait3A_191 : memref<10240x8xf32, #tpu.memory_space<vmem_shared>>)
    %dma_start3A_192 = arith.constant 10 : i32
    %dma_start3A_193 = arith.constant 0 : i32
    %dma_start3A_194 = tpu.memref_slice %arg7[%dma_start3A_192, %dma_start3A_193] : memref<80x128xi32, #tpu.memory_space<vmem>> -> memref<1x128xi32, #tpu.memory_space<vmem>>
    %dma_start3A_195 = tpu.memref_squeeze %dma_start3A_194 : memref<1x128xi32, #tpu.memory_space<vmem>> -> memref<128xi32, #tpu.memory_space<vmem>>
    %dma_start3A_196 = arith.constant 0 : i32
    %dma_start3A_197 = arith.constant 0 : i32
    %dma_start3A_198 = tpu.memref_slice %arg2[%dma_start3A_196, %dma_start3A_197] : memref<10240x8xf32, #tpu.memory_space<hbm>> -> memref<10240x8xf32, #tpu.memory_space<hbm>>
    tpu.enqueue_indirect_dma source(%dma_start3A_198 : memref<10240x8xf32, #tpu.memory_space<hbm>>) target(%arg11 : memref<128x8xf32, #tpu.memory_space<vmem>>) offsets(%dma_start3A_195 : memref<128xi32, #tpu.memory_space<vmem>>) semaphore(%arg20 : memref<!tpu.dma_semaphore, #tpu.memory_space<semaphore_mem>>)
    %dma_wait3A_199 = arith.constant 7 : i32
    %dma_wait3A_200 = arith.constant 0 : i32
    %dma_wait3A_201 = tpu.memref_slice %arg7[%dma_wait3A_199, %dma_wait3A_200] : memref<80x128xi32, #tpu.memory_space<vmem>> -> memref<1x128xi32, #tpu.memory_space<vmem>>
    %dma_wait3A_202 = tpu.memref_squeeze %dma_wait3A_201 : memref<1x128xi32, #tpu.memory_space<vmem>> -> memref<128xi32, #tpu.memory_space<vmem>>
    %dma_wait3A_203 = arith.constant 0 : i32
    %dma_wait3A_204 = arith.constant 0 : i32
    %dma_wait3A_205 = tpu.memref_slice %arg2[%dma_wait3A_203, %dma_wait3A_204] : memref<10240x8xf32, #tpu.memory_space<hbm>> -> memref<10240x8xf32, #tpu.memory_space<hbm>>
    tpu.wait_indirect_dma semaphore(%arg25 : memref<!tpu.dma_semaphore, #tpu.memory_space<semaphore_mem>>) src(%dma_wait3A_205 : memref<10240x8xf32, #tpu.memory_space<hbm>>) dst(%arg16 : memref<128x8xf32, #tpu.memory_space<vmem>>)
    %dma_start3A_206 = arith.constant 7 : i32
    %dma_start3A_207 = arith.constant 0 : i32
    %dma_start3A_208 = tpu.memref_slice %arg8[%dma_start3A_206, %dma_start3A_207] : memref<80x128xi32, #tpu.memory_space<vmem>> -> memref<1x128xi32, #tpu.memory_space<vmem>>
    %dma_start3A_209 = tpu.memref_squeeze %dma_start3A_208 : memref<1x128xi32, #tpu.memory_space<vmem>> -> memref<128xi32, #tpu.memory_space<vmem>>
    %dma_start3A_210 = arith.constant 0 : i32
    %dma_start3A_211 = arith.constant 0 : i32
    %dma_start3A_212 = tpu.memref_slice %arg17[%dma_start3A_210, %dma_start3A_211] : memref<10240x8xf32, #tpu.memory_space<vmem_shared>> -> memref<10240x8xf32, #tpu.memory_space<vmem_shared>>
    tpu.enqueue_indirect_dma source(%arg16 : memref<128x8xf32, #tpu.memory_space<vmem>>) target(%dma_start3A_212 : memref<10240x8xf32, #tpu.memory_space<vmem_shared>>) offsets(%dma_start3A_209 : memref<128xi32, #tpu.memory_space<vmem>>) semaphore(%arg33 : memref<!tpu.dma_semaphore, #tpu.memory_space<semaphore_mem>>) {add = true}
    %dma_wait3A_213 = arith.constant 3 : i32
    %dma_wait3A_214 = arith.constant 0 : i32
    %dma_wait3A_215 = tpu.memref_slice %arg8[%dma_wait3A_213, %dma_wait3A_214] : memref<80x128xi32, #tpu.memory_space<vmem>> -> memref<1x128xi32, #tpu.memory_space<vmem>>
    %dma_wait3A_216 = tpu.memref_squeeze %dma_wait3A_215 : memref<1x128xi32, #tpu.memory_space<vmem>> -> memref<128xi32, #tpu.memory_space<vmem>>
    %dma_wait3A_217 = arith.constant 0 : i32
    %dma_wait3A_218 = arith.constant 0 : i32
    %dma_wait3A_219 = tpu.memref_slice %arg17[%dma_wait3A_217, %dma_wait3A_218] : memref<10240x8xf32, #tpu.memory_space<vmem_shared>> -> memref<10240x8xf32, #tpu.memory_space<vmem_shared>>
    tpu.wait_indirect_dma semaphore(%arg29 : memref<!tpu.dma_semaphore, #tpu.memory_space<semaphore_mem>>) src(%arg12 : memref<128x8xf32, #tpu.memory_space<vmem>>) dst(%dma_wait3A_219 : memref<10240x8xf32, #tpu.memory_space<vmem_shared>>)
    %dma_start3A_220 = arith.constant 11 : i32
    %dma_start3A_221 = arith.constant 0 : i32
    %dma_start3A_222 = tpu.memref_slice %arg7[%dma_start3A_220, %dma_start3A_221] : memref<80x128xi32, #tpu.memory_space<vmem>> -> memref<1x128xi32, #tpu.memory_space<vmem>>
    %dma_start3A_223 = tpu.memref_squeeze %dma_start3A_222 : memref<1x128xi32, #tpu.memory_space<vmem>> -> memref<128xi32, #tpu.memory_space<vmem>>
    %dma_start3A_224 = arith.constant 0 : i32
    %dma_start3A_225 = arith.constant 0 : i32
    %dma_start3A_226 = tpu.memref_slice %arg2[%dma_start3A_224, %dma_start3A_225] : memref<10240x8xf32, #tpu.memory_space<hbm>> -> memref<10240x8xf32, #tpu.memory_space<hbm>>
    tpu.enqueue_indirect_dma source(%dma_start3A_226 : memref<10240x8xf32, #tpu.memory_space<hbm>>) target(%arg12 : memref<128x8xf32, #tpu.memory_space<vmem>>) offsets(%dma_start3A_223 : memref<128xi32, #tpu.memory_space<vmem>>) semaphore(%arg21 : memref<!tpu.dma_semaphore, #tpu.memory_space<semaphore_mem>>)
    %scan3A = arith.constant 0 : i32
    %scan3A_227 = arith.constant 1 : i32
    %scan3A_228 = arith.constant 9 : i32
    %scan3A_229 = arith.addi %scan3A_227, %scan3A_228 : i32
    %scan3A_230 = arith.constant 1 : i32
    scf.for %scan3A_293 = %scan3A_227 to %scan3A_229 step %scan3A_230  : i32 {
      %mul3A_294 = arith.constant 8 : i32
      %mul3A_295 = arith.muli %mul3A_294, %scan3A_293 : i32
      %add3A_296 = arith.constant 0 : i32
      %add3A_297 = arith.addi %mul3A_295, %add3A_296 : i32
      %dma_wait3A_298 = arith.constant 0 : i32
      %dma_wait3A_299 = tpu.memref_slice %arg7[%add3A_297, %dma_wait3A_298] : memref<80x128xi32, #tpu.memory_space<vmem>> -> memref<1x128xi32, #tpu.memory_space<vmem>>
      %dma_wait3A_300 = tpu.memref_squeeze %dma_wait3A_299 : memref<1x128xi32, #tpu.memory_space<vmem>> -> memref<128xi32, #tpu.memory_space<vmem>>
      %dma_wait3A_301 = arith.constant 0 : i32
      %dma_wait3A_302 = arith.constant 0 : i32
      %dma_wait3A_303 = tpu.memref_slice %arg2[%dma_wait3A_301, %dma_wait3A_302] : memref<10240x8xf32, #tpu.memory_space<hbm>> -> memref<10240x8xf32, #tpu.memory_space<hbm>>
      tpu.wait_indirect_dma semaphore(%arg18 : memref<!tpu.dma_semaphore, #tpu.memory_space<semaphore_mem>>) src(%dma_wait3A_303 : memref<10240x8xf32, #tpu.memory_space<hbm>>) dst(%arg9 : memref<128x8xf32, #tpu.memory_space<vmem>>)
      %dma_start3A_304 = arith.constant 0 : i32
      %dma_start3A_305 = tpu.memref_slice %arg8[%add3A_297, %dma_start3A_304] : memref<80x128xi32, #tpu.memory_space<vmem>> -> memref<1x128xi32, #tpu.memory_space<vmem>>
      %dma_start3A_306 = tpu.memref_squeeze %dma_start3A_305 : memref<1x128xi32, #tpu.memory_space<vmem>> -> memref<128xi32, #tpu.memory_space<vmem>>
      %dma_start3A_307 = arith.constant 0 : i32
      %dma_start3A_308 = arith.constant 0 : i32
      %dma_start3A_309 = tpu.memref_slice %arg17[%dma_start3A_307, %dma_start3A_308] : memref<10240x8xf32, #tpu.memory_space<vmem_shared>> -> memref<10240x8xf32, #tpu.memory_space<vmem_shared>>
      tpu.enqueue_indirect_dma source(%arg9 : memref<128x8xf32, #tpu.memory_space<vmem>>) target(%dma_start3A_309 : memref<10240x8xf32, #tpu.memory_space<vmem_shared>>) offsets(%dma_start3A_306 : memref<128xi32, #tpu.memory_space<vmem>>) semaphore(%arg26 : memref<!tpu.dma_semaphore, #tpu.memory_space<semaphore_mem>>) {add = true}
      %sub3A = arith.constant 4 : i32
      %sub3A_310 = arith.subi %add3A_297, %sub3A : i32
      %dma_wait3A_311 = arith.constant 0 : i32
      %dma_wait3A_312 = tpu.memref_slice %arg8[%sub3A_310, %dma_wait3A_311] : memref<80x128xi32, #tpu.memory_space<vmem>> -> memref<1x128xi32, #tpu.memory_space<vmem>>
      %dma_wait3A_313 = tpu.memref_squeeze %dma_wait3A_312 : memref<1x128xi32, #tpu.memory_space<vmem>> -> memref<128xi32, #tpu.memory_space<vmem>>
      %dma_wait3A_314 = arith.constant 0 : i32
      %dma_wait3A_315 = arith.constant 0 : i32
      %dma_wait3A_316 = tpu.memref_slice %arg17[%dma_wait3A_314, %dma_wait3A_315] : memref<10240x8xf32, #tpu.memory_space<vmem_shared>> -> memref<10240x8xf32, #tpu.memory_space<vmem_shared>>
      tpu.wait_indirect_dma semaphore(%arg30 : memref<!tpu.dma_semaphore, #tpu.memory_space<semaphore_mem>>) src(%arg13 : memref<128x8xf32, #tpu.memory_space<vmem>>) dst(%dma_wait3A_316 : memref<10240x8xf32, #tpu.memory_space<vmem_shared>>)
      %add3A_317 = arith.constant 4 : i32
      %add3A_318 = arith.addi %add3A_297, %add3A_317 : i32
      %min3A = arith.constant 79 : i32
      %min3A_319 = arith.minsi %add3A_318, %min3A : i32
      %dma_start3A_320 = arith.constant 0 : i32
      %dma_start3A_321 = tpu.memref_slice %arg7[%min3A_319, %dma_start3A_320] : memref<80x128xi32, #tpu.memory_space<vmem>> -> memref<1x128xi32, #tpu.memory_space<vmem>>
      %dma_start3A_322 = tpu.memref_squeeze %dma_start3A_321 : memref<1x128xi32, #tpu.memory_space<vmem>> -> memref<128xi32, #tpu.memory_space<vmem>>
      %dma_start3A_323 = arith.constant 0 : i32
      %dma_start3A_324 = arith.constant 0 : i32
      %dma_start3A_325 = tpu.memref_slice %arg2[%dma_start3A_323, %dma_start3A_324] : memref<10240x8xf32, #tpu.memory_space<hbm>> -> memref<10240x8xf32, #tpu.memory_space<hbm>>
      tpu.enqueue_indirect_dma source(%dma_start3A_325 : memref<10240x8xf32, #tpu.memory_space<hbm>>) target(%arg13 : memref<128x8xf32, #tpu.memory_space<vmem>>) offsets(%dma_start3A_322 : memref<128xi32, #tpu.memory_space<vmem>>) semaphore(%arg22 : memref<!tpu.dma_semaphore, #tpu.memory_space<semaphore_mem>>)
      %add3A_326 = arith.constant 1 : i32
      %add3A_327 = arith.addi %mul3A_295, %add3A_326 : i32
      %dma_wait3A_328 = arith.constant 0 : i32
      %dma_wait3A_329 = tpu.memref_slice %arg7[%add3A_327, %dma_wait3A_328] : memref<80x128xi32, #tpu.memory_space<vmem>> -> memref<1x128xi32, #tpu.memory_space<vmem>>
      %dma_wait3A_330 = tpu.memref_squeeze %dma_wait3A_329 : memref<1x128xi32, #tpu.memory_space<vmem>> -> memref<128xi32, #tpu.memory_space<vmem>>
      %dma_wait3A_331 = arith.constant 0 : i32
      %dma_wait3A_332 = arith.constant 0 : i32
      %dma_wait3A_333 = tpu.memref_slice %arg2[%dma_wait3A_331, %dma_wait3A_332] : memref<10240x8xf32, #tpu.memory_space<hbm>> -> memref<10240x8xf32, #tpu.memory_space<hbm>>
      tpu.wait_indirect_dma semaphore(%arg19 : memref<!tpu.dma_semaphore, #tpu.memory_space<semaphore_mem>>) src(%dma_wait3A_333 : memref<10240x8xf32, #tpu.memory_space<hbm>>) dst(%arg10 : memref<128x8xf32, #tpu.memory_space<vmem>>)
      %dma_start3A_334 = arith.constant 0 : i32
      %dma_start3A_335 = tpu.memref_slice %arg8[%add3A_327, %dma_start3A_334] : memref<80x128xi32, #tpu.memory_space<vmem>> -> memref<1x128xi32, #tpu.memory_space<vmem>>
      %dma_start3A_336 = tpu.memref_squeeze %dma_start3A_335 : memref<1x128xi32, #tpu.memory_space<vmem>> -> memref<128xi32, #tpu.memory_space<vmem>>
      %dma_start3A_337 = arith.constant 0 : i32
      %dma_start3A_338 = arith.constant 0 : i32
      %dma_start3A_339 = tpu.memref_slice %arg17[%dma_start3A_337, %dma_start3A_338] : memref<10240x8xf32, #tpu.memory_space<vmem_shared>> -> memref<10240x8xf32, #tpu.memory_space<vmem_shared>>
      tpu.enqueue_indirect_dma source(%arg10 : memref<128x8xf32, #tpu.memory_space<vmem>>) target(%dma_start3A_339 : memref<10240x8xf32, #tpu.memory_space<vmem_shared>>) offsets(%dma_start3A_336 : memref<128xi32, #tpu.memory_space<vmem>>) semaphore(%arg27 : memref<!tpu.dma_semaphore, #tpu.memory_space<semaphore_mem>>) {add = true}
      %sub3A_340 = arith.constant 4 : i32
      %sub3A_341 = arith.subi %add3A_327, %sub3A_340 : i32
      %dma_wait3A_342 = arith.constant 0 : i32
      %dma_wait3A_343 = tpu.memref_slice %arg8[%sub3A_341, %dma_wait3A_342] : memref<80x128xi32, #tpu.memory_space<vmem>> -> memref<1x128xi32, #tpu.memory_space<vmem>>
      %dma_wait3A_344 = tpu.memref_squeeze %dma_wait3A_343 : memref<1x128xi32, #tpu.memory_space<vmem>> -> memref<128xi32, #tpu.memory_space<vmem>>
      %dma_wait3A_345 = arith.constant 0 : i32
      %dma_wait3A_346 = arith.constant 0 : i32
      %dma_wait3A_347 = tpu.memref_slice %arg17[%dma_wait3A_345, %dma_wait3A_346] : memref<10240x8xf32, #tpu.memory_space<vmem_shared>> -> memref<10240x8xf32, #tpu.memory_space<vmem_shared>>
      tpu.wait_indirect_dma semaphore(%arg31 : memref<!tpu.dma_semaphore, #tpu.memory_space<semaphore_mem>>) src(%arg14 : memref<128x8xf32, #tpu.memory_space<vmem>>) dst(%dma_wait3A_347 : memref<10240x8xf32, #tpu.memory_space<vmem_shared>>)
      %add3A_348 = arith.constant 4 : i32
      %add3A_349 = arith.addi %add3A_327, %add3A_348 : i32
      %min3A_350 = arith.constant 79 : i32
      %min3A_351 = arith.minsi %add3A_349, %min3A_350 : i32
      %dma_start3A_352 = arith.constant 0 : i32
      %dma_start3A_353 = tpu.memref_slice %arg7[%min3A_351, %dma_start3A_352] : memref<80x128xi32, #tpu.memory_space<vmem>> -> memref<1x128xi32, #tpu.memory_space<vmem>>
      %dma_start3A_354 = tpu.memref_squeeze %dma_start3A_353 : memref<1x128xi32, #tpu.memory_space<vmem>> -> memref<128xi32, #tpu.memory_space<vmem>>
      %dma_start3A_355 = arith.constant 0 : i32
      %dma_start3A_356 = arith.constant 0 : i32
      %dma_start3A_357 = tpu.memref_slice %arg2[%dma_start3A_355, %dma_start3A_356] : memref<10240x8xf32, #tpu.memory_space<hbm>> -> memref<10240x8xf32, #tpu.memory_space<hbm>>
      tpu.enqueue_indirect_dma source(%dma_start3A_357 : memref<10240x8xf32, #tpu.memory_space<hbm>>) target(%arg14 : memref<128x8xf32, #tpu.memory_space<vmem>>) offsets(%dma_start3A_354 : memref<128xi32, #tpu.memory_space<vmem>>) semaphore(%arg23 : memref<!tpu.dma_semaphore, #tpu.memory_space<semaphore_mem>>)
      %add3A_358 = arith.constant 2 : i32
      %add3A_359 = arith.addi %mul3A_295, %add3A_358 : i32
      %dma_wait3A_360 = arith.constant 0 : i32
      %dma_wait3A_361 = tpu.memref_slice %arg7[%add3A_359, %dma_wait3A_360] : memref<80x128xi32, #tpu.memory_space<vmem>> -> memref<1x128xi32, #tpu.memory_space<vmem>>
      %dma_wait3A_362 = tpu.memref_squeeze %dma_wait3A_361 : memref<1x128xi32, #tpu.memory_space<vmem>> -> memref<128xi32, #tpu.memory_space<vmem>>
      %dma_wait3A_363 = arith.constant 0 : i32
      %dma_wait3A_364 = arith.constant 0 : i32
      %dma_wait3A_365 = tpu.memref_slice %arg2[%dma_wait3A_363, %dma_wait3A_364] : memref<10240x8xf32, #tpu.memory_space<hbm>> -> memref<10240x8xf32, #tpu.memory_space<hbm>>
      tpu.wait_indirect_dma semaphore(%arg20 : memref<!tpu.dma_semaphore, #tpu.memory_space<semaphore_mem>>) src(%dma_wait3A_365 : memref<10240x8xf32, #tpu.memory_space<hbm>>) dst(%arg11 : memref<128x8xf32, #tpu.memory_space<vmem>>)
      %dma_start3A_366 = arith.constant 0 : i32
      %dma_start3A_367 = tpu.memref_slice %arg8[%add3A_359, %dma_start3A_366] : memref<80x128xi32, #tpu.memory_space<vmem>> -> memref<1x128xi32, #tpu.memory_space<vmem>>
      %dma_start3A_368 = tpu.memref_squeeze %dma_start3A_367 : memref<1x128xi32, #tpu.memory_space<vmem>> -> memref<128xi32, #tpu.memory_space<vmem>>
      %dma_start3A_369 = arith.constant 0 : i32
      %dma_start3A_370 = arith.constant 0 : i32
      %dma_start3A_371 = tpu.memref_slice %arg17[%dma_start3A_369, %dma_start3A_370] : memref<10240x8xf32, #tpu.memory_space<vmem_shared>> -> memref<10240x8xf32, #tpu.memory_space<vmem_shared>>
      tpu.enqueue_indirect_dma source(%arg11 : memref<128x8xf32, #tpu.memory_space<vmem>>) target(%dma_start3A_371 : memref<10240x8xf32, #tpu.memory_space<vmem_shared>>) offsets(%dma_start3A_368 : memref<128xi32, #tpu.memory_space<vmem>>) semaphore(%arg28 : memref<!tpu.dma_semaphore, #tpu.memory_space<semaphore_mem>>) {add = true}
      %sub3A_372 = arith.constant 4 : i32
      %sub3A_373 = arith.subi %add3A_359, %sub3A_372 : i32
      %dma_wait3A_374 = arith.constant 0 : i32
      %dma_wait3A_375 = tpu.memref_slice %arg8[%sub3A_373, %dma_wait3A_374] : memref<80x128xi32, #tpu.memory_space<vmem>> -> memref<1x128xi32, #tpu.memory_space<vmem>>
      %dma_wait3A_376 = tpu.memref_squeeze %dma_wait3A_375 : memref<1x128xi32, #tpu.memory_space<vmem>> -> memref<128xi32, #tpu.memory_space<vmem>>
      %dma_wait3A_377 = arith.constant 0 : i32
      %dma_wait3A_378 = arith.constant 0 : i32
      %dma_wait3A_379 = tpu.memref_slice %arg17[%dma_wait3A_377, %dma_wait3A_378] : memref<10240x8xf32, #tpu.memory_space<vmem_shared>> -> memref<10240x8xf32, #tpu.memory_space<vmem_shared>>
      tpu.wait_indirect_dma semaphore(%arg32 : memref<!tpu.dma_semaphore, #tpu.memory_space<semaphore_mem>>) src(%arg15 : memref<128x8xf32, #tpu.memory_space<vmem>>) dst(%dma_wait3A_379 : memref<10240x8xf32, #tpu.memory_space<vmem_shared>>)
      %add3A_380 = arith.constant 4 : i32
      %add3A_381 = arith.addi %add3A_359, %add3A_380 : i32
      %min3A_382 = arith.constant 79 : i32
      %min3A_383 = arith.minsi %add3A_381, %min3A_382 : i32
      %dma_start3A_384 = arith.constant 0 : i32
      %dma_start3A_385 = tpu.memref_slice %arg7[%min3A_383, %dma_start3A_384] : memref<80x128xi32, #tpu.memory_space<vmem>> -> memref<1x128xi32, #tpu.memory_space<vmem>>
      %dma_start3A_386 = tpu.memref_squeeze %dma_start3A_385 : memref<1x128xi32, #tpu.memory_space<vmem>> -> memref<128xi32, #tpu.memory_space<vmem>>
      %dma_start3A_387 = arith.constant 0 : i32
      %dma_start3A_388 = arith.constant 0 : i32
      %dma_start3A_389 = tpu.memref_slice %arg2[%dma_start3A_387, %dma_start3A_388] : memref<10240x8xf32, #tpu.memory_space<hbm>> -> memref<10240x8xf32, #tpu.memory_space<hbm>>
      tpu.enqueue_indirect_dma source(%dma_start3A_389 : memref<10240x8xf32, #tpu.memory_space<hbm>>) target(%arg15 : memref<128x8xf32, #tpu.memory_space<vmem>>) offsets(%dma_start3A_386 : memref<128xi32, #tpu.memory_space<vmem>>) semaphore(%arg24 : memref<!tpu.dma_semaphore, #tpu.memory_space<semaphore_mem>>)
      %add3A_390 = arith.constant 3 : i32
      %add3A_391 = arith.addi %mul3A_295, %add3A_390 : i32
      %dma_wait3A_392 = arith.constant 0 : i32
      %dma_wait3A_393 = tpu.memref_slice %arg7[%add3A_391, %dma_wait3A_392] : memref<80x128xi32, #tpu.memory_space<vmem>> -> memref<1x128xi32, #tpu.memory_space<vmem>>
      %dma_wait3A_394 = tpu.memref_squeeze %dma_wait3A_393 : memref<1x128xi32, #tpu.memory_space<vmem>> -> memref<128xi32, #tpu.memory_space<vmem>>
      %dma_wait3A_395 = arith.constant 0 : i32
      %dma_wait3A_396 = arith.constant 0 : i32
      %dma_wait3A_397 = tpu.memref_slice %arg2[%dma_wait3A_395, %dma_wait3A_396] : memref<10240x8xf32, #tpu.memory_space<hbm>> -> memref<10240x8xf32, #tpu.memory_space<hbm>>
      tpu.wait_indirect_dma semaphore(%arg21 : memref<!tpu.dma_semaphore, #tpu.memory_space<semaphore_mem>>) src(%dma_wait3A_397 : memref<10240x8xf32, #tpu.memory_space<hbm>>) dst(%arg12 : memref<128x8xf32, #tpu.memory_space<vmem>>)
      %dma_start3A_398 = arith.constant 0 : i32
      %dma_start3A_399 = tpu.memref_slice %arg8[%add3A_391, %dma_start3A_398] : memref<80x128xi32, #tpu.memory_space<vmem>> -> memref<1x128xi32, #tpu.memory_space<vmem>>
      %dma_start3A_400 = tpu.memref_squeeze %dma_start3A_399 : memref<1x128xi32, #tpu.memory_space<vmem>> -> memref<128xi32, #tpu.memory_space<vmem>>
      %dma_start3A_401 = arith.constant 0 : i32
      %dma_start3A_402 = arith.constant 0 : i32
      %dma_start3A_403 = tpu.memref_slice %arg17[%dma_start3A_401, %dma_start3A_402] : memref<10240x8xf32, #tpu.memory_space<vmem_shared>> -> memref<10240x8xf32, #tpu.memory_space<vmem_shared>>
      tpu.enqueue_indirect_dma source(%arg12 : memref<128x8xf32, #tpu.memory_space<vmem>>) target(%dma_start3A_403 : memref<10240x8xf32, #tpu.memory_space<vmem_shared>>) offsets(%dma_start3A_400 : memref<128xi32, #tpu.memory_space<vmem>>) semaphore(%arg29 : memref<!tpu.dma_semaphore, #tpu.memory_space<semaphore_mem>>) {add = true}
      %sub3A_404 = arith.constant 4 : i32
      %sub3A_405 = arith.subi %add3A_391, %sub3A_404 : i32
      %dma_wait3A_406 = arith.constant 0 : i32
      %dma_wait3A_407 = tpu.memref_slice %arg8[%sub3A_405, %dma_wait3A_406] : memref<80x128xi32, #tpu.memory_space<vmem>> -> memref<1x128xi32, #tpu.memory_space<vmem>>
      %dma_wait3A_408 = tpu.memref_squeeze %dma_wait3A_407 : memref<1x128xi32, #tpu.memory_space<vmem>> -> memref<128xi32, #tpu.memory_space<vmem>>
      %dma_wait3A_409 = arith.constant 0 : i32
      %dma_wait3A_410 = arith.constant 0 : i32
      %dma_wait3A_411 = tpu.memref_slice %arg17[%dma_wait3A_409, %dma_wait3A_410] : memref<10240x8xf32, #tpu.memory_space<vmem_shared>> -> memref<10240x8xf32, #tpu.memory_space<vmem_shared>>
      tpu.wait_indirect_dma semaphore(%arg33 : memref<!tpu.dma_semaphore, #tpu.memory_space<semaphore_mem>>) src(%arg16 : memref<128x8xf32, #tpu.memory_space<vmem>>) dst(%dma_wait3A_411 : memref<10240x8xf32, #tpu.memory_space<vmem_shared>>)
      %add3A_412 = arith.constant 4 : i32
      %add3A_413 = arith.addi %add3A_391, %add3A_412 : i32
      %min3A_414 = arith.constant 79 : i32
      %min3A_415 = arith.minsi %add3A_413, %min3A_414 : i32
      %dma_start3A_416 = arith.constant 0 : i32
      %dma_start3A_417 = tpu.memref_slice %arg7[%min3A_415, %dma_start3A_416] : memref<80x128xi32, #tpu.memory_space<vmem>> -> memref<1x128xi32, #tpu.memory_space<vmem>>
      %dma_start3A_418 = tpu.memref_squeeze %dma_start3A_417 : memref<1x128xi32, #tpu.memory_space<vmem>> -> memref<128xi32, #tpu.memory_space<vmem>>
      %dma_start3A_419 = arith.constant 0 : i32
      %dma_start3A_420 = arith.constant 0 : i32
      %dma_start3A_421 = tpu.memref_slice %arg2[%dma_start3A_419, %dma_start3A_420] : memref<10240x8xf32, #tpu.memory_space<hbm>> -> memref<10240x8xf32, #tpu.memory_space<hbm>>
      tpu.enqueue_indirect_dma source(%dma_start3A_421 : memref<10240x8xf32, #tpu.memory_space<hbm>>) target(%arg16 : memref<128x8xf32, #tpu.memory_space<vmem>>) offsets(%dma_start3A_418 : memref<128xi32, #tpu.memory_space<vmem>>) semaphore(%arg25 : memref<!tpu.dma_semaphore, #tpu.memory_space<semaphore_mem>>)
      %add3A_422 = arith.constant 4 : i32
      %add3A_423 = arith.addi %mul3A_295, %add3A_422 : i32
      %dma_wait3A_424 = arith.constant 0 : i32
      %dma_wait3A_425 = tpu.memref_slice %arg7[%add3A_423, %dma_wait3A_424] : memref<80x128xi32, #tpu.memory_space<vmem>> -> memref<1x128xi32, #tpu.memory_space<vmem>>
      %dma_wait3A_426 = tpu.memref_squeeze %dma_wait3A_425 : memref<1x128xi32, #tpu.memory_space<vmem>> -> memref<128xi32, #tpu.memory_space<vmem>>
      %dma_wait3A_427 = arith.constant 0 : i32
      %dma_wait3A_428 = arith.constant 0 : i32
      %dma_wait3A_429 = tpu.memref_slice %arg2[%dma_wait3A_427, %dma_wait3A_428] : memref<10240x8xf32, #tpu.memory_space<hbm>> -> memref<10240x8xf32, #tpu.memory_space<hbm>>
      tpu.wait_indirect_dma semaphore(%arg22 : memref<!tpu.dma_semaphore, #tpu.memory_space<semaphore_mem>>) src(%dma_wait3A_429 : memref<10240x8xf32, #tpu.memory_space<hbm>>) dst(%arg13 : memref<128x8xf32, #tpu.memory_space<vmem>>)
      %dma_start3A_430 = arith.constant 0 : i32
      %dma_start3A_431 = tpu.memref_slice %arg8[%add3A_423, %dma_start3A_430] : memref<80x128xi32, #tpu.memory_space<vmem>> -> memref<1x128xi32, #tpu.memory_space<vmem>>
      %dma_start3A_432 = tpu.memref_squeeze %dma_start3A_431 : memref<1x128xi32, #tpu.memory_space<vmem>> -> memref<128xi32, #tpu.memory_space<vmem>>
      %dma_start3A_433 = arith.constant 0 : i32
      %dma_start3A_434 = arith.constant 0 : i32
      %dma_start3A_435 = tpu.memref_slice %arg17[%dma_start3A_433, %dma_start3A_434] : memref<10240x8xf32, #tpu.memory_space<vmem_shared>> -> memref<10240x8xf32, #tpu.memory_space<vmem_shared>>
      tpu.enqueue_indirect_dma source(%arg13 : memref<128x8xf32, #tpu.memory_space<vmem>>) target(%dma_start3A_435 : memref<10240x8xf32, #tpu.memory_space<vmem_shared>>) offsets(%dma_start3A_432 : memref<128xi32, #tpu.memory_space<vmem>>) semaphore(%arg30 : memref<!tpu.dma_semaphore, #tpu.memory_space<semaphore_mem>>) {add = true}
      %sub3A_436 = arith.constant 4 : i32
      %sub3A_437 = arith.subi %add3A_423, %sub3A_436 : i32
      %dma_wait3A_438 = arith.constant 0 : i32
      %dma_wait3A_439 = tpu.memref_slice %arg8[%sub3A_437, %dma_wait3A_438] : memref<80x128xi32, #tpu.memory_space<vmem>> -> memref<1x128xi32, #tpu.memory_space<vmem>>
      %dma_wait3A_440 = tpu.memref_squeeze %dma_wait3A_439 : memref<1x128xi32, #tpu.memory_space<vmem>> -> memref<128xi32, #tpu.memory_space<vmem>>
      %dma_wait3A_441 = arith.constant 0 : i32
      %dma_wait3A_442 = arith.constant 0 : i32
      %dma_wait3A_443 = tpu.memref_slice %arg17[%dma_wait3A_441, %dma_wait3A_442] : memref<10240x8xf32, #tpu.memory_space<vmem_shared>> -> memref<10240x8xf32, #tpu.memory_space<vmem_shared>>
      tpu.wait_indirect_dma semaphore(%arg26 : memref<!tpu.dma_semaphore, #tpu.memory_space<semaphore_mem>>) src(%arg9 : memref<128x8xf32, #tpu.memory_space<vmem>>) dst(%dma_wait3A_443 : memref<10240x8xf32, #tpu.memory_space<vmem_shared>>)
      %add3A_444 = arith.constant 4 : i32
      %add3A_445 = arith.addi %add3A_423, %add3A_444 : i32
      %min3A_446 = arith.constant 79 : i32
      %min3A_447 = arith.minsi %add3A_445, %min3A_446 : i32
      %dma_start3A_448 = arith.constant 0 : i32
      %dma_start3A_449 = tpu.memref_slice %arg7[%min3A_447, %dma_start3A_448] : memref<80x128xi32, #tpu.memory_space<vmem>> -> memref<1x128xi32, #tpu.memory_space<vmem>>
      %dma_start3A_450 = tpu.memref_squeeze %dma_start3A_449 : memref<1x128xi32, #tpu.memory_space<vmem>> -> memref<128xi32, #tpu.memory_space<vmem>>
      %dma_start3A_451 = arith.constant 0 : i32
      %dma_start3A_452 = arith.constant 0 : i32
      %dma_start3A_453 = tpu.memref_slice %arg2[%dma_start3A_451, %dma_start3A_452] : memref<10240x8xf32, #tpu.memory_space<hbm>> -> memref<10240x8xf32, #tpu.memory_space<hbm>>
      tpu.enqueue_indirect_dma source(%dma_start3A_453 : memref<10240x8xf32, #tpu.memory_space<hbm>>) target(%arg9 : memref<128x8xf32, #tpu.memory_space<vmem>>) offsets(%dma_start3A_450 : memref<128xi32, #tpu.memory_space<vmem>>) semaphore(%arg18 : memref<!tpu.dma_semaphore, #tpu.memory_space<semaphore_mem>>)
      %add3A_454 = arith.constant 5 : i32
      %add3A_455 = arith.addi %mul3A_295, %add3A_454 : i32
      %dma_wait3A_456 = arith.constant 0 : i32
      %dma_wait3A_457 = tpu.memref_slice %arg7[%add3A_455, %dma_wait3A_456] : memref<80x128xi32, #tpu.memory_space<vmem>> -> memref<1x128xi32, #tpu.memory_space<vmem>>
      %dma_wait3A_458 = tpu.memref_squeeze %dma_wait3A_457 : memref<1x128xi32, #tpu.memory_space<vmem>> -> memref<128xi32, #tpu.memory_space<vmem>>
      %dma_wait3A_459 = arith.constant 0 : i32
      %dma_wait3A_460 = arith.constant 0 : i32
      %dma_wait3A_461 = tpu.memref_slice %arg2[%dma_wait3A_459, %dma_wait3A_460] : memref<10240x8xf32, #tpu.memory_space<hbm>> -> memref<10240x8xf32, #tpu.memory_space<hbm>>
      tpu.wait_indirect_dma semaphore(%arg23 : memref<!tpu.dma_semaphore, #tpu.memory_space<semaphore_mem>>) src(%dma_wait3A_461 : memref<10240x8xf32, #tpu.memory_space<hbm>>) dst(%arg14 : memref<128x8xf32, #tpu.memory_space<vmem>>)
      %dma_start3A_462 = arith.constant 0 : i32
      %dma_start3A_463 = tpu.memref_slice %arg8[%add3A_455, %dma_start3A_462] : memref<80x128xi32, #tpu.memory_space<vmem>> -> memref<1x128xi32, #tpu.memory_space<vmem>>
      %dma_start3A_464 = tpu.memref_squeeze %dma_start3A_463 : memref<1x128xi32, #tpu.memory_space<vmem>> -> memref<128xi32, #tpu.memory_space<vmem>>
      %dma_start3A_465 = arith.constant 0 : i32
      %dma_start3A_466 = arith.constant 0 : i32
      %dma_start3A_467 = tpu.memref_slice %arg17[%dma_start3A_465, %dma_start3A_466] : memref<10240x8xf32, #tpu.memory_space<vmem_shared>> -> memref<10240x8xf32, #tpu.memory_space<vmem_shared>>
      tpu.enqueue_indirect_dma source(%arg14 : memref<128x8xf32, #tpu.memory_space<vmem>>) target(%dma_start3A_467 : memref<10240x8xf32, #tpu.memory_space<vmem_shared>>) offsets(%dma_start3A_464 : memref<128xi32, #tpu.memory_space<vmem>>) semaphore(%arg31 : memref<!tpu.dma_semaphore, #tpu.memory_space<semaphore_mem>>) {add = true}
      %sub3A_468 = arith.constant 4 : i32
      %sub3A_469 = arith.subi %add3A_455, %sub3A_468 : i32
      %dma_wait3A_470 = arith.constant 0 : i32
      %dma_wait3A_471 = tpu.memref_slice %arg8[%sub3A_469, %dma_wait3A_470] : memref<80x128xi32, #tpu.memory_space<vmem>> -> memref<1x128xi32, #tpu.memory_space<vmem>>
      %dma_wait3A_472 = tpu.memref_squeeze %dma_wait3A_471 : memref<1x128xi32, #tpu.memory_space<vmem>> -> memref<128xi32, #tpu.memory_space<vmem>>
      %dma_wait3A_473 = arith.constant 0 : i32
      %dma_wait3A_474 = arith.constant 0 : i32
      %dma_wait3A_475 = tpu.memref_slice %arg17[%dma_wait3A_473, %dma_wait3A_474] : memref<10240x8xf32, #tpu.memory_space<vmem_shared>> -> memref<10240x8xf32, #tpu.memory_space<vmem_shared>>
      tpu.wait_indirect_dma semaphore(%arg27 : memref<!tpu.dma_semaphore, #tpu.memory_space<semaphore_mem>>) src(%arg10 : memref<128x8xf32, #tpu.memory_space<vmem>>) dst(%dma_wait3A_475 : memref<10240x8xf32, #tpu.memory_space<vmem_shared>>)
      %add3A_476 = arith.constant 4 : i32
      %add3A_477 = arith.addi %add3A_455, %add3A_476 : i32
      %min3A_478 = arith.constant 79 : i32
      %min3A_479 = arith.minsi %add3A_477, %min3A_478 : i32
      %dma_start3A_480 = arith.constant 0 : i32
      %dma_start3A_481 = tpu.memref_slice %arg7[%min3A_479, %dma_start3A_480] : memref<80x128xi32, #tpu.memory_space<vmem>> -> memref<1x128xi32, #tpu.memory_space<vmem>>
      %dma_start3A_482 = tpu.memref_squeeze %dma_start3A_481 : memref<1x128xi32, #tpu.memory_space<vmem>> -> memref<128xi32, #tpu.memory_space<vmem>>
      %dma_start3A_483 = arith.constant 0 : i32
      %dma_start3A_484 = arith.constant 0 : i32
      %dma_start3A_485 = tpu.memref_slice %arg2[%dma_start3A_483, %dma_start3A_484] : memref<10240x8xf32, #tpu.memory_space<hbm>> -> memref<10240x8xf32, #tpu.memory_space<hbm>>
      tpu.enqueue_indirect_dma source(%dma_start3A_485 : memref<10240x8xf32, #tpu.memory_space<hbm>>) target(%arg10 : memref<128x8xf32, #tpu.memory_space<vmem>>) offsets(%dma_start3A_482 : memref<128xi32, #tpu.memory_space<vmem>>) semaphore(%arg19 : memref<!tpu.dma_semaphore, #tpu.memory_space<semaphore_mem>>)
      %add3A_486 = arith.constant 6 : i32
      %add3A_487 = arith.addi %mul3A_295, %add3A_486 : i32
      %dma_wait3A_488 = arith.constant 0 : i32
      %dma_wait3A_489 = tpu.memref_slice %arg7[%add3A_487, %dma_wait3A_488] : memref<80x128xi32, #tpu.memory_space<vmem>> -> memref<1x128xi32, #tpu.memory_space<vmem>>
      %dma_wait3A_490 = tpu.memref_squeeze %dma_wait3A_489 : memref<1x128xi32, #tpu.memory_space<vmem>> -> memref<128xi32, #tpu.memory_space<vmem>>
      %dma_wait3A_491 = arith.constant 0 : i32
      %dma_wait3A_492 = arith.constant 0 : i32
      %dma_wait3A_493 = tpu.memref_slice %arg2[%dma_wait3A_491, %dma_wait3A_492] : memref<10240x8xf32, #tpu.memory_space<hbm>> -> memref<10240x8xf32, #tpu.memory_space<hbm>>
      tpu.wait_indirect_dma semaphore(%arg24 : memref<!tpu.dma_semaphore, #tpu.memory_space<semaphore_mem>>) src(%dma_wait3A_493 : memref<10240x8xf32, #tpu.memory_space<hbm>>) dst(%arg15 : memref<128x8xf32, #tpu.memory_space<vmem>>)
      %dma_start3A_494 = arith.constant 0 : i32
      %dma_start3A_495 = tpu.memref_slice %arg8[%add3A_487, %dma_start3A_494] : memref<80x128xi32, #tpu.memory_space<vmem>> -> memref<1x128xi32, #tpu.memory_space<vmem>>
      %dma_start3A_496 = tpu.memref_squeeze %dma_start3A_495 : memref<1x128xi32, #tpu.memory_space<vmem>> -> memref<128xi32, #tpu.memory_space<vmem>>
      %dma_start3A_497 = arith.constant 0 : i32
      %dma_start3A_498 = arith.constant 0 : i32
      %dma_start3A_499 = tpu.memref_slice %arg17[%dma_start3A_497, %dma_start3A_498] : memref<10240x8xf32, #tpu.memory_space<vmem_shared>> -> memref<10240x8xf32, #tpu.memory_space<vmem_shared>>
      tpu.enqueue_indirect_dma source(%arg15 : memref<128x8xf32, #tpu.memory_space<vmem>>) target(%dma_start3A_499 : memref<10240x8xf32, #tpu.memory_space<vmem_shared>>) offsets(%dma_start3A_496 : memref<128xi32, #tpu.memory_space<vmem>>) semaphore(%arg32 : memref<!tpu.dma_semaphore, #tpu.memory_space<semaphore_mem>>) {add = true}
      %sub3A_500 = arith.constant 4 : i32
      %sub3A_501 = arith.subi %add3A_487, %sub3A_500 : i32
      %dma_wait3A_502 = arith.constant 0 : i32
      %dma_wait3A_503 = tpu.memref_slice %arg8[%sub3A_501, %dma_wait3A_502] : memref<80x128xi32, #tpu.memory_space<vmem>> -> memref<1x128xi32, #tpu.memory_space<vmem>>
      %dma_wait3A_504 = tpu.memref_squeeze %dma_wait3A_503 : memref<1x128xi32, #tpu.memory_space<vmem>> -> memref<128xi32, #tpu.memory_space<vmem>>
      %dma_wait3A_505 = arith.constant 0 : i32
      %dma_wait3A_506 = arith.constant 0 : i32
      %dma_wait3A_507 = tpu.memref_slice %arg17[%dma_wait3A_505, %dma_wait3A_506] : memref<10240x8xf32, #tpu.memory_space<vmem_shared>> -> memref<10240x8xf32, #tpu.memory_space<vmem_shared>>
      tpu.wait_indirect_dma semaphore(%arg28 : memref<!tpu.dma_semaphore, #tpu.memory_space<semaphore_mem>>) src(%arg11 : memref<128x8xf32, #tpu.memory_space<vmem>>) dst(%dma_wait3A_507 : memref<10240x8xf32, #tpu.memory_space<vmem_shared>>)
      %add3A_508 = arith.constant 4 : i32
      %add3A_509 = arith.addi %add3A_487, %add3A_508 : i32
      %min3A_510 = arith.constant 79 : i32
      %min3A_511 = arith.minsi %add3A_509, %min3A_510 : i32
      %dma_start3A_512 = arith.constant 0 : i32
      %dma_start3A_513 = tpu.memref_slice %arg7[%min3A_511, %dma_start3A_512] : memref<80x128xi32, #tpu.memory_space<vmem>> -> memref<1x128xi32, #tpu.memory_space<vmem>>
      %dma_start3A_514 = tpu.memref_squeeze %dma_start3A_513 : memref<1x128xi32, #tpu.memory_space<vmem>> -> memref<128xi32, #tpu.memory_space<vmem>>
      %dma_start3A_515 = arith.constant 0 : i32
      %dma_start3A_516 = arith.constant 0 : i32
      %dma_start3A_517 = tpu.memref_slice %arg2[%dma_start3A_515, %dma_start3A_516] : memref<10240x8xf32, #tpu.memory_space<hbm>> -> memref<10240x8xf32, #tpu.memory_space<hbm>>
      tpu.enqueue_indirect_dma source(%dma_start3A_517 : memref<10240x8xf32, #tpu.memory_space<hbm>>) target(%arg11 : memref<128x8xf32, #tpu.memory_space<vmem>>) offsets(%dma_start3A_514 : memref<128xi32, #tpu.memory_space<vmem>>) semaphore(%arg20 : memref<!tpu.dma_semaphore, #tpu.memory_space<semaphore_mem>>)
      %add3A_518 = arith.constant 7 : i32
      %add3A_519 = arith.addi %mul3A_295, %add3A_518 : i32
      %dma_wait3A_520 = arith.constant 0 : i32
      %dma_wait3A_521 = tpu.memref_slice %arg7[%add3A_519, %dma_wait3A_520] : memref<80x128xi32, #tpu.memory_space<vmem>> -> memref<1x128xi32, #tpu.memory_space<vmem>>
      %dma_wait3A_522 = tpu.memref_squeeze %dma_wait3A_521 : memref<1x128xi32, #tpu.memory_space<vmem>> -> memref<128xi32, #tpu.memory_space<vmem>>
      %dma_wait3A_523 = arith.constant 0 : i32
      %dma_wait3A_524 = arith.constant 0 : i32
      %dma_wait3A_525 = tpu.memref_slice %arg2[%dma_wait3A_523, %dma_wait3A_524] : memref<10240x8xf32, #tpu.memory_space<hbm>> -> memref<10240x8xf32, #tpu.memory_space<hbm>>
      tpu.wait_indirect_dma semaphore(%arg25 : memref<!tpu.dma_semaphore, #tpu.memory_space<semaphore_mem>>) src(%dma_wait3A_525 : memref<10240x8xf32, #tpu.memory_space<hbm>>) dst(%arg16 : memref<128x8xf32, #tpu.memory_space<vmem>>)
      %dma_start3A_526 = arith.constant 0 : i32
      %dma_start3A_527 = tpu.memref_slice %arg8[%add3A_519, %dma_start3A_526] : memref<80x128xi32, #tpu.memory_space<vmem>> -> memref<1x128xi32, #tpu.memory_space<vmem>>
      %dma_start3A_528 = tpu.memref_squeeze %dma_start3A_527 : memref<1x128xi32, #tpu.memory_space<vmem>> -> memref<128xi32, #tpu.memory_space<vmem>>
      %dma_start3A_529 = arith.constant 0 : i32
      %dma_start3A_530 = arith.constant 0 : i32
      %dma_start3A_531 = tpu.memref_slice %arg17[%dma_start3A_529, %dma_start3A_530] : memref<10240x8xf32, #tpu.memory_space<vmem_shared>> -> memref<10240x8xf32, #tpu.memory_space<vmem_shared>>
      tpu.enqueue_indirect_dma source(%arg16 : memref<128x8xf32, #tpu.memory_space<vmem>>) target(%dma_start3A_531 : memref<10240x8xf32, #tpu.memory_space<vmem_shared>>) offsets(%dma_start3A_528 : memref<128xi32, #tpu.memory_space<vmem>>) semaphore(%arg33 : memref<!tpu.dma_semaphore, #tpu.memory_space<semaphore_mem>>) {add = true}
      %sub3A_532 = arith.constant 4 : i32
      %sub3A_533 = arith.subi %add3A_519, %sub3A_532 : i32
      %dma_wait3A_534 = arith.constant 0 : i32
      %dma_wait3A_535 = tpu.memref_slice %arg8[%sub3A_533, %dma_wait3A_534] : memref<80x128xi32, #tpu.memory_space<vmem>> -> memref<1x128xi32, #tpu.memory_space<vmem>>
      %dma_wait3A_536 = tpu.memref_squeeze %dma_wait3A_535 : memref<1x128xi32, #tpu.memory_space<vmem>> -> memref<128xi32, #tpu.memory_space<vmem>>
      %dma_wait3A_537 = arith.constant 0 : i32
      %dma_wait3A_538 = arith.constant 0 : i32
      %dma_wait3A_539 = tpu.memref_slice %arg17[%dma_wait3A_537, %dma_wait3A_538] : memref<10240x8xf32, #tpu.memory_space<vmem_shared>> -> memref<10240x8xf32, #tpu.memory_space<vmem_shared>>
      tpu.wait_indirect_dma semaphore(%arg29 : memref<!tpu.dma_semaphore, #tpu.memory_space<semaphore_mem>>) src(%arg12 : memref<128x8xf32, #tpu.memory_space<vmem>>) dst(%dma_wait3A_539 : memref<10240x8xf32, #tpu.memory_space<vmem_shared>>)
      %add3A_540 = arith.constant 4 : i32
      %add3A_541 = arith.addi %add3A_519, %add3A_540 : i32
      %min3A_542 = arith.constant 79 : i32
      %min3A_543 = arith.minsi %add3A_541, %min3A_542 : i32
      %dma_start3A_544 = arith.constant 0 : i32
      %dma_start3A_545 = tpu.memref_slice %arg7[%min3A_543, %dma_start3A_544] : memref<80x128xi32, #tpu.memory_space<vmem>> -> memref<1x128xi32, #tpu.memory_space<vmem>>
      %dma_start3A_546 = tpu.memref_squeeze %dma_start3A_545 : memref<1x128xi32, #tpu.memory_space<vmem>> -> memref<128xi32, #tpu.memory_space<vmem>>
      %dma_start3A_547 = arith.constant 0 : i32
      %dma_start3A_548 = arith.constant 0 : i32
      %dma_start3A_549 = tpu.memref_slice %arg2[%dma_start3A_547, %dma_start3A_548] : memref<10240x8xf32, #tpu.memory_space<hbm>> -> memref<10240x8xf32, #tpu.memory_space<hbm>>
      tpu.enqueue_indirect_dma source(%dma_start3A_549 : memref<10240x8xf32, #tpu.memory_space<hbm>>) target(%arg12 : memref<128x8xf32, #tpu.memory_space<vmem>>) offsets(%dma_start3A_546 : memref<128xi32, #tpu.memory_space<vmem>>) semaphore(%arg21 : memref<!tpu.dma_semaphore, #tpu.memory_space<semaphore_mem>>)
    }
    %scan3A_231 = arith.constant 9 : i32
    %dma_wait3A_232 = arith.constant 76 : i32
    %dma_wait3A_233 = arith.constant 0 : i32
    %dma_wait3A_234 = tpu.memref_slice %arg8[%dma_wait3A_232, %dma_wait3A_233] : memref<80x128xi32, #tpu.memory_space<vmem>> -> memref<1x128xi32, #tpu.memory_space<vmem>>
    %dma_wait3A_235 = tpu.memref_squeeze %dma_wait3A_234 : memref<1x128xi32, #tpu.memory_space<vmem>> -> memref<128xi32, #tpu.memory_space<vmem>>
    %dma_wait3A_236 = arith.constant 0 : i32
    %dma_wait3A_237 = arith.constant 0 : i32
    %dma_wait3A_238 = tpu.memref_slice %arg17[%dma_wait3A_236, %dma_wait3A_237] : memref<10240x8xf32, #tpu.memory_space<vmem_shared>> -> memref<10240x8xf32, #tpu.memory_space<vmem_shared>>
    tpu.wait_indirect_dma semaphore(%arg30 : memref<!tpu.dma_semaphore, #tpu.memory_space<semaphore_mem>>) src(%arg13 : memref<128x8xf32, #tpu.memory_space<vmem>>) dst(%dma_wait3A_238 : memref<10240x8xf32, #tpu.memory_space<vmem_shared>>)
    %dma_wait3A_239 = arith.constant 77 : i32
    %dma_wait3A_240 = arith.constant 0 : i32
    %dma_wait3A_241 = tpu.memref_slice %arg8[%dma_wait3A_239, %dma_wait3A_240] : memref<80x128xi32, #tpu.memory_space<vmem>> -> memref<1x128xi32, #tpu.memory_space<vmem>>
    %dma_wait3A_242 = tpu.memref_squeeze %dma_wait3A_241 : memref<1x128xi32, #tpu.memory_space<vmem>> -> memref<128xi32, #tpu.memory_space<vmem>>
    %dma_wait3A_243 = arith.constant 0 : i32
    %dma_wait3A_244 = arith.constant 0 : i32
    %dma_wait3A_245 = tpu.memref_slice %arg17[%dma_wait3A_243, %dma_wait3A_244] : memref<10240x8xf32, #tpu.memory_space<vmem_shared>> -> memref<10240x8xf32, #tpu.memory_space<vmem_shared>>
    tpu.wait_indirect_dma semaphore(%arg31 : memref<!tpu.dma_semaphore, #tpu.memory_space<semaphore_mem>>) src(%arg14 : memref<128x8xf32, #tpu.memory_space<vmem>>) dst(%dma_wait3A_245 : memref<10240x8xf32, #tpu.memory_space<vmem_shared>>)
    %dma_wait3A_246 = arith.constant 78 : i32
    %dma_wait3A_247 = arith.constant 0 : i32
    %dma_wait3A_248 = tpu.memref_slice %arg8[%dma_wait3A_246, %dma_wait3A_247] : memref<80x128xi32, #tpu.memory_space<vmem>> -> memref<1x128xi32, #tpu.memory_space<vmem>>
    %dma_wait3A_249 = tpu.memref_squeeze %dma_wait3A_248 : memref<1x128xi32, #tpu.memory_space<vmem>> -> memref<128xi32, #tpu.memory_space<vmem>>
    %dma_wait3A_250 = arith.constant 0 : i32
    %dma_wait3A_251 = arith.constant 0 : i32
    %dma_wait3A_252 = tpu.memref_slice %arg17[%dma_wait3A_250, %dma_wait3A_251] : memref<10240x8xf32, #tpu.memory_space<vmem_shared>> -> memref<10240x8xf32, #tpu.memory_space<vmem_shared>>
    tpu.wait_indirect_dma semaphore(%arg32 : memref<!tpu.dma_semaphore, #tpu.memory_space<semaphore_mem>>) src(%arg15 : memref<128x8xf32, #tpu.memory_space<vmem>>) dst(%dma_wait3A_252 : memref<10240x8xf32, #tpu.memory_space<vmem_shared>>)
    %dma_wait3A_253 = arith.constant 79 : i32
    %dma_wait3A_254 = arith.constant 0 : i32
    %dma_wait3A_255 = tpu.memref_slice %arg8[%dma_wait3A_253, %dma_wait3A_254] : memref<80x128xi32, #tpu.memory_space<vmem>> -> memref<1x128xi32, #tpu.memory_space<vmem>>
    %dma_wait3A_256 = tpu.memref_squeeze %dma_wait3A_255 : memref<1x128xi32, #tpu.memory_space<vmem>> -> memref<128xi32, #tpu.memory_space<vmem>>
    %dma_wait3A_257 = arith.constant 0 : i32
    %dma_wait3A_258 = arith.constant 0 : i32
    %dma_wait3A_259 = tpu.memref_slice %arg17[%dma_wait3A_257, %dma_wait3A_258] : memref<10240x8xf32, #tpu.memory_space<vmem_shared>> -> memref<10240x8xf32, #tpu.memory_space<vmem_shared>>
    tpu.wait_indirect_dma semaphore(%arg33 : memref<!tpu.dma_semaphore, #tpu.memory_space<semaphore_mem>>) src(%arg16 : memref<128x8xf32, #tpu.memory_space<vmem>>) dst(%dma_wait3A_259 : memref<10240x8xf32, #tpu.memory_space<vmem_shared>>)
    %dma_wait3A_260 = arith.constant 79 : i32
    %dma_wait3A_261 = arith.constant 0 : i32
    %dma_wait3A_262 = tpu.memref_slice %arg7[%dma_wait3A_260, %dma_wait3A_261] : memref<80x128xi32, #tpu.memory_space<vmem>> -> memref<1x128xi32, #tpu.memory_space<vmem>>
    %dma_wait3A_263 = tpu.memref_squeeze %dma_wait3A_262 : memref<1x128xi32, #tpu.memory_space<vmem>> -> memref<128xi32, #tpu.memory_space<vmem>>
    %dma_wait3A_264 = arith.constant 0 : i32
    %dma_wait3A_265 = arith.constant 0 : i32
    %dma_wait3A_266 = tpu.memref_slice %arg2[%dma_wait3A_264, %dma_wait3A_265] : memref<10240x8xf32, #tpu.memory_space<hbm>> -> memref<10240x8xf32, #tpu.memory_space<hbm>>
    tpu.wait_indirect_dma semaphore(%arg18 : memref<!tpu.dma_semaphore, #tpu.memory_space<semaphore_mem>>) src(%dma_wait3A_266 : memref<10240x8xf32, #tpu.memory_space<hbm>>) dst(%arg9 : memref<128x8xf32, #tpu.memory_space<vmem>>)
    %dma_wait3A_267 = arith.constant 79 : i32
    %dma_wait3A_268 = arith.constant 0 : i32
    %dma_wait3A_269 = tpu.memref_slice %arg7[%dma_wait3A_267, %dma_wait3A_268] : memref<80x128xi32, #tpu.memory_space<vmem>> -> memref<1x128xi32, #tpu.memory_space<vmem>>
    %dma_wait3A_270 = tpu.memref_squeeze %dma_wait3A_269 : memref<1x128xi32, #tpu.memory_space<vmem>> -> memref<128xi32, #tpu.memory_space<vmem>>
    %dma_wait3A_271 = arith.constant 0 : i32
    %dma_wait3A_272 = arith.constant 0 : i32
    %dma_wait3A_273 = tpu.memref_slice %arg2[%dma_wait3A_271, %dma_wait3A_272] : memref<10240x8xf32, #tpu.memory_space<hbm>> -> memref<10240x8xf32, #tpu.memory_space<hbm>>
    tpu.wait_indirect_dma semaphore(%arg19 : memref<!tpu.dma_semaphore, #tpu.memory_space<semaphore_mem>>) src(%dma_wait3A_273 : memref<10240x8xf32, #tpu.memory_space<hbm>>) dst(%arg10 : memref<128x8xf32, #tpu.memory_space<vmem>>)
    %dma_wait3A_274 = arith.constant 79 : i32
    %dma_wait3A_275 = arith.constant 0 : i32
    %dma_wait3A_276 = tpu.memref_slice %arg7[%dma_wait3A_274, %dma_wait3A_275] : memref<80x128xi32, #tpu.memory_space<vmem>> -> memref<1x128xi32, #tpu.memory_space<vmem>>
    %dma_wait3A_277 = tpu.memref_squeeze %dma_wait3A_276 : memref<1x128xi32, #tpu.memory_space<vmem>> -> memref<128xi32, #tpu.memory_space<vmem>>
    %dma_wait3A_278 = arith.constant 0 : i32
    %dma_wait3A_279 = arith.constant 0 : i32
    %dma_wait3A_280 = tpu.memref_slice %arg2[%dma_wait3A_278, %dma_wait3A_279] : memref<10240x8xf32, #tpu.memory_space<hbm>> -> memref<10240x8xf32, #tpu.memory_space<hbm>>
    tpu.wait_indirect_dma semaphore(%arg20 : memref<!tpu.dma_semaphore, #tpu.memory_space<semaphore_mem>>) src(%dma_wait3A_280 : memref<10240x8xf32, #tpu.memory_space<hbm>>) dst(%arg11 : memref<128x8xf32, #tpu.memory_space<vmem>>)
    %dma_wait3A_281 = arith.constant 79 : i32
    %dma_wait3A_282 = arith.constant 0 : i32
    %dma_wait3A_283 = tpu.memref_slice %arg7[%dma_wait3A_281, %dma_wait3A_282] : memref<80x128xi32, #tpu.memory_space<vmem>> -> memref<1x128xi32, #tpu.memory_space<vmem>>
    %dma_wait3A_284 = tpu.memref_squeeze %dma_wait3A_283 : memref<1x128xi32, #tpu.memory_space<vmem>> -> memref<128xi32, #tpu.memory_space<vmem>>
    %dma_wait3A_285 = arith.constant 0 : i32
    %dma_wait3A_286 = arith.constant 0 : i32
    %dma_wait3A_287 = tpu.memref_slice %arg2[%dma_wait3A_285, %dma_wait3A_286] : memref<10240x8xf32, #tpu.memory_space<hbm>> -> memref<10240x8xf32, #tpu.memory_space<hbm>>
    tpu.wait_indirect_dma semaphore(%arg21 : memref<!tpu.dma_semaphore, #tpu.memory_space<semaphore_mem>>) src(%dma_wait3A_287 : memref<10240x8xf32, #tpu.memory_space<hbm>>) dst(%arg12 : memref<128x8xf32, #tpu.memory_space<vmem>>)
    %barrier3A_288 = arith.constant 0 : index
    tpu.barrier barrier_id(%barrier3A_288)
    %mul3A_289 = arith.constant 640 : i32
    %mul3A_290 = arith.muli %arg1, %mul3A_289 : i32
    %mul3A_291 = arith.constant 640 : i32
    %mul3A_292 = arith.muli %arg1, %mul3A_291 : i32
    "tpu.region"() ({
      %run_scoped3A = tpu.sem_alloc : memref<!tpu.dma_semaphore, #tpu.memory_space<semaphore_mem>>
      %dma_start3A_293 = arith.constant 0 : i32
      %dma_start3A_294 = tpu.memref_slice %arg6[%arg0, %mul3A_292, %dma_start3A_293] : memref<2x10240x8xf32, #tpu.memory_space<hbm>> -> memref<1x640x8xf32, #tpu.memory_space<hbm>>
      %dma_start3A_295 = tpu.memref_squeeze %dma_start3A_294 : memref<1x640x8xf32, #tpu.memory_space<hbm>> -> memref<640x8xf32, #tpu.memory_space<hbm>>
      %dma_start3A_296 = arith.constant 0 : i32
      %dma_start3A_297 = tpu.memref_slice %arg17[%mul3A_290, %dma_start3A_296] : memref<10240x8xf32, #tpu.memory_space<vmem_shared>> -> memref<640x8xf32, #tpu.memory_space<vmem_shared>>
      tpu.enqueue_dma source(%dma_start3A_297 : memref<640x8xf32, #tpu.memory_space<vmem_shared>>) target(%dma_start3A_295 : memref<640x8xf32, #tpu.memory_space<hbm>>) target_semaphore(%run_scoped3A : memref<!tpu.dma_semaphore, #tpu.memory_space<semaphore_mem>>)
      %dma_wait3A_298 = arith.constant 0 : i32
      %dma_wait3A_299 = tpu.memref_slice %arg6[%arg0, %mul3A_292, %dma_wait3A_298] : memref<2x10240x8xf32, #tpu.memory_space<hbm>> -> memref<1x640x8xf32, #tpu.memory_space<hbm>>
      %dma_wait3A_300 = tpu.memref_squeeze %dma_wait3A_299 : memref<1x640x8xf32, #tpu.memory_space<hbm>> -> memref<640x8xf32, #tpu.memory_space<hbm>>
      %dma_wait3A_301 = arith.constant 0 : i32
      %dma_wait3A_302 = tpu.memref_slice %arg17[%mul3A_290, %dma_wait3A_301] : memref<10240x8xf32, #tpu.memory_space<vmem_shared>> -> memref<640x8xf32, #tpu.memory_space<vmem_shared>>
      tpu.wait_dma2 semaphore(%run_scoped3A : memref<!tpu.dma_semaphore, #tpu.memory_space<semaphore_mem>>) src(%dma_wait3A_302 : memref<640x8xf32, #tpu.memory_space<vmem_shared>>) dst(%dma_wait3A_300 : memref<640x8xf32, #tpu.memory_space<hbm>>)
      tpu.yield
    }) : () -> ()
    return
  }
}

#map = affine_map<(d0, d1) -> (0, 0)>
#map1 = affine_map<(d0, d1) -> (0, 0, 0)>
module attributes {stable_mosaic.version = 14 : i64} {
  func.func @degk(%arg0: i32, %arg1: i32, %arg2: memref<2592x128xi32, #tpu.memory_space<hbm>>, %arg3: memref<128x8xf32, #tpu.memory_space<hbm>>, %arg4: memref<640x8xf32, #tpu.memory_space<hbm>>, %arg5: memref<2x10240x8xf32, #tpu.memory_space<hbm>>, %arg6: memref<80x128xi32, #tpu.memory_space<vmem>>, %arg7: memref<128x8xf32, #tpu.memory_space<vmem>>, %arg8: memref<10240x8xf32, #tpu.memory_space<vmem_shared>>, %arg9: memref<!tpu.dma_semaphore, #tpu.memory_space<semaphore_mem>>, %arg10: memref<!tpu.dma_semaphore, #tpu.memory_space<semaphore_mem>>, %arg11: memref<!tpu.dma_semaphore, #tpu.memory_space<semaphore_mem>>, %arg12: memref<!tpu.dma_semaphore, #tpu.memory_space<semaphore_mem>>) attributes {dimension_semantics = [#tpu.dimension_semantics<core_parallel>, #tpu.dimension_semantics<subcore_parallel>], iteration_bounds = array<i64: 2, 16>, scalar_prefetch = 0 : i64, scratch_operands = 7 : i64, tpu.core_type = #tpu.core_type<sc_vector_subcore>, window_params = [{transform_indices = #map}, {transform_indices = #map}, {transform_indices = #map}, {transform_indices = #map1}]} {
    %mul3A = arith.constant 2 : i32
    %mul3A_0 = arith.muli %arg1, %mul3A : i32
    %add3A = arith.addi %mul3A_0, %arg0 : i32
    %mul3A_1 = arith.constant 640 : i32
    %mul3A_2 = arith.muli %arg1, %mul3A_1 : i32
    "tpu.region"() ({
      %run_scoped3A = tpu.sem_alloc : memref<!tpu.dma_semaphore, #tpu.memory_space<semaphore_mem>>
      %dma_start3A_69 = arith.constant 0 : i32
      %dma_start3A_70 = tpu.memref_slice %arg8[%mul3A_2, %dma_start3A_69] : memref<10240x8xf32, #tpu.memory_space<vmem_shared>> -> memref<640x8xf32, #tpu.memory_space<vmem_shared>>
      tpu.enqueue_dma source(%arg4 : memref<640x8xf32, #tpu.memory_space<hbm>>) target(%dma_start3A_70 : memref<640x8xf32, #tpu.memory_space<vmem_shared>>) target_semaphore(%run_scoped3A : memref<!tpu.dma_semaphore, #tpu.memory_space<semaphore_mem>>)
      %dma_wait3A_71 = arith.constant 0 : i32
      %dma_wait3A_72 = tpu.memref_slice %arg8[%mul3A_2, %dma_wait3A_71] : memref<10240x8xf32, #tpu.memory_space<vmem_shared>> -> memref<640x8xf32, #tpu.memory_space<vmem_shared>>
      tpu.wait_dma2 semaphore(%run_scoped3A : memref<!tpu.dma_semaphore, #tpu.memory_space<semaphore_mem>>) src(%arg4 : memref<640x8xf32, #tpu.memory_space<hbm>>) dst(%dma_wait3A_72 : memref<640x8xf32, #tpu.memory_space<vmem_shared>>)
      tpu.yield
    }) : () -> ()
    "tpu.region"() ({
      %run_scoped3A = tpu.sem_alloc : memref<!tpu.dma_semaphore, #tpu.memory_space<semaphore_mem>>
      tpu.enqueue_dma source(%arg3 : memref<128x8xf32, #tpu.memory_space<hbm>>) target(%arg7 : memref<128x8xf32, #tpu.memory_space<vmem>>) target_semaphore(%run_scoped3A : memref<!tpu.dma_semaphore, #tpu.memory_space<semaphore_mem>>)
      tpu.wait_dma2 semaphore(%run_scoped3A : memref<!tpu.dma_semaphore, #tpu.memory_space<semaphore_mem>>) src(%arg3 : memref<128x8xf32, #tpu.memory_space<hbm>>) dst(%arg7 : memref<128x8xf32, #tpu.memory_space<vmem>>)
      tpu.yield
    }) : () -> ()
    %mul3A_3 = arith.constant 80 : i32
    %mul3A_4 = arith.muli %add3A, %mul3A_3 : i32
    "tpu.region"() ({
      %run_scoped3A = tpu.sem_alloc : memref<!tpu.dma_semaphore, #tpu.memory_space<semaphore_mem>>
      %dma_start3A_69 = arith.constant 0 : i32
      %dma_start3A_70 = tpu.memref_slice %arg2[%mul3A_4, %dma_start3A_69] : memref<2592x128xi32, #tpu.memory_space<hbm>> -> memref<80x128xi32, #tpu.memory_space<hbm>>
      %dma_start3A_71 = arith.constant 0 : i32
      %dma_start3A_72 = tpu.memref_slice %arg2[%mul3A_4, %dma_start3A_71] : memref<2592x128xi32, #tpu.memory_space<hbm>> -> memref<80x128xi32, #tpu.memory_space<hbm>>
      tpu.enqueue_dma source(%dma_start3A_72 : memref<80x128xi32, #tpu.memory_space<hbm>>) target(%arg6 : memref<80x128xi32, #tpu.memory_space<vmem>>) target_semaphore(%run_scoped3A : memref<!tpu.dma_semaphore, #tpu.memory_space<semaphore_mem>>)
      %dma_wait3A_73 = arith.constant 0 : i32
      %dma_wait3A_74 = tpu.memref_slice %arg2[%mul3A_4, %dma_wait3A_73] : memref<2592x128xi32, #tpu.memory_space<hbm>> -> memref<80x128xi32, #tpu.memory_space<hbm>>
      %dma_wait3A_75 = arith.constant 0 : i32
      %dma_wait3A_76 = tpu.memref_slice %arg2[%mul3A_4, %dma_wait3A_75] : memref<2592x128xi32, #tpu.memory_space<hbm>> -> memref<80x128xi32, #tpu.memory_space<hbm>>
      tpu.wait_dma2 semaphore(%run_scoped3A : memref<!tpu.dma_semaphore, #tpu.memory_space<semaphore_mem>>) src(%dma_wait3A_76 : memref<80x128xi32, #tpu.memory_space<hbm>>) dst(%arg6 : memref<80x128xi32, #tpu.memory_space<vmem>>)
      tpu.yield
    }) : () -> ()
    %barrier3A = arith.constant 0 : index
    tpu.barrier barrier_id(%barrier3A)
    %dma_start3A = arith.constant 0 : i32
    %dma_start3A_5 = arith.constant 0 : i32
    %dma_start3A_6 = tpu.memref_slice %arg6[%dma_start3A, %dma_start3A_5] : memref<80x128xi32, #tpu.memory_space<vmem>> -> memref<1x128xi32, #tpu.memory_space<vmem>>
    %dma_start3A_7 = tpu.memref_squeeze %dma_start3A_6 : memref<1x128xi32, #tpu.memory_space<vmem>> -> memref<128xi32, #tpu.memory_space<vmem>>
    %dma_start3A_8 = arith.constant 0 : i32
    %dma_start3A_9 = arith.constant 0 : i32
    %dma_start3A_10 = tpu.memref_slice %arg8[%dma_start3A_8, %dma_start3A_9] : memref<10240x8xf32, #tpu.memory_space<vmem_shared>> -> memref<10240x8xf32, #tpu.memory_space<vmem_shared>>
    tpu.enqueue_indirect_dma source(%arg7 : memref<128x8xf32, #tpu.memory_space<vmem>>) target(%dma_start3A_10 : memref<10240x8xf32, #tpu.memory_space<vmem_shared>>) offsets(%dma_start3A_7 : memref<128xi32, #tpu.memory_space<vmem>>) semaphore(%arg9 : memref<!tpu.dma_semaphore, #tpu.memory_space<semaphore_mem>>) {add = true}
    %dma_start3A_11 = arith.constant 1 : i32
    %dma_start3A_12 = arith.constant 0 : i32
    %dma_start3A_13 = tpu.memref_slice %arg6[%dma_start3A_11, %dma_start3A_12] : memref<80x128xi32, #tpu.memory_space<vmem>> -> memref<1x128xi32, #tpu.memory_space<vmem>>
    %dma_start3A_14 = tpu.memref_squeeze %dma_start3A_13 : memref<1x128xi32, #tpu.memory_space<vmem>> -> memref<128xi32, #tpu.memory_space<vmem>>
    %dma_start3A_15 = arith.constant 0 : i32
    %dma_start3A_16 = arith.constant 0 : i32
    %dma_start3A_17 = tpu.memref_slice %arg8[%dma_start3A_15, %dma_start3A_16] : memref<10240x8xf32, #tpu.memory_space<vmem_shared>> -> memref<10240x8xf32, #tpu.memory_space<vmem_shared>>
    tpu.enqueue_indirect_dma source(%arg7 : memref<128x8xf32, #tpu.memory_space<vmem>>) target(%dma_start3A_17 : memref<10240x8xf32, #tpu.memory_space<vmem_shared>>) offsets(%dma_start3A_14 : memref<128xi32, #tpu.memory_space<vmem>>) semaphore(%arg10 : memref<!tpu.dma_semaphore, #tpu.memory_space<semaphore_mem>>) {add = true}
    %dma_start3A_18 = arith.constant 2 : i32
    %dma_start3A_19 = arith.constant 0 : i32
    %dma_start3A_20 = tpu.memref_slice %arg6[%dma_start3A_18, %dma_start3A_19] : memref<80x128xi32, #tpu.memory_space<vmem>> -> memref<1x128xi32, #tpu.memory_space<vmem>>
    %dma_start3A_21 = tpu.memref_squeeze %dma_start3A_20 : memref<1x128xi32, #tpu.memory_space<vmem>> -> memref<128xi32, #tpu.memory_space<vmem>>
    %dma_start3A_22 = arith.constant 0 : i32
    %dma_start3A_23 = arith.constant 0 : i32
    %dma_start3A_24 = tpu.memref_slice %arg8[%dma_start3A_22, %dma_start3A_23] : memref<10240x8xf32, #tpu.memory_space<vmem_shared>> -> memref<10240x8xf32, #tpu.memory_space<vmem_shared>>
    tpu.enqueue_indirect_dma source(%arg7 : memref<128x8xf32, #tpu.memory_space<vmem>>) target(%dma_start3A_24 : memref<10240x8xf32, #tpu.memory_space<vmem_shared>>) offsets(%dma_start3A_21 : memref<128xi32, #tpu.memory_space<vmem>>) semaphore(%arg11 : memref<!tpu.dma_semaphore, #tpu.memory_space<semaphore_mem>>) {add = true}
    %dma_start3A_25 = arith.constant 3 : i32
    %dma_start3A_26 = arith.constant 0 : i32
    %dma_start3A_27 = tpu.memref_slice %arg6[%dma_start3A_25, %dma_start3A_26] : memref<80x128xi32, #tpu.memory_space<vmem>> -> memref<1x128xi32, #tpu.memory_space<vmem>>
    %dma_start3A_28 = tpu.memref_squeeze %dma_start3A_27 : memref<1x128xi32, #tpu.memory_space<vmem>> -> memref<128xi32, #tpu.memory_space<vmem>>
    %dma_start3A_29 = arith.constant 0 : i32
    %dma_start3A_30 = arith.constant 0 : i32
    %dma_start3A_31 = tpu.memref_slice %arg8[%dma_start3A_29, %dma_start3A_30] : memref<10240x8xf32, #tpu.memory_space<vmem_shared>> -> memref<10240x8xf32, #tpu.memory_space<vmem_shared>>
    tpu.enqueue_indirect_dma source(%arg7 : memref<128x8xf32, #tpu.memory_space<vmem>>) target(%dma_start3A_31 : memref<10240x8xf32, #tpu.memory_space<vmem_shared>>) offsets(%dma_start3A_28 : memref<128xi32, #tpu.memory_space<vmem>>) semaphore(%arg12 : memref<!tpu.dma_semaphore, #tpu.memory_space<semaphore_mem>>) {add = true}
    %scan3A = arith.constant 0 : i32
    %scan3A_32 = arith.constant 1 : i32
    %scan3A_33 = arith.constant 19 : i32
    %scan3A_34 = arith.addi %scan3A_32, %scan3A_33 : i32
    %scan3A_35 = arith.constant 1 : i32
    scf.for %scan3A_69 = %scan3A_32 to %scan3A_34 step %scan3A_35  : i32 {
      %mul3A_70 = arith.constant 4 : i32
      %mul3A_71 = arith.muli %mul3A_70, %scan3A_69 : i32
      %add3A_72 = arith.constant 0 : i32
      %add3A_73 = arith.addi %mul3A_71, %add3A_72 : i32
      %sub3A = arith.constant 4 : i32
      %sub3A_74 = arith.subi %add3A_73, %sub3A : i32
      %dma_wait3A_75 = arith.constant 0 : i32
      %dma_wait3A_76 = tpu.memref_slice %arg6[%sub3A_74, %dma_wait3A_75] : memref<80x128xi32, #tpu.memory_space<vmem>> -> memref<1x128xi32, #tpu.memory_space<vmem>>
      %dma_wait3A_77 = tpu.memref_squeeze %dma_wait3A_76 : memref<1x128xi32, #tpu.memory_space<vmem>> -> memref<128xi32, #tpu.memory_space<vmem>>
      %dma_wait3A_78 = arith.constant 0 : i32
      %dma_wait3A_79 = arith.constant 0 : i32
      %dma_wait3A_80 = tpu.memref_slice %arg8[%dma_wait3A_78, %dma_wait3A_79] : memref<10240x8xf32, #tpu.memory_space<vmem_shared>> -> memref<10240x8xf32, #tpu.memory_space<vmem_shared>>
      tpu.wait_indirect_dma semaphore(%arg9 : memref<!tpu.dma_semaphore, #tpu.memory_space<semaphore_mem>>) src(%arg7 : memref<128x8xf32, #tpu.memory_space<vmem>>) dst(%dma_wait3A_80 : memref<10240x8xf32, #tpu.memory_space<vmem_shared>>)
      %dma_start3A_81 = arith.constant 0 : i32
      %dma_start3A_82 = tpu.memref_slice %arg6[%add3A_73, %dma_start3A_81] : memref<80x128xi32, #tpu.memory_space<vmem>> -> memref<1x128xi32, #tpu.memory_space<vmem>>
      %dma_start3A_83 = tpu.memref_squeeze %dma_start3A_82 : memref<1x128xi32, #tpu.memory_space<vmem>> -> memref<128xi32, #tpu.memory_space<vmem>>
      %dma_start3A_84 = arith.constant 0 : i32
      %dma_start3A_85 = arith.constant 0 : i32
      %dma_start3A_86 = tpu.memref_slice %arg8[%dma_start3A_84, %dma_start3A_85] : memref<10240x8xf32, #tpu.memory_space<vmem_shared>> -> memref<10240x8xf32, #tpu.memory_space<vmem_shared>>
      tpu.enqueue_indirect_dma source(%arg7 : memref<128x8xf32, #tpu.memory_space<vmem>>) target(%dma_start3A_86 : memref<10240x8xf32, #tpu.memory_space<vmem_shared>>) offsets(%dma_start3A_83 : memref<128xi32, #tpu.memory_space<vmem>>) semaphore(%arg9 : memref<!tpu.dma_semaphore, #tpu.memory_space<semaphore_mem>>) {add = true}
      %add3A_87 = arith.constant 1 : i32
      %add3A_88 = arith.addi %mul3A_71, %add3A_87 : i32
      %sub3A_89 = arith.constant 4 : i32
      %sub3A_90 = arith.subi %add3A_88, %sub3A_89 : i32
      %dma_wait3A_91 = arith.constant 0 : i32
      %dma_wait3A_92 = tpu.memref_slice %arg6[%sub3A_90, %dma_wait3A_91] : memref<80x128xi32, #tpu.memory_space<vmem>> -> memref<1x128xi32, #tpu.memory_space<vmem>>
      %dma_wait3A_93 = tpu.memref_squeeze %dma_wait3A_92 : memref<1x128xi32, #tpu.memory_space<vmem>> -> memref<128xi32, #tpu.memory_space<vmem>>
      %dma_wait3A_94 = arith.constant 0 : i32
      %dma_wait3A_95 = arith.constant 0 : i32
      %dma_wait3A_96 = tpu.memref_slice %arg8[%dma_wait3A_94, %dma_wait3A_95] : memref<10240x8xf32, #tpu.memory_space<vmem_shared>> -> memref<10240x8xf32, #tpu.memory_space<vmem_shared>>
      tpu.wait_indirect_dma semaphore(%arg10 : memref<!tpu.dma_semaphore, #tpu.memory_space<semaphore_mem>>) src(%arg7 : memref<128x8xf32, #tpu.memory_space<vmem>>) dst(%dma_wait3A_96 : memref<10240x8xf32, #tpu.memory_space<vmem_shared>>)
      %dma_start3A_97 = arith.constant 0 : i32
      %dma_start3A_98 = tpu.memref_slice %arg6[%add3A_88, %dma_start3A_97] : memref<80x128xi32, #tpu.memory_space<vmem>> -> memref<1x128xi32, #tpu.memory_space<vmem>>
      %dma_start3A_99 = tpu.memref_squeeze %dma_start3A_98 : memref<1x128xi32, #tpu.memory_space<vmem>> -> memref<128xi32, #tpu.memory_space<vmem>>
      %dma_start3A_100 = arith.constant 0 : i32
      %dma_start3A_101 = arith.constant 0 : i32
      %dma_start3A_102 = tpu.memref_slice %arg8[%dma_start3A_100, %dma_start3A_101] : memref<10240x8xf32, #tpu.memory_space<vmem_shared>> -> memref<10240x8xf32, #tpu.memory_space<vmem_shared>>
      tpu.enqueue_indirect_dma source(%arg7 : memref<128x8xf32, #tpu.memory_space<vmem>>) target(%dma_start3A_102 : memref<10240x8xf32, #tpu.memory_space<vmem_shared>>) offsets(%dma_start3A_99 : memref<128xi32, #tpu.memory_space<vmem>>) semaphore(%arg10 : memref<!tpu.dma_semaphore, #tpu.memory_space<semaphore_mem>>) {add = true}
      %add3A_103 = arith.constant 2 : i32
      %add3A_104 = arith.addi %mul3A_71, %add3A_103 : i32
      %sub3A_105 = arith.constant 4 : i32
      %sub3A_106 = arith.subi %add3A_104, %sub3A_105 : i32
      %dma_wait3A_107 = arith.constant 0 : i32
      %dma_wait3A_108 = tpu.memref_slice %arg6[%sub3A_106, %dma_wait3A_107] : memref<80x128xi32, #tpu.memory_space<vmem>> -> memref<1x128xi32, #tpu.memory_space<vmem>>
      %dma_wait3A_109 = tpu.memref_squeeze %dma_wait3A_108 : memref<1x128xi32, #tpu.memory_space<vmem>> -> memref<128xi32, #tpu.memory_space<vmem>>
      %dma_wait3A_110 = arith.constant 0 : i32
      %dma_wait3A_111 = arith.constant 0 : i32
      %dma_wait3A_112 = tpu.memref_slice %arg8[%dma_wait3A_110, %dma_wait3A_111] : memref<10240x8xf32, #tpu.memory_space<vmem_shared>> -> memref<10240x8xf32, #tpu.memory_space<vmem_shared>>
      tpu.wait_indirect_dma semaphore(%arg11 : memref<!tpu.dma_semaphore, #tpu.memory_space<semaphore_mem>>) src(%arg7 : memref<128x8xf32, #tpu.memory_space<vmem>>) dst(%dma_wait3A_112 : memref<10240x8xf32, #tpu.memory_space<vmem_shared>>)
      %dma_start3A_113 = arith.constant 0 : i32
      %dma_start3A_114 = tpu.memref_slice %arg6[%add3A_104, %dma_start3A_113] : memref<80x128xi32, #tpu.memory_space<vmem>> -> memref<1x128xi32, #tpu.memory_space<vmem>>
      %dma_start3A_115 = tpu.memref_squeeze %dma_start3A_114 : memref<1x128xi32, #tpu.memory_space<vmem>> -> memref<128xi32, #tpu.memory_space<vmem>>
      %dma_start3A_116 = arith.constant 0 : i32
      %dma_start3A_117 = arith.constant 0 : i32
      %dma_start3A_118 = tpu.memref_slice %arg8[%dma_start3A_116, %dma_start3A_117] : memref<10240x8xf32, #tpu.memory_space<vmem_shared>> -> memref<10240x8xf32, #tpu.memory_space<vmem_shared>>
      tpu.enqueue_indirect_dma source(%arg7 : memref<128x8xf32, #tpu.memory_space<vmem>>) target(%dma_start3A_118 : memref<10240x8xf32, #tpu.memory_space<vmem_shared>>) offsets(%dma_start3A_115 : memref<128xi32, #tpu.memory_space<vmem>>) semaphore(%arg11 : memref<!tpu.dma_semaphore, #tpu.memory_space<semaphore_mem>>) {add = true}
      %add3A_119 = arith.constant 3 : i32
      %add3A_120 = arith.addi %mul3A_71, %add3A_119 : i32
      %sub3A_121 = arith.constant 4 : i32
      %sub3A_122 = arith.subi %add3A_120, %sub3A_121 : i32
      %dma_wait3A_123 = arith.constant 0 : i32
      %dma_wait3A_124 = tpu.memref_slice %arg6[%sub3A_122, %dma_wait3A_123] : memref<80x128xi32, #tpu.memory_space<vmem>> -> memref<1x128xi32, #tpu.memory_space<vmem>>
      %dma_wait3A_125 = tpu.memref_squeeze %dma_wait3A_124 : memref<1x128xi32, #tpu.memory_space<vmem>> -> memref<128xi32, #tpu.memory_space<vmem>>
      %dma_wait3A_126 = arith.constant 0 : i32
      %dma_wait3A_127 = arith.constant 0 : i32
      %dma_wait3A_128 = tpu.memref_slice %arg8[%dma_wait3A_126, %dma_wait3A_127] : memref<10240x8xf32, #tpu.memory_space<vmem_shared>> -> memref<10240x8xf32, #tpu.memory_space<vmem_shared>>
      tpu.wait_indirect_dma semaphore(%arg12 : memref<!tpu.dma_semaphore, #tpu.memory_space<semaphore_mem>>) src(%arg7 : memref<128x8xf32, #tpu.memory_space<vmem>>) dst(%dma_wait3A_128 : memref<10240x8xf32, #tpu.memory_space<vmem_shared>>)
      %dma_start3A_129 = arith.constant 0 : i32
      %dma_start3A_130 = tpu.memref_slice %arg6[%add3A_120, %dma_start3A_129] : memref<80x128xi32, #tpu.memory_space<vmem>> -> memref<1x128xi32, #tpu.memory_space<vmem>>
      %dma_start3A_131 = tpu.memref_squeeze %dma_start3A_130 : memref<1x128xi32, #tpu.memory_space<vmem>> -> memref<128xi32, #tpu.memory_space<vmem>>
      %dma_start3A_132 = arith.constant 0 : i32
      %dma_start3A_133 = arith.constant 0 : i32
      %dma_start3A_134 = tpu.memref_slice %arg8[%dma_start3A_132, %dma_start3A_133] : memref<10240x8xf32, #tpu.memory_space<vmem_shared>> -> memref<10240x8xf32, #tpu.memory_space<vmem_shared>>
      tpu.enqueue_indirect_dma source(%arg7 : memref<128x8xf32, #tpu.memory_space<vmem>>) target(%dma_start3A_134 : memref<10240x8xf32, #tpu.memory_space<vmem_shared>>) offsets(%dma_start3A_131 : memref<128xi32, #tpu.memory_space<vmem>>) semaphore(%arg12 : memref<!tpu.dma_semaphore, #tpu.memory_space<semaphore_mem>>) {add = true}
    }
    %scan3A_36 = arith.constant 19 : i32
    %dma_wait3A = arith.constant 76 : i32
    %dma_wait3A_37 = arith.constant 0 : i32
    %dma_wait3A_38 = tpu.memref_slice %arg6[%dma_wait3A, %dma_wait3A_37] : memref<80x128xi32, #tpu.memory_space<vmem>> -> memref<1x128xi32, #tpu.memory_space<vmem>>
    %dma_wait3A_39 = tpu.memref_squeeze %dma_wait3A_38 : memref<1x128xi32, #tpu.memory_space<vmem>> -> memref<128xi32, #tpu.memory_space<vmem>>
    %dma_wait3A_40 = arith.constant 0 : i32
    %dma_wait3A_41 = arith.constant 0 : i32
    %dma_wait3A_42 = tpu.memref_slice %arg8[%dma_wait3A_40, %dma_wait3A_41] : memref<10240x8xf32, #tpu.memory_space<vmem_shared>> -> memref<10240x8xf32, #tpu.memory_space<vmem_shared>>
    tpu.wait_indirect_dma semaphore(%arg9 : memref<!tpu.dma_semaphore, #tpu.memory_space<semaphore_mem>>) src(%arg7 : memref<128x8xf32, #tpu.memory_space<vmem>>) dst(%dma_wait3A_42 : memref<10240x8xf32, #tpu.memory_space<vmem_shared>>)
    %dma_wait3A_43 = arith.constant 77 : i32
    %dma_wait3A_44 = arith.constant 0 : i32
    %dma_wait3A_45 = tpu.memref_slice %arg6[%dma_wait3A_43, %dma_wait3A_44] : memref<80x128xi32, #tpu.memory_space<vmem>> -> memref<1x128xi32, #tpu.memory_space<vmem>>
    %dma_wait3A_46 = tpu.memref_squeeze %dma_wait3A_45 : memref<1x128xi32, #tpu.memory_space<vmem>> -> memref<128xi32, #tpu.memory_space<vmem>>
    %dma_wait3A_47 = arith.constant 0 : i32
    %dma_wait3A_48 = arith.constant 0 : i32
    %dma_wait3A_49 = tpu.memref_slice %arg8[%dma_wait3A_47, %dma_wait3A_48] : memref<10240x8xf32, #tpu.memory_space<vmem_shared>> -> memref<10240x8xf32, #tpu.memory_space<vmem_shared>>
    tpu.wait_indirect_dma semaphore(%arg10 : memref<!tpu.dma_semaphore, #tpu.memory_space<semaphore_mem>>) src(%arg7 : memref<128x8xf32, #tpu.memory_space<vmem>>) dst(%dma_wait3A_49 : memref<10240x8xf32, #tpu.memory_space<vmem_shared>>)
    %dma_wait3A_50 = arith.constant 78 : i32
    %dma_wait3A_51 = arith.constant 0 : i32
    %dma_wait3A_52 = tpu.memref_slice %arg6[%dma_wait3A_50, %dma_wait3A_51] : memref<80x128xi32, #tpu.memory_space<vmem>> -> memref<1x128xi32, #tpu.memory_space<vmem>>
    %dma_wait3A_53 = tpu.memref_squeeze %dma_wait3A_52 : memref<1x128xi32, #tpu.memory_space<vmem>> -> memref<128xi32, #tpu.memory_space<vmem>>
    %dma_wait3A_54 = arith.constant 0 : i32
    %dma_wait3A_55 = arith.constant 0 : i32
    %dma_wait3A_56 = tpu.memref_slice %arg8[%dma_wait3A_54, %dma_wait3A_55] : memref<10240x8xf32, #tpu.memory_space<vmem_shared>> -> memref<10240x8xf32, #tpu.memory_space<vmem_shared>>
    tpu.wait_indirect_dma semaphore(%arg11 : memref<!tpu.dma_semaphore, #tpu.memory_space<semaphore_mem>>) src(%arg7 : memref<128x8xf32, #tpu.memory_space<vmem>>) dst(%dma_wait3A_56 : memref<10240x8xf32, #tpu.memory_space<vmem_shared>>)
    %dma_wait3A_57 = arith.constant 79 : i32
    %dma_wait3A_58 = arith.constant 0 : i32
    %dma_wait3A_59 = tpu.memref_slice %arg6[%dma_wait3A_57, %dma_wait3A_58] : memref<80x128xi32, #tpu.memory_space<vmem>> -> memref<1x128xi32, #tpu.memory_space<vmem>>
    %dma_wait3A_60 = tpu.memref_squeeze %dma_wait3A_59 : memref<1x128xi32, #tpu.memory_space<vmem>> -> memref<128xi32, #tpu.memory_space<vmem>>
    %dma_wait3A_61 = arith.constant 0 : i32
    %dma_wait3A_62 = arith.constant 0 : i32
    %dma_wait3A_63 = tpu.memref_slice %arg8[%dma_wait3A_61, %dma_wait3A_62] : memref<10240x8xf32, #tpu.memory_space<vmem_shared>> -> memref<10240x8xf32, #tpu.memory_space<vmem_shared>>
    tpu.wait_indirect_dma semaphore(%arg12 : memref<!tpu.dma_semaphore, #tpu.memory_space<semaphore_mem>>) src(%arg7 : memref<128x8xf32, #tpu.memory_space<vmem>>) dst(%dma_wait3A_63 : memref<10240x8xf32, #tpu.memory_space<vmem_shared>>)
    %barrier3A_64 = arith.constant 0 : index
    tpu.barrier barrier_id(%barrier3A_64)
    %mul3A_65 = arith.constant 640 : i32
    %mul3A_66 = arith.muli %arg1, %mul3A_65 : i32
    %mul3A_67 = arith.constant 640 : i32
    %mul3A_68 = arith.muli %arg1, %mul3A_67 : i32
    "tpu.region"() ({
      %run_scoped3A = tpu.sem_alloc : memref<!tpu.dma_semaphore, #tpu.memory_space<semaphore_mem>>
      %dma_start3A_69 = arith.constant 0 : i32
      %dma_start3A_70 = tpu.memref_slice %arg5[%arg0, %mul3A_68, %dma_start3A_69] : memref<2x10240x8xf32, #tpu.memory_space<hbm>> -> memref<1x640x8xf32, #tpu.memory_space<hbm>>
      %dma_start3A_71 = tpu.memref_squeeze %dma_start3A_70 : memref<1x640x8xf32, #tpu.memory_space<hbm>> -> memref<640x8xf32, #tpu.memory_space<hbm>>
      %dma_start3A_72 = arith.constant 0 : i32
      %dma_start3A_73 = tpu.memref_slice %arg8[%mul3A_66, %dma_start3A_72] : memref<10240x8xf32, #tpu.memory_space<vmem_shared>> -> memref<640x8xf32, #tpu.memory_space<vmem_shared>>
      tpu.enqueue_dma source(%dma_start3A_73 : memref<640x8xf32, #tpu.memory_space<vmem_shared>>) target(%dma_start3A_71 : memref<640x8xf32, #tpu.memory_space<hbm>>) target_semaphore(%run_scoped3A : memref<!tpu.dma_semaphore, #tpu.memory_space<semaphore_mem>>)
      %dma_wait3A_74 = arith.constant 0 : i32
      %dma_wait3A_75 = tpu.memref_slice %arg5[%arg0, %mul3A_68, %dma_wait3A_74] : memref<2x10240x8xf32, #tpu.memory_space<hbm>> -> memref<1x640x8xf32, #tpu.memory_space<hbm>>
      %dma_wait3A_76 = tpu.memref_squeeze %dma_wait3A_75 : memref<1x640x8xf32, #tpu.memory_space<hbm>> -> memref<640x8xf32, #tpu.memory_space<hbm>>
      %dma_wait3A_77 = arith.constant 0 : i32
      %dma_wait3A_78 = tpu.memref_slice %arg8[%mul3A_66, %dma_wait3A_77] : memref<10240x8xf32, #tpu.memory_space<vmem_shared>> -> memref<640x8xf32, #tpu.memory_space<vmem_shared>>
      tpu.wait_dma2 semaphore(%run_scoped3A : memref<!tpu.dma_semaphore, #tpu.memory_space<semaphore_mem>>) src(%dma_wait3A_78 : memref<640x8xf32, #tpu.memory_space<vmem_shared>>) dst(%dma_wait3A_76 : memref<640x8xf32, #tpu.memory_space<hbm>>)
      tpu.yield
    }) : () -> ()
    return
  }
}

#map = affine_map<(d0, d1) -> (0, 0)>
#map1 = affine_map<(d0, d1) -> (0, 0, 0)>
module attributes {stable_mosaic.version = 14 : i64} {
  func.func @agg(%arg0: i32, %arg1: i32, %arg2: memref<10240x128xbf16, #tpu.memory_space<hbm>>, %arg3: memref<2592x128xi32, #tpu.memory_space<hbm>>, %arg4: memref<2592x128xi32, #tpu.memory_space<hbm>>, %arg5: memref<640x128xbf16, #tpu.memory_space<hbm>>, %arg6: memref<2x10240x128xbf16, #tpu.memory_space<hbm>>, %arg7: memref<96x128xi32, #tpu.memory_space<vmem>>, %arg8: memref<96x128xi32, #tpu.memory_space<vmem>>, %arg9: memref<128x128xbf16, #tpu.memory_space<vmem>>, %arg10: memref<128x128xbf16, #tpu.memory_space<vmem>>, %arg11: memref<128x128xbf16, #tpu.memory_space<vmem>>, %arg12: memref<128x128xbf16, #tpu.memory_space<vmem>>, %arg13: memref<128x128xbf16, #tpu.memory_space<vmem>>, %arg14: memref<128x128xbf16, #tpu.memory_space<vmem>>, %arg15: memref<128x128xbf16, #tpu.memory_space<vmem>>, %arg16: memref<128x128xbf16, #tpu.memory_space<vmem>>, %arg17: memref<10240x128xbf16, #tpu.memory_space<vmem_shared>>, %arg18: memref<!tpu.dma_semaphore, #tpu.memory_space<semaphore_mem>>, %arg19: memref<!tpu.dma_semaphore, #tpu.memory_space<semaphore_mem>>, %arg20: memref<!tpu.dma_semaphore, #tpu.memory_space<semaphore_mem>>, %arg21: memref<!tpu.dma_semaphore, #tpu.memory_space<semaphore_mem>>, %arg22: memref<!tpu.dma_semaphore, #tpu.memory_space<semaphore_mem>>, %arg23: memref<!tpu.dma_semaphore, #tpu.memory_space<semaphore_mem>>, %arg24: memref<!tpu.dma_semaphore, #tpu.memory_space<semaphore_mem>>, %arg25: memref<!tpu.dma_semaphore, #tpu.memory_space<semaphore_mem>>, %arg26: memref<!tpu.dma_semaphore, #tpu.memory_space<semaphore_mem>>, %arg27: memref<!tpu.dma_semaphore, #tpu.memory_space<semaphore_mem>>, %arg28: memref<!tpu.dma_semaphore, #tpu.memory_space<semaphore_mem>>, %arg29: memref<!tpu.dma_semaphore, #tpu.memory_space<semaphore_mem>>, %arg30: memref<!tpu.dma_semaphore, #tpu.memory_space<semaphore_mem>>, %arg31: memref<!tpu.dma_semaphore, #tpu.memory_space<semaphore_mem>>, %arg32: memref<!tpu.dma_semaphore, #tpu.memory_space<semaphore_mem>>, %arg33: memref<!tpu.dma_semaphore, #tpu.memory_space<semaphore_mem>>) attributes {dimension_semantics = [#tpu.dimension_semantics<core_parallel>, #tpu.dimension_semantics<subcore_parallel>], iteration_bounds = array<i64: 2, 16>, scalar_prefetch = 0 : i64, scratch_operands = 27 : i64, tpu.core_type = #tpu.core_type<sc_vector_subcore>, window_params = [{transform_indices = #map}, {transform_indices = #map}, {transform_indices = #map}, {transform_indices = #map}, {transform_indices = #map1}]} {
    %mul3A = arith.constant 640 : i32
    %mul3A_0 = arith.muli %arg1, %mul3A : i32
    "tpu.region"() ({
      %run_scoped3A = tpu.sem_alloc : memref<!tpu.dma_semaphore, #tpu.memory_space<semaphore_mem>>
      %dma_start3A = arith.constant 0 : i32
      %dma_start3A_11 = tpu.memref_slice %arg17[%mul3A_0, %dma_start3A] : memref<10240x128xbf16, #tpu.memory_space<vmem_shared>> -> memref<640x128xbf16, #tpu.memory_space<vmem_shared>>
      tpu.enqueue_dma source(%arg5 : memref<640x128xbf16, #tpu.memory_space<hbm>>) target(%dma_start3A_11 : memref<640x128xbf16, #tpu.memory_space<vmem_shared>>) target_semaphore(%run_scoped3A : memref<!tpu.dma_semaphore, #tpu.memory_space<semaphore_mem>>)
      %dma_wait3A = arith.constant 0 : i32
      %dma_wait3A_12 = tpu.memref_slice %arg17[%mul3A_0, %dma_wait3A] : memref<10240x128xbf16, #tpu.memory_space<vmem_shared>> -> memref<640x128xbf16, #tpu.memory_space<vmem_shared>>
      tpu.wait_dma2 semaphore(%run_scoped3A : memref<!tpu.dma_semaphore, #tpu.memory_space<semaphore_mem>>) src(%arg5 : memref<640x128xbf16, #tpu.memory_space<hbm>>) dst(%dma_wait3A_12 : memref<640x128xbf16, #tpu.memory_space<vmem_shared>>)
      tpu.yield
    }) : () -> ()
    %eq3A = arith.constant 0 : i32
    %eq3A_1 = arith.cmpi eq, %arg0, %eq3A : i32
    %convert_element_type3A = arith.extui %eq3A_1 : i1 to i32
    %cond3A = arith.constant 0 : i32
    %cond3A_2 = arith.cmpi ne, %convert_element_type3A, %cond3A : i32
    scf.if %cond3A_2 {
      %mul3A_11 = arith.constant 96 : i32
      %mul3A_12 = arith.muli %arg1, %mul3A_11 : i32
      "tpu.region"() ({
        %run_scoped3A = tpu.sem_alloc : memref<!tpu.dma_semaphore, #tpu.memory_space<semaphore_mem>>
        %dma_start3A_297 = arith.constant 0 : i32
        %dma_start3A_298 = arith.constant 0 : i32
        %dma_start3A_299 = tpu.memref_slice %arg7[%dma_start3A_297, %dma_start3A_298] : memref<96x128xi32, #tpu.memory_space<vmem>> -> memref<96x128xi32, #tpu.memory_space<vmem>>
        %dma_start3A_300 = arith.constant 0 : i32
        %dma_start3A_301 = tpu.memref_slice %arg3[%mul3A_12, %dma_start3A_300] : memref<2592x128xi32, #tpu.memory_space<hbm>> -> memref<96x128xi32, #tpu.memory_space<hbm>>
        %dma_start3A_302 = arith.constant 0 : i32
        %dma_start3A_303 = arith.constant 0 : i32
        %dma_start3A_304 = tpu.memref_slice %arg7[%dma_start3A_302, %dma_start3A_303] : memref<96x128xi32, #tpu.memory_space<vmem>> -> memref<96x128xi32, #tpu.memory_space<vmem>>
        %dma_start3A_305 = arith.constant 0 : i32
        %dma_start3A_306 = tpu.memref_slice %arg3[%mul3A_12, %dma_start3A_305] : memref<2592x128xi32, #tpu.memory_space<hbm>> -> memref<96x128xi32, #tpu.memory_space<hbm>>
        tpu.enqueue_dma source(%dma_start3A_306 : memref<96x128xi32, #tpu.memory_space<hbm>>) target(%dma_start3A_304 : memref<96x128xi32, #tpu.memory_space<vmem>>) target_semaphore(%run_scoped3A : memref<!tpu.dma_semaphore, #tpu.memory_space<semaphore_mem>>)
        %dma_wait3A_307 = arith.constant 0 : i32
        %dma_wait3A_308 = arith.constant 0 : i32
        %dma_wait3A_309 = tpu.memref_slice %arg7[%dma_wait3A_307, %dma_wait3A_308] : memref<96x128xi32, #tpu.memory_space<vmem>> -> memref<96x128xi32, #tpu.memory_space<vmem>>
        %dma_wait3A_310 = arith.constant 0 : i32
        %dma_wait3A_311 = tpu.memref_slice %arg3[%mul3A_12, %dma_wait3A_310] : memref<2592x128xi32, #tpu.memory_space<hbm>> -> memref<96x128xi32, #tpu.memory_space<hbm>>
        %dma_wait3A_312 = arith.constant 0 : i32
        %dma_wait3A_313 = arith.constant 0 : i32
        %dma_wait3A_314 = tpu.memref_slice %arg7[%dma_wait3A_312, %dma_wait3A_313] : memref<96x128xi32, #tpu.memory_space<vmem>> -> memref<96x128xi32, #tpu.memory_space<vmem>>
        %dma_wait3A_315 = arith.constant 0 : i32
        %dma_wait3A_316 = tpu.memref_slice %arg3[%mul3A_12, %dma_wait3A_315] : memref<2592x128xi32, #tpu.memory_space<hbm>> -> memref<96x128xi32, #tpu.memory_space<hbm>>
        tpu.wait_dma2 semaphore(%run_scoped3A : memref<!tpu.dma_semaphore, #tpu.memory_space<semaphore_mem>>) src(%dma_wait3A_316 : memref<96x128xi32, #tpu.memory_space<hbm>>) dst(%dma_wait3A_314 : memref<96x128xi32, #tpu.memory_space<vmem>>)
        tpu.yield
      }) : () -> ()
      "tpu.region"() ({
        %run_scoped3A = tpu.sem_alloc : memref<!tpu.dma_semaphore, #tpu.memory_space<semaphore_mem>>
        %dma_start3A_297 = arith.constant 0 : i32
        %dma_start3A_298 = arith.constant 0 : i32
        %dma_start3A_299 = tpu.memref_slice %arg8[%dma_start3A_297, %dma_start3A_298] : memref<96x128xi32, #tpu.memory_space<vmem>> -> memref<96x128xi32, #tpu.memory_space<vmem>>
        %dma_start3A_300 = arith.constant 0 : i32
        %dma_start3A_301 = tpu.memref_slice %arg4[%mul3A_12, %dma_start3A_300] : memref<2592x128xi32, #tpu.memory_space<hbm>> -> memref<96x128xi32, #tpu.memory_space<hbm>>
        %dma_start3A_302 = arith.constant 0 : i32
        %dma_start3A_303 = arith.constant 0 : i32
        %dma_start3A_304 = tpu.memref_slice %arg8[%dma_start3A_302, %dma_start3A_303] : memref<96x128xi32, #tpu.memory_space<vmem>> -> memref<96x128xi32, #tpu.memory_space<vmem>>
        %dma_start3A_305 = arith.constant 0 : i32
        %dma_start3A_306 = tpu.memref_slice %arg4[%mul3A_12, %dma_start3A_305] : memref<2592x128xi32, #tpu.memory_space<hbm>> -> memref<96x128xi32, #tpu.memory_space<hbm>>
        tpu.enqueue_dma source(%dma_start3A_306 : memref<96x128xi32, #tpu.memory_space<hbm>>) target(%dma_start3A_304 : memref<96x128xi32, #tpu.memory_space<vmem>>) target_semaphore(%run_scoped3A : memref<!tpu.dma_semaphore, #tpu.memory_space<semaphore_mem>>)
        %dma_wait3A_307 = arith.constant 0 : i32
        %dma_wait3A_308 = arith.constant 0 : i32
        %dma_wait3A_309 = tpu.memref_slice %arg8[%dma_wait3A_307, %dma_wait3A_308] : memref<96x128xi32, #tpu.memory_space<vmem>> -> memref<96x128xi32, #tpu.memory_space<vmem>>
        %dma_wait3A_310 = arith.constant 0 : i32
        %dma_wait3A_311 = tpu.memref_slice %arg4[%mul3A_12, %dma_wait3A_310] : memref<2592x128xi32, #tpu.memory_space<hbm>> -> memref<96x128xi32, #tpu.memory_space<hbm>>
        %dma_wait3A_312 = arith.constant 0 : i32
        %dma_wait3A_313 = arith.constant 0 : i32
        %dma_wait3A_314 = tpu.memref_slice %arg8[%dma_wait3A_312, %dma_wait3A_313] : memref<96x128xi32, #tpu.memory_space<vmem>> -> memref<96x128xi32, #tpu.memory_space<vmem>>
        %dma_wait3A_315 = arith.constant 0 : i32
        %dma_wait3A_316 = tpu.memref_slice %arg4[%mul3A_12, %dma_wait3A_315] : memref<2592x128xi32, #tpu.memory_space<hbm>> -> memref<96x128xi32, #tpu.memory_space<hbm>>
        tpu.wait_dma2 semaphore(%run_scoped3A : memref<!tpu.dma_semaphore, #tpu.memory_space<semaphore_mem>>) src(%dma_wait3A_316 : memref<96x128xi32, #tpu.memory_space<hbm>>) dst(%dma_wait3A_314 : memref<96x128xi32, #tpu.memory_space<vmem>>)
        tpu.yield
      }) : () -> ()
      %barrier3A_13 = arith.constant 0 : index
      tpu.barrier barrier_id(%barrier3A_13)
      %dma_start3A = arith.constant 0 : i32
      %dma_start3A_14 = arith.constant 0 : i32
      %dma_start3A_15 = tpu.memref_slice %arg7[%dma_start3A, %dma_start3A_14] : memref<96x128xi32, #tpu.memory_space<vmem>> -> memref<1x128xi32, #tpu.memory_space<vmem>>
      %dma_start3A_16 = tpu.memref_squeeze %dma_start3A_15 : memref<1x128xi32, #tpu.memory_space<vmem>> -> memref<128xi32, #tpu.memory_space<vmem>>
      %dma_start3A_17 = arith.constant 0 : i32
      %dma_start3A_18 = arith.constant 0 : i32
      %dma_start3A_19 = tpu.memref_slice %arg2[%dma_start3A_17, %dma_start3A_18] : memref<10240x128xbf16, #tpu.memory_space<hbm>> -> memref<10240x128xbf16, #tpu.memory_space<hbm>>
      tpu.enqueue_indirect_dma source(%dma_start3A_19 : memref<10240x128xbf16, #tpu.memory_space<hbm>>) target(%arg9 : memref<128x128xbf16, #tpu.memory_space<vmem>>) offsets(%dma_start3A_16 : memref<128xi32, #tpu.memory_space<vmem>>) semaphore(%arg18 : memref<!tpu.dma_semaphore, #tpu.memory_space<semaphore_mem>>)
      %dma_start3A_20 = arith.constant 1 : i32
      %dma_start3A_21 = arith.constant 0 : i32
      %dma_start3A_22 = tpu.memref_slice %arg7[%dma_start3A_20, %dma_start3A_21] : memref<96x128xi32, #tpu.memory_space<vmem>> -> memref<1x128xi32, #tpu.memory_space<vmem>>
      %dma_start3A_23 = tpu.memref_squeeze %dma_start3A_22 : memref<1x128xi32, #tpu.memory_space<vmem>> -> memref<128xi32, #tpu.memory_space<vmem>>
      %dma_start3A_24 = arith.constant 0 : i32
      %dma_start3A_25 = arith.constant 0 : i32
      %dma_start3A_26 = tpu.memref_slice %arg2[%dma_start3A_24, %dma_start3A_25] : memref<10240x128xbf16, #tpu.memory_space<hbm>> -> memref<10240x128xbf16, #tpu.memory_space<hbm>>
      tpu.enqueue_indirect_dma source(%dma_start3A_26 : memref<10240x128xbf16, #tpu.memory_space<hbm>>) target(%arg10 : memref<128x128xbf16, #tpu.memory_space<vmem>>) offsets(%dma_start3A_23 : memref<128xi32, #tpu.memory_space<vmem>>) semaphore(%arg19 : memref<!tpu.dma_semaphore, #tpu.memory_space<semaphore_mem>>)
      %dma_start3A_27 = arith.constant 2 : i32
      %dma_start3A_28 = arith.constant 0 : i32
      %dma_start3A_29 = tpu.memref_slice %arg7[%dma_start3A_27, %dma_start3A_28] : memref<96x128xi32, #tpu.memory_space<vmem>> -> memref<1x128xi32, #tpu.memory_space<vmem>>
      %dma_start3A_30 = tpu.memref_squeeze %dma_start3A_29 : memref<1x128xi32, #tpu.memory_space<vmem>> -> memref<128xi32, #tpu.memory_space<vmem>>
      %dma_start3A_31 = arith.constant 0 : i32
      %dma_start3A_32 = arith.constant 0 : i32
      %dma_start3A_33 = tpu.memref_slice %arg2[%dma_start3A_31, %dma_start3A_32] : memref<10240x128xbf16, #tpu.memory_space<hbm>> -> memref<10240x128xbf16, #tpu.memory_space<hbm>>
      tpu.enqueue_indirect_dma source(%dma_start3A_33 : memref<10240x128xbf16, #tpu.memory_space<hbm>>) target(%arg11 : memref<128x128xbf16, #tpu.memory_space<vmem>>) offsets(%dma_start3A_30 : memref<128xi32, #tpu.memory_space<vmem>>) semaphore(%arg20 : memref<!tpu.dma_semaphore, #tpu.memory_space<semaphore_mem>>)
      %dma_start3A_34 = arith.constant 3 : i32
      %dma_start3A_35 = arith.constant 0 : i32
      %dma_start3A_36 = tpu.memref_slice %arg7[%dma_start3A_34, %dma_start3A_35] : memref<96x128xi32, #tpu.memory_space<vmem>> -> memref<1x128xi32, #tpu.memory_space<vmem>>
      %dma_start3A_37 = tpu.memref_squeeze %dma_start3A_36 : memref<1x128xi32, #tpu.memory_space<vmem>> -> memref<128xi32, #tpu.memory_space<vmem>>
      %dma_start3A_38 = arith.constant 0 : i32
      %dma_start3A_39 = arith.constant 0 : i32
      %dma_start3A_40 = tpu.memref_slice %arg2[%dma_start3A_38, %dma_start3A_39] : memref<10240x128xbf16, #tpu.memory_space<hbm>> -> memref<10240x128xbf16, #tpu.memory_space<hbm>>
      tpu.enqueue_indirect_dma source(%dma_start3A_40 : memref<10240x128xbf16, #tpu.memory_space<hbm>>) target(%arg12 : memref<128x128xbf16, #tpu.memory_space<vmem>>) offsets(%dma_start3A_37 : memref<128xi32, #tpu.memory_space<vmem>>) semaphore(%arg21 : memref<!tpu.dma_semaphore, #tpu.memory_space<semaphore_mem>>)
      %dma_wait3A = arith.constant 0 : i32
      %dma_wait3A_41 = arith.constant 0 : i32
      %dma_wait3A_42 = tpu.memref_slice %arg7[%dma_wait3A, %dma_wait3A_41] : memref<96x128xi32, #tpu.memory_space<vmem>> -> memref<1x128xi32, #tpu.memory_space<vmem>>
      %dma_wait3A_43 = tpu.memref_squeeze %dma_wait3A_42 : memref<1x128xi32, #tpu.memory_space<vmem>> -> memref<128xi32, #tpu.memory_space<vmem>>
      %dma_wait3A_44 = arith.constant 0 : i32
      %dma_wait3A_45 = arith.constant 0 : i32
      %dma_wait3A_46 = tpu.memref_slice %arg2[%dma_wait3A_44, %dma_wait3A_45] : memref<10240x128xbf16, #tpu.memory_space<hbm>> -> memref<10240x128xbf16, #tpu.memory_space<hbm>>
      tpu.wait_indirect_dma semaphore(%arg18 : memref<!tpu.dma_semaphore, #tpu.memory_space<semaphore_mem>>) src(%dma_wait3A_46 : memref<10240x128xbf16, #tpu.memory_space<hbm>>) dst(%arg9 : memref<128x128xbf16, #tpu.memory_space<vmem>>)
      %dma_start3A_47 = arith.constant 0 : i32
      %dma_start3A_48 = arith.constant 0 : i32
      %dma_start3A_49 = tpu.memref_slice %arg8[%dma_start3A_47, %dma_start3A_48] : memref<96x128xi32, #tpu.memory_space<vmem>> -> memref<1x128xi32, #tpu.memory_space<vmem>>
      %dma_start3A_50 = tpu.memref_squeeze %dma_start3A_49 : memref<1x128xi32, #tpu.memory_space<vmem>> -> memref<128xi32, #tpu.memory_space<vmem>>
      %dma_start3A_51 = arith.constant 0 : i32
      %dma_start3A_52 = arith.constant 0 : i32
      %dma_start3A_53 = tpu.memref_slice %arg17[%dma_start3A_51, %dma_start3A_52] : memref<10240x128xbf16, #tpu.memory_space<vmem_shared>> -> memref<10240x128xbf16, #tpu.memory_space<vmem_shared>>
      tpu.enqueue_indirect_dma source(%arg9 : memref<128x128xbf16, #tpu.memory_space<vmem>>) target(%dma_start3A_53 : memref<10240x128xbf16, #tpu.memory_space<vmem_shared>>) offsets(%dma_start3A_50 : memref<128xi32, #tpu.memory_space<vmem>>) semaphore(%arg26 : memref<!tpu.dma_semaphore, #tpu.memory_space<semaphore_mem>>) {add = true}
      %dma_start3A_54 = arith.constant 4 : i32
      %dma_start3A_55 = arith.constant 0 : i32
      %dma_start3A_56 = tpu.memref_slice %arg7[%dma_start3A_54, %dma_start3A_55] : memref<96x128xi32, #tpu.memory_space<vmem>> -> memref<1x128xi32, #tpu.memory_space<vmem>>
      %dma_start3A_57 = tpu.memref_squeeze %dma_start3A_56 : memref<1x128xi32, #tpu.memory_space<vmem>> -> memref<128xi32, #tpu.memory_space<vmem>>
      %dma_start3A_58 = arith.constant 0 : i32
      %dma_start3A_59 = arith.constant 0 : i32
      %dma_start3A_60 = tpu.memref_slice %arg2[%dma_start3A_58, %dma_start3A_59] : memref<10240x128xbf16, #tpu.memory_space<hbm>> -> memref<10240x128xbf16, #tpu.memory_space<hbm>>
      tpu.enqueue_indirect_dma source(%dma_start3A_60 : memref<10240x128xbf16, #tpu.memory_space<hbm>>) target(%arg13 : memref<128x128xbf16, #tpu.memory_space<vmem>>) offsets(%dma_start3A_57 : memref<128xi32, #tpu.memory_space<vmem>>) semaphore(%arg22 : memref<!tpu.dma_semaphore, #tpu.memory_space<semaphore_mem>>)
      %dma_wait3A_61 = arith.constant 1 : i32
      %dma_wait3A_62 = arith.constant 0 : i32
      %dma_wait3A_63 = tpu.memref_slice %arg7[%dma_wait3A_61, %dma_wait3A_62] : memref<96x128xi32, #tpu.memory_space<vmem>> -> memref<1x128xi32, #tpu.memory_space<vmem>>
      %dma_wait3A_64 = tpu.memref_squeeze %dma_wait3A_63 : memref<1x128xi32, #tpu.memory_space<vmem>> -> memref<128xi32, #tpu.memory_space<vmem>>
      %dma_wait3A_65 = arith.constant 0 : i32
      %dma_wait3A_66 = arith.constant 0 : i32
      %dma_wait3A_67 = tpu.memref_slice %arg2[%dma_wait3A_65, %dma_wait3A_66] : memref<10240x128xbf16, #tpu.memory_space<hbm>> -> memref<10240x128xbf16, #tpu.memory_space<hbm>>
      tpu.wait_indirect_dma semaphore(%arg19 : memref<!tpu.dma_semaphore, #tpu.memory_space<semaphore_mem>>) src(%dma_wait3A_67 : memref<10240x128xbf16, #tpu.memory_space<hbm>>) dst(%arg10 : memref<128x128xbf16, #tpu.memory_space<vmem>>)
      %dma_start3A_68 = arith.constant 1 : i32
      %dma_start3A_69 = arith.constant 0 : i32
      %dma_start3A_70 = tpu.memref_slice %arg8[%dma_start3A_68, %dma_start3A_69] : memref<96x128xi32, #tpu.memory_space<vmem>> -> memref<1x128xi32, #tpu.memory_space<vmem>>
      %dma_start3A_71 = tpu.memref_squeeze %dma_start3A_70 : memref<1x128xi32, #tpu.memory_space<vmem>> -> memref<128xi32, #tpu.memory_space<vmem>>
      %dma_start3A_72 = arith.constant 0 : i32
      %dma_start3A_73 = arith.constant 0 : i32
      %dma_start3A_74 = tpu.memref_slice %arg17[%dma_start3A_72, %dma_start3A_73] : memref<10240x128xbf16, #tpu.memory_space<vmem_shared>> -> memref<10240x128xbf16, #tpu.memory_space<vmem_shared>>
      tpu.enqueue_indirect_dma source(%arg10 : memref<128x128xbf16, #tpu.memory_space<vmem>>) target(%dma_start3A_74 : memref<10240x128xbf16, #tpu.memory_space<vmem_shared>>) offsets(%dma_start3A_71 : memref<128xi32, #tpu.memory_space<vmem>>) semaphore(%arg27 : memref<!tpu.dma_semaphore, #tpu.memory_space<semaphore_mem>>) {add = true}
      %dma_start3A_75 = arith.constant 5 : i32
      %dma_start3A_76 = arith.constant 0 : i32
      %dma_start3A_77 = tpu.memref_slice %arg7[%dma_start3A_75, %dma_start3A_76] : memref<96x128xi32, #tpu.memory_space<vmem>> -> memref<1x128xi32, #tpu.memory_space<vmem>>
      %dma_start3A_78 = tpu.memref_squeeze %dma_start3A_77 : memref<1x128xi32, #tpu.memory_space<vmem>> -> memref<128xi32, #tpu.memory_space<vmem>>
      %dma_start3A_79 = arith.constant 0 : i32
      %dma_start3A_80 = arith.constant 0 : i32
      %dma_start3A_81 = tpu.memref_slice %arg2[%dma_start3A_79, %dma_start3A_80] : memref<10240x128xbf16, #tpu.memory_space<hbm>> -> memref<10240x128xbf16, #tpu.memory_space<hbm>>
      tpu.enqueue_indirect_dma source(%dma_start3A_81 : memref<10240x128xbf16, #tpu.memory_space<hbm>>) target(%arg14 : memref<128x128xbf16, #tpu.memory_space<vmem>>) offsets(%dma_start3A_78 : memref<128xi32, #tpu.memory_space<vmem>>) semaphore(%arg23 : memref<!tpu.dma_semaphore, #tpu.memory_space<semaphore_mem>>)
      %dma_wait3A_82 = arith.constant 2 : i32
      %dma_wait3A_83 = arith.constant 0 : i32
      %dma_wait3A_84 = tpu.memref_slice %arg7[%dma_wait3A_82, %dma_wait3A_83] : memref<96x128xi32, #tpu.memory_space<vmem>> -> memref<1x128xi32, #tpu.memory_space<vmem>>
      %dma_wait3A_85 = tpu.memref_squeeze %dma_wait3A_84 : memref<1x128xi32, #tpu.memory_space<vmem>> -> memref<128xi32, #tpu.memory_space<vmem>>
      %dma_wait3A_86 = arith.constant 0 : i32
      %dma_wait3A_87 = arith.constant 0 : i32
      %dma_wait3A_88 = tpu.memref_slice %arg2[%dma_wait3A_86, %dma_wait3A_87] : memref<10240x128xbf16, #tpu.memory_space<hbm>> -> memref<10240x128xbf16, #tpu.memory_space<hbm>>
      tpu.wait_indirect_dma semaphore(%arg20 : memref<!tpu.dma_semaphore, #tpu.memory_space<semaphore_mem>>) src(%dma_wait3A_88 : memref<10240x128xbf16, #tpu.memory_space<hbm>>) dst(%arg11 : memref<128x128xbf16, #tpu.memory_space<vmem>>)
      %dma_start3A_89 = arith.constant 2 : i32
      %dma_start3A_90 = arith.constant 0 : i32
      %dma_start3A_91 = tpu.memref_slice %arg8[%dma_start3A_89, %dma_start3A_90] : memref<96x128xi32, #tpu.memory_space<vmem>> -> memref<1x128xi32, #tpu.memory_space<vmem>>
      %dma_start3A_92 = tpu.memref_squeeze %dma_start3A_91 : memref<1x128xi32, #tpu.memory_space<vmem>> -> memref<128xi32, #tpu.memory_space<vmem>>
      %dma_start3A_93 = arith.constant 0 : i32
      %dma_start3A_94 = arith.constant 0 : i32
      %dma_start3A_95 = tpu.memref_slice %arg17[%dma_start3A_93, %dma_start3A_94] : memref<10240x128xbf16, #tpu.memory_space<vmem_shared>> -> memref<10240x128xbf16, #tpu.memory_space<vmem_shared>>
      tpu.enqueue_indirect_dma source(%arg11 : memref<128x128xbf16, #tpu.memory_space<vmem>>) target(%dma_start3A_95 : memref<10240x128xbf16, #tpu.memory_space<vmem_shared>>) offsets(%dma_start3A_92 : memref<128xi32, #tpu.memory_space<vmem>>) semaphore(%arg28 : memref<!tpu.dma_semaphore, #tpu.memory_space<semaphore_mem>>) {add = true}
      %dma_start3A_96 = arith.constant 6 : i32
      %dma_start3A_97 = arith.constant 0 : i32
      %dma_start3A_98 = tpu.memref_slice %arg7[%dma_start3A_96, %dma_start3A_97] : memref<96x128xi32, #tpu.memory_space<vmem>> -> memref<1x128xi32, #tpu.memory_space<vmem>>
      %dma_start3A_99 = tpu.memref_squeeze %dma_start3A_98 : memref<1x128xi32, #tpu.memory_space<vmem>> -> memref<128xi32, #tpu.memory_space<vmem>>
      %dma_start3A_100 = arith.constant 0 : i32
      %dma_start3A_101 = arith.constant 0 : i32
      %dma_start3A_102 = tpu.memref_slice %arg2[%dma_start3A_100, %dma_start3A_101] : memref<10240x128xbf16, #tpu.memory_space<hbm>> -> memref<10240x128xbf16, #tpu.memory_space<hbm>>
      tpu.enqueue_indirect_dma source(%dma_start3A_102 : memref<10240x128xbf16, #tpu.memory_space<hbm>>) target(%arg15 : memref<128x128xbf16, #tpu.memory_space<vmem>>) offsets(%dma_start3A_99 : memref<128xi32, #tpu.memory_space<vmem>>) semaphore(%arg24 : memref<!tpu.dma_semaphore, #tpu.memory_space<semaphore_mem>>)
      %dma_wait3A_103 = arith.constant 3 : i32
      %dma_wait3A_104 = arith.constant 0 : i32
      %dma_wait3A_105 = tpu.memref_slice %arg7[%dma_wait3A_103, %dma_wait3A_104] : memref<96x128xi32, #tpu.memory_space<vmem>> -> memref<1x128xi32, #tpu.memory_space<vmem>>
      %dma_wait3A_106 = tpu.memref_squeeze %dma_wait3A_105 : memref<1x128xi32, #tpu.memory_space<vmem>> -> memref<128xi32, #tpu.memory_space<vmem>>
      %dma_wait3A_107 = arith.constant 0 : i32
      %dma_wait3A_108 = arith.constant 0 : i32
      %dma_wait3A_109 = tpu.memref_slice %arg2[%dma_wait3A_107, %dma_wait3A_108] : memref<10240x128xbf16, #tpu.memory_space<hbm>> -> memref<10240x128xbf16, #tpu.memory_space<hbm>>
      tpu.wait_indirect_dma semaphore(%arg21 : memref<!tpu.dma_semaphore, #tpu.memory_space<semaphore_mem>>) src(%dma_wait3A_109 : memref<10240x128xbf16, #tpu.memory_space<hbm>>) dst(%arg12 : memref<128x128xbf16, #tpu.memory_space<vmem>>)
      %dma_start3A_110 = arith.constant 3 : i32
      %dma_start3A_111 = arith.constant 0 : i32
      %dma_start3A_112 = tpu.memref_slice %arg8[%dma_start3A_110, %dma_start3A_111] : memref<96x128xi32, #tpu.memory_space<vmem>> -> memref<1x128xi32, #tpu.memory_space<vmem>>
      %dma_start3A_113 = tpu.memref_squeeze %dma_start3A_112 : memref<1x128xi32, #tpu.memory_space<vmem>> -> memref<128xi32, #tpu.memory_space<vmem>>
      %dma_start3A_114 = arith.constant 0 : i32
      %dma_start3A_115 = arith.constant 0 : i32
      %dma_start3A_116 = tpu.memref_slice %arg17[%dma_start3A_114, %dma_start3A_115] : memref<10240x128xbf16, #tpu.memory_space<vmem_shared>> -> memref<10240x128xbf16, #tpu.memory_space<vmem_shared>>
      tpu.enqueue_indirect_dma source(%arg12 : memref<128x128xbf16, #tpu.memory_space<vmem>>) target(%dma_start3A_116 : memref<10240x128xbf16, #tpu.memory_space<vmem_shared>>) offsets(%dma_start3A_113 : memref<128xi32, #tpu.memory_space<vmem>>) semaphore(%arg29 : memref<!tpu.dma_semaphore, #tpu.memory_space<semaphore_mem>>) {add = true}
      %dma_start3A_117 = arith.constant 7 : i32
      %dma_start3A_118 = arith.constant 0 : i32
      %dma_start3A_119 = tpu.memref_slice %arg7[%dma_start3A_117, %dma_start3A_118] : memref<96x128xi32, #tpu.memory_space<vmem>> -> memref<1x128xi32, #tpu.memory_space<vmem>>
      %dma_start3A_120 = tpu.memref_squeeze %dma_start3A_119 : memref<1x128xi32, #tpu.memory_space<vmem>> -> memref<128xi32, #tpu.memory_space<vmem>>
      %dma_start3A_121 = arith.constant 0 : i32
      %dma_start3A_122 = arith.constant 0 : i32
      %dma_start3A_123 = tpu.memref_slice %arg2[%dma_start3A_121, %dma_start3A_122] : memref<10240x128xbf16, #tpu.memory_space<hbm>> -> memref<10240x128xbf16, #tpu.memory_space<hbm>>
      tpu.enqueue_indirect_dma source(%dma_start3A_123 : memref<10240x128xbf16, #tpu.memory_space<hbm>>) target(%arg16 : memref<128x128xbf16, #tpu.memory_space<vmem>>) offsets(%dma_start3A_120 : memref<128xi32, #tpu.memory_space<vmem>>) semaphore(%arg25 : memref<!tpu.dma_semaphore, #tpu.memory_space<semaphore_mem>>)
      %dma_wait3A_124 = arith.constant 4 : i32
      %dma_wait3A_125 = arith.constant 0 : i32
      %dma_wait3A_126 = tpu.memref_slice %arg7[%dma_wait3A_124, %dma_wait3A_125] : memref<96x128xi32, #tpu.memory_space<vmem>> -> memref<1x128xi32, #tpu.memory_space<vmem>>
      %dma_wait3A_127 = tpu.memref_squeeze %dma_wait3A_126 : memref<1x128xi32, #tpu.memory_space<vmem>> -> memref<128xi32, #tpu.memory_space<vmem>>
      %dma_wait3A_128 = arith.constant 0 : i32
      %dma_wait3A_129 = arith.constant 0 : i32
      %dma_wait3A_130 = tpu.memref_slice %arg2[%dma_wait3A_128, %dma_wait3A_129] : memref<10240x128xbf16, #tpu.memory_space<hbm>> -> memref<10240x128xbf16, #tpu.memory_space<hbm>>
      tpu.wait_indirect_dma semaphore(%arg22 : memref<!tpu.dma_semaphore, #tpu.memory_space<semaphore_mem>>) src(%dma_wait3A_130 : memref<10240x128xbf16, #tpu.memory_space<hbm>>) dst(%arg13 : memref<128x128xbf16, #tpu.memory_space<vmem>>)
      %dma_start3A_131 = arith.constant 4 : i32
      %dma_start3A_132 = arith.constant 0 : i32
      %dma_start3A_133 = tpu.memref_slice %arg8[%dma_start3A_131, %dma_start3A_132] : memref<96x128xi32, #tpu.memory_space<vmem>> -> memref<1x128xi32, #tpu.memory_space<vmem>>
      %dma_start3A_134 = tpu.memref_squeeze %dma_start3A_133 : memref<1x128xi32, #tpu.memory_space<vmem>> -> memref<128xi32, #tpu.memory_space<vmem>>
      %dma_start3A_135 = arith.constant 0 : i32
      %dma_start3A_136 = arith.constant 0 : i32
      %dma_start3A_137 = tpu.memref_slice %arg17[%dma_start3A_135, %dma_start3A_136] : memref<10240x128xbf16, #tpu.memory_space<vmem_shared>> -> memref<10240x128xbf16, #tpu.memory_space<vmem_shared>>
      tpu.enqueue_indirect_dma source(%arg13 : memref<128x128xbf16, #tpu.memory_space<vmem>>) target(%dma_start3A_137 : memref<10240x128xbf16, #tpu.memory_space<vmem_shared>>) offsets(%dma_start3A_134 : memref<128xi32, #tpu.memory_space<vmem>>) semaphore(%arg30 : memref<!tpu.dma_semaphore, #tpu.memory_space<semaphore_mem>>) {add = true}
      %dma_wait3A_138 = arith.constant 0 : i32
      %dma_wait3A_139 = arith.constant 0 : i32
      %dma_wait3A_140 = tpu.memref_slice %arg8[%dma_wait3A_138, %dma_wait3A_139] : memref<96x128xi32, #tpu.memory_space<vmem>> -> memref<1x128xi32, #tpu.memory_space<vmem>>
      %dma_wait3A_141 = tpu.memref_squeeze %dma_wait3A_140 : memref<1x128xi32, #tpu.memory_space<vmem>> -> memref<128xi32, #tpu.memory_space<vmem>>
      %dma_wait3A_142 = arith.constant 0 : i32
      %dma_wait3A_143 = arith.constant 0 : i32
      %dma_wait3A_144 = tpu.memref_slice %arg17[%dma_wait3A_142, %dma_wait3A_143] : memref<10240x128xbf16, #tpu.memory_space<vmem_shared>> -> memref<10240x128xbf16, #tpu.memory_space<vmem_shared>>
      tpu.wait_indirect_dma semaphore(%arg26 : memref<!tpu.dma_semaphore, #tpu.memory_space<semaphore_mem>>) src(%arg9 : memref<128x128xbf16, #tpu.memory_space<vmem>>) dst(%dma_wait3A_144 : memref<10240x128xbf16, #tpu.memory_space<vmem_shared>>)
      %dma_start3A_145 = arith.constant 8 : i32
      %dma_start3A_146 = arith.constant 0 : i32
      %dma_start3A_147 = tpu.memref_slice %arg7[%dma_start3A_145, %dma_start3A_146] : memref<96x128xi32, #tpu.memory_space<vmem>> -> memref<1x128xi32, #tpu.memory_space<vmem>>
      %dma_start3A_148 = tpu.memref_squeeze %dma_start3A_147 : memref<1x128xi32, #tpu.memory_space<vmem>> -> memref<128xi32, #tpu.memory_space<vmem>>
      %dma_start3A_149 = arith.constant 0 : i32
      %dma_start3A_150 = arith.constant 0 : i32
      %dma_start3A_151 = tpu.memref_slice %arg2[%dma_start3A_149, %dma_start3A_150] : memref<10240x128xbf16, #tpu.memory_space<hbm>> -> memref<10240x128xbf16, #tpu.memory_space<hbm>>
      tpu.enqueue_indirect_dma source(%dma_start3A_151 : memref<10240x128xbf16, #tpu.memory_space<hbm>>) target(%arg9 : memref<128x128xbf16, #tpu.memory_space<vmem>>) offsets(%dma_start3A_148 : memref<128xi32, #tpu.memory_space<vmem>>) semaphore(%arg18 : memref<!tpu.dma_semaphore, #tpu.memory_space<semaphore_mem>>)
      %dma_wait3A_152 = arith.constant 5 : i32
      %dma_wait3A_153 = arith.constant 0 : i32
      %dma_wait3A_154 = tpu.memref_slice %arg7[%dma_wait3A_152, %dma_wait3A_153] : memref<96x128xi32, #tpu.memory_space<vmem>> -> memref<1x128xi32, #tpu.memory_space<vmem>>
      %dma_wait3A_155 = tpu.memref_squeeze %dma_wait3A_154 : memref<1x128xi32, #tpu.memory_space<vmem>> -> memref<128xi32, #tpu.memory_space<vmem>>
      %dma_wait3A_156 = arith.constant 0 : i32
      %dma_wait3A_157 = arith.constant 0 : i32
      %dma_wait3A_158 = tpu.memref_slice %arg2[%dma_wait3A_156, %dma_wait3A_157] : memref<10240x128xbf16, #tpu.memory_space<hbm>> -> memref<10240x128xbf16, #tpu.memory_space<hbm>>
      tpu.wait_indirect_dma semaphore(%arg23 : memref<!tpu.dma_semaphore, #tpu.memory_space<semaphore_mem>>) src(%dma_wait3A_158 : memref<10240x128xbf16, #tpu.memory_space<hbm>>) dst(%arg14 : memref<128x128xbf16, #tpu.memory_space<vmem>>)
      %dma_start3A_159 = arith.constant 5 : i32
      %dma_start3A_160 = arith.constant 0 : i32
      %dma_start3A_161 = tpu.memref_slice %arg8[%dma_start3A_159, %dma_start3A_160] : memref<96x128xi32, #tpu.memory_space<vmem>> -> memref<1x128xi32, #tpu.memory_space<vmem>>
      %dma_start3A_162 = tpu.memref_squeeze %dma_start3A_161 : memref<1x128xi32, #tpu.memory_space<vmem>> -> memref<128xi32, #tpu.memory_space<vmem>>
      %dma_start3A_163 = arith.constant 0 : i32
      %dma_start3A_164 = arith.constant 0 : i32
      %dma_start3A_165 = tpu.memref_slice %arg17[%dma_start3A_163, %dma_start3A_164] : memref<10240x128xbf16, #tpu.memory_space<vmem_shared>> -> memref<10240x128xbf16, #tpu.memory_space<vmem_shared>>
      tpu.enqueue_indirect_dma source(%arg14 : memref<128x128xbf16, #tpu.memory_space<vmem>>) target(%dma_start3A_165 : memref<10240x128xbf16, #tpu.memory_space<vmem_shared>>) offsets(%dma_start3A_162 : memref<128xi32, #tpu.memory_space<vmem>>) semaphore(%arg31 : memref<!tpu.dma_semaphore, #tpu.memory_space<semaphore_mem>>) {add = true}
      %dma_wait3A_166 = arith.constant 1 : i32
      %dma_wait3A_167 = arith.constant 0 : i32
      %dma_wait3A_168 = tpu.memref_slice %arg8[%dma_wait3A_166, %dma_wait3A_167] : memref<96x128xi32, #tpu.memory_space<vmem>> -> memref<1x128xi32, #tpu.memory_space<vmem>>
      %dma_wait3A_169 = tpu.memref_squeeze %dma_wait3A_168 : memref<1x128xi32, #tpu.memory_space<vmem>> -> memref<128xi32, #tpu.memory_space<vmem>>
      %dma_wait3A_170 = arith.constant 0 : i32
      %dma_wait3A_171 = arith.constant 0 : i32
      %dma_wait3A_172 = tpu.memref_slice %arg17[%dma_wait3A_170, %dma_wait3A_171] : memref<10240x128xbf16, #tpu.memory_space<vmem_shared>> -> memref<10240x128xbf16, #tpu.memory_space<vmem_shared>>
      tpu.wait_indirect_dma semaphore(%arg27 : memref<!tpu.dma_semaphore, #tpu.memory_space<semaphore_mem>>) src(%arg10 : memref<128x128xbf16, #tpu.memory_space<vmem>>) dst(%dma_wait3A_172 : memref<10240x128xbf16, #tpu.memory_space<vmem_shared>>)
      %dma_start3A_173 = arith.constant 9 : i32
      %dma_start3A_174 = arith.constant 0 : i32
      %dma_start3A_175 = tpu.memref_slice %arg7[%dma_start3A_173, %dma_start3A_174] : memref<96x128xi32, #tpu.memory_space<vmem>> -> memref<1x128xi32, #tpu.memory_space<vmem>>
      %dma_start3A_176 = tpu.memref_squeeze %dma_start3A_175 : memref<1x128xi32, #tpu.memory_space<vmem>> -> memref<128xi32, #tpu.memory_space<vmem>>
      %dma_start3A_177 = arith.constant 0 : i32
      %dma_start3A_178 = arith.constant 0 : i32
      %dma_start3A_179 = tpu.memref_slice %arg2[%dma_start3A_177, %dma_start3A_178] : memref<10240x128xbf16, #tpu.memory_space<hbm>> -> memref<10240x128xbf16, #tpu.memory_space<hbm>>
      tpu.enqueue_indirect_dma source(%dma_start3A_179 : memref<10240x128xbf16, #tpu.memory_space<hbm>>) target(%arg10 : memref<128x128xbf16, #tpu.memory_space<vmem>>) offsets(%dma_start3A_176 : memref<128xi32, #tpu.memory_space<vmem>>) semaphore(%arg19 : memref<!tpu.dma_semaphore, #tpu.memory_space<semaphore_mem>>)
      %dma_wait3A_180 = arith.constant 6 : i32
      %dma_wait3A_181 = arith.constant 0 : i32
      %dma_wait3A_182 = tpu.memref_slice %arg7[%dma_wait3A_180, %dma_wait3A_181] : memref<96x128xi32, #tpu.memory_space<vmem>> -> memref<1x128xi32, #tpu.memory_space<vmem>>
      %dma_wait3A_183 = tpu.memref_squeeze %dma_wait3A_182 : memref<1x128xi32, #tpu.memory_space<vmem>> -> memref<128xi32, #tpu.memory_space<vmem>>
      %dma_wait3A_184 = arith.constant 0 : i32
      %dma_wait3A_185 = arith.constant 0 : i32
      %dma_wait3A_186 = tpu.memref_slice %arg2[%dma_wait3A_184, %dma_wait3A_185] : memref<10240x128xbf16, #tpu.memory_space<hbm>> -> memref<10240x128xbf16, #tpu.memory_space<hbm>>
      tpu.wait_indirect_dma semaphore(%arg24 : memref<!tpu.dma_semaphore, #tpu.memory_space<semaphore_mem>>) src(%dma_wait3A_186 : memref<10240x128xbf16, #tpu.memory_space<hbm>>) dst(%arg15 : memref<128x128xbf16, #tpu.memory_space<vmem>>)
      %dma_start3A_187 = arith.constant 6 : i32
      %dma_start3A_188 = arith.constant 0 : i32
      %dma_start3A_189 = tpu.memref_slice %arg8[%dma_start3A_187, %dma_start3A_188] : memref<96x128xi32, #tpu.memory_space<vmem>> -> memref<1x128xi32, #tpu.memory_space<vmem>>
      %dma_start3A_190 = tpu.memref_squeeze %dma_start3A_189 : memref<1x128xi32, #tpu.memory_space<vmem>> -> memref<128xi32, #tpu.memory_space<vmem>>
      %dma_start3A_191 = arith.constant 0 : i32
      %dma_start3A_192 = arith.constant 0 : i32
      %dma_start3A_193 = tpu.memref_slice %arg17[%dma_start3A_191, %dma_start3A_192] : memref<10240x128xbf16, #tpu.memory_space<vmem_shared>> -> memref<10240x128xbf16, #tpu.memory_space<vmem_shared>>
      tpu.enqueue_indirect_dma source(%arg15 : memref<128x128xbf16, #tpu.memory_space<vmem>>) target(%dma_start3A_193 : memref<10240x128xbf16, #tpu.memory_space<vmem_shared>>) offsets(%dma_start3A_190 : memref<128xi32, #tpu.memory_space<vmem>>) semaphore(%arg32 : memref<!tpu.dma_semaphore, #tpu.memory_space<semaphore_mem>>) {add = true}
      %dma_wait3A_194 = arith.constant 2 : i32
      %dma_wait3A_195 = arith.constant 0 : i32
      %dma_wait3A_196 = tpu.memref_slice %arg8[%dma_wait3A_194, %dma_wait3A_195] : memref<96x128xi32, #tpu.memory_space<vmem>> -> memref<1x128xi32, #tpu.memory_space<vmem>>
      %dma_wait3A_197 = tpu.memref_squeeze %dma_wait3A_196 : memref<1x128xi32, #tpu.memory_space<vmem>> -> memref<128xi32, #tpu.memory_space<vmem>>
      %dma_wait3A_198 = arith.constant 0 : i32
      %dma_wait3A_199 = arith.constant 0 : i32
      %dma_wait3A_200 = tpu.memref_slice %arg17[%dma_wait3A_198, %dma_wait3A_199] : memref<10240x128xbf16, #tpu.memory_space<vmem_shared>> -> memref<10240x128xbf16, #tpu.memory_space<vmem_shared>>
      tpu.wait_indirect_dma semaphore(%arg28 : memref<!tpu.dma_semaphore, #tpu.memory_space<semaphore_mem>>) src(%arg11 : memref<128x128xbf16, #tpu.memory_space<vmem>>) dst(%dma_wait3A_200 : memref<10240x128xbf16, #tpu.memory_space<vmem_shared>>)
      %dma_start3A_201 = arith.constant 10 : i32
      %dma_start3A_202 = arith.constant 0 : i32
      %dma_start3A_203 = tpu.memref_slice %arg7[%dma_start3A_201, %dma_start3A_202] : memref<96x128xi32, #tpu.memory_space<vmem>> -> memref<1x128xi32, #tpu.memory_space<vmem>>
      %dma_start3A_204 = tpu.memref_squeeze %dma_start3A_203 : memref<1x128xi32, #tpu.memory_space<vmem>> -> memref<128xi32, #tpu.memory_space<vmem>>
      %dma_start3A_205 = arith.constant 0 : i32
      %dma_start3A_206 = arith.constant 0 : i32
      %dma_start3A_207 = tpu.memref_slice %arg2[%dma_start3A_205, %dma_start3A_206] : memref<10240x128xbf16, #tpu.memory_space<hbm>> -> memref<10240x128xbf16, #tpu.memory_space<hbm>>
      tpu.enqueue_indirect_dma source(%dma_start3A_207 : memref<10240x128xbf16, #tpu.memory_space<hbm>>) target(%arg11 : memref<128x128xbf16, #tpu.memory_space<vmem>>) offsets(%dma_start3A_204 : memref<128xi32, #tpu.memory_space<vmem>>) semaphore(%arg20 : memref<!tpu.dma_semaphore, #tpu.memory_space<semaphore_mem>>)
      %dma_wait3A_208 = arith.constant 7 : i32
      %dma_wait3A_209 = arith.constant 0 : i32
      %dma_wait3A_210 = tpu.memref_slice %arg7[%dma_wait3A_208, %dma_wait3A_209] : memref<96x128xi32, #tpu.memory_space<vmem>> -> memref<1x128xi32, #tpu.memory_space<vmem>>
      %dma_wait3A_211 = tpu.memref_squeeze %dma_wait3A_210 : memref<1x128xi32, #tpu.memory_space<vmem>> -> memref<128xi32, #tpu.memory_space<vmem>>
      %dma_wait3A_212 = arith.constant 0 : i32
      %dma_wait3A_213 = arith.constant 0 : i32
      %dma_wait3A_214 = tpu.memref_slice %arg2[%dma_wait3A_212, %dma_wait3A_213] : memref<10240x128xbf16, #tpu.memory_space<hbm>> -> memref<10240x128xbf16, #tpu.memory_space<hbm>>
      tpu.wait_indirect_dma semaphore(%arg25 : memref<!tpu.dma_semaphore, #tpu.memory_space<semaphore_mem>>) src(%dma_wait3A_214 : memref<10240x128xbf16, #tpu.memory_space<hbm>>) dst(%arg16 : memref<128x128xbf16, #tpu.memory_space<vmem>>)
      %dma_start3A_215 = arith.constant 7 : i32
      %dma_start3A_216 = arith.constant 0 : i32
      %dma_start3A_217 = tpu.memref_slice %arg8[%dma_start3A_215, %dma_start3A_216] : memref<96x128xi32, #tpu.memory_space<vmem>> -> memref<1x128xi32, #tpu.memory_space<vmem>>
      %dma_start3A_218 = tpu.memref_squeeze %dma_start3A_217 : memref<1x128xi32, #tpu.memory_space<vmem>> -> memref<128xi32, #tpu.memory_space<vmem>>
      %dma_start3A_219 = arith.constant 0 : i32
      %dma_start3A_220 = arith.constant 0 : i32
      %dma_start3A_221 = tpu.memref_slice %arg17[%dma_start3A_219, %dma_start3A_220] : memref<10240x128xbf16, #tpu.memory_space<vmem_shared>> -> memref<10240x128xbf16, #tpu.memory_space<vmem_shared>>
      tpu.enqueue_indirect_dma source(%arg16 : memref<128x128xbf16, #tpu.memory_space<vmem>>) target(%dma_start3A_221 : memref<10240x128xbf16, #tpu.memory_space<vmem_shared>>) offsets(%dma_start3A_218 : memref<128xi32, #tpu.memory_space<vmem>>) semaphore(%arg33 : memref<!tpu.dma_semaphore, #tpu.memory_space<semaphore_mem>>) {add = true}
      %dma_wait3A_222 = arith.constant 3 : i32
      %dma_wait3A_223 = arith.constant 0 : i32
      %dma_wait3A_224 = tpu.memref_slice %arg8[%dma_wait3A_222, %dma_wait3A_223] : memref<96x128xi32, #tpu.memory_space<vmem>> -> memref<1x128xi32, #tpu.memory_space<vmem>>
      %dma_wait3A_225 = tpu.memref_squeeze %dma_wait3A_224 : memref<1x128xi32, #tpu.memory_space<vmem>> -> memref<128xi32, #tpu.memory_space<vmem>>
      %dma_wait3A_226 = arith.constant 0 : i32
      %dma_wait3A_227 = arith.constant 0 : i32
      %dma_wait3A_228 = tpu.memref_slice %arg17[%dma_wait3A_226, %dma_wait3A_227] : memref<10240x128xbf16, #tpu.memory_space<vmem_shared>> -> memref<10240x128xbf16, #tpu.memory_space<vmem_shared>>
      tpu.wait_indirect_dma semaphore(%arg29 : memref<!tpu.dma_semaphore, #tpu.memory_space<semaphore_mem>>) src(%arg12 : memref<128x128xbf16, #tpu.memory_space<vmem>>) dst(%dma_wait3A_228 : memref<10240x128xbf16, #tpu.memory_space<vmem_shared>>)
      %dma_start3A_229 = arith.constant 11 : i32
      %dma_start3A_230 = arith.constant 0 : i32
      %dma_start3A_231 = tpu.memref_slice %arg7[%dma_start3A_229, %dma_start3A_230] : memref<96x128xi32, #tpu.memory_space<vmem>> -> memref<1x128xi32, #tpu.memory_space<vmem>>
      %dma_start3A_232 = tpu.memref_squeeze %dma_start3A_231 : memref<1x128xi32, #tpu.memory_space<vmem>> -> memref<128xi32, #tpu.memory_space<vmem>>
      %dma_start3A_233 = arith.constant 0 : i32
      %dma_start3A_234 = arith.constant 0 : i32
      %dma_start3A_235 = tpu.memref_slice %arg2[%dma_start3A_233, %dma_start3A_234] : memref<10240x128xbf16, #tpu.memory_space<hbm>> -> memref<10240x128xbf16, #tpu.memory_space<hbm>>
      tpu.enqueue_indirect_dma source(%dma_start3A_235 : memref<10240x128xbf16, #tpu.memory_space<hbm>>) target(%arg12 : memref<128x128xbf16, #tpu.memory_space<vmem>>) offsets(%dma_start3A_232 : memref<128xi32, #tpu.memory_space<vmem>>) semaphore(%arg21 : memref<!tpu.dma_semaphore, #tpu.memory_space<semaphore_mem>>)
      %scan3A = arith.constant 0 : i32
      %scan3A_236 = arith.constant 1 : i32
      %scan3A_237 = arith.constant 11 : i32
      %scan3A_238 = arith.addi %scan3A_236, %scan3A_237 : i32
      %scan3A_239 = arith.constant 1 : i32
      scf.for %scan3A_297 = %scan3A_236 to %scan3A_238 step %scan3A_239  : i32 {
        %mul3A_298 = arith.constant 8 : i32
        %mul3A_299 = arith.muli %mul3A_298, %scan3A_297 : i32
        %add3A = arith.constant 0 : i32
        %add3A_300 = arith.addi %mul3A_299, %add3A : i32
        %dma_wait3A_301 = arith.constant 0 : i32
        %dma_wait3A_302 = tpu.memref_slice %arg7[%add3A_300, %dma_wait3A_301] : memref<96x128xi32, #tpu.memory_space<vmem>> -> memref<1x128xi32, #tpu.memory_space<vmem>>
        %dma_wait3A_303 = tpu.memref_squeeze %dma_wait3A_302 : memref<1x128xi32, #tpu.memory_space<vmem>> -> memref<128xi32, #tpu.memory_space<vmem>>
        %dma_wait3A_304 = arith.constant 0 : i32
        %dma_wait3A_305 = arith.constant 0 : i32
        %dma_wait3A_306 = tpu.memref_slice %arg2[%dma_wait3A_304, %dma_wait3A_305] : memref<10240x128xbf16, #tpu.memory_space<hbm>> -> memref<10240x128xbf16, #tpu.memory_space<hbm>>
        tpu.wait_indirect_dma semaphore(%arg18 : memref<!tpu.dma_semaphore, #tpu.memory_space<semaphore_mem>>) src(%dma_wait3A_306 : memref<10240x128xbf16, #tpu.memory_space<hbm>>) dst(%arg9 : memref<128x128xbf16, #tpu.memory_space<vmem>>)
        %dma_start3A_307 = arith.constant 0 : i32
        %dma_start3A_308 = tpu.memref_slice %arg8[%add3A_300, %dma_start3A_307] : memref<96x128xi32, #tpu.memory_space<vmem>> -> memref<1x128xi32, #tpu.memory_space<vmem>>
        %dma_start3A_309 = tpu.memref_squeeze %dma_start3A_308 : memref<1x128xi32, #tpu.memory_space<vmem>> -> memref<128xi32, #tpu.memory_space<vmem>>
        %dma_start3A_310 = arith.constant 0 : i32
        %dma_start3A_311 = arith.constant 0 : i32
        %dma_start3A_312 = tpu.memref_slice %arg17[%dma_start3A_310, %dma_start3A_311] : memref<10240x128xbf16, #tpu.memory_space<vmem_shared>> -> memref<10240x128xbf16, #tpu.memory_space<vmem_shared>>
        tpu.enqueue_indirect_dma source(%arg9 : memref<128x128xbf16, #tpu.memory_space<vmem>>) target(%dma_start3A_312 : memref<10240x128xbf16, #tpu.memory_space<vmem_shared>>) offsets(%dma_start3A_309 : memref<128xi32, #tpu.memory_space<vmem>>) semaphore(%arg26 : memref<!tpu.dma_semaphore, #tpu.memory_space<semaphore_mem>>) {add = true}
        %sub3A = arith.constant 4 : i32
        %sub3A_313 = arith.subi %add3A_300, %sub3A : i32
        %dma_wait3A_314 = arith.constant 0 : i32
        %dma_wait3A_315 = tpu.memref_slice %arg8[%sub3A_313, %dma_wait3A_314] : memref<96x128xi32, #tpu.memory_space<vmem>> -> memref<1x128xi32, #tpu.memory_space<vmem>>
        %dma_wait3A_316 = tpu.memref_squeeze %dma_wait3A_315 : memref<1x128xi32, #tpu.memory_space<vmem>> -> memref<128xi32, #tpu.memory_space<vmem>>
        %dma_wait3A_317 = arith.constant 0 : i32
        %dma_wait3A_318 = arith.constant 0 : i32
        %dma_wait3A_319 = tpu.memref_slice %arg17[%dma_wait3A_317, %dma_wait3A_318] : memref<10240x128xbf16, #tpu.memory_space<vmem_shared>> -> memref<10240x128xbf16, #tpu.memory_space<vmem_shared>>
        tpu.wait_indirect_dma semaphore(%arg30 : memref<!tpu.dma_semaphore, #tpu.memory_space<semaphore_mem>>) src(%arg13 : memref<128x128xbf16, #tpu.memory_space<vmem>>) dst(%dma_wait3A_319 : memref<10240x128xbf16, #tpu.memory_space<vmem_shared>>)
        %add3A_320 = arith.constant 4 : i32
        %add3A_321 = arith.addi %add3A_300, %add3A_320 : i32
        %min3A = arith.constant 95 : i32
        %min3A_322 = arith.minsi %add3A_321, %min3A : i32
        %dma_start3A_323 = arith.constant 0 : i32
        %dma_start3A_324 = tpu.memref_slice %arg7[%min3A_322, %dma_start3A_323] : memref<96x128xi32, #tpu.memory_space<vmem>> -> memref<1x128xi32, #tpu.memory_space<vmem>>
        %dma_start3A_325 = tpu.memref_squeeze %dma_start3A_324 : memref<1x128xi32, #tpu.memory_space<vmem>> -> memref<128xi32, #tpu.memory_space<vmem>>
        %dma_start3A_326 = arith.constant 0 : i32
        %dma_start3A_327 = arith.constant 0 : i32
        %dma_start3A_328 = tpu.memref_slice %arg2[%dma_start3A_326, %dma_start3A_327] : memref<10240x128xbf16, #tpu.memory_space<hbm>> -> memref<10240x128xbf16, #tpu.memory_space<hbm>>
        tpu.enqueue_indirect_dma source(%dma_start3A_328 : memref<10240x128xbf16, #tpu.memory_space<hbm>>) target(%arg13 : memref<128x128xbf16, #tpu.memory_space<vmem>>) offsets(%dma_start3A_325 : memref<128xi32, #tpu.memory_space<vmem>>) semaphore(%arg22 : memref<!tpu.dma_semaphore, #tpu.memory_space<semaphore_mem>>)
        %add3A_329 = arith.constant 1 : i32
        %add3A_330 = arith.addi %mul3A_299, %add3A_329 : i32
        %dma_wait3A_331 = arith.constant 0 : i32
        %dma_wait3A_332 = tpu.memref_slice %arg7[%add3A_330, %dma_wait3A_331] : memref<96x128xi32, #tpu.memory_space<vmem>> -> memref<1x128xi32, #tpu.memory_space<vmem>>
        %dma_wait3A_333 = tpu.memref_squeeze %dma_wait3A_332 : memref<1x128xi32, #tpu.memory_space<vmem>> -> memref<128xi32, #tpu.memory_space<vmem>>
        %dma_wait3A_334 = arith.constant 0 : i32
        %dma_wait3A_335 = arith.constant 0 : i32
        %dma_wait3A_336 = tpu.memref_slice %arg2[%dma_wait3A_334, %dma_wait3A_335] : memref<10240x128xbf16, #tpu.memory_space<hbm>> -> memref<10240x128xbf16, #tpu.memory_space<hbm>>
        tpu.wait_indirect_dma semaphore(%arg19 : memref<!tpu.dma_semaphore, #tpu.memory_space<semaphore_mem>>) src(%dma_wait3A_336 : memref<10240x128xbf16, #tpu.memory_space<hbm>>) dst(%arg10 : memref<128x128xbf16, #tpu.memory_space<vmem>>)
        %dma_start3A_337 = arith.constant 0 : i32
        %dma_start3A_338 = tpu.memref_slice %arg8[%add3A_330, %dma_start3A_337] : memref<96x128xi32, #tpu.memory_space<vmem>> -> memref<1x128xi32, #tpu.memory_space<vmem>>
        %dma_start3A_339 = tpu.memref_squeeze %dma_start3A_338 : memref<1x128xi32, #tpu.memory_space<vmem>> -> memref<128xi32, #tpu.memory_space<vmem>>
        %dma_start3A_340 = arith.constant 0 : i32
        %dma_start3A_341 = arith.constant 0 : i32
        %dma_start3A_342 = tpu.memref_slice %arg17[%dma_start3A_340, %dma_start3A_341] : memref<10240x128xbf16, #tpu.memory_space<vmem_shared>> -> memref<10240x128xbf16, #tpu.memory_space<vmem_shared>>
        tpu.enqueue_indirect_dma source(%arg10 : memref<128x128xbf16, #tpu.memory_space<vmem>>) target(%dma_start3A_342 : memref<10240x128xbf16, #tpu.memory_space<vmem_shared>>) offsets(%dma_start3A_339 : memref<128xi32, #tpu.memory_space<vmem>>) semaphore(%arg27 : memref<!tpu.dma_semaphore, #tpu.memory_space<semaphore_mem>>) {add = true}
        %sub3A_343 = arith.constant 4 : i32
        %sub3A_344 = arith.subi %add3A_330, %sub3A_343 : i32
        %dma_wait3A_345 = arith.constant 0 : i32
        %dma_wait3A_346 = tpu.memref_slice %arg8[%sub3A_344, %dma_wait3A_345] : memref<96x128xi32, #tpu.memory_space<vmem>> -> memref<1x128xi32, #tpu.memory_space<vmem>>
        %dma_wait3A_347 = tpu.memref_squeeze %dma_wait3A_346 : memref<1x128xi32, #tpu.memory_space<vmem>> -> memref<128xi32, #tpu.memory_space<vmem>>
        %dma_wait3A_348 = arith.constant 0 : i32
        %dma_wait3A_349 = arith.constant 0 : i32
        %dma_wait3A_350 = tpu.memref_slice %arg17[%dma_wait3A_348, %dma_wait3A_349] : memref<10240x128xbf16, #tpu.memory_space<vmem_shared>> -> memref<10240x128xbf16, #tpu.memory_space<vmem_shared>>
        tpu.wait_indirect_dma semaphore(%arg31 : memref<!tpu.dma_semaphore, #tpu.memory_space<semaphore_mem>>) src(%arg14 : memref<128x128xbf16, #tpu.memory_space<vmem>>) dst(%dma_wait3A_350 : memref<10240x128xbf16, #tpu.memory_space<vmem_shared>>)
        %add3A_351 = arith.constant 4 : i32
        %add3A_352 = arith.addi %add3A_330, %add3A_351 : i32
        %min3A_353 = arith.constant 95 : i32
        %min3A_354 = arith.minsi %add3A_352, %min3A_353 : i32
        %dma_start3A_355 = arith.constant 0 : i32
        %dma_start3A_356 = tpu.memref_slice %arg7[%min3A_354, %dma_start3A_355] : memref<96x128xi32, #tpu.memory_space<vmem>> -> memref<1x128xi32, #tpu.memory_space<vmem>>
        %dma_start3A_357 = tpu.memref_squeeze %dma_start3A_356 : memref<1x128xi32, #tpu.memory_space<vmem>> -> memref<128xi32, #tpu.memory_space<vmem>>
        %dma_start3A_358 = arith.constant 0 : i32
        %dma_start3A_359 = arith.constant 0 : i32
        %dma_start3A_360 = tpu.memref_slice %arg2[%dma_start3A_358, %dma_start3A_359] : memref<10240x128xbf16, #tpu.memory_space<hbm>> -> memref<10240x128xbf16, #tpu.memory_space<hbm>>
        tpu.enqueue_indirect_dma source(%dma_start3A_360 : memref<10240x128xbf16, #tpu.memory_space<hbm>>) target(%arg14 : memref<128x128xbf16, #tpu.memory_space<vmem>>) offsets(%dma_start3A_357 : memref<128xi32, #tpu.memory_space<vmem>>) semaphore(%arg23 : memref<!tpu.dma_semaphore, #tpu.memory_space<semaphore_mem>>)
        %add3A_361 = arith.constant 2 : i32
        %add3A_362 = arith.addi %mul3A_299, %add3A_361 : i32
        %dma_wait3A_363 = arith.constant 0 : i32
        %dma_wait3A_364 = tpu.memref_slice %arg7[%add3A_362, %dma_wait3A_363] : memref<96x128xi32, #tpu.memory_space<vmem>> -> memref<1x128xi32, #tpu.memory_space<vmem>>
        %dma_wait3A_365 = tpu.memref_squeeze %dma_wait3A_364 : memref<1x128xi32, #tpu.memory_space<vmem>> -> memref<128xi32, #tpu.memory_space<vmem>>
        %dma_wait3A_366 = arith.constant 0 : i32
        %dma_wait3A_367 = arith.constant 0 : i32
        %dma_wait3A_368 = tpu.memref_slice %arg2[%dma_wait3A_366, %dma_wait3A_367] : memref<10240x128xbf16, #tpu.memory_space<hbm>> -> memref<10240x128xbf16, #tpu.memory_space<hbm>>
        tpu.wait_indirect_dma semaphore(%arg20 : memref<!tpu.dma_semaphore, #tpu.memory_space<semaphore_mem>>) src(%dma_wait3A_368 : memref<10240x128xbf16, #tpu.memory_space<hbm>>) dst(%arg11 : memref<128x128xbf16, #tpu.memory_space<vmem>>)
        %dma_start3A_369 = arith.constant 0 : i32
        %dma_start3A_370 = tpu.memref_slice %arg8[%add3A_362, %dma_start3A_369] : memref<96x128xi32, #tpu.memory_space<vmem>> -> memref<1x128xi32, #tpu.memory_space<vmem>>
        %dma_start3A_371 = tpu.memref_squeeze %dma_start3A_370 : memref<1x128xi32, #tpu.memory_space<vmem>> -> memref<128xi32, #tpu.memory_space<vmem>>
        %dma_start3A_372 = arith.constant 0 : i32
        %dma_start3A_373 = arith.constant 0 : i32
        %dma_start3A_374 = tpu.memref_slice %arg17[%dma_start3A_372, %dma_start3A_373] : memref<10240x128xbf16, #tpu.memory_space<vmem_shared>> -> memref<10240x128xbf16, #tpu.memory_space<vmem_shared>>
        tpu.enqueue_indirect_dma source(%arg11 : memref<128x128xbf16, #tpu.memory_space<vmem>>) target(%dma_start3A_374 : memref<10240x128xbf16, #tpu.memory_space<vmem_shared>>) offsets(%dma_start3A_371 : memref<128xi32, #tpu.memory_space<vmem>>) semaphore(%arg28 : memref<!tpu.dma_semaphore, #tpu.memory_space<semaphore_mem>>) {add = true}
        %sub3A_375 = arith.constant 4 : i32
        %sub3A_376 = arith.subi %add3A_362, %sub3A_375 : i32
        %dma_wait3A_377 = arith.constant 0 : i32
        %dma_wait3A_378 = tpu.memref_slice %arg8[%sub3A_376, %dma_wait3A_377] : memref<96x128xi32, #tpu.memory_space<vmem>> -> memref<1x128xi32, #tpu.memory_space<vmem>>
        %dma_wait3A_379 = tpu.memref_squeeze %dma_wait3A_378 : memref<1x128xi32, #tpu.memory_space<vmem>> -> memref<128xi32, #tpu.memory_space<vmem>>
        %dma_wait3A_380 = arith.constant 0 : i32
        %dma_wait3A_381 = arith.constant 0 : i32
        %dma_wait3A_382 = tpu.memref_slice %arg17[%dma_wait3A_380, %dma_wait3A_381] : memref<10240x128xbf16, #tpu.memory_space<vmem_shared>> -> memref<10240x128xbf16, #tpu.memory_space<vmem_shared>>
        tpu.wait_indirect_dma semaphore(%arg32 : memref<!tpu.dma_semaphore, #tpu.memory_space<semaphore_mem>>) src(%arg15 : memref<128x128xbf16, #tpu.memory_space<vmem>>) dst(%dma_wait3A_382 : memref<10240x128xbf16, #tpu.memory_space<vmem_shared>>)
        %add3A_383 = arith.constant 4 : i32
        %add3A_384 = arith.addi %add3A_362, %add3A_383 : i32
        %min3A_385 = arith.constant 95 : i32
        %min3A_386 = arith.minsi %add3A_384, %min3A_385 : i32
        %dma_start3A_387 = arith.constant 0 : i32
        %dma_start3A_388 = tpu.memref_slice %arg7[%min3A_386, %dma_start3A_387] : memref<96x128xi32, #tpu.memory_space<vmem>> -> memref<1x128xi32, #tpu.memory_space<vmem>>
        %dma_start3A_389 = tpu.memref_squeeze %dma_start3A_388 : memref<1x128xi32, #tpu.memory_space<vmem>> -> memref<128xi32, #tpu.memory_space<vmem>>
        %dma_start3A_390 = arith.constant 0 : i32
        %dma_start3A_391 = arith.constant 0 : i32
        %dma_start3A_392 = tpu.memref_slice %arg2[%dma_start3A_390, %dma_start3A_391] : memref<10240x128xbf16, #tpu.memory_space<hbm>> -> memref<10240x128xbf16, #tpu.memory_space<hbm>>
        tpu.enqueue_indirect_dma source(%dma_start3A_392 : memref<10240x128xbf16, #tpu.memory_space<hbm>>) target(%arg15 : memref<128x128xbf16, #tpu.memory_space<vmem>>) offsets(%dma_start3A_389 : memref<128xi32, #tpu.memory_space<vmem>>) semaphore(%arg24 : memref<!tpu.dma_semaphore, #tpu.memory_space<semaphore_mem>>)
        %add3A_393 = arith.constant 3 : i32
        %add3A_394 = arith.addi %mul3A_299, %add3A_393 : i32
        %dma_wait3A_395 = arith.constant 0 : i32
        %dma_wait3A_396 = tpu.memref_slice %arg7[%add3A_394, %dma_wait3A_395] : memref<96x128xi32, #tpu.memory_space<vmem>> -> memref<1x128xi32, #tpu.memory_space<vmem>>
        %dma_wait3A_397 = tpu.memref_squeeze %dma_wait3A_396 : memref<1x128xi32, #tpu.memory_space<vmem>> -> memref<128xi32, #tpu.memory_space<vmem>>
        %dma_wait3A_398 = arith.constant 0 : i32
        %dma_wait3A_399 = arith.constant 0 : i32
        %dma_wait3A_400 = tpu.memref_slice %arg2[%dma_wait3A_398, %dma_wait3A_399] : memref<10240x128xbf16, #tpu.memory_space<hbm>> -> memref<10240x128xbf16, #tpu.memory_space<hbm>>
        tpu.wait_indirect_dma semaphore(%arg21 : memref<!tpu.dma_semaphore, #tpu.memory_space<semaphore_mem>>) src(%dma_wait3A_400 : memref<10240x128xbf16, #tpu.memory_space<hbm>>) dst(%arg12 : memref<128x128xbf16, #tpu.memory_space<vmem>>)
        %dma_start3A_401 = arith.constant 0 : i32
        %dma_start3A_402 = tpu.memref_slice %arg8[%add3A_394, %dma_start3A_401] : memref<96x128xi32, #tpu.memory_space<vmem>> -> memref<1x128xi32, #tpu.memory_space<vmem>>
        %dma_start3A_403 = tpu.memref_squeeze %dma_start3A_402 : memref<1x128xi32, #tpu.memory_space<vmem>> -> memref<128xi32, #tpu.memory_space<vmem>>
        %dma_start3A_404 = arith.constant 0 : i32
        %dma_start3A_405 = arith.constant 0 : i32
        %dma_start3A_406 = tpu.memref_slice %arg17[%dma_start3A_404, %dma_start3A_405] : memref<10240x128xbf16, #tpu.memory_space<vmem_shared>> -> memref<10240x128xbf16, #tpu.memory_space<vmem_shared>>
        tpu.enqueue_indirect_dma source(%arg12 : memref<128x128xbf16, #tpu.memory_space<vmem>>) target(%dma_start3A_406 : memref<10240x128xbf16, #tpu.memory_space<vmem_shared>>) offsets(%dma_start3A_403 : memref<128xi32, #tpu.memory_space<vmem>>) semaphore(%arg29 : memref<!tpu.dma_semaphore, #tpu.memory_space<semaphore_mem>>) {add = true}
        %sub3A_407 = arith.constant 4 : i32
        %sub3A_408 = arith.subi %add3A_394, %sub3A_407 : i32
        %dma_wait3A_409 = arith.constant 0 : i32
        %dma_wait3A_410 = tpu.memref_slice %arg8[%sub3A_408, %dma_wait3A_409] : memref<96x128xi32, #tpu.memory_space<vmem>> -> memref<1x128xi32, #tpu.memory_space<vmem>>
        %dma_wait3A_411 = tpu.memref_squeeze %dma_wait3A_410 : memref<1x128xi32, #tpu.memory_space<vmem>> -> memref<128xi32, #tpu.memory_space<vmem>>
        %dma_wait3A_412 = arith.constant 0 : i32
        %dma_wait3A_413 = arith.constant 0 : i32
        %dma_wait3A_414 = tpu.memref_slice %arg17[%dma_wait3A_412, %dma_wait3A_413] : memref<10240x128xbf16, #tpu.memory_space<vmem_shared>> -> memref<10240x128xbf16, #tpu.memory_space<vmem_shared>>
        tpu.wait_indirect_dma semaphore(%arg33 : memref<!tpu.dma_semaphore, #tpu.memory_space<semaphore_mem>>) src(%arg16 : memref<128x128xbf16, #tpu.memory_space<vmem>>) dst(%dma_wait3A_414 : memref<10240x128xbf16, #tpu.memory_space<vmem_shared>>)
        %add3A_415 = arith.constant 4 : i32
        %add3A_416 = arith.addi %add3A_394, %add3A_415 : i32
        %min3A_417 = arith.constant 95 : i32
        %min3A_418 = arith.minsi %add3A_416, %min3A_417 : i32
        %dma_start3A_419 = arith.constant 0 : i32
        %dma_start3A_420 = tpu.memref_slice %arg7[%min3A_418, %dma_start3A_419] : memref<96x128xi32, #tpu.memory_space<vmem>> -> memref<1x128xi32, #tpu.memory_space<vmem>>
        %dma_start3A_421 = tpu.memref_squeeze %dma_start3A_420 : memref<1x128xi32, #tpu.memory_space<vmem>> -> memref<128xi32, #tpu.memory_space<vmem>>
        %dma_start3A_422 = arith.constant 0 : i32
        %dma_start3A_423 = arith.constant 0 : i32
        %dma_start3A_424 = tpu.memref_slice %arg2[%dma_start3A_422, %dma_start3A_423] : memref<10240x128xbf16, #tpu.memory_space<hbm>> -> memref<10240x128xbf16, #tpu.memory_space<hbm>>
        tpu.enqueue_indirect_dma source(%dma_start3A_424 : memref<10240x128xbf16, #tpu.memory_space<hbm>>) target(%arg16 : memref<128x128xbf16, #tpu.memory_space<vmem>>) offsets(%dma_start3A_421 : memref<128xi32, #tpu.memory_space<vmem>>) semaphore(%arg25 : memref<!tpu.dma_semaphore, #tpu.memory_space<semaphore_mem>>)
        %add3A_425 = arith.constant 4 : i32
        %add3A_426 = arith.addi %mul3A_299, %add3A_425 : i32
        %dma_wait3A_427 = arith.constant 0 : i32
        %dma_wait3A_428 = tpu.memref_slice %arg7[%add3A_426, %dma_wait3A_427] : memref<96x128xi32, #tpu.memory_space<vmem>> -> memref<1x128xi32, #tpu.memory_space<vmem>>
        %dma_wait3A_429 = tpu.memref_squeeze %dma_wait3A_428 : memref<1x128xi32, #tpu.memory_space<vmem>> -> memref<128xi32, #tpu.memory_space<vmem>>
        %dma_wait3A_430 = arith.constant 0 : i32
        %dma_wait3A_431 = arith.constant 0 : i32
        %dma_wait3A_432 = tpu.memref_slice %arg2[%dma_wait3A_430, %dma_wait3A_431] : memref<10240x128xbf16, #tpu.memory_space<hbm>> -> memref<10240x128xbf16, #tpu.memory_space<hbm>>
        tpu.wait_indirect_dma semaphore(%arg22 : memref<!tpu.dma_semaphore, #tpu.memory_space<semaphore_mem>>) src(%dma_wait3A_432 : memref<10240x128xbf16, #tpu.memory_space<hbm>>) dst(%arg13 : memref<128x128xbf16, #tpu.memory_space<vmem>>)
        %dma_start3A_433 = arith.constant 0 : i32
        %dma_start3A_434 = tpu.memref_slice %arg8[%add3A_426, %dma_start3A_433] : memref<96x128xi32, #tpu.memory_space<vmem>> -> memref<1x128xi32, #tpu.memory_space<vmem>>
        %dma_start3A_435 = tpu.memref_squeeze %dma_start3A_434 : memref<1x128xi32, #tpu.memory_space<vmem>> -> memref<128xi32, #tpu.memory_space<vmem>>
        %dma_start3A_436 = arith.constant 0 : i32
        %dma_start3A_437 = arith.constant 0 : i32
        %dma_start3A_438 = tpu.memref_slice %arg17[%dma_start3A_436, %dma_start3A_437] : memref<10240x128xbf16, #tpu.memory_space<vmem_shared>> -> memref<10240x128xbf16, #tpu.memory_space<vmem_shared>>
        tpu.enqueue_indirect_dma source(%arg13 : memref<128x128xbf16, #tpu.memory_space<vmem>>) target(%dma_start3A_438 : memref<10240x128xbf16, #tpu.memory_space<vmem_shared>>) offsets(%dma_start3A_435 : memref<128xi32, #tpu.memory_space<vmem>>) semaphore(%arg30 : memref<!tpu.dma_semaphore, #tpu.memory_space<semaphore_mem>>) {add = true}
        %sub3A_439 = arith.constant 4 : i32
        %sub3A_440 = arith.subi %add3A_426, %sub3A_439 : i32
        %dma_wait3A_441 = arith.constant 0 : i32
        %dma_wait3A_442 = tpu.memref_slice %arg8[%sub3A_440, %dma_wait3A_441] : memref<96x128xi32, #tpu.memory_space<vmem>> -> memref<1x128xi32, #tpu.memory_space<vmem>>
        %dma_wait3A_443 = tpu.memref_squeeze %dma_wait3A_442 : memref<1x128xi32, #tpu.memory_space<vmem>> -> memref<128xi32, #tpu.memory_space<vmem>>
        %dma_wait3A_444 = arith.constant 0 : i32
        %dma_wait3A_445 = arith.constant 0 : i32
        %dma_wait3A_446 = tpu.memref_slice %arg17[%dma_wait3A_444, %dma_wait3A_445] : memref<10240x128xbf16, #tpu.memory_space<vmem_shared>> -> memref<10240x128xbf16, #tpu.memory_space<vmem_shared>>
        tpu.wait_indirect_dma semaphore(%arg26 : memref<!tpu.dma_semaphore, #tpu.memory_space<semaphore_mem>>) src(%arg9 : memref<128x128xbf16, #tpu.memory_space<vmem>>) dst(%dma_wait3A_446 : memref<10240x128xbf16, #tpu.memory_space<vmem_shared>>)
        %add3A_447 = arith.constant 4 : i32
        %add3A_448 = arith.addi %add3A_426, %add3A_447 : i32
        %min3A_449 = arith.constant 95 : i32
        %min3A_450 = arith.minsi %add3A_448, %min3A_449 : i32
        %dma_start3A_451 = arith.constant 0 : i32
        %dma_start3A_452 = tpu.memref_slice %arg7[%min3A_450, %dma_start3A_451] : memref<96x128xi32, #tpu.memory_space<vmem>> -> memref<1x128xi32, #tpu.memory_space<vmem>>
        %dma_start3A_453 = tpu.memref_squeeze %dma_start3A_452 : memref<1x128xi32, #tpu.memory_space<vmem>> -> memref<128xi32, #tpu.memory_space<vmem>>
        %dma_start3A_454 = arith.constant 0 : i32
        %dma_start3A_455 = arith.constant 0 : i32
        %dma_start3A_456 = tpu.memref_slice %arg2[%dma_start3A_454, %dma_start3A_455] : memref<10240x128xbf16, #tpu.memory_space<hbm>> -> memref<10240x128xbf16, #tpu.memory_space<hbm>>
        tpu.enqueue_indirect_dma source(%dma_start3A_456 : memref<10240x128xbf16, #tpu.memory_space<hbm>>) target(%arg9 : memref<128x128xbf16, #tpu.memory_space<vmem>>) offsets(%dma_start3A_453 : memref<128xi32, #tpu.memory_space<vmem>>) semaphore(%arg18 : memref<!tpu.dma_semaphore, #tpu.memory_space<semaphore_mem>>)
        %add3A_457 = arith.constant 5 : i32
        %add3A_458 = arith.addi %mul3A_299, %add3A_457 : i32
        %dma_wait3A_459 = arith.constant 0 : i32
        %dma_wait3A_460 = tpu.memref_slice %arg7[%add3A_458, %dma_wait3A_459] : memref<96x128xi32, #tpu.memory_space<vmem>> -> memref<1x128xi32, #tpu.memory_space<vmem>>
        %dma_wait3A_461 = tpu.memref_squeeze %dma_wait3A_460 : memref<1x128xi32, #tpu.memory_space<vmem>> -> memref<128xi32, #tpu.memory_space<vmem>>
        %dma_wait3A_462 = arith.constant 0 : i32
        %dma_wait3A_463 = arith.constant 0 : i32
        %dma_wait3A_464 = tpu.memref_slice %arg2[%dma_wait3A_462, %dma_wait3A_463] : memref<10240x128xbf16, #tpu.memory_space<hbm>> -> memref<10240x128xbf16, #tpu.memory_space<hbm>>
        tpu.wait_indirect_dma semaphore(%arg23 : memref<!tpu.dma_semaphore, #tpu.memory_space<semaphore_mem>>) src(%dma_wait3A_464 : memref<10240x128xbf16, #tpu.memory_space<hbm>>) dst(%arg14 : memref<128x128xbf16, #tpu.memory_space<vmem>>)
        %dma_start3A_465 = arith.constant 0 : i32
        %dma_start3A_466 = tpu.memref_slice %arg8[%add3A_458, %dma_start3A_465] : memref<96x128xi32, #tpu.memory_space<vmem>> -> memref<1x128xi32, #tpu.memory_space<vmem>>
        %dma_start3A_467 = tpu.memref_squeeze %dma_start3A_466 : memref<1x128xi32, #tpu.memory_space<vmem>> -> memref<128xi32, #tpu.memory_space<vmem>>
        %dma_start3A_468 = arith.constant 0 : i32
        %dma_start3A_469 = arith.constant 0 : i32
        %dma_start3A_470 = tpu.memref_slice %arg17[%dma_start3A_468, %dma_start3A_469] : memref<10240x128xbf16, #tpu.memory_space<vmem_shared>> -> memref<10240x128xbf16, #tpu.memory_space<vmem_shared>>
        tpu.enqueue_indirect_dma source(%arg14 : memref<128x128xbf16, #tpu.memory_space<vmem>>) target(%dma_start3A_470 : memref<10240x128xbf16, #tpu.memory_space<vmem_shared>>) offsets(%dma_start3A_467 : memref<128xi32, #tpu.memory_space<vmem>>) semaphore(%arg31 : memref<!tpu.dma_semaphore, #tpu.memory_space<semaphore_mem>>) {add = true}
        %sub3A_471 = arith.constant 4 : i32
        %sub3A_472 = arith.subi %add3A_458, %sub3A_471 : i32
        %dma_wait3A_473 = arith.constant 0 : i32
        %dma_wait3A_474 = tpu.memref_slice %arg8[%sub3A_472, %dma_wait3A_473] : memref<96x128xi32, #tpu.memory_space<vmem>> -> memref<1x128xi32, #tpu.memory_space<vmem>>
        %dma_wait3A_475 = tpu.memref_squeeze %dma_wait3A_474 : memref<1x128xi32, #tpu.memory_space<vmem>> -> memref<128xi32, #tpu.memory_space<vmem>>
        %dma_wait3A_476 = arith.constant 0 : i32
        %dma_wait3A_477 = arith.constant 0 : i32
        %dma_wait3A_478 = tpu.memref_slice %arg17[%dma_wait3A_476, %dma_wait3A_477] : memref<10240x128xbf16, #tpu.memory_space<vmem_shared>> -> memref<10240x128xbf16, #tpu.memory_space<vmem_shared>>
        tpu.wait_indirect_dma semaphore(%arg27 : memref<!tpu.dma_semaphore, #tpu.memory_space<semaphore_mem>>) src(%arg10 : memref<128x128xbf16, #tpu.memory_space<vmem>>) dst(%dma_wait3A_478 : memref<10240x128xbf16, #tpu.memory_space<vmem_shared>>)
        %add3A_479 = arith.constant 4 : i32
        %add3A_480 = arith.addi %add3A_458, %add3A_479 : i32
        %min3A_481 = arith.constant 95 : i32
        %min3A_482 = arith.minsi %add3A_480, %min3A_481 : i32
        %dma_start3A_483 = arith.constant 0 : i32
        %dma_start3A_484 = tpu.memref_slice %arg7[%min3A_482, %dma_start3A_483] : memref<96x128xi32, #tpu.memory_space<vmem>> -> memref<1x128xi32, #tpu.memory_space<vmem>>
        %dma_start3A_485 = tpu.memref_squeeze %dma_start3A_484 : memref<1x128xi32, #tpu.memory_space<vmem>> -> memref<128xi32, #tpu.memory_space<vmem>>
        %dma_start3A_486 = arith.constant 0 : i32
        %dma_start3A_487 = arith.constant 0 : i32
        %dma_start3A_488 = tpu.memref_slice %arg2[%dma_start3A_486, %dma_start3A_487] : memref<10240x128xbf16, #tpu.memory_space<hbm>> -> memref<10240x128xbf16, #tpu.memory_space<hbm>>
        tpu.enqueue_indirect_dma source(%dma_start3A_488 : memref<10240x128xbf16, #tpu.memory_space<hbm>>) target(%arg10 : memref<128x128xbf16, #tpu.memory_space<vmem>>) offsets(%dma_start3A_485 : memref<128xi32, #tpu.memory_space<vmem>>) semaphore(%arg19 : memref<!tpu.dma_semaphore, #tpu.memory_space<semaphore_mem>>)
        %add3A_489 = arith.constant 6 : i32
        %add3A_490 = arith.addi %mul3A_299, %add3A_489 : i32
        %dma_wait3A_491 = arith.constant 0 : i32
        %dma_wait3A_492 = tpu.memref_slice %arg7[%add3A_490, %dma_wait3A_491] : memref<96x128xi32, #tpu.memory_space<vmem>> -> memref<1x128xi32, #tpu.memory_space<vmem>>
        %dma_wait3A_493 = tpu.memref_squeeze %dma_wait3A_492 : memref<1x128xi32, #tpu.memory_space<vmem>> -> memref<128xi32, #tpu.memory_space<vmem>>
        %dma_wait3A_494 = arith.constant 0 : i32
        %dma_wait3A_495 = arith.constant 0 : i32
        %dma_wait3A_496 = tpu.memref_slice %arg2[%dma_wait3A_494, %dma_wait3A_495] : memref<10240x128xbf16, #tpu.memory_space<hbm>> -> memref<10240x128xbf16, #tpu.memory_space<hbm>>
        tpu.wait_indirect_dma semaphore(%arg24 : memref<!tpu.dma_semaphore, #tpu.memory_space<semaphore_mem>>) src(%dma_wait3A_496 : memref<10240x128xbf16, #tpu.memory_space<hbm>>) dst(%arg15 : memref<128x128xbf16, #tpu.memory_space<vmem>>)
        %dma_start3A_497 = arith.constant 0 : i32
        %dma_start3A_498 = tpu.memref_slice %arg8[%add3A_490, %dma_start3A_497] : memref<96x128xi32, #tpu.memory_space<vmem>> -> memref<1x128xi32, #tpu.memory_space<vmem>>
        %dma_start3A_499 = tpu.memref_squeeze %dma_start3A_498 : memref<1x128xi32, #tpu.memory_space<vmem>> -> memref<128xi32, #tpu.memory_space<vmem>>
        %dma_start3A_500 = arith.constant 0 : i32
        %dma_start3A_501 = arith.constant 0 : i32
        %dma_start3A_502 = tpu.memref_slice %arg17[%dma_start3A_500, %dma_start3A_501] : memref<10240x128xbf16, #tpu.memory_space<vmem_shared>> -> memref<10240x128xbf16, #tpu.memory_space<vmem_shared>>
        tpu.enqueue_indirect_dma source(%arg15 : memref<128x128xbf16, #tpu.memory_space<vmem>>) target(%dma_start3A_502 : memref<10240x128xbf16, #tpu.memory_space<vmem_shared>>) offsets(%dma_start3A_499 : memref<128xi32, #tpu.memory_space<vmem>>) semaphore(%arg32 : memref<!tpu.dma_semaphore, #tpu.memory_space<semaphore_mem>>) {add = true}
        %sub3A_503 = arith.constant 4 : i32
        %sub3A_504 = arith.subi %add3A_490, %sub3A_503 : i32
        %dma_wait3A_505 = arith.constant 0 : i32
        %dma_wait3A_506 = tpu.memref_slice %arg8[%sub3A_504, %dma_wait3A_505] : memref<96x128xi32, #tpu.memory_space<vmem>> -> memref<1x128xi32, #tpu.memory_space<vmem>>
        %dma_wait3A_507 = tpu.memref_squeeze %dma_wait3A_506 : memref<1x128xi32, #tpu.memory_space<vmem>> -> memref<128xi32, #tpu.memory_space<vmem>>
        %dma_wait3A_508 = arith.constant 0 : i32
        %dma_wait3A_509 = arith.constant 0 : i32
        %dma_wait3A_510 = tpu.memref_slice %arg17[%dma_wait3A_508, %dma_wait3A_509] : memref<10240x128xbf16, #tpu.memory_space<vmem_shared>> -> memref<10240x128xbf16, #tpu.memory_space<vmem_shared>>
        tpu.wait_indirect_dma semaphore(%arg28 : memref<!tpu.dma_semaphore, #tpu.memory_space<semaphore_mem>>) src(%arg11 : memref<128x128xbf16, #tpu.memory_space<vmem>>) dst(%dma_wait3A_510 : memref<10240x128xbf16, #tpu.memory_space<vmem_shared>>)
        %add3A_511 = arith.constant 4 : i32
        %add3A_512 = arith.addi %add3A_490, %add3A_511 : i32
        %min3A_513 = arith.constant 95 : i32
        %min3A_514 = arith.minsi %add3A_512, %min3A_513 : i32
        %dma_start3A_515 = arith.constant 0 : i32
        %dma_start3A_516 = tpu.memref_slice %arg7[%min3A_514, %dma_start3A_515] : memref<96x128xi32, #tpu.memory_space<vmem>> -> memref<1x128xi32, #tpu.memory_space<vmem>>
        %dma_start3A_517 = tpu.memref_squeeze %dma_start3A_516 : memref<1x128xi32, #tpu.memory_space<vmem>> -> memref<128xi32, #tpu.memory_space<vmem>>
        %dma_start3A_518 = arith.constant 0 : i32
        %dma_start3A_519 = arith.constant 0 : i32
        %dma_start3A_520 = tpu.memref_slice %arg2[%dma_start3A_518, %dma_start3A_519] : memref<10240x128xbf16, #tpu.memory_space<hbm>> -> memref<10240x128xbf16, #tpu.memory_space<hbm>>
        tpu.enqueue_indirect_dma source(%dma_start3A_520 : memref<10240x128xbf16, #tpu.memory_space<hbm>>) target(%arg11 : memref<128x128xbf16, #tpu.memory_space<vmem>>) offsets(%dma_start3A_517 : memref<128xi32, #tpu.memory_space<vmem>>) semaphore(%arg20 : memref<!tpu.dma_semaphore, #tpu.memory_space<semaphore_mem>>)
        %add3A_521 = arith.constant 7 : i32
        %add3A_522 = arith.addi %mul3A_299, %add3A_521 : i32
        %dma_wait3A_523 = arith.constant 0 : i32
        %dma_wait3A_524 = tpu.memref_slice %arg7[%add3A_522, %dma_wait3A_523] : memref<96x128xi32, #tpu.memory_space<vmem>> -> memref<1x128xi32, #tpu.memory_space<vmem>>
        %dma_wait3A_525 = tpu.memref_squeeze %dma_wait3A_524 : memref<1x128xi32, #tpu.memory_space<vmem>> -> memref<128xi32, #tpu.memory_space<vmem>>
        %dma_wait3A_526 = arith.constant 0 : i32
        %dma_wait3A_527 = arith.constant 0 : i32
        %dma_wait3A_528 = tpu.memref_slice %arg2[%dma_wait3A_526, %dma_wait3A_527] : memref<10240x128xbf16, #tpu.memory_space<hbm>> -> memref<10240x128xbf16, #tpu.memory_space<hbm>>
        tpu.wait_indirect_dma semaphore(%arg25 : memref<!tpu.dma_semaphore, #tpu.memory_space<semaphore_mem>>) src(%dma_wait3A_528 : memref<10240x128xbf16, #tpu.memory_space<hbm>>) dst(%arg16 : memref<128x128xbf16, #tpu.memory_space<vmem>>)
        %dma_start3A_529 = arith.constant 0 : i32
        %dma_start3A_530 = tpu.memref_slice %arg8[%add3A_522, %dma_start3A_529] : memref<96x128xi32, #tpu.memory_space<vmem>> -> memref<1x128xi32, #tpu.memory_space<vmem>>
        %dma_start3A_531 = tpu.memref_squeeze %dma_start3A_530 : memref<1x128xi32, #tpu.memory_space<vmem>> -> memref<128xi32, #tpu.memory_space<vmem>>
        %dma_start3A_532 = arith.constant 0 : i32
        %dma_start3A_533 = arith.constant 0 : i32
        %dma_start3A_534 = tpu.memref_slice %arg17[%dma_start3A_532, %dma_start3A_533] : memref<10240x128xbf16, #tpu.memory_space<vmem_shared>> -> memref<10240x128xbf16, #tpu.memory_space<vmem_shared>>
        tpu.enqueue_indirect_dma source(%arg16 : memref<128x128xbf16, #tpu.memory_space<vmem>>) target(%dma_start3A_534 : memref<10240x128xbf16, #tpu.memory_space<vmem_shared>>) offsets(%dma_start3A_531 : memref<128xi32, #tpu.memory_space<vmem>>) semaphore(%arg33 : memref<!tpu.dma_semaphore, #tpu.memory_space<semaphore_mem>>) {add = true}
        %sub3A_535 = arith.constant 4 : i32
        %sub3A_536 = arith.subi %add3A_522, %sub3A_535 : i32
        %dma_wait3A_537 = arith.constant 0 : i32
        %dma_wait3A_538 = tpu.memref_slice %arg8[%sub3A_536, %dma_wait3A_537] : memref<96x128xi32, #tpu.memory_space<vmem>> -> memref<1x128xi32, #tpu.memory_space<vmem>>
        %dma_wait3A_539 = tpu.memref_squeeze %dma_wait3A_538 : memref<1x128xi32, #tpu.memory_space<vmem>> -> memref<128xi32, #tpu.memory_space<vmem>>
        %dma_wait3A_540 = arith.constant 0 : i32
        %dma_wait3A_541 = arith.constant 0 : i32
        %dma_wait3A_542 = tpu.memref_slice %arg17[%dma_wait3A_540, %dma_wait3A_541] : memref<10240x128xbf16, #tpu.memory_space<vmem_shared>> -> memref<10240x128xbf16, #tpu.memory_space<vmem_shared>>
        tpu.wait_indirect_dma semaphore(%arg29 : memref<!tpu.dma_semaphore, #tpu.memory_space<semaphore_mem>>) src(%arg12 : memref<128x128xbf16, #tpu.memory_space<vmem>>) dst(%dma_wait3A_542 : memref<10240x128xbf16, #tpu.memory_space<vmem_shared>>)
        %add3A_543 = arith.constant 4 : i32
        %add3A_544 = arith.addi %add3A_522, %add3A_543 : i32
        %min3A_545 = arith.constant 95 : i32
        %min3A_546 = arith.minsi %add3A_544, %min3A_545 : i32
        %dma_start3A_547 = arith.constant 0 : i32
        %dma_start3A_548 = tpu.memref_slice %arg7[%min3A_546, %dma_start3A_547] : memref<96x128xi32, #tpu.memory_space<vmem>> -> memref<1x128xi32, #tpu.memory_space<vmem>>
        %dma_start3A_549 = tpu.memref_squeeze %dma_start3A_548 : memref<1x128xi32, #tpu.memory_space<vmem>> -> memref<128xi32, #tpu.memory_space<vmem>>
        %dma_start3A_550 = arith.constant 0 : i32
        %dma_start3A_551 = arith.constant 0 : i32
        %dma_start3A_552 = tpu.memref_slice %arg2[%dma_start3A_550, %dma_start3A_551] : memref<10240x128xbf16, #tpu.memory_space<hbm>> -> memref<10240x128xbf16, #tpu.memory_space<hbm>>
        tpu.enqueue_indirect_dma source(%dma_start3A_552 : memref<10240x128xbf16, #tpu.memory_space<hbm>>) target(%arg12 : memref<128x128xbf16, #tpu.memory_space<vmem>>) offsets(%dma_start3A_549 : memref<128xi32, #tpu.memory_space<vmem>>) semaphore(%arg21 : memref<!tpu.dma_semaphore, #tpu.memory_space<semaphore_mem>>)
      }
      %scan3A_240 = arith.constant 11 : i32
      %dma_wait3A_241 = arith.constant 92 : i32
      %dma_wait3A_242 = arith.constant 0 : i32
      %dma_wait3A_243 = tpu.memref_slice %arg8[%dma_wait3A_241, %dma_wait3A_242] : memref<96x128xi32, #tpu.memory_space<vmem>> -> memref<1x128xi32, #tpu.memory_space<vmem>>
      %dma_wait3A_244 = tpu.memref_squeeze %dma_wait3A_243 : memref<1x128xi32, #tpu.memory_space<vmem>> -> memref<128xi32, #tpu.memory_space<vmem>>
      %dma_wait3A_245 = arith.constant 0 : i32
      %dma_wait3A_246 = arith.constant 0 : i32
      %dma_wait3A_247 = tpu.memref_slice %arg17[%dma_wait3A_245, %dma_wait3A_246] : memref<10240x128xbf16, #tpu.memory_space<vmem_shared>> -> memref<10240x128xbf16, #tpu.memory_space<vmem_shared>>
      tpu.wait_indirect_dma semaphore(%arg30 : memref<!tpu.dma_semaphore, #tpu.memory_space<semaphore_mem>>) src(%arg13 : memref<128x128xbf16, #tpu.memory_space<vmem>>) dst(%dma_wait3A_247 : memref<10240x128xbf16, #tpu.memory_space<vmem_shared>>)
      %dma_wait3A_248 = arith.constant 93 : i32
      %dma_wait3A_249 = arith.constant 0 : i32
      %dma_wait3A_250 = tpu.memref_slice %arg8[%dma_wait3A_248, %dma_wait3A_249] : memref<96x128xi32, #tpu.memory_space<vmem>> -> memref<1x128xi32, #tpu.memory_space<vmem>>
      %dma_wait3A_251 = tpu.memref_squeeze %dma_wait3A_250 : memref<1x128xi32, #tpu.memory_space<vmem>> -> memref<128xi32, #tpu.memory_space<vmem>>
      %dma_wait3A_252 = arith.constant 0 : i32
      %dma_wait3A_253 = arith.constant 0 : i32
      %dma_wait3A_254 = tpu.memref_slice %arg17[%dma_wait3A_252, %dma_wait3A_253] : memref<10240x128xbf16, #tpu.memory_space<vmem_shared>> -> memref<10240x128xbf16, #tpu.memory_space<vmem_shared>>
      tpu.wait_indirect_dma semaphore(%arg31 : memref<!tpu.dma_semaphore, #tpu.memory_space<semaphore_mem>>) src(%arg14 : memref<128x128xbf16, #tpu.memory_space<vmem>>) dst(%dma_wait3A_254 : memref<10240x128xbf16, #tpu.memory_space<vmem_shared>>)
      %dma_wait3A_255 = arith.constant 94 : i32
      %dma_wait3A_256 = arith.constant 0 : i32
      %dma_wait3A_257 = tpu.memref_slice %arg8[%dma_wait3A_255, %dma_wait3A_256] : memref<96x128xi32, #tpu.memory_space<vmem>> -> memref<1x128xi32, #tpu.memory_space<vmem>>
      %dma_wait3A_258 = tpu.memref_squeeze %dma_wait3A_257 : memref<1x128xi32, #tpu.memory_space<vmem>> -> memref<128xi32, #tpu.memory_space<vmem>>
      %dma_wait3A_259 = arith.constant 0 : i32
      %dma_wait3A_260 = arith.constant 0 : i32
      %dma_wait3A_261 = tpu.memref_slice %arg17[%dma_wait3A_259, %dma_wait3A_260] : memref<10240x128xbf16, #tpu.memory_space<vmem_shared>> -> memref<10240x128xbf16, #tpu.memory_space<vmem_shared>>
      tpu.wait_indirect_dma semaphore(%arg32 : memref<!tpu.dma_semaphore, #tpu.memory_space<semaphore_mem>>) src(%arg15 : memref<128x128xbf16, #tpu.memory_space<vmem>>) dst(%dma_wait3A_261 : memref<10240x128xbf16, #tpu.memory_space<vmem_shared>>)
      %dma_wait3A_262 = arith.constant 95 : i32
      %dma_wait3A_263 = arith.constant 0 : i32
      %dma_wait3A_264 = tpu.memref_slice %arg8[%dma_wait3A_262, %dma_wait3A_263] : memref<96x128xi32, #tpu.memory_space<vmem>> -> memref<1x128xi32, #tpu.memory_space<vmem>>
      %dma_wait3A_265 = tpu.memref_squeeze %dma_wait3A_264 : memref<1x128xi32, #tpu.memory_space<vmem>> -> memref<128xi32, #tpu.memory_space<vmem>>
      %dma_wait3A_266 = arith.constant 0 : i32
      %dma_wait3A_267 = arith.constant 0 : i32
      %dma_wait3A_268 = tpu.memref_slice %arg17[%dma_wait3A_266, %dma_wait3A_267] : memref<10240x128xbf16, #tpu.memory_space<vmem_shared>> -> memref<10240x128xbf16, #tpu.memory_space<vmem_shared>>
      tpu.wait_indirect_dma semaphore(%arg33 : memref<!tpu.dma_semaphore, #tpu.memory_space<semaphore_mem>>) src(%arg16 : memref<128x128xbf16, #tpu.memory_space<vmem>>) dst(%dma_wait3A_268 : memref<10240x128xbf16, #tpu.memory_space<vmem_shared>>)
      %dma_wait3A_269 = arith.constant 95 : i32
      %dma_wait3A_270 = arith.constant 0 : i32
      %dma_wait3A_271 = tpu.memref_slice %arg7[%dma_wait3A_269, %dma_wait3A_270] : memref<96x128xi32, #tpu.memory_space<vmem>> -> memref<1x128xi32, #tpu.memory_space<vmem>>
      %dma_wait3A_272 = tpu.memref_squeeze %dma_wait3A_271 : memref<1x128xi32, #tpu.memory_space<vmem>> -> memref<128xi32, #tpu.memory_space<vmem>>
      %dma_wait3A_273 = arith.constant 0 : i32
      %dma_wait3A_274 = arith.constant 0 : i32
      %dma_wait3A_275 = tpu.memref_slice %arg2[%dma_wait3A_273, %dma_wait3A_274] : memref<10240x128xbf16, #tpu.memory_space<hbm>> -> memref<10240x128xbf16, #tpu.memory_space<hbm>>
      tpu.wait_indirect_dma semaphore(%arg18 : memref<!tpu.dma_semaphore, #tpu.memory_space<semaphore_mem>>) src(%dma_wait3A_275 : memref<10240x128xbf16, #tpu.memory_space<hbm>>) dst(%arg9 : memref<128x128xbf16, #tpu.memory_space<vmem>>)
      %dma_wait3A_276 = arith.constant 95 : i32
      %dma_wait3A_277 = arith.constant 0 : i32
      %dma_wait3A_278 = tpu.memref_slice %arg7[%dma_wait3A_276, %dma_wait3A_277] : memref<96x128xi32, #tpu.memory_space<vmem>> -> memref<1x128xi32, #tpu.memory_space<vmem>>
      %dma_wait3A_279 = tpu.memref_squeeze %dma_wait3A_278 : memref<1x128xi32, #tpu.memory_space<vmem>> -> memref<128xi32, #tpu.memory_space<vmem>>
      %dma_wait3A_280 = arith.constant 0 : i32
      %dma_wait3A_281 = arith.constant 0 : i32
      %dma_wait3A_282 = tpu.memref_slice %arg2[%dma_wait3A_280, %dma_wait3A_281] : memref<10240x128xbf16, #tpu.memory_space<hbm>> -> memref<10240x128xbf16, #tpu.memory_space<hbm>>
      tpu.wait_indirect_dma semaphore(%arg19 : memref<!tpu.dma_semaphore, #tpu.memory_space<semaphore_mem>>) src(%dma_wait3A_282 : memref<10240x128xbf16, #tpu.memory_space<hbm>>) dst(%arg10 : memref<128x128xbf16, #tpu.memory_space<vmem>>)
      %dma_wait3A_283 = arith.constant 95 : i32
      %dma_wait3A_284 = arith.constant 0 : i32
      %dma_wait3A_285 = tpu.memref_slice %arg7[%dma_wait3A_283, %dma_wait3A_284] : memref<96x128xi32, #tpu.memory_space<vmem>> -> memref<1x128xi32, #tpu.memory_space<vmem>>
      %dma_wait3A_286 = tpu.memref_squeeze %dma_wait3A_285 : memref<1x128xi32, #tpu.memory_space<vmem>> -> memref<128xi32, #tpu.memory_space<vmem>>
      %dma_wait3A_287 = arith.constant 0 : i32
      %dma_wait3A_288 = arith.constant 0 : i32
      %dma_wait3A_289 = tpu.memref_slice %arg2[%dma_wait3A_287, %dma_wait3A_288] : memref<10240x128xbf16, #tpu.memory_space<hbm>> -> memref<10240x128xbf16, #tpu.memory_space<hbm>>
      tpu.wait_indirect_dma semaphore(%arg20 : memref<!tpu.dma_semaphore, #tpu.memory_space<semaphore_mem>>) src(%dma_wait3A_289 : memref<10240x128xbf16, #tpu.memory_space<hbm>>) dst(%arg11 : memref<128x128xbf16, #tpu.memory_space<vmem>>)
      %dma_wait3A_290 = arith.constant 95 : i32
      %dma_wait3A_291 = arith.constant 0 : i32
      %dma_wait3A_292 = tpu.memref_slice %arg7[%dma_wait3A_290, %dma_wait3A_291] : memref<96x128xi32, #tpu.memory_space<vmem>> -> memref<1x128xi32, #tpu.memory_space<vmem>>
      %dma_wait3A_293 = tpu.memref_squeeze %dma_wait3A_292 : memref<1x128xi32, #tpu.memory_space<vmem>> -> memref<128xi32, #tpu.memory_space<vmem>>
      %dma_wait3A_294 = arith.constant 0 : i32
      %dma_wait3A_295 = arith.constant 0 : i32
      %dma_wait3A_296 = tpu.memref_slice %arg2[%dma_wait3A_294, %dma_wait3A_295] : memref<10240x128xbf16, #tpu.memory_space<hbm>> -> memref<10240x128xbf16, #tpu.memory_space<hbm>>
      tpu.wait_indirect_dma semaphore(%arg21 : memref<!tpu.dma_semaphore, #tpu.memory_space<semaphore_mem>>) src(%dma_wait3A_296 : memref<10240x128xbf16, #tpu.memory_space<hbm>>) dst(%arg12 : memref<128x128xbf16, #tpu.memory_space<vmem>>)
    } else {
    }
    %ne3A = arith.constant 0 : i32
    %ne3A_3 = arith.cmpi ne, %arg0, %ne3A : i32
    %convert_element_type3A_4 = arith.extui %ne3A_3 : i1 to i32
    %cond3A_5 = arith.constant 0 : i32
    %cond3A_6 = arith.cmpi ne, %convert_element_type3A_4, %cond3A_5 : i32
    scf.if %cond3A_6 {
      %mul3A_11 = arith.constant 64 : i32
      %mul3A_12 = arith.muli %arg1, %mul3A_11 : i32
      %add3A = arith.constant 1536 : i32
      %add3A_13 = arith.addi %add3A, %mul3A_12 : i32
      "tpu.region"() ({
        %run_scoped3A = tpu.sem_alloc : memref<!tpu.dma_semaphore, #tpu.memory_space<semaphore_mem>>
        %dma_start3A_298 = arith.constant 0 : i32
        %dma_start3A_299 = arith.constant 0 : i32
        %dma_start3A_300 = tpu.memref_slice %arg7[%dma_start3A_298, %dma_start3A_299] : memref<96x128xi32, #tpu.memory_space<vmem>> -> memref<64x128xi32, #tpu.memory_space<vmem>>
        %dma_start3A_301 = arith.constant 0 : i32
        %dma_start3A_302 = tpu.memref_slice %arg3[%add3A_13, %dma_start3A_301] : memref<2592x128xi32, #tpu.memory_space<hbm>> -> memref<64x128xi32, #tpu.memory_space<hbm>>
        %dma_start3A_303 = arith.constant 0 : i32
        %dma_start3A_304 = arith.constant 0 : i32
        %dma_start3A_305 = tpu.memref_slice %arg7[%dma_start3A_303, %dma_start3A_304] : memref<96x128xi32, #tpu.memory_space<vmem>> -> memref<64x128xi32, #tpu.memory_space<vmem>>
        %dma_start3A_306 = arith.constant 0 : i32
        %dma_start3A_307 = tpu.memref_slice %arg3[%add3A_13, %dma_start3A_306] : memref<2592x128xi32, #tpu.memory_space<hbm>> -> memref<64x128xi32, #tpu.memory_space<hbm>>
        tpu.enqueue_dma source(%dma_start3A_307 : memref<64x128xi32, #tpu.memory_space<hbm>>) target(%dma_start3A_305 : memref<64x128xi32, #tpu.memory_space<vmem>>) target_semaphore(%run_scoped3A : memref<!tpu.dma_semaphore, #tpu.memory_space<semaphore_mem>>)
        %dma_wait3A_308 = arith.constant 0 : i32
        %dma_wait3A_309 = arith.constant 0 : i32
        %dma_wait3A_310 = tpu.memref_slice %arg7[%dma_wait3A_308, %dma_wait3A_309] : memref<96x128xi32, #tpu.memory_space<vmem>> -> memref<64x128xi32, #tpu.memory_space<vmem>>
        %dma_wait3A_311 = arith.constant 0 : i32
        %dma_wait3A_312 = tpu.memref_slice %arg3[%add3A_13, %dma_wait3A_311] : memref<2592x128xi32, #tpu.memory_space<hbm>> -> memref<64x128xi32, #tpu.memory_space<hbm>>
        %dma_wait3A_313 = arith.constant 0 : i32
        %dma_wait3A_314 = arith.constant 0 : i32
        %dma_wait3A_315 = tpu.memref_slice %arg7[%dma_wait3A_313, %dma_wait3A_314] : memref<96x128xi32, #tpu.memory_space<vmem>> -> memref<64x128xi32, #tpu.memory_space<vmem>>
        %dma_wait3A_316 = arith.constant 0 : i32
        %dma_wait3A_317 = tpu.memref_slice %arg3[%add3A_13, %dma_wait3A_316] : memref<2592x128xi32, #tpu.memory_space<hbm>> -> memref<64x128xi32, #tpu.memory_space<hbm>>
        tpu.wait_dma2 semaphore(%run_scoped3A : memref<!tpu.dma_semaphore, #tpu.memory_space<semaphore_mem>>) src(%dma_wait3A_317 : memref<64x128xi32, #tpu.memory_space<hbm>>) dst(%dma_wait3A_315 : memref<64x128xi32, #tpu.memory_space<vmem>>)
        tpu.yield
      }) : () -> ()
      "tpu.region"() ({
        %run_scoped3A = tpu.sem_alloc : memref<!tpu.dma_semaphore, #tpu.memory_space<semaphore_mem>>
        %dma_start3A_298 = arith.constant 0 : i32
        %dma_start3A_299 = arith.constant 0 : i32
        %dma_start3A_300 = tpu.memref_slice %arg8[%dma_start3A_298, %dma_start3A_299] : memref<96x128xi32, #tpu.memory_space<vmem>> -> memref<64x128xi32, #tpu.memory_space<vmem>>
        %dma_start3A_301 = arith.constant 0 : i32
        %dma_start3A_302 = tpu.memref_slice %arg4[%add3A_13, %dma_start3A_301] : memref<2592x128xi32, #tpu.memory_space<hbm>> -> memref<64x128xi32, #tpu.memory_space<hbm>>
        %dma_start3A_303 = arith.constant 0 : i32
        %dma_start3A_304 = arith.constant 0 : i32
        %dma_start3A_305 = tpu.memref_slice %arg8[%dma_start3A_303, %dma_start3A_304] : memref<96x128xi32, #tpu.memory_space<vmem>> -> memref<64x128xi32, #tpu.memory_space<vmem>>
        %dma_start3A_306 = arith.constant 0 : i32
        %dma_start3A_307 = tpu.memref_slice %arg4[%add3A_13, %dma_start3A_306] : memref<2592x128xi32, #tpu.memory_space<hbm>> -> memref<64x128xi32, #tpu.memory_space<hbm>>
        tpu.enqueue_dma source(%dma_start3A_307 : memref<64x128xi32, #tpu.memory_space<hbm>>) target(%dma_start3A_305 : memref<64x128xi32, #tpu.memory_space<vmem>>) target_semaphore(%run_scoped3A : memref<!tpu.dma_semaphore, #tpu.memory_space<semaphore_mem>>)
        %dma_wait3A_308 = arith.constant 0 : i32
        %dma_wait3A_309 = arith.constant 0 : i32
        %dma_wait3A_310 = tpu.memref_slice %arg8[%dma_wait3A_308, %dma_wait3A_309] : memref<96x128xi32, #tpu.memory_space<vmem>> -> memref<64x128xi32, #tpu.memory_space<vmem>>
        %dma_wait3A_311 = arith.constant 0 : i32
        %dma_wait3A_312 = tpu.memref_slice %arg4[%add3A_13, %dma_wait3A_311] : memref<2592x128xi32, #tpu.memory_space<hbm>> -> memref<64x128xi32, #tpu.memory_space<hbm>>
        %dma_wait3A_313 = arith.constant 0 : i32
        %dma_wait3A_314 = arith.constant 0 : i32
        %dma_wait3A_315 = tpu.memref_slice %arg8[%dma_wait3A_313, %dma_wait3A_314] : memref<96x128xi32, #tpu.memory_space<vmem>> -> memref<64x128xi32, #tpu.memory_space<vmem>>
        %dma_wait3A_316 = arith.constant 0 : i32
        %dma_wait3A_317 = tpu.memref_slice %arg4[%add3A_13, %dma_wait3A_316] : memref<2592x128xi32, #tpu.memory_space<hbm>> -> memref<64x128xi32, #tpu.memory_space<hbm>>
        tpu.wait_dma2 semaphore(%run_scoped3A : memref<!tpu.dma_semaphore, #tpu.memory_space<semaphore_mem>>) src(%dma_wait3A_317 : memref<64x128xi32, #tpu.memory_space<hbm>>) dst(%dma_wait3A_315 : memref<64x128xi32, #tpu.memory_space<vmem>>)
        tpu.yield
      }) : () -> ()
      %barrier3A_14 = arith.constant 0 : index
      tpu.barrier barrier_id(%barrier3A_14)
      %dma_start3A = arith.constant 0 : i32
      %dma_start3A_15 = arith.constant 0 : i32
      %dma_start3A_16 = tpu.memref_slice %arg7[%dma_start3A, %dma_start3A_15] : memref<96x128xi32, #tpu.memory_space<vmem>> -> memref<1x128xi32, #tpu.memory_space<vmem>>
      %dma_start3A_17 = tpu.memref_squeeze %dma_start3A_16 : memref<1x128xi32, #tpu.memory_space<vmem>> -> memref<128xi32, #tpu.memory_space<vmem>>
      %dma_start3A_18 = arith.constant 0 : i32
      %dma_start3A_19 = arith.constant 0 : i32
      %dma_start3A_20 = tpu.memref_slice %arg2[%dma_start3A_18, %dma_start3A_19] : memref<10240x128xbf16, #tpu.memory_space<hbm>> -> memref<10240x128xbf16, #tpu.memory_space<hbm>>
      tpu.enqueue_indirect_dma source(%dma_start3A_20 : memref<10240x128xbf16, #tpu.memory_space<hbm>>) target(%arg9 : memref<128x128xbf16, #tpu.memory_space<vmem>>) offsets(%dma_start3A_17 : memref<128xi32, #tpu.memory_space<vmem>>) semaphore(%arg18 : memref<!tpu.dma_semaphore, #tpu.memory_space<semaphore_mem>>)
      %dma_start3A_21 = arith.constant 1 : i32
      %dma_start3A_22 = arith.constant 0 : i32
      %dma_start3A_23 = tpu.memref_slice %arg7[%dma_start3A_21, %dma_start3A_22] : memref<96x128xi32, #tpu.memory_space<vmem>> -> memref<1x128xi32, #tpu.memory_space<vmem>>
      %dma_start3A_24 = tpu.memref_squeeze %dma_start3A_23 : memref<1x128xi32, #tpu.memory_space<vmem>> -> memref<128xi32, #tpu.memory_space<vmem>>
      %dma_start3A_25 = arith.constant 0 : i32
      %dma_start3A_26 = arith.constant 0 : i32
      %dma_start3A_27 = tpu.memref_slice %arg2[%dma_start3A_25, %dma_start3A_26] : memref<10240x128xbf16, #tpu.memory_space<hbm>> -> memref<10240x128xbf16, #tpu.memory_space<hbm>>
      tpu.enqueue_indirect_dma source(%dma_start3A_27 : memref<10240x128xbf16, #tpu.memory_space<hbm>>) target(%arg10 : memref<128x128xbf16, #tpu.memory_space<vmem>>) offsets(%dma_start3A_24 : memref<128xi32, #tpu.memory_space<vmem>>) semaphore(%arg19 : memref<!tpu.dma_semaphore, #tpu.memory_space<semaphore_mem>>)
      %dma_start3A_28 = arith.constant 2 : i32
      %dma_start3A_29 = arith.constant 0 : i32
      %dma_start3A_30 = tpu.memref_slice %arg7[%dma_start3A_28, %dma_start3A_29] : memref<96x128xi32, #tpu.memory_space<vmem>> -> memref<1x128xi32, #tpu.memory_space<vmem>>
      %dma_start3A_31 = tpu.memref_squeeze %dma_start3A_30 : memref<1x128xi32, #tpu.memory_space<vmem>> -> memref<128xi32, #tpu.memory_space<vmem>>
      %dma_start3A_32 = arith.constant 0 : i32
      %dma_start3A_33 = arith.constant 0 : i32
      %dma_start3A_34 = tpu.memref_slice %arg2[%dma_start3A_32, %dma_start3A_33] : memref<10240x128xbf16, #tpu.memory_space<hbm>> -> memref<10240x128xbf16, #tpu.memory_space<hbm>>
      tpu.enqueue_indirect_dma source(%dma_start3A_34 : memref<10240x128xbf16, #tpu.memory_space<hbm>>) target(%arg11 : memref<128x128xbf16, #tpu.memory_space<vmem>>) offsets(%dma_start3A_31 : memref<128xi32, #tpu.memory_space<vmem>>) semaphore(%arg20 : memref<!tpu.dma_semaphore, #tpu.memory_space<semaphore_mem>>)
      %dma_start3A_35 = arith.constant 3 : i32
      %dma_start3A_36 = arith.constant 0 : i32
      %dma_start3A_37 = tpu.memref_slice %arg7[%dma_start3A_35, %dma_start3A_36] : memref<96x128xi32, #tpu.memory_space<vmem>> -> memref<1x128xi32, #tpu.memory_space<vmem>>
      %dma_start3A_38 = tpu.memref_squeeze %dma_start3A_37 : memref<1x128xi32, #tpu.memory_space<vmem>> -> memref<128xi32, #tpu.memory_space<vmem>>
      %dma_start3A_39 = arith.constant 0 : i32
      %dma_start3A_40 = arith.constant 0 : i32
      %dma_start3A_41 = tpu.memref_slice %arg2[%dma_start3A_39, %dma_start3A_40] : memref<10240x128xbf16, #tpu.memory_space<hbm>> -> memref<10240x128xbf16, #tpu.memory_space<hbm>>
      tpu.enqueue_indirect_dma source(%dma_start3A_41 : memref<10240x128xbf16, #tpu.memory_space<hbm>>) target(%arg12 : memref<128x128xbf16, #tpu.memory_space<vmem>>) offsets(%dma_start3A_38 : memref<128xi32, #tpu.memory_space<vmem>>) semaphore(%arg21 : memref<!tpu.dma_semaphore, #tpu.memory_space<semaphore_mem>>)
      %dma_wait3A = arith.constant 0 : i32
      %dma_wait3A_42 = arith.constant 0 : i32
      %dma_wait3A_43 = tpu.memref_slice %arg7[%dma_wait3A, %dma_wait3A_42] : memref<96x128xi32, #tpu.memory_space<vmem>> -> memref<1x128xi32, #tpu.memory_space<vmem>>
      %dma_wait3A_44 = tpu.memref_squeeze %dma_wait3A_43 : memref<1x128xi32, #tpu.memory_space<vmem>> -> memref<128xi32, #tpu.memory_space<vmem>>
      %dma_wait3A_45 = arith.constant 0 : i32
      %dma_wait3A_46 = arith.constant 0 : i32
      %dma_wait3A_47 = tpu.memref_slice %arg2[%dma_wait3A_45, %dma_wait3A_46] : memref<10240x128xbf16, #tpu.memory_space<hbm>> -> memref<10240x128xbf16, #tpu.memory_space<hbm>>
      tpu.wait_indirect_dma semaphore(%arg18 : memref<!tpu.dma_semaphore, #tpu.memory_space<semaphore_mem>>) src(%dma_wait3A_47 : memref<10240x128xbf16, #tpu.memory_space<hbm>>) dst(%arg9 : memref<128x128xbf16, #tpu.memory_space<vmem>>)
      %dma_start3A_48 = arith.constant 0 : i32
      %dma_start3A_49 = arith.constant 0 : i32
      %dma_start3A_50 = tpu.memref_slice %arg8[%dma_start3A_48, %dma_start3A_49] : memref<96x128xi32, #tpu.memory_space<vmem>> -> memref<1x128xi32, #tpu.memory_space<vmem>>
      %dma_start3A_51 = tpu.memref_squeeze %dma_start3A_50 : memref<1x128xi32, #tpu.memory_space<vmem>> -> memref<128xi32, #tpu.memory_space<vmem>>
      %dma_start3A_52 = arith.constant 0 : i32
      %dma_start3A_53 = arith.constant 0 : i32
      %dma_start3A_54 = tpu.memref_slice %arg17[%dma_start3A_52, %dma_start3A_53] : memref<10240x128xbf16, #tpu.memory_space<vmem_shared>> -> memref<10240x128xbf16, #tpu.memory_space<vmem_shared>>
      tpu.enqueue_indirect_dma source(%arg9 : memref<128x128xbf16, #tpu.memory_space<vmem>>) target(%dma_start3A_54 : memref<10240x128xbf16, #tpu.memory_space<vmem_shared>>) offsets(%dma_start3A_51 : memref<128xi32, #tpu.memory_space<vmem>>) semaphore(%arg26 : memref<!tpu.dma_semaphore, #tpu.memory_space<semaphore_mem>>) {add = true}
      %dma_start3A_55 = arith.constant 4 : i32
      %dma_start3A_56 = arith.constant 0 : i32
      %dma_start3A_57 = tpu.memref_slice %arg7[%dma_start3A_55, %dma_start3A_56] : memref<96x128xi32, #tpu.memory_space<vmem>> -> memref<1x128xi32, #tpu.memory_space<vmem>>
      %dma_start3A_58 = tpu.memref_squeeze %dma_start3A_57 : memref<1x128xi32, #tpu.memory_space<vmem>> -> memref<128xi32, #tpu.memory_space<vmem>>
      %dma_start3A_59 = arith.constant 0 : i32
      %dma_start3A_60 = arith.constant 0 : i32
      %dma_start3A_61 = tpu.memref_slice %arg2[%dma_start3A_59, %dma_start3A_60] : memref<10240x128xbf16, #tpu.memory_space<hbm>> -> memref<10240x128xbf16, #tpu.memory_space<hbm>>
      tpu.enqueue_indirect_dma source(%dma_start3A_61 : memref<10240x128xbf16, #tpu.memory_space<hbm>>) target(%arg13 : memref<128x128xbf16, #tpu.memory_space<vmem>>) offsets(%dma_start3A_58 : memref<128xi32, #tpu.memory_space<vmem>>) semaphore(%arg22 : memref<!tpu.dma_semaphore, #tpu.memory_space<semaphore_mem>>)
      %dma_wait3A_62 = arith.constant 1 : i32
      %dma_wait3A_63 = arith.constant 0 : i32
      %dma_wait3A_64 = tpu.memref_slice %arg7[%dma_wait3A_62, %dma_wait3A_63] : memref<96x128xi32, #tpu.memory_space<vmem>> -> memref<1x128xi32, #tpu.memory_space<vmem>>
      %dma_wait3A_65 = tpu.memref_squeeze %dma_wait3A_64 : memref<1x128xi32, #tpu.memory_space<vmem>> -> memref<128xi32, #tpu.memory_space<vmem>>
      %dma_wait3A_66 = arith.constant 0 : i32
      %dma_wait3A_67 = arith.constant 0 : i32
      %dma_wait3A_68 = tpu.memref_slice %arg2[%dma_wait3A_66, %dma_wait3A_67] : memref<10240x128xbf16, #tpu.memory_space<hbm>> -> memref<10240x128xbf16, #tpu.memory_space<hbm>>
      tpu.wait_indirect_dma semaphore(%arg19 : memref<!tpu.dma_semaphore, #tpu.memory_space<semaphore_mem>>) src(%dma_wait3A_68 : memref<10240x128xbf16, #tpu.memory_space<hbm>>) dst(%arg10 : memref<128x128xbf16, #tpu.memory_space<vmem>>)
      %dma_start3A_69 = arith.constant 1 : i32
      %dma_start3A_70 = arith.constant 0 : i32
      %dma_start3A_71 = tpu.memref_slice %arg8[%dma_start3A_69, %dma_start3A_70] : memref<96x128xi32, #tpu.memory_space<vmem>> -> memref<1x128xi32, #tpu.memory_space<vmem>>
      %dma_start3A_72 = tpu.memref_squeeze %dma_start3A_71 : memref<1x128xi32, #tpu.memory_space<vmem>> -> memref<128xi32, #tpu.memory_space<vmem>>
      %dma_start3A_73 = arith.constant 0 : i32
      %dma_start3A_74 = arith.constant 0 : i32
      %dma_start3A_75 = tpu.memref_slice %arg17[%dma_start3A_73, %dma_start3A_74] : memref<10240x128xbf16, #tpu.memory_space<vmem_shared>> -> memref<10240x128xbf16, #tpu.memory_space<vmem_shared>>
      tpu.enqueue_indirect_dma source(%arg10 : memref<128x128xbf16, #tpu.memory_space<vmem>>) target(%dma_start3A_75 : memref<10240x128xbf16, #tpu.memory_space<vmem_shared>>) offsets(%dma_start3A_72 : memref<128xi32, #tpu.memory_space<vmem>>) semaphore(%arg27 : memref<!tpu.dma_semaphore, #tpu.memory_space<semaphore_mem>>) {add = true}
      %dma_start3A_76 = arith.constant 5 : i32
      %dma_start3A_77 = arith.constant 0 : i32
      %dma_start3A_78 = tpu.memref_slice %arg7[%dma_start3A_76, %dma_start3A_77] : memref<96x128xi32, #tpu.memory_space<vmem>> -> memref<1x128xi32, #tpu.memory_space<vmem>>
      %dma_start3A_79 = tpu.memref_squeeze %dma_start3A_78 : memref<1x128xi32, #tpu.memory_space<vmem>> -> memref<128xi32, #tpu.memory_space<vmem>>
      %dma_start3A_80 = arith.constant 0 : i32
      %dma_start3A_81 = arith.constant 0 : i32
      %dma_start3A_82 = tpu.memref_slice %arg2[%dma_start3A_80, %dma_start3A_81] : memref<10240x128xbf16, #tpu.memory_space<hbm>> -> memref<10240x128xbf16, #tpu.memory_space<hbm>>
      tpu.enqueue_indirect_dma source(%dma_start3A_82 : memref<10240x128xbf16, #tpu.memory_space<hbm>>) target(%arg14 : memref<128x128xbf16, #tpu.memory_space<vmem>>) offsets(%dma_start3A_79 : memref<128xi32, #tpu.memory_space<vmem>>) semaphore(%arg23 : memref<!tpu.dma_semaphore, #tpu.memory_space<semaphore_mem>>)
      %dma_wait3A_83 = arith.constant 2 : i32
      %dma_wait3A_84 = arith.constant 0 : i32
      %dma_wait3A_85 = tpu.memref_slice %arg7[%dma_wait3A_83, %dma_wait3A_84] : memref<96x128xi32, #tpu.memory_space<vmem>> -> memref<1x128xi32, #tpu.memory_space<vmem>>
      %dma_wait3A_86 = tpu.memref_squeeze %dma_wait3A_85 : memref<1x128xi32, #tpu.memory_space<vmem>> -> memref<128xi32, #tpu.memory_space<vmem>>
      %dma_wait3A_87 = arith.constant 0 : i32
      %dma_wait3A_88 = arith.constant 0 : i32
      %dma_wait3A_89 = tpu.memref_slice %arg2[%dma_wait3A_87, %dma_wait3A_88] : memref<10240x128xbf16, #tpu.memory_space<hbm>> -> memref<10240x128xbf16, #tpu.memory_space<hbm>>
      tpu.wait_indirect_dma semaphore(%arg20 : memref<!tpu.dma_semaphore, #tpu.memory_space<semaphore_mem>>) src(%dma_wait3A_89 : memref<10240x128xbf16, #tpu.memory_space<hbm>>) dst(%arg11 : memref<128x128xbf16, #tpu.memory_space<vmem>>)
      %dma_start3A_90 = arith.constant 2 : i32
      %dma_start3A_91 = arith.constant 0 : i32
      %dma_start3A_92 = tpu.memref_slice %arg8[%dma_start3A_90, %dma_start3A_91] : memref<96x128xi32, #tpu.memory_space<vmem>> -> memref<1x128xi32, #tpu.memory_space<vmem>>
      %dma_start3A_93 = tpu.memref_squeeze %dma_start3A_92 : memref<1x128xi32, #tpu.memory_space<vmem>> -> memref<128xi32, #tpu.memory_space<vmem>>
      %dma_start3A_94 = arith.constant 0 : i32
      %dma_start3A_95 = arith.constant 0 : i32
      %dma_start3A_96 = tpu.memref_slice %arg17[%dma_start3A_94, %dma_start3A_95] : memref<10240x128xbf16, #tpu.memory_space<vmem_shared>> -> memref<10240x128xbf16, #tpu.memory_space<vmem_shared>>
      tpu.enqueue_indirect_dma source(%arg11 : memref<128x128xbf16, #tpu.memory_space<vmem>>) target(%dma_start3A_96 : memref<10240x128xbf16, #tpu.memory_space<vmem_shared>>) offsets(%dma_start3A_93 : memref<128xi32, #tpu.memory_space<vmem>>) semaphore(%arg28 : memref<!tpu.dma_semaphore, #tpu.memory_space<semaphore_mem>>) {add = true}
      %dma_start3A_97 = arith.constant 6 : i32
      %dma_start3A_98 = arith.constant 0 : i32
      %dma_start3A_99 = tpu.memref_slice %arg7[%dma_start3A_97, %dma_start3A_98] : memref<96x128xi32, #tpu.memory_space<vmem>> -> memref<1x128xi32, #tpu.memory_space<vmem>>
      %dma_start3A_100 = tpu.memref_squeeze %dma_start3A_99 : memref<1x128xi32, #tpu.memory_space<vmem>> -> memref<128xi32, #tpu.memory_space<vmem>>
      %dma_start3A_101 = arith.constant 0 : i32
      %dma_start3A_102 = arith.constant 0 : i32
      %dma_start3A_103 = tpu.memref_slice %arg2[%dma_start3A_101, %dma_start3A_102] : memref<10240x128xbf16, #tpu.memory_space<hbm>> -> memref<10240x128xbf16, #tpu.memory_space<hbm>>
      tpu.enqueue_indirect_dma source(%dma_start3A_103 : memref<10240x128xbf16, #tpu.memory_space<hbm>>) target(%arg15 : memref<128x128xbf16, #tpu.memory_space<vmem>>) offsets(%dma_start3A_100 : memref<128xi32, #tpu.memory_space<vmem>>) semaphore(%arg24 : memref<!tpu.dma_semaphore, #tpu.memory_space<semaphore_mem>>)
      %dma_wait3A_104 = arith.constant 3 : i32
      %dma_wait3A_105 = arith.constant 0 : i32
      %dma_wait3A_106 = tpu.memref_slice %arg7[%dma_wait3A_104, %dma_wait3A_105] : memref<96x128xi32, #tpu.memory_space<vmem>> -> memref<1x128xi32, #tpu.memory_space<vmem>>
      %dma_wait3A_107 = tpu.memref_squeeze %dma_wait3A_106 : memref<1x128xi32, #tpu.memory_space<vmem>> -> memref<128xi32, #tpu.memory_space<vmem>>
      %dma_wait3A_108 = arith.constant 0 : i32
      %dma_wait3A_109 = arith.constant 0 : i32
      %dma_wait3A_110 = tpu.memref_slice %arg2[%dma_wait3A_108, %dma_wait3A_109] : memref<10240x128xbf16, #tpu.memory_space<hbm>> -> memref<10240x128xbf16, #tpu.memory_space<hbm>>
      tpu.wait_indirect_dma semaphore(%arg21 : memref<!tpu.dma_semaphore, #tpu.memory_space<semaphore_mem>>) src(%dma_wait3A_110 : memref<10240x128xbf16, #tpu.memory_space<hbm>>) dst(%arg12 : memref<128x128xbf16, #tpu.memory_space<vmem>>)
      %dma_start3A_111 = arith.constant 3 : i32
      %dma_start3A_112 = arith.constant 0 : i32
      %dma_start3A_113 = tpu.memref_slice %arg8[%dma_start3A_111, %dma_start3A_112] : memref<96x128xi32, #tpu.memory_space<vmem>> -> memref<1x128xi32, #tpu.memory_space<vmem>>
      %dma_start3A_114 = tpu.memref_squeeze %dma_start3A_113 : memref<1x128xi32, #tpu.memory_space<vmem>> -> memref<128xi32, #tpu.memory_space<vmem>>
      %dma_start3A_115 = arith.constant 0 : i32
      %dma_start3A_116 = arith.constant 0 : i32
      %dma_start3A_117 = tpu.memref_slice %arg17[%dma_start3A_115, %dma_start3A_116] : memref<10240x128xbf16, #tpu.memory_space<vmem_shared>> -> memref<10240x128xbf16, #tpu.memory_space<vmem_shared>>
      tpu.enqueue_indirect_dma source(%arg12 : memref<128x128xbf16, #tpu.memory_space<vmem>>) target(%dma_start3A_117 : memref<10240x128xbf16, #tpu.memory_space<vmem_shared>>) offsets(%dma_start3A_114 : memref<128xi32, #tpu.memory_space<vmem>>) semaphore(%arg29 : memref<!tpu.dma_semaphore, #tpu.memory_space<semaphore_mem>>) {add = true}
      %dma_start3A_118 = arith.constant 7 : i32
      %dma_start3A_119 = arith.constant 0 : i32
      %dma_start3A_120 = tpu.memref_slice %arg7[%dma_start3A_118, %dma_start3A_119] : memref<96x128xi32, #tpu.memory_space<vmem>> -> memref<1x128xi32, #tpu.memory_space<vmem>>
      %dma_start3A_121 = tpu.memref_squeeze %dma_start3A_120 : memref<1x128xi32, #tpu.memory_space<vmem>> -> memref<128xi32, #tpu.memory_space<vmem>>
      %dma_start3A_122 = arith.constant 0 : i32
      %dma_start3A_123 = arith.constant 0 : i32
      %dma_start3A_124 = tpu.memref_slice %arg2[%dma_start3A_122, %dma_start3A_123] : memref<10240x128xbf16, #tpu.memory_space<hbm>> -> memref<10240x128xbf16, #tpu.memory_space<hbm>>
      tpu.enqueue_indirect_dma source(%dma_start3A_124 : memref<10240x128xbf16, #tpu.memory_space<hbm>>) target(%arg16 : memref<128x128xbf16, #tpu.memory_space<vmem>>) offsets(%dma_start3A_121 : memref<128xi32, #tpu.memory_space<vmem>>) semaphore(%arg25 : memref<!tpu.dma_semaphore, #tpu.memory_space<semaphore_mem>>)
      %dma_wait3A_125 = arith.constant 4 : i32
      %dma_wait3A_126 = arith.constant 0 : i32
      %dma_wait3A_127 = tpu.memref_slice %arg7[%dma_wait3A_125, %dma_wait3A_126] : memref<96x128xi32, #tpu.memory_space<vmem>> -> memref<1x128xi32, #tpu.memory_space<vmem>>
      %dma_wait3A_128 = tpu.memref_squeeze %dma_wait3A_127 : memref<1x128xi32, #tpu.memory_space<vmem>> -> memref<128xi32, #tpu.memory_space<vmem>>
      %dma_wait3A_129 = arith.constant 0 : i32
      %dma_wait3A_130 = arith.constant 0 : i32
      %dma_wait3A_131 = tpu.memref_slice %arg2[%dma_wait3A_129, %dma_wait3A_130] : memref<10240x128xbf16, #tpu.memory_space<hbm>> -> memref<10240x128xbf16, #tpu.memory_space<hbm>>
      tpu.wait_indirect_dma semaphore(%arg22 : memref<!tpu.dma_semaphore, #tpu.memory_space<semaphore_mem>>) src(%dma_wait3A_131 : memref<10240x128xbf16, #tpu.memory_space<hbm>>) dst(%arg13 : memref<128x128xbf16, #tpu.memory_space<vmem>>)
      %dma_start3A_132 = arith.constant 4 : i32
      %dma_start3A_133 = arith.constant 0 : i32
      %dma_start3A_134 = tpu.memref_slice %arg8[%dma_start3A_132, %dma_start3A_133] : memref<96x128xi32, #tpu.memory_space<vmem>> -> memref<1x128xi32, #tpu.memory_space<vmem>>
      %dma_start3A_135 = tpu.memref_squeeze %dma_start3A_134 : memref<1x128xi32, #tpu.memory_space<vmem>> -> memref<128xi32, #tpu.memory_space<vmem>>
      %dma_start3A_136 = arith.constant 0 : i32
      %dma_start3A_137 = arith.constant 0 : i32
      %dma_start3A_138 = tpu.memref_slice %arg17[%dma_start3A_136, %dma_start3A_137] : memref<10240x128xbf16, #tpu.memory_space<vmem_shared>> -> memref<10240x128xbf16, #tpu.memory_space<vmem_shared>>
      tpu.enqueue_indirect_dma source(%arg13 : memref<128x128xbf16, #tpu.memory_space<vmem>>) target(%dma_start3A_138 : memref<10240x128xbf16, #tpu.memory_space<vmem_shared>>) offsets(%dma_start3A_135 : memref<128xi32, #tpu.memory_space<vmem>>) semaphore(%arg30 : memref<!tpu.dma_semaphore, #tpu.memory_space<semaphore_mem>>) {add = true}
      %dma_wait3A_139 = arith.constant 0 : i32
      %dma_wait3A_140 = arith.constant 0 : i32
      %dma_wait3A_141 = tpu.memref_slice %arg8[%dma_wait3A_139, %dma_wait3A_140] : memref<96x128xi32, #tpu.memory_space<vmem>> -> memref<1x128xi32, #tpu.memory_space<vmem>>
      %dma_wait3A_142 = tpu.memref_squeeze %dma_wait3A_141 : memref<1x128xi32, #tpu.memory_space<vmem>> -> memref<128xi32, #tpu.memory_space<vmem>>
      %dma_wait3A_143 = arith.constant 0 : i32
      %dma_wait3A_144 = arith.constant 0 : i32
      %dma_wait3A_145 = tpu.memref_slice %arg17[%dma_wait3A_143, %dma_wait3A_144] : memref<10240x128xbf16, #tpu.memory_space<vmem_shared>> -> memref<10240x128xbf16, #tpu.memory_space<vmem_shared>>
      tpu.wait_indirect_dma semaphore(%arg26 : memref<!tpu.dma_semaphore, #tpu.memory_space<semaphore_mem>>) src(%arg9 : memref<128x128xbf16, #tpu.memory_space<vmem>>) dst(%dma_wait3A_145 : memref<10240x128xbf16, #tpu.memory_space<vmem_shared>>)
      %dma_start3A_146 = arith.constant 8 : i32
      %dma_start3A_147 = arith.constant 0 : i32
      %dma_start3A_148 = tpu.memref_slice %arg7[%dma_start3A_146, %dma_start3A_147] : memref<96x128xi32, #tpu.memory_space<vmem>> -> memref<1x128xi32, #tpu.memory_space<vmem>>
      %dma_start3A_149 = tpu.memref_squeeze %dma_start3A_148 : memref<1x128xi32, #tpu.memory_space<vmem>> -> memref<128xi32, #tpu.memory_space<vmem>>
      %dma_start3A_150 = arith.constant 0 : i32
      %dma_start3A_151 = arith.constant 0 : i32
      %dma_start3A_152 = tpu.memref_slice %arg2[%dma_start3A_150, %dma_start3A_151] : memref<10240x128xbf16, #tpu.memory_space<hbm>> -> memref<10240x128xbf16, #tpu.memory_space<hbm>>
      tpu.enqueue_indirect_dma source(%dma_start3A_152 : memref<10240x128xbf16, #tpu.memory_space<hbm>>) target(%arg9 : memref<128x128xbf16, #tpu.memory_space<vmem>>) offsets(%dma_start3A_149 : memref<128xi32, #tpu.memory_space<vmem>>) semaphore(%arg18 : memref<!tpu.dma_semaphore, #tpu.memory_space<semaphore_mem>>)
      %dma_wait3A_153 = arith.constant 5 : i32
      %dma_wait3A_154 = arith.constant 0 : i32
      %dma_wait3A_155 = tpu.memref_slice %arg7[%dma_wait3A_153, %dma_wait3A_154] : memref<96x128xi32, #tpu.memory_space<vmem>> -> memref<1x128xi32, #tpu.memory_space<vmem>>
      %dma_wait3A_156 = tpu.memref_squeeze %dma_wait3A_155 : memref<1x128xi32, #tpu.memory_space<vmem>> -> memref<128xi32, #tpu.memory_space<vmem>>
      %dma_wait3A_157 = arith.constant 0 : i32
      %dma_wait3A_158 = arith.constant 0 : i32
      %dma_wait3A_159 = tpu.memref_slice %arg2[%dma_wait3A_157, %dma_wait3A_158] : memref<10240x128xbf16, #tpu.memory_space<hbm>> -> memref<10240x128xbf16, #tpu.memory_space<hbm>>
      tpu.wait_indirect_dma semaphore(%arg23 : memref<!tpu.dma_semaphore, #tpu.memory_space<semaphore_mem>>) src(%dma_wait3A_159 : memref<10240x128xbf16, #tpu.memory_space<hbm>>) dst(%arg14 : memref<128x128xbf16, #tpu.memory_space<vmem>>)
      %dma_start3A_160 = arith.constant 5 : i32
      %dma_start3A_161 = arith.constant 0 : i32
      %dma_start3A_162 = tpu.memref_slice %arg8[%dma_start3A_160, %dma_start3A_161] : memref<96x128xi32, #tpu.memory_space<vmem>> -> memref<1x128xi32, #tpu.memory_space<vmem>>
      %dma_start3A_163 = tpu.memref_squeeze %dma_start3A_162 : memref<1x128xi32, #tpu.memory_space<vmem>> -> memref<128xi32, #tpu.memory_space<vmem>>
      %dma_start3A_164 = arith.constant 0 : i32
      %dma_start3A_165 = arith.constant 0 : i32
      %dma_start3A_166 = tpu.memref_slice %arg17[%dma_start3A_164, %dma_start3A_165] : memref<10240x128xbf16, #tpu.memory_space<vmem_shared>> -> memref<10240x128xbf16, #tpu.memory_space<vmem_shared>>
      tpu.enqueue_indirect_dma source(%arg14 : memref<128x128xbf16, #tpu.memory_space<vmem>>) target(%dma_start3A_166 : memref<10240x128xbf16, #tpu.memory_space<vmem_shared>>) offsets(%dma_start3A_163 : memref<128xi32, #tpu.memory_space<vmem>>) semaphore(%arg31 : memref<!tpu.dma_semaphore, #tpu.memory_space<semaphore_mem>>) {add = true}
      %dma_wait3A_167 = arith.constant 1 : i32
      %dma_wait3A_168 = arith.constant 0 : i32
      %dma_wait3A_169 = tpu.memref_slice %arg8[%dma_wait3A_167, %dma_wait3A_168] : memref<96x128xi32, #tpu.memory_space<vmem>> -> memref<1x128xi32, #tpu.memory_space<vmem>>
      %dma_wait3A_170 = tpu.memref_squeeze %dma_wait3A_169 : memref<1x128xi32, #tpu.memory_space<vmem>> -> memref<128xi32, #tpu.memory_space<vmem>>
      %dma_wait3A_171 = arith.constant 0 : i32
      %dma_wait3A_172 = arith.constant 0 : i32
      %dma_wait3A_173 = tpu.memref_slice %arg17[%dma_wait3A_171, %dma_wait3A_172] : memref<10240x128xbf16, #tpu.memory_space<vmem_shared>> -> memref<10240x128xbf16, #tpu.memory_space<vmem_shared>>
      tpu.wait_indirect_dma semaphore(%arg27 : memref<!tpu.dma_semaphore, #tpu.memory_space<semaphore_mem>>) src(%arg10 : memref<128x128xbf16, #tpu.memory_space<vmem>>) dst(%dma_wait3A_173 : memref<10240x128xbf16, #tpu.memory_space<vmem_shared>>)
      %dma_start3A_174 = arith.constant 9 : i32
      %dma_start3A_175 = arith.constant 0 : i32
      %dma_start3A_176 = tpu.memref_slice %arg7[%dma_start3A_174, %dma_start3A_175] : memref<96x128xi32, #tpu.memory_space<vmem>> -> memref<1x128xi32, #tpu.memory_space<vmem>>
      %dma_start3A_177 = tpu.memref_squeeze %dma_start3A_176 : memref<1x128xi32, #tpu.memory_space<vmem>> -> memref<128xi32, #tpu.memory_space<vmem>>
      %dma_start3A_178 = arith.constant 0 : i32
      %dma_start3A_179 = arith.constant 0 : i32
      %dma_start3A_180 = tpu.memref_slice %arg2[%dma_start3A_178, %dma_start3A_179] : memref<10240x128xbf16, #tpu.memory_space<hbm>> -> memref<10240x128xbf16, #tpu.memory_space<hbm>>
      tpu.enqueue_indirect_dma source(%dma_start3A_180 : memref<10240x128xbf16, #tpu.memory_space<hbm>>) target(%arg10 : memref<128x128xbf16, #tpu.memory_space<vmem>>) offsets(%dma_start3A_177 : memref<128xi32, #tpu.memory_space<vmem>>) semaphore(%arg19 : memref<!tpu.dma_semaphore, #tpu.memory_space<semaphore_mem>>)
      %dma_wait3A_181 = arith.constant 6 : i32
      %dma_wait3A_182 = arith.constant 0 : i32
      %dma_wait3A_183 = tpu.memref_slice %arg7[%dma_wait3A_181, %dma_wait3A_182] : memref<96x128xi32, #tpu.memory_space<vmem>> -> memref<1x128xi32, #tpu.memory_space<vmem>>
      %dma_wait3A_184 = tpu.memref_squeeze %dma_wait3A_183 : memref<1x128xi32, #tpu.memory_space<vmem>> -> memref<128xi32, #tpu.memory_space<vmem>>
      %dma_wait3A_185 = arith.constant 0 : i32
      %dma_wait3A_186 = arith.constant 0 : i32
      %dma_wait3A_187 = tpu.memref_slice %arg2[%dma_wait3A_185, %dma_wait3A_186] : memref<10240x128xbf16, #tpu.memory_space<hbm>> -> memref<10240x128xbf16, #tpu.memory_space<hbm>>
      tpu.wait_indirect_dma semaphore(%arg24 : memref<!tpu.dma_semaphore, #tpu.memory_space<semaphore_mem>>) src(%dma_wait3A_187 : memref<10240x128xbf16, #tpu.memory_space<hbm>>) dst(%arg15 : memref<128x128xbf16, #tpu.memory_space<vmem>>)
      %dma_start3A_188 = arith.constant 6 : i32
      %dma_start3A_189 = arith.constant 0 : i32
      %dma_start3A_190 = tpu.memref_slice %arg8[%dma_start3A_188, %dma_start3A_189] : memref<96x128xi32, #tpu.memory_space<vmem>> -> memref<1x128xi32, #tpu.memory_space<vmem>>
      %dma_start3A_191 = tpu.memref_squeeze %dma_start3A_190 : memref<1x128xi32, #tpu.memory_space<vmem>> -> memref<128xi32, #tpu.memory_space<vmem>>
      %dma_start3A_192 = arith.constant 0 : i32
      %dma_start3A_193 = arith.constant 0 : i32
      %dma_start3A_194 = tpu.memref_slice %arg17[%dma_start3A_192, %dma_start3A_193] : memref<10240x128xbf16, #tpu.memory_space<vmem_shared>> -> memref<10240x128xbf16, #tpu.memory_space<vmem_shared>>
      tpu.enqueue_indirect_dma source(%arg15 : memref<128x128xbf16, #tpu.memory_space<vmem>>) target(%dma_start3A_194 : memref<10240x128xbf16, #tpu.memory_space<vmem_shared>>) offsets(%dma_start3A_191 : memref<128xi32, #tpu.memory_space<vmem>>) semaphore(%arg32 : memref<!tpu.dma_semaphore, #tpu.memory_space<semaphore_mem>>) {add = true}
      %dma_wait3A_195 = arith.constant 2 : i32
      %dma_wait3A_196 = arith.constant 0 : i32
      %dma_wait3A_197 = tpu.memref_slice %arg8[%dma_wait3A_195, %dma_wait3A_196] : memref<96x128xi32, #tpu.memory_space<vmem>> -> memref<1x128xi32, #tpu.memory_space<vmem>>
      %dma_wait3A_198 = tpu.memref_squeeze %dma_wait3A_197 : memref<1x128xi32, #tpu.memory_space<vmem>> -> memref<128xi32, #tpu.memory_space<vmem>>
      %dma_wait3A_199 = arith.constant 0 : i32
      %dma_wait3A_200 = arith.constant 0 : i32
      %dma_wait3A_201 = tpu.memref_slice %arg17[%dma_wait3A_199, %dma_wait3A_200] : memref<10240x128xbf16, #tpu.memory_space<vmem_shared>> -> memref<10240x128xbf16, #tpu.memory_space<vmem_shared>>
      tpu.wait_indirect_dma semaphore(%arg28 : memref<!tpu.dma_semaphore, #tpu.memory_space<semaphore_mem>>) src(%arg11 : memref<128x128xbf16, #tpu.memory_space<vmem>>) dst(%dma_wait3A_201 : memref<10240x128xbf16, #tpu.memory_space<vmem_shared>>)
      %dma_start3A_202 = arith.constant 10 : i32
      %dma_start3A_203 = arith.constant 0 : i32
      %dma_start3A_204 = tpu.memref_slice %arg7[%dma_start3A_202, %dma_start3A_203] : memref<96x128xi32, #tpu.memory_space<vmem>> -> memref<1x128xi32, #tpu.memory_space<vmem>>
      %dma_start3A_205 = tpu.memref_squeeze %dma_start3A_204 : memref<1x128xi32, #tpu.memory_space<vmem>> -> memref<128xi32, #tpu.memory_space<vmem>>
      %dma_start3A_206 = arith.constant 0 : i32
      %dma_start3A_207 = arith.constant 0 : i32
      %dma_start3A_208 = tpu.memref_slice %arg2[%dma_start3A_206, %dma_start3A_207] : memref<10240x128xbf16, #tpu.memory_space<hbm>> -> memref<10240x128xbf16, #tpu.memory_space<hbm>>
      tpu.enqueue_indirect_dma source(%dma_start3A_208 : memref<10240x128xbf16, #tpu.memory_space<hbm>>) target(%arg11 : memref<128x128xbf16, #tpu.memory_space<vmem>>) offsets(%dma_start3A_205 : memref<128xi32, #tpu.memory_space<vmem>>) semaphore(%arg20 : memref<!tpu.dma_semaphore, #tpu.memory_space<semaphore_mem>>)
      %dma_wait3A_209 = arith.constant 7 : i32
      %dma_wait3A_210 = arith.constant 0 : i32
      %dma_wait3A_211 = tpu.memref_slice %arg7[%dma_wait3A_209, %dma_wait3A_210] : memref<96x128xi32, #tpu.memory_space<vmem>> -> memref<1x128xi32, #tpu.memory_space<vmem>>
      %dma_wait3A_212 = tpu.memref_squeeze %dma_wait3A_211 : memref<1x128xi32, #tpu.memory_space<vmem>> -> memref<128xi32, #tpu.memory_space<vmem>>
      %dma_wait3A_213 = arith.constant 0 : i32
      %dma_wait3A_214 = arith.constant 0 : i32
      %dma_wait3A_215 = tpu.memref_slice %arg2[%dma_wait3A_213, %dma_wait3A_214] : memref<10240x128xbf16, #tpu.memory_space<hbm>> -> memref<10240x128xbf16, #tpu.memory_space<hbm>>
      tpu.wait_indirect_dma semaphore(%arg25 : memref<!tpu.dma_semaphore, #tpu.memory_space<semaphore_mem>>) src(%dma_wait3A_215 : memref<10240x128xbf16, #tpu.memory_space<hbm>>) dst(%arg16 : memref<128x128xbf16, #tpu.memory_space<vmem>>)
      %dma_start3A_216 = arith.constant 7 : i32
      %dma_start3A_217 = arith.constant 0 : i32
      %dma_start3A_218 = tpu.memref_slice %arg8[%dma_start3A_216, %dma_start3A_217] : memref<96x128xi32, #tpu.memory_space<vmem>> -> memref<1x128xi32, #tpu.memory_space<vmem>>
      %dma_start3A_219 = tpu.memref_squeeze %dma_start3A_218 : memref<1x128xi32, #tpu.memory_space<vmem>> -> memref<128xi32, #tpu.memory_space<vmem>>
      %dma_start3A_220 = arith.constant 0 : i32
      %dma_start3A_221 = arith.constant 0 : i32
      %dma_start3A_222 = tpu.memref_slice %arg17[%dma_start3A_220, %dma_start3A_221] : memref<10240x128xbf16, #tpu.memory_space<vmem_shared>> -> memref<10240x128xbf16, #tpu.memory_space<vmem_shared>>
      tpu.enqueue_indirect_dma source(%arg16 : memref<128x128xbf16, #tpu.memory_space<vmem>>) target(%dma_start3A_222 : memref<10240x128xbf16, #tpu.memory_space<vmem_shared>>) offsets(%dma_start3A_219 : memref<128xi32, #tpu.memory_space<vmem>>) semaphore(%arg33 : memref<!tpu.dma_semaphore, #tpu.memory_space<semaphore_mem>>) {add = true}
      %dma_wait3A_223 = arith.constant 3 : i32
      %dma_wait3A_224 = arith.constant 0 : i32
      %dma_wait3A_225 = tpu.memref_slice %arg8[%dma_wait3A_223, %dma_wait3A_224] : memref<96x128xi32, #tpu.memory_space<vmem>> -> memref<1x128xi32, #tpu.memory_space<vmem>>
      %dma_wait3A_226 = tpu.memref_squeeze %dma_wait3A_225 : memref<1x128xi32, #tpu.memory_space<vmem>> -> memref<128xi32, #tpu.memory_space<vmem>>
      %dma_wait3A_227 = arith.constant 0 : i32
      %dma_wait3A_228 = arith.constant 0 : i32
      %dma_wait3A_229 = tpu.memref_slice %arg17[%dma_wait3A_227, %dma_wait3A_228] : memref<10240x128xbf16, #tpu.memory_space<vmem_shared>> -> memref<10240x128xbf16, #tpu.memory_space<vmem_shared>>
      tpu.wait_indirect_dma semaphore(%arg29 : memref<!tpu.dma_semaphore, #tpu.memory_space<semaphore_mem>>) src(%arg12 : memref<128x128xbf16, #tpu.memory_space<vmem>>) dst(%dma_wait3A_229 : memref<10240x128xbf16, #tpu.memory_space<vmem_shared>>)
      %dma_start3A_230 = arith.constant 11 : i32
      %dma_start3A_231 = arith.constant 0 : i32
      %dma_start3A_232 = tpu.memref_slice %arg7[%dma_start3A_230, %dma_start3A_231] : memref<96x128xi32, #tpu.memory_space<vmem>> -> memref<1x128xi32, #tpu.memory_space<vmem>>
      %dma_start3A_233 = tpu.memref_squeeze %dma_start3A_232 : memref<1x128xi32, #tpu.memory_space<vmem>> -> memref<128xi32, #tpu.memory_space<vmem>>
      %dma_start3A_234 = arith.constant 0 : i32
      %dma_start3A_235 = arith.constant 0 : i32
      %dma_start3A_236 = tpu.memref_slice %arg2[%dma_start3A_234, %dma_start3A_235] : memref<10240x128xbf16, #tpu.memory_space<hbm>> -> memref<10240x128xbf16, #tpu.memory_space<hbm>>
      tpu.enqueue_indirect_dma source(%dma_start3A_236 : memref<10240x128xbf16, #tpu.memory_space<hbm>>) target(%arg12 : memref<128x128xbf16, #tpu.memory_space<vmem>>) offsets(%dma_start3A_233 : memref<128xi32, #tpu.memory_space<vmem>>) semaphore(%arg21 : memref<!tpu.dma_semaphore, #tpu.memory_space<semaphore_mem>>)
      %scan3A = arith.constant 0 : i32
      %scan3A_237 = arith.constant 1 : i32
      %scan3A_238 = arith.constant 7 : i32
      %scan3A_239 = arith.addi %scan3A_237, %scan3A_238 : i32
      %scan3A_240 = arith.constant 1 : i32
      scf.for %scan3A_298 = %scan3A_237 to %scan3A_239 step %scan3A_240  : i32 {
        %mul3A_299 = arith.constant 8 : i32
        %mul3A_300 = arith.muli %mul3A_299, %scan3A_298 : i32
        %add3A_301 = arith.constant 0 : i32
        %add3A_302 = arith.addi %mul3A_300, %add3A_301 : i32
        %dma_wait3A_303 = arith.constant 0 : i32
        %dma_wait3A_304 = tpu.memref_slice %arg7[%add3A_302, %dma_wait3A_303] : memref<96x128xi32, #tpu.memory_space<vmem>> -> memref<1x128xi32, #tpu.memory_space<vmem>>
        %dma_wait3A_305 = tpu.memref_squeeze %dma_wait3A_304 : memref<1x128xi32, #tpu.memory_space<vmem>> -> memref<128xi32, #tpu.memory_space<vmem>>
        %dma_wait3A_306 = arith.constant 0 : i32
        %dma_wait3A_307 = arith.constant 0 : i32
        %dma_wait3A_308 = tpu.memref_slice %arg2[%dma_wait3A_306, %dma_wait3A_307] : memref<10240x128xbf16, #tpu.memory_space<hbm>> -> memref<10240x128xbf16, #tpu.memory_space<hbm>>
        tpu.wait_indirect_dma semaphore(%arg18 : memref<!tpu.dma_semaphore, #tpu.memory_space<semaphore_mem>>) src(%dma_wait3A_308 : memref<10240x128xbf16, #tpu.memory_space<hbm>>) dst(%arg9 : memref<128x128xbf16, #tpu.memory_space<vmem>>)
        %dma_start3A_309 = arith.constant 0 : i32
        %dma_start3A_310 = tpu.memref_slice %arg8[%add3A_302, %dma_start3A_309] : memref<96x128xi32, #tpu.memory_space<vmem>> -> memref<1x128xi32, #tpu.memory_space<vmem>>
        %dma_start3A_311 = tpu.memref_squeeze %dma_start3A_310 : memref<1x128xi32, #tpu.memory_space<vmem>> -> memref<128xi32, #tpu.memory_space<vmem>>
        %dma_start3A_312 = arith.constant 0 : i32
        %dma_start3A_313 = arith.constant 0 : i32
        %dma_start3A_314 = tpu.memref_slice %arg17[%dma_start3A_312, %dma_start3A_313] : memref<10240x128xbf16, #tpu.memory_space<vmem_shared>> -> memref<10240x128xbf16, #tpu.memory_space<vmem_shared>>
        tpu.enqueue_indirect_dma source(%arg9 : memref<128x128xbf16, #tpu.memory_space<vmem>>) target(%dma_start3A_314 : memref<10240x128xbf16, #tpu.memory_space<vmem_shared>>) offsets(%dma_start3A_311 : memref<128xi32, #tpu.memory_space<vmem>>) semaphore(%arg26 : memref<!tpu.dma_semaphore, #tpu.memory_space<semaphore_mem>>) {add = true}
        %sub3A = arith.constant 4 : i32
        %sub3A_315 = arith.subi %add3A_302, %sub3A : i32
        %dma_wait3A_316 = arith.constant 0 : i32
        %dma_wait3A_317 = tpu.memref_slice %arg8[%sub3A_315, %dma_wait3A_316] : memref<96x128xi32, #tpu.memory_space<vmem>> -> memref<1x128xi32, #tpu.memory_space<vmem>>
        %dma_wait3A_318 = tpu.memref_squeeze %dma_wait3A_317 : memref<1x128xi32, #tpu.memory_space<vmem>> -> memref<128xi32, #tpu.memory_space<vmem>>
        %dma_wait3A_319 = arith.constant 0 : i32
        %dma_wait3A_320 = arith.constant 0 : i32
        %dma_wait3A_321 = tpu.memref_slice %arg17[%dma_wait3A_319, %dma_wait3A_320] : memref<10240x128xbf16, #tpu.memory_space<vmem_shared>> -> memref<10240x128xbf16, #tpu.memory_space<vmem_shared>>
        tpu.wait_indirect_dma semaphore(%arg30 : memref<!tpu.dma_semaphore, #tpu.memory_space<semaphore_mem>>) src(%arg13 : memref<128x128xbf16, #tpu.memory_space<vmem>>) dst(%dma_wait3A_321 : memref<10240x128xbf16, #tpu.memory_space<vmem_shared>>)
        %add3A_322 = arith.constant 4 : i32
        %add3A_323 = arith.addi %add3A_302, %add3A_322 : i32
        %min3A = arith.constant 63 : i32
        %min3A_324 = arith.minsi %add3A_323, %min3A : i32
        %dma_start3A_325 = arith.constant 0 : i32
        %dma_start3A_326 = tpu.memref_slice %arg7[%min3A_324, %dma_start3A_325] : memref<96x128xi32, #tpu.memory_space<vmem>> -> memref<1x128xi32, #tpu.memory_space<vmem>>
        %dma_start3A_327 = tpu.memref_squeeze %dma_start3A_326 : memref<1x128xi32, #tpu.memory_space<vmem>> -> memref<128xi32, #tpu.memory_space<vmem>>
        %dma_start3A_328 = arith.constant 0 : i32
        %dma_start3A_329 = arith.constant 0 : i32
        %dma_start3A_330 = tpu.memref_slice %arg2[%dma_start3A_328, %dma_start3A_329] : memref<10240x128xbf16, #tpu.memory_space<hbm>> -> memref<10240x128xbf16, #tpu.memory_space<hbm>>
        tpu.enqueue_indirect_dma source(%dma_start3A_330 : memref<10240x128xbf16, #tpu.memory_space<hbm>>) target(%arg13 : memref<128x128xbf16, #tpu.memory_space<vmem>>) offsets(%dma_start3A_327 : memref<128xi32, #tpu.memory_space<vmem>>) semaphore(%arg22 : memref<!tpu.dma_semaphore, #tpu.memory_space<semaphore_mem>>)
        %add3A_331 = arith.constant 1 : i32
        %add3A_332 = arith.addi %mul3A_300, %add3A_331 : i32
        %dma_wait3A_333 = arith.constant 0 : i32
        %dma_wait3A_334 = tpu.memref_slice %arg7[%add3A_332, %dma_wait3A_333] : memref<96x128xi32, #tpu.memory_space<vmem>> -> memref<1x128xi32, #tpu.memory_space<vmem>>
        %dma_wait3A_335 = tpu.memref_squeeze %dma_wait3A_334 : memref<1x128xi32, #tpu.memory_space<vmem>> -> memref<128xi32, #tpu.memory_space<vmem>>
        %dma_wait3A_336 = arith.constant 0 : i32
        %dma_wait3A_337 = arith.constant 0 : i32
        %dma_wait3A_338 = tpu.memref_slice %arg2[%dma_wait3A_336, %dma_wait3A_337] : memref<10240x128xbf16, #tpu.memory_space<hbm>> -> memref<10240x128xbf16, #tpu.memory_space<hbm>>
        tpu.wait_indirect_dma semaphore(%arg19 : memref<!tpu.dma_semaphore, #tpu.memory_space<semaphore_mem>>) src(%dma_wait3A_338 : memref<10240x128xbf16, #tpu.memory_space<hbm>>) dst(%arg10 : memref<128x128xbf16, #tpu.memory_space<vmem>>)
        %dma_start3A_339 = arith.constant 0 : i32
        %dma_start3A_340 = tpu.memref_slice %arg8[%add3A_332, %dma_start3A_339] : memref<96x128xi32, #tpu.memory_space<vmem>> -> memref<1x128xi32, #tpu.memory_space<vmem>>
        %dma_start3A_341 = tpu.memref_squeeze %dma_start3A_340 : memref<1x128xi32, #tpu.memory_space<vmem>> -> memref<128xi32, #tpu.memory_space<vmem>>
        %dma_start3A_342 = arith.constant 0 : i32
        %dma_start3A_343 = arith.constant 0 : i32
        %dma_start3A_344 = tpu.memref_slice %arg17[%dma_start3A_342, %dma_start3A_343] : memref<10240x128xbf16, #tpu.memory_space<vmem_shared>> -> memref<10240x128xbf16, #tpu.memory_space<vmem_shared>>
        tpu.enqueue_indirect_dma source(%arg10 : memref<128x128xbf16, #tpu.memory_space<vmem>>) target(%dma_start3A_344 : memref<10240x128xbf16, #tpu.memory_space<vmem_shared>>) offsets(%dma_start3A_341 : memref<128xi32, #tpu.memory_space<vmem>>) semaphore(%arg27 : memref<!tpu.dma_semaphore, #tpu.memory_space<semaphore_mem>>) {add = true}
        %sub3A_345 = arith.constant 4 : i32
        %sub3A_346 = arith.subi %add3A_332, %sub3A_345 : i32
        %dma_wait3A_347 = arith.constant 0 : i32
        %dma_wait3A_348 = tpu.memref_slice %arg8[%sub3A_346, %dma_wait3A_347] : memref<96x128xi32, #tpu.memory_space<vmem>> -> memref<1x128xi32, #tpu.memory_space<vmem>>
        %dma_wait3A_349 = tpu.memref_squeeze %dma_wait3A_348 : memref<1x128xi32, #tpu.memory_space<vmem>> -> memref<128xi32, #tpu.memory_space<vmem>>
        %dma_wait3A_350 = arith.constant 0 : i32
        %dma_wait3A_351 = arith.constant 0 : i32
        %dma_wait3A_352 = tpu.memref_slice %arg17[%dma_wait3A_350, %dma_wait3A_351] : memref<10240x128xbf16, #tpu.memory_space<vmem_shared>> -> memref<10240x128xbf16, #tpu.memory_space<vmem_shared>>
        tpu.wait_indirect_dma semaphore(%arg31 : memref<!tpu.dma_semaphore, #tpu.memory_space<semaphore_mem>>) src(%arg14 : memref<128x128xbf16, #tpu.memory_space<vmem>>) dst(%dma_wait3A_352 : memref<10240x128xbf16, #tpu.memory_space<vmem_shared>>)
        %add3A_353 = arith.constant 4 : i32
        %add3A_354 = arith.addi %add3A_332, %add3A_353 : i32
        %min3A_355 = arith.constant 63 : i32
        %min3A_356 = arith.minsi %add3A_354, %min3A_355 : i32
        %dma_start3A_357 = arith.constant 0 : i32
        %dma_start3A_358 = tpu.memref_slice %arg7[%min3A_356, %dma_start3A_357] : memref<96x128xi32, #tpu.memory_space<vmem>> -> memref<1x128xi32, #tpu.memory_space<vmem>>
        %dma_start3A_359 = tpu.memref_squeeze %dma_start3A_358 : memref<1x128xi32, #tpu.memory_space<vmem>> -> memref<128xi32, #tpu.memory_space<vmem>>
        %dma_start3A_360 = arith.constant 0 : i32
        %dma_start3A_361 = arith.constant 0 : i32
        %dma_start3A_362 = tpu.memref_slice %arg2[%dma_start3A_360, %dma_start3A_361] : memref<10240x128xbf16, #tpu.memory_space<hbm>> -> memref<10240x128xbf16, #tpu.memory_space<hbm>>
        tpu.enqueue_indirect_dma source(%dma_start3A_362 : memref<10240x128xbf16, #tpu.memory_space<hbm>>) target(%arg14 : memref<128x128xbf16, #tpu.memory_space<vmem>>) offsets(%dma_start3A_359 : memref<128xi32, #tpu.memory_space<vmem>>) semaphore(%arg23 : memref<!tpu.dma_semaphore, #tpu.memory_space<semaphore_mem>>)
        %add3A_363 = arith.constant 2 : i32
        %add3A_364 = arith.addi %mul3A_300, %add3A_363 : i32
        %dma_wait3A_365 = arith.constant 0 : i32
        %dma_wait3A_366 = tpu.memref_slice %arg7[%add3A_364, %dma_wait3A_365] : memref<96x128xi32, #tpu.memory_space<vmem>> -> memref<1x128xi32, #tpu.memory_space<vmem>>
        %dma_wait3A_367 = tpu.memref_squeeze %dma_wait3A_366 : memref<1x128xi32, #tpu.memory_space<vmem>> -> memref<128xi32, #tpu.memory_space<vmem>>
        %dma_wait3A_368 = arith.constant 0 : i32
        %dma_wait3A_369 = arith.constant 0 : i32
        %dma_wait3A_370 = tpu.memref_slice %arg2[%dma_wait3A_368, %dma_wait3A_369] : memref<10240x128xbf16, #tpu.memory_space<hbm>> -> memref<10240x128xbf16, #tpu.memory_space<hbm>>
        tpu.wait_indirect_dma semaphore(%arg20 : memref<!tpu.dma_semaphore, #tpu.memory_space<semaphore_mem>>) src(%dma_wait3A_370 : memref<10240x128xbf16, #tpu.memory_space<hbm>>) dst(%arg11 : memref<128x128xbf16, #tpu.memory_space<vmem>>)
        %dma_start3A_371 = arith.constant 0 : i32
        %dma_start3A_372 = tpu.memref_slice %arg8[%add3A_364, %dma_start3A_371] : memref<96x128xi32, #tpu.memory_space<vmem>> -> memref<1x128xi32, #tpu.memory_space<vmem>>
        %dma_start3A_373 = tpu.memref_squeeze %dma_start3A_372 : memref<1x128xi32, #tpu.memory_space<vmem>> -> memref<128xi32, #tpu.memory_space<vmem>>
        %dma_start3A_374 = arith.constant 0 : i32
        %dma_start3A_375 = arith.constant 0 : i32
        %dma_start3A_376 = tpu.memref_slice %arg17[%dma_start3A_374, %dma_start3A_375] : memref<10240x128xbf16, #tpu.memory_space<vmem_shared>> -> memref<10240x128xbf16, #tpu.memory_space<vmem_shared>>
        tpu.enqueue_indirect_dma source(%arg11 : memref<128x128xbf16, #tpu.memory_space<vmem>>) target(%dma_start3A_376 : memref<10240x128xbf16, #tpu.memory_space<vmem_shared>>) offsets(%dma_start3A_373 : memref<128xi32, #tpu.memory_space<vmem>>) semaphore(%arg28 : memref<!tpu.dma_semaphore, #tpu.memory_space<semaphore_mem>>) {add = true}
        %sub3A_377 = arith.constant 4 : i32
        %sub3A_378 = arith.subi %add3A_364, %sub3A_377 : i32
        %dma_wait3A_379 = arith.constant 0 : i32
        %dma_wait3A_380 = tpu.memref_slice %arg8[%sub3A_378, %dma_wait3A_379] : memref<96x128xi32, #tpu.memory_space<vmem>> -> memref<1x128xi32, #tpu.memory_space<vmem>>
        %dma_wait3A_381 = tpu.memref_squeeze %dma_wait3A_380 : memref<1x128xi32, #tpu.memory_space<vmem>> -> memref<128xi32, #tpu.memory_space<vmem>>
        %dma_wait3A_382 = arith.constant 0 : i32
        %dma_wait3A_383 = arith.constant 0 : i32
        %dma_wait3A_384 = tpu.memref_slice %arg17[%dma_wait3A_382, %dma_wait3A_383] : memref<10240x128xbf16, #tpu.memory_space<vmem_shared>> -> memref<10240x128xbf16, #tpu.memory_space<vmem_shared>>
        tpu.wait_indirect_dma semaphore(%arg32 : memref<!tpu.dma_semaphore, #tpu.memory_space<semaphore_mem>>) src(%arg15 : memref<128x128xbf16, #tpu.memory_space<vmem>>) dst(%dma_wait3A_384 : memref<10240x128xbf16, #tpu.memory_space<vmem_shared>>)
        %add3A_385 = arith.constant 4 : i32
        %add3A_386 = arith.addi %add3A_364, %add3A_385 : i32
        %min3A_387 = arith.constant 63 : i32
        %min3A_388 = arith.minsi %add3A_386, %min3A_387 : i32
        %dma_start3A_389 = arith.constant 0 : i32
        %dma_start3A_390 = tpu.memref_slice %arg7[%min3A_388, %dma_start3A_389] : memref<96x128xi32, #tpu.memory_space<vmem>> -> memref<1x128xi32, #tpu.memory_space<vmem>>
        %dma_start3A_391 = tpu.memref_squeeze %dma_start3A_390 : memref<1x128xi32, #tpu.memory_space<vmem>> -> memref<128xi32, #tpu.memory_space<vmem>>
        %dma_start3A_392 = arith.constant 0 : i32
        %dma_start3A_393 = arith.constant 0 : i32
        %dma_start3A_394 = tpu.memref_slice %arg2[%dma_start3A_392, %dma_start3A_393] : memref<10240x128xbf16, #tpu.memory_space<hbm>> -> memref<10240x128xbf16, #tpu.memory_space<hbm>>
        tpu.enqueue_indirect_dma source(%dma_start3A_394 : memref<10240x128xbf16, #tpu.memory_space<hbm>>) target(%arg15 : memref<128x128xbf16, #tpu.memory_space<vmem>>) offsets(%dma_start3A_391 : memref<128xi32, #tpu.memory_space<vmem>>) semaphore(%arg24 : memref<!tpu.dma_semaphore, #tpu.memory_space<semaphore_mem>>)
        %add3A_395 = arith.constant 3 : i32
        %add3A_396 = arith.addi %mul3A_300, %add3A_395 : i32
        %dma_wait3A_397 = arith.constant 0 : i32
        %dma_wait3A_398 = tpu.memref_slice %arg7[%add3A_396, %dma_wait3A_397] : memref<96x128xi32, #tpu.memory_space<vmem>> -> memref<1x128xi32, #tpu.memory_space<vmem>>
        %dma_wait3A_399 = tpu.memref_squeeze %dma_wait3A_398 : memref<1x128xi32, #tpu.memory_space<vmem>> -> memref<128xi32, #tpu.memory_space<vmem>>
        %dma_wait3A_400 = arith.constant 0 : i32
        %dma_wait3A_401 = arith.constant 0 : i32
        %dma_wait3A_402 = tpu.memref_slice %arg2[%dma_wait3A_400, %dma_wait3A_401] : memref<10240x128xbf16, #tpu.memory_space<hbm>> -> memref<10240x128xbf16, #tpu.memory_space<hbm>>
        tpu.wait_indirect_dma semaphore(%arg21 : memref<!tpu.dma_semaphore, #tpu.memory_space<semaphore_mem>>) src(%dma_wait3A_402 : memref<10240x128xbf16, #tpu.memory_space<hbm>>) dst(%arg12 : memref<128x128xbf16, #tpu.memory_space<vmem>>)
        %dma_start3A_403 = arith.constant 0 : i32
        %dma_start3A_404 = tpu.memref_slice %arg8[%add3A_396, %dma_start3A_403] : memref<96x128xi32, #tpu.memory_space<vmem>> -> memref<1x128xi32, #tpu.memory_space<vmem>>
        %dma_start3A_405 = tpu.memref_squeeze %dma_start3A_404 : memref<1x128xi32, #tpu.memory_space<vmem>> -> memref<128xi32, #tpu.memory_space<vmem>>
        %dma_start3A_406 = arith.constant 0 : i32
        %dma_start3A_407 = arith.constant 0 : i32
        %dma_start3A_408 = tpu.memref_slice %arg17[%dma_start3A_406, %dma_start3A_407] : memref<10240x128xbf16, #tpu.memory_space<vmem_shared>> -> memref<10240x128xbf16, #tpu.memory_space<vmem_shared>>
        tpu.enqueue_indirect_dma source(%arg12 : memref<128x128xbf16, #tpu.memory_space<vmem>>) target(%dma_start3A_408 : memref<10240x128xbf16, #tpu.memory_space<vmem_shared>>) offsets(%dma_start3A_405 : memref<128xi32, #tpu.memory_space<vmem>>) semaphore(%arg29 : memref<!tpu.dma_semaphore, #tpu.memory_space<semaphore_mem>>) {add = true}
        %sub3A_409 = arith.constant 4 : i32
        %sub3A_410 = arith.subi %add3A_396, %sub3A_409 : i32
        %dma_wait3A_411 = arith.constant 0 : i32
        %dma_wait3A_412 = tpu.memref_slice %arg8[%sub3A_410, %dma_wait3A_411] : memref<96x128xi32, #tpu.memory_space<vmem>> -> memref<1x128xi32, #tpu.memory_space<vmem>>
        %dma_wait3A_413 = tpu.memref_squeeze %dma_wait3A_412 : memref<1x128xi32, #tpu.memory_space<vmem>> -> memref<128xi32, #tpu.memory_space<vmem>>
        %dma_wait3A_414 = arith.constant 0 : i32
        %dma_wait3A_415 = arith.constant 0 : i32
        %dma_wait3A_416 = tpu.memref_slice %arg17[%dma_wait3A_414, %dma_wait3A_415] : memref<10240x128xbf16, #tpu.memory_space<vmem_shared>> -> memref<10240x128xbf16, #tpu.memory_space<vmem_shared>>
        tpu.wait_indirect_dma semaphore(%arg33 : memref<!tpu.dma_semaphore, #tpu.memory_space<semaphore_mem>>) src(%arg16 : memref<128x128xbf16, #tpu.memory_space<vmem>>) dst(%dma_wait3A_416 : memref<10240x128xbf16, #tpu.memory_space<vmem_shared>>)
        %add3A_417 = arith.constant 4 : i32
        %add3A_418 = arith.addi %add3A_396, %add3A_417 : i32
        %min3A_419 = arith.constant 63 : i32
        %min3A_420 = arith.minsi %add3A_418, %min3A_419 : i32
        %dma_start3A_421 = arith.constant 0 : i32
        %dma_start3A_422 = tpu.memref_slice %arg7[%min3A_420, %dma_start3A_421] : memref<96x128xi32, #tpu.memory_space<vmem>> -> memref<1x128xi32, #tpu.memory_space<vmem>>
        %dma_start3A_423 = tpu.memref_squeeze %dma_start3A_422 : memref<1x128xi32, #tpu.memory_space<vmem>> -> memref<128xi32, #tpu.memory_space<vmem>>
        %dma_start3A_424 = arith.constant 0 : i32
        %dma_start3A_425 = arith.constant 0 : i32
        %dma_start3A_426 = tpu.memref_slice %arg2[%dma_start3A_424, %dma_start3A_425] : memref<10240x128xbf16, #tpu.memory_space<hbm>> -> memref<10240x128xbf16, #tpu.memory_space<hbm>>
        tpu.enqueue_indirect_dma source(%dma_start3A_426 : memref<10240x128xbf16, #tpu.memory_space<hbm>>) target(%arg16 : memref<128x128xbf16, #tpu.memory_space<vmem>>) offsets(%dma_start3A_423 : memref<128xi32, #tpu.memory_space<vmem>>) semaphore(%arg25 : memref<!tpu.dma_semaphore, #tpu.memory_space<semaphore_mem>>)
        %add3A_427 = arith.constant 4 : i32
        %add3A_428 = arith.addi %mul3A_300, %add3A_427 : i32
        %dma_wait3A_429 = arith.constant 0 : i32
        %dma_wait3A_430 = tpu.memref_slice %arg7[%add3A_428, %dma_wait3A_429] : memref<96x128xi32, #tpu.memory_space<vmem>> -> memref<1x128xi32, #tpu.memory_space<vmem>>
        %dma_wait3A_431 = tpu.memref_squeeze %dma_wait3A_430 : memref<1x128xi32, #tpu.memory_space<vmem>> -> memref<128xi32, #tpu.memory_space<vmem>>
        %dma_wait3A_432 = arith.constant 0 : i32
        %dma_wait3A_433 = arith.constant 0 : i32
        %dma_wait3A_434 = tpu.memref_slice %arg2[%dma_wait3A_432, %dma_wait3A_433] : memref<10240x128xbf16, #tpu.memory_space<hbm>> -> memref<10240x128xbf16, #tpu.memory_space<hbm>>
        tpu.wait_indirect_dma semaphore(%arg22 : memref<!tpu.dma_semaphore, #tpu.memory_space<semaphore_mem>>) src(%dma_wait3A_434 : memref<10240x128xbf16, #tpu.memory_space<hbm>>) dst(%arg13 : memref<128x128xbf16, #tpu.memory_space<vmem>>)
        %dma_start3A_435 = arith.constant 0 : i32
        %dma_start3A_436 = tpu.memref_slice %arg8[%add3A_428, %dma_start3A_435] : memref<96x128xi32, #tpu.memory_space<vmem>> -> memref<1x128xi32, #tpu.memory_space<vmem>>
        %dma_start3A_437 = tpu.memref_squeeze %dma_start3A_436 : memref<1x128xi32, #tpu.memory_space<vmem>> -> memref<128xi32, #tpu.memory_space<vmem>>
        %dma_start3A_438 = arith.constant 0 : i32
        %dma_start3A_439 = arith.constant 0 : i32
        %dma_start3A_440 = tpu.memref_slice %arg17[%dma_start3A_438, %dma_start3A_439] : memref<10240x128xbf16, #tpu.memory_space<vmem_shared>> -> memref<10240x128xbf16, #tpu.memory_space<vmem_shared>>
        tpu.enqueue_indirect_dma source(%arg13 : memref<128x128xbf16, #tpu.memory_space<vmem>>) target(%dma_start3A_440 : memref<10240x128xbf16, #tpu.memory_space<vmem_shared>>) offsets(%dma_start3A_437 : memref<128xi32, #tpu.memory_space<vmem>>) semaphore(%arg30 : memref<!tpu.dma_semaphore, #tpu.memory_space<semaphore_mem>>) {add = true}
        %sub3A_441 = arith.constant 4 : i32
        %sub3A_442 = arith.subi %add3A_428, %sub3A_441 : i32
        %dma_wait3A_443 = arith.constant 0 : i32
        %dma_wait3A_444 = tpu.memref_slice %arg8[%sub3A_442, %dma_wait3A_443] : memref<96x128xi32, #tpu.memory_space<vmem>> -> memref<1x128xi32, #tpu.memory_space<vmem>>
        %dma_wait3A_445 = tpu.memref_squeeze %dma_wait3A_444 : memref<1x128xi32, #tpu.memory_space<vmem>> -> memref<128xi32, #tpu.memory_space<vmem>>
        %dma_wait3A_446 = arith.constant 0 : i32
        %dma_wait3A_447 = arith.constant 0 : i32
        %dma_wait3A_448 = tpu.memref_slice %arg17[%dma_wait3A_446, %dma_wait3A_447] : memref<10240x128xbf16, #tpu.memory_space<vmem_shared>> -> memref<10240x128xbf16, #tpu.memory_space<vmem_shared>>
        tpu.wait_indirect_dma semaphore(%arg26 : memref<!tpu.dma_semaphore, #tpu.memory_space<semaphore_mem>>) src(%arg9 : memref<128x128xbf16, #tpu.memory_space<vmem>>) dst(%dma_wait3A_448 : memref<10240x128xbf16, #tpu.memory_space<vmem_shared>>)
        %add3A_449 = arith.constant 4 : i32
        %add3A_450 = arith.addi %add3A_428, %add3A_449 : i32
        %min3A_451 = arith.constant 63 : i32
        %min3A_452 = arith.minsi %add3A_450, %min3A_451 : i32
        %dma_start3A_453 = arith.constant 0 : i32
        %dma_start3A_454 = tpu.memref_slice %arg7[%min3A_452, %dma_start3A_453] : memref<96x128xi32, #tpu.memory_space<vmem>> -> memref<1x128xi32, #tpu.memory_space<vmem>>
        %dma_start3A_455 = tpu.memref_squeeze %dma_start3A_454 : memref<1x128xi32, #tpu.memory_space<vmem>> -> memref<128xi32, #tpu.memory_space<vmem>>
        %dma_start3A_456 = arith.constant 0 : i32
        %dma_start3A_457 = arith.constant 0 : i32
        %dma_start3A_458 = tpu.memref_slice %arg2[%dma_start3A_456, %dma_start3A_457] : memref<10240x128xbf16, #tpu.memory_space<hbm>> -> memref<10240x128xbf16, #tpu.memory_space<hbm>>
        tpu.enqueue_indirect_dma source(%dma_start3A_458 : memref<10240x128xbf16, #tpu.memory_space<hbm>>) target(%arg9 : memref<128x128xbf16, #tpu.memory_space<vmem>>) offsets(%dma_start3A_455 : memref<128xi32, #tpu.memory_space<vmem>>) semaphore(%arg18 : memref<!tpu.dma_semaphore, #tpu.memory_space<semaphore_mem>>)
        %add3A_459 = arith.constant 5 : i32
        %add3A_460 = arith.addi %mul3A_300, %add3A_459 : i32
        %dma_wait3A_461 = arith.constant 0 : i32
        %dma_wait3A_462 = tpu.memref_slice %arg7[%add3A_460, %dma_wait3A_461] : memref<96x128xi32, #tpu.memory_space<vmem>> -> memref<1x128xi32, #tpu.memory_space<vmem>>
        %dma_wait3A_463 = tpu.memref_squeeze %dma_wait3A_462 : memref<1x128xi32, #tpu.memory_space<vmem>> -> memref<128xi32, #tpu.memory_space<vmem>>
        %dma_wait3A_464 = arith.constant 0 : i32
        %dma_wait3A_465 = arith.constant 0 : i32
        %dma_wait3A_466 = tpu.memref_slice %arg2[%dma_wait3A_464, %dma_wait3A_465] : memref<10240x128xbf16, #tpu.memory_space<hbm>> -> memref<10240x128xbf16, #tpu.memory_space<hbm>>
        tpu.wait_indirect_dma semaphore(%arg23 : memref<!tpu.dma_semaphore, #tpu.memory_space<semaphore_mem>>) src(%dma_wait3A_466 : memref<10240x128xbf16, #tpu.memory_space<hbm>>) dst(%arg14 : memref<128x128xbf16, #tpu.memory_space<vmem>>)
        %dma_start3A_467 = arith.constant 0 : i32
        %dma_start3A_468 = tpu.memref_slice %arg8[%add3A_460, %dma_start3A_467] : memref<96x128xi32, #tpu.memory_space<vmem>> -> memref<1x128xi32, #tpu.memory_space<vmem>>
        %dma_start3A_469 = tpu.memref_squeeze %dma_start3A_468 : memref<1x128xi32, #tpu.memory_space<vmem>> -> memref<128xi32, #tpu.memory_space<vmem>>
        %dma_start3A_470 = arith.constant 0 : i32
        %dma_start3A_471 = arith.constant 0 : i32
        %dma_start3A_472 = tpu.memref_slice %arg17[%dma_start3A_470, %dma_start3A_471] : memref<10240x128xbf16, #tpu.memory_space<vmem_shared>> -> memref<10240x128xbf16, #tpu.memory_space<vmem_shared>>
        tpu.enqueue_indirect_dma source(%arg14 : memref<128x128xbf16, #tpu.memory_space<vmem>>) target(%dma_start3A_472 : memref<10240x128xbf16, #tpu.memory_space<vmem_shared>>) offsets(%dma_start3A_469 : memref<128xi32, #tpu.memory_space<vmem>>) semaphore(%arg31 : memref<!tpu.dma_semaphore, #tpu.memory_space<semaphore_mem>>) {add = true}
        %sub3A_473 = arith.constant 4 : i32
        %sub3A_474 = arith.subi %add3A_460, %sub3A_473 : i32
        %dma_wait3A_475 = arith.constant 0 : i32
        %dma_wait3A_476 = tpu.memref_slice %arg8[%sub3A_474, %dma_wait3A_475] : memref<96x128xi32, #tpu.memory_space<vmem>> -> memref<1x128xi32, #tpu.memory_space<vmem>>
        %dma_wait3A_477 = tpu.memref_squeeze %dma_wait3A_476 : memref<1x128xi32, #tpu.memory_space<vmem>> -> memref<128xi32, #tpu.memory_space<vmem>>
        %dma_wait3A_478 = arith.constant 0 : i32
        %dma_wait3A_479 = arith.constant 0 : i32
        %dma_wait3A_480 = tpu.memref_slice %arg17[%dma_wait3A_478, %dma_wait3A_479] : memref<10240x128xbf16, #tpu.memory_space<vmem_shared>> -> memref<10240x128xbf16, #tpu.memory_space<vmem_shared>>
        tpu.wait_indirect_dma semaphore(%arg27 : memref<!tpu.dma_semaphore, #tpu.memory_space<semaphore_mem>>) src(%arg10 : memref<128x128xbf16, #tpu.memory_space<vmem>>) dst(%dma_wait3A_480 : memref<10240x128xbf16, #tpu.memory_space<vmem_shared>>)
        %add3A_481 = arith.constant 4 : i32
        %add3A_482 = arith.addi %add3A_460, %add3A_481 : i32
        %min3A_483 = arith.constant 63 : i32
        %min3A_484 = arith.minsi %add3A_482, %min3A_483 : i32
        %dma_start3A_485 = arith.constant 0 : i32
        %dma_start3A_486 = tpu.memref_slice %arg7[%min3A_484, %dma_start3A_485] : memref<96x128xi32, #tpu.memory_space<vmem>> -> memref<1x128xi32, #tpu.memory_space<vmem>>
        %dma_start3A_487 = tpu.memref_squeeze %dma_start3A_486 : memref<1x128xi32, #tpu.memory_space<vmem>> -> memref<128xi32, #tpu.memory_space<vmem>>
        %dma_start3A_488 = arith.constant 0 : i32
        %dma_start3A_489 = arith.constant 0 : i32
        %dma_start3A_490 = tpu.memref_slice %arg2[%dma_start3A_488, %dma_start3A_489] : memref<10240x128xbf16, #tpu.memory_space<hbm>> -> memref<10240x128xbf16, #tpu.memory_space<hbm>>
        tpu.enqueue_indirect_dma source(%dma_start3A_490 : memref<10240x128xbf16, #tpu.memory_space<hbm>>) target(%arg10 : memref<128x128xbf16, #tpu.memory_space<vmem>>) offsets(%dma_start3A_487 : memref<128xi32, #tpu.memory_space<vmem>>) semaphore(%arg19 : memref<!tpu.dma_semaphore, #tpu.memory_space<semaphore_mem>>)
        %add3A_491 = arith.constant 6 : i32
        %add3A_492 = arith.addi %mul3A_300, %add3A_491 : i32
        %dma_wait3A_493 = arith.constant 0 : i32
        %dma_wait3A_494 = tpu.memref_slice %arg7[%add3A_492, %dma_wait3A_493] : memref<96x128xi32, #tpu.memory_space<vmem>> -> memref<1x128xi32, #tpu.memory_space<vmem>>
        %dma_wait3A_495 = tpu.memref_squeeze %dma_wait3A_494 : memref<1x128xi32, #tpu.memory_space<vmem>> -> memref<128xi32, #tpu.memory_space<vmem>>
        %dma_wait3A_496 = arith.constant 0 : i32
        %dma_wait3A_497 = arith.constant 0 : i32
        %dma_wait3A_498 = tpu.memref_slice %arg2[%dma_wait3A_496, %dma_wait3A_497] : memref<10240x128xbf16, #tpu.memory_space<hbm>> -> memref<10240x128xbf16, #tpu.memory_space<hbm>>
        tpu.wait_indirect_dma semaphore(%arg24 : memref<!tpu.dma_semaphore, #tpu.memory_space<semaphore_mem>>) src(%dma_wait3A_498 : memref<10240x128xbf16, #tpu.memory_space<hbm>>) dst(%arg15 : memref<128x128xbf16, #tpu.memory_space<vmem>>)
        %dma_start3A_499 = arith.constant 0 : i32
        %dma_start3A_500 = tpu.memref_slice %arg8[%add3A_492, %dma_start3A_499] : memref<96x128xi32, #tpu.memory_space<vmem>> -> memref<1x128xi32, #tpu.memory_space<vmem>>
        %dma_start3A_501 = tpu.memref_squeeze %dma_start3A_500 : memref<1x128xi32, #tpu.memory_space<vmem>> -> memref<128xi32, #tpu.memory_space<vmem>>
        %dma_start3A_502 = arith.constant 0 : i32
        %dma_start3A_503 = arith.constant 0 : i32
        %dma_start3A_504 = tpu.memref_slice %arg17[%dma_start3A_502, %dma_start3A_503] : memref<10240x128xbf16, #tpu.memory_space<vmem_shared>> -> memref<10240x128xbf16, #tpu.memory_space<vmem_shared>>
        tpu.enqueue_indirect_dma source(%arg15 : memref<128x128xbf16, #tpu.memory_space<vmem>>) target(%dma_start3A_504 : memref<10240x128xbf16, #tpu.memory_space<vmem_shared>>) offsets(%dma_start3A_501 : memref<128xi32, #tpu.memory_space<vmem>>) semaphore(%arg32 : memref<!tpu.dma_semaphore, #tpu.memory_space<semaphore_mem>>) {add = true}
        %sub3A_505 = arith.constant 4 : i32
        %sub3A_506 = arith.subi %add3A_492, %sub3A_505 : i32
        %dma_wait3A_507 = arith.constant 0 : i32
        %dma_wait3A_508 = tpu.memref_slice %arg8[%sub3A_506, %dma_wait3A_507] : memref<96x128xi32, #tpu.memory_space<vmem>> -> memref<1x128xi32, #tpu.memory_space<vmem>>
        %dma_wait3A_509 = tpu.memref_squeeze %dma_wait3A_508 : memref<1x128xi32, #tpu.memory_space<vmem>> -> memref<128xi32, #tpu.memory_space<vmem>>
        %dma_wait3A_510 = arith.constant 0 : i32
        %dma_wait3A_511 = arith.constant 0 : i32
        %dma_wait3A_512 = tpu.memref_slice %arg17[%dma_wait3A_510, %dma_wait3A_511] : memref<10240x128xbf16, #tpu.memory_space<vmem_shared>> -> memref<10240x128xbf16, #tpu.memory_space<vmem_shared>>
        tpu.wait_indirect_dma semaphore(%arg28 : memref<!tpu.dma_semaphore, #tpu.memory_space<semaphore_mem>>) src(%arg11 : memref<128x128xbf16, #tpu.memory_space<vmem>>) dst(%dma_wait3A_512 : memref<10240x128xbf16, #tpu.memory_space<vmem_shared>>)
        %add3A_513 = arith.constant 4 : i32
        %add3A_514 = arith.addi %add3A_492, %add3A_513 : i32
        %min3A_515 = arith.constant 63 : i32
        %min3A_516 = arith.minsi %add3A_514, %min3A_515 : i32
        %dma_start3A_517 = arith.constant 0 : i32
        %dma_start3A_518 = tpu.memref_slice %arg7[%min3A_516, %dma_start3A_517] : memref<96x128xi32, #tpu.memory_space<vmem>> -> memref<1x128xi32, #tpu.memory_space<vmem>>
        %dma_start3A_519 = tpu.memref_squeeze %dma_start3A_518 : memref<1x128xi32, #tpu.memory_space<vmem>> -> memref<128xi32, #tpu.memory_space<vmem>>
        %dma_start3A_520 = arith.constant 0 : i32
        %dma_start3A_521 = arith.constant 0 : i32
        %dma_start3A_522 = tpu.memref_slice %arg2[%dma_start3A_520, %dma_start3A_521] : memref<10240x128xbf16, #tpu.memory_space<hbm>> -> memref<10240x128xbf16, #tpu.memory_space<hbm>>
        tpu.enqueue_indirect_dma source(%dma_start3A_522 : memref<10240x128xbf16, #tpu.memory_space<hbm>>) target(%arg11 : memref<128x128xbf16, #tpu.memory_space<vmem>>) offsets(%dma_start3A_519 : memref<128xi32, #tpu.memory_space<vmem>>) semaphore(%arg20 : memref<!tpu.dma_semaphore, #tpu.memory_space<semaphore_mem>>)
        %add3A_523 = arith.constant 7 : i32
        %add3A_524 = arith.addi %mul3A_300, %add3A_523 : i32
        %dma_wait3A_525 = arith.constant 0 : i32
        %dma_wait3A_526 = tpu.memref_slice %arg7[%add3A_524, %dma_wait3A_525] : memref<96x128xi32, #tpu.memory_space<vmem>> -> memref<1x128xi32, #tpu.memory_space<vmem>>
        %dma_wait3A_527 = tpu.memref_squeeze %dma_wait3A_526 : memref<1x128xi32, #tpu.memory_space<vmem>> -> memref<128xi32, #tpu.memory_space<vmem>>
        %dma_wait3A_528 = arith.constant 0 : i32
        %dma_wait3A_529 = arith.constant 0 : i32
        %dma_wait3A_530 = tpu.memref_slice %arg2[%dma_wait3A_528, %dma_wait3A_529] : memref<10240x128xbf16, #tpu.memory_space<hbm>> -> memref<10240x128xbf16, #tpu.memory_space<hbm>>
        tpu.wait_indirect_dma semaphore(%arg25 : memref<!tpu.dma_semaphore, #tpu.memory_space<semaphore_mem>>) src(%dma_wait3A_530 : memref<10240x128xbf16, #tpu.memory_space<hbm>>) dst(%arg16 : memref<128x128xbf16, #tpu.memory_space<vmem>>)
        %dma_start3A_531 = arith.constant 0 : i32
        %dma_start3A_532 = tpu.memref_slice %arg8[%add3A_524, %dma_start3A_531] : memref<96x128xi32, #tpu.memory_space<vmem>> -> memref<1x128xi32, #tpu.memory_space<vmem>>
        %dma_start3A_533 = tpu.memref_squeeze %dma_start3A_532 : memref<1x128xi32, #tpu.memory_space<vmem>> -> memref<128xi32, #tpu.memory_space<vmem>>
        %dma_start3A_534 = arith.constant 0 : i32
        %dma_start3A_535 = arith.constant 0 : i32
        %dma_start3A_536 = tpu.memref_slice %arg17[%dma_start3A_534, %dma_start3A_535] : memref<10240x128xbf16, #tpu.memory_space<vmem_shared>> -> memref<10240x128xbf16, #tpu.memory_space<vmem_shared>>
        tpu.enqueue_indirect_dma source(%arg16 : memref<128x128xbf16, #tpu.memory_space<vmem>>) target(%dma_start3A_536 : memref<10240x128xbf16, #tpu.memory_space<vmem_shared>>) offsets(%dma_start3A_533 : memref<128xi32, #tpu.memory_space<vmem>>) semaphore(%arg33 : memref<!tpu.dma_semaphore, #tpu.memory_space<semaphore_mem>>) {add = true}
        %sub3A_537 = arith.constant 4 : i32
        %sub3A_538 = arith.subi %add3A_524, %sub3A_537 : i32
        %dma_wait3A_539 = arith.constant 0 : i32
        %dma_wait3A_540 = tpu.memref_slice %arg8[%sub3A_538, %dma_wait3A_539] : memref<96x128xi32, #tpu.memory_space<vmem>> -> memref<1x128xi32, #tpu.memory_space<vmem>>
        %dma_wait3A_541 = tpu.memref_squeeze %dma_wait3A_540 : memref<1x128xi32, #tpu.memory_space<vmem>> -> memref<128xi32, #tpu.memory_space<vmem>>
        %dma_wait3A_542 = arith.constant 0 : i32
        %dma_wait3A_543 = arith.constant 0 : i32
        %dma_wait3A_544 = tpu.memref_slice %arg17[%dma_wait3A_542, %dma_wait3A_543] : memref<10240x128xbf16, #tpu.memory_space<vmem_shared>> -> memref<10240x128xbf16, #tpu.memory_space<vmem_shared>>
        tpu.wait_indirect_dma semaphore(%arg29 : memref<!tpu.dma_semaphore, #tpu.memory_space<semaphore_mem>>) src(%arg12 : memref<128x128xbf16, #tpu.memory_space<vmem>>) dst(%dma_wait3A_544 : memref<10240x128xbf16, #tpu.memory_space<vmem_shared>>)
        %add3A_545 = arith.constant 4 : i32
        %add3A_546 = arith.addi %add3A_524, %add3A_545 : i32
        %min3A_547 = arith.constant 63 : i32
        %min3A_548 = arith.minsi %add3A_546, %min3A_547 : i32
        %dma_start3A_549 = arith.constant 0 : i32
        %dma_start3A_550 = tpu.memref_slice %arg7[%min3A_548, %dma_start3A_549] : memref<96x128xi32, #tpu.memory_space<vmem>> -> memref<1x128xi32, #tpu.memory_space<vmem>>
        %dma_start3A_551 = tpu.memref_squeeze %dma_start3A_550 : memref<1x128xi32, #tpu.memory_space<vmem>> -> memref<128xi32, #tpu.memory_space<vmem>>
        %dma_start3A_552 = arith.constant 0 : i32
        %dma_start3A_553 = arith.constant 0 : i32
        %dma_start3A_554 = tpu.memref_slice %arg2[%dma_start3A_552, %dma_start3A_553] : memref<10240x128xbf16, #tpu.memory_space<hbm>> -> memref<10240x128xbf16, #tpu.memory_space<hbm>>
        tpu.enqueue_indirect_dma source(%dma_start3A_554 : memref<10240x128xbf16, #tpu.memory_space<hbm>>) target(%arg12 : memref<128x128xbf16, #tpu.memory_space<vmem>>) offsets(%dma_start3A_551 : memref<128xi32, #tpu.memory_space<vmem>>) semaphore(%arg21 : memref<!tpu.dma_semaphore, #tpu.memory_space<semaphore_mem>>)
      }
      %scan3A_241 = arith.constant 7 : i32
      %dma_wait3A_242 = arith.constant 60 : i32
      %dma_wait3A_243 = arith.constant 0 : i32
      %dma_wait3A_244 = tpu.memref_slice %arg8[%dma_wait3A_242, %dma_wait3A_243] : memref<96x128xi32, #tpu.memory_space<vmem>> -> memref<1x128xi32, #tpu.memory_space<vmem>>
      %dma_wait3A_245 = tpu.memref_squeeze %dma_wait3A_244 : memref<1x128xi32, #tpu.memory_space<vmem>> -> memref<128xi32, #tpu.memory_space<vmem>>
      %dma_wait3A_246 = arith.constant 0 : i32
      %dma_wait3A_247 = arith.constant 0 : i32
      %dma_wait3A_248 = tpu.memref_slice %arg17[%dma_wait3A_246, %dma_wait3A_247] : memref<10240x128xbf16, #tpu.memory_space<vmem_shared>> -> memref<10240x128xbf16, #tpu.memory_space<vmem_shared>>
      tpu.wait_indirect_dma semaphore(%arg30 : memref<!tpu.dma_semaphore, #tpu.memory_space<semaphore_mem>>) src(%arg13 : memref<128x128xbf16, #tpu.memory_space<vmem>>) dst(%dma_wait3A_248 : memref<10240x128xbf16, #tpu.memory_space<vmem_shared>>)
      %dma_wait3A_249 = arith.constant 61 : i32
      %dma_wait3A_250 = arith.constant 0 : i32
      %dma_wait3A_251 = tpu.memref_slice %arg8[%dma_wait3A_249, %dma_wait3A_250] : memref<96x128xi32, #tpu.memory_space<vmem>> -> memref<1x128xi32, #tpu.memory_space<vmem>>
      %dma_wait3A_252 = tpu.memref_squeeze %dma_wait3A_251 : memref<1x128xi32, #tpu.memory_space<vmem>> -> memref<128xi32, #tpu.memory_space<vmem>>
      %dma_wait3A_253 = arith.constant 0 : i32
      %dma_wait3A_254 = arith.constant 0 : i32
      %dma_wait3A_255 = tpu.memref_slice %arg17[%dma_wait3A_253, %dma_wait3A_254] : memref<10240x128xbf16, #tpu.memory_space<vmem_shared>> -> memref<10240x128xbf16, #tpu.memory_space<vmem_shared>>
      tpu.wait_indirect_dma semaphore(%arg31 : memref<!tpu.dma_semaphore, #tpu.memory_space<semaphore_mem>>) src(%arg14 : memref<128x128xbf16, #tpu.memory_space<vmem>>) dst(%dma_wait3A_255 : memref<10240x128xbf16, #tpu.memory_space<vmem_shared>>)
      %dma_wait3A_256 = arith.constant 62 : i32
      %dma_wait3A_257 = arith.constant 0 : i32
      %dma_wait3A_258 = tpu.memref_slice %arg8[%dma_wait3A_256, %dma_wait3A_257] : memref<96x128xi32, #tpu.memory_space<vmem>> -> memref<1x128xi32, #tpu.memory_space<vmem>>
      %dma_wait3A_259 = tpu.memref_squeeze %dma_wait3A_258 : memref<1x128xi32, #tpu.memory_space<vmem>> -> memref<128xi32, #tpu.memory_space<vmem>>
      %dma_wait3A_260 = arith.constant 0 : i32
      %dma_wait3A_261 = arith.constant 0 : i32
      %dma_wait3A_262 = tpu.memref_slice %arg17[%dma_wait3A_260, %dma_wait3A_261] : memref<10240x128xbf16, #tpu.memory_space<vmem_shared>> -> memref<10240x128xbf16, #tpu.memory_space<vmem_shared>>
      tpu.wait_indirect_dma semaphore(%arg32 : memref<!tpu.dma_semaphore, #tpu.memory_space<semaphore_mem>>) src(%arg15 : memref<128x128xbf16, #tpu.memory_space<vmem>>) dst(%dma_wait3A_262 : memref<10240x128xbf16, #tpu.memory_space<vmem_shared>>)
      %dma_wait3A_263 = arith.constant 63 : i32
      %dma_wait3A_264 = arith.constant 0 : i32
      %dma_wait3A_265 = tpu.memref_slice %arg8[%dma_wait3A_263, %dma_wait3A_264] : memref<96x128xi32, #tpu.memory_space<vmem>> -> memref<1x128xi32, #tpu.memory_space<vmem>>
      %dma_wait3A_266 = tpu.memref_squeeze %dma_wait3A_265 : memref<1x128xi32, #tpu.memory_space<vmem>> -> memref<128xi32, #tpu.memory_space<vmem>>
      %dma_wait3A_267 = arith.constant 0 : i32
      %dma_wait3A_268 = arith.constant 0 : i32
      %dma_wait3A_269 = tpu.memref_slice %arg17[%dma_wait3A_267, %dma_wait3A_268] : memref<10240x128xbf16, #tpu.memory_space<vmem_shared>> -> memref<10240x128xbf16, #tpu.memory_space<vmem_shared>>
      tpu.wait_indirect_dma semaphore(%arg33 : memref<!tpu.dma_semaphore, #tpu.memory_space<semaphore_mem>>) src(%arg16 : memref<128x128xbf16, #tpu.memory_space<vmem>>) dst(%dma_wait3A_269 : memref<10240x128xbf16, #tpu.memory_space<vmem_shared>>)
      %dma_wait3A_270 = arith.constant 63 : i32
      %dma_wait3A_271 = arith.constant 0 : i32
      %dma_wait3A_272 = tpu.memref_slice %arg7[%dma_wait3A_270, %dma_wait3A_271] : memref<96x128xi32, #tpu.memory_space<vmem>> -> memref<1x128xi32, #tpu.memory_space<vmem>>
      %dma_wait3A_273 = tpu.memref_squeeze %dma_wait3A_272 : memref<1x128xi32, #tpu.memory_space<vmem>> -> memref<128xi32, #tpu.memory_space<vmem>>
      %dma_wait3A_274 = arith.constant 0 : i32
      %dma_wait3A_275 = arith.constant 0 : i32
      %dma_wait3A_276 = tpu.memref_slice %arg2[%dma_wait3A_274, %dma_wait3A_275] : memref<10240x128xbf16, #tpu.memory_space<hbm>> -> memref<10240x128xbf16, #tpu.memory_space<hbm>>
      tpu.wait_indirect_dma semaphore(%arg18 : memref<!tpu.dma_semaphore, #tpu.memory_space<semaphore_mem>>) src(%dma_wait3A_276 : memref<10240x128xbf16, #tpu.memory_space<hbm>>) dst(%arg9 : memref<128x128xbf16, #tpu.memory_space<vmem>>)
      %dma_wait3A_277 = arith.constant 63 : i32
      %dma_wait3A_278 = arith.constant 0 : i32
      %dma_wait3A_279 = tpu.memref_slice %arg7[%dma_wait3A_277, %dma_wait3A_278] : memref<96x128xi32, #tpu.memory_space<vmem>> -> memref<1x128xi32, #tpu.memory_space<vmem>>
      %dma_wait3A_280 = tpu.memref_squeeze %dma_wait3A_279 : memref<1x128xi32, #tpu.memory_space<vmem>> -> memref<128xi32, #tpu.memory_space<vmem>>
      %dma_wait3A_281 = arith.constant 0 : i32
      %dma_wait3A_282 = arith.constant 0 : i32
      %dma_wait3A_283 = tpu.memref_slice %arg2[%dma_wait3A_281, %dma_wait3A_282] : memref<10240x128xbf16, #tpu.memory_space<hbm>> -> memref<10240x128xbf16, #tpu.memory_space<hbm>>
      tpu.wait_indirect_dma semaphore(%arg19 : memref<!tpu.dma_semaphore, #tpu.memory_space<semaphore_mem>>) src(%dma_wait3A_283 : memref<10240x128xbf16, #tpu.memory_space<hbm>>) dst(%arg10 : memref<128x128xbf16, #tpu.memory_space<vmem>>)
      %dma_wait3A_284 = arith.constant 63 : i32
      %dma_wait3A_285 = arith.constant 0 : i32
      %dma_wait3A_286 = tpu.memref_slice %arg7[%dma_wait3A_284, %dma_wait3A_285] : memref<96x128xi32, #tpu.memory_space<vmem>> -> memref<1x128xi32, #tpu.memory_space<vmem>>
      %dma_wait3A_287 = tpu.memref_squeeze %dma_wait3A_286 : memref<1x128xi32, #tpu.memory_space<vmem>> -> memref<128xi32, #tpu.memory_space<vmem>>
      %dma_wait3A_288 = arith.constant 0 : i32
      %dma_wait3A_289 = arith.constant 0 : i32
      %dma_wait3A_290 = tpu.memref_slice %arg2[%dma_wait3A_288, %dma_wait3A_289] : memref<10240x128xbf16, #tpu.memory_space<hbm>> -> memref<10240x128xbf16, #tpu.memory_space<hbm>>
      tpu.wait_indirect_dma semaphore(%arg20 : memref<!tpu.dma_semaphore, #tpu.memory_space<semaphore_mem>>) src(%dma_wait3A_290 : memref<10240x128xbf16, #tpu.memory_space<hbm>>) dst(%arg11 : memref<128x128xbf16, #tpu.memory_space<vmem>>)
      %dma_wait3A_291 = arith.constant 63 : i32
      %dma_wait3A_292 = arith.constant 0 : i32
      %dma_wait3A_293 = tpu.memref_slice %arg7[%dma_wait3A_291, %dma_wait3A_292] : memref<96x128xi32, #tpu.memory_space<vmem>> -> memref<1x128xi32, #tpu.memory_space<vmem>>
      %dma_wait3A_294 = tpu.memref_squeeze %dma_wait3A_293 : memref<1x128xi32, #tpu.memory_space<vmem>> -> memref<128xi32, #tpu.memory_space<vmem>>
      %dma_wait3A_295 = arith.constant 0 : i32
      %dma_wait3A_296 = arith.constant 0 : i32
      %dma_wait3A_297 = tpu.memref_slice %arg2[%dma_wait3A_295, %dma_wait3A_296] : memref<10240x128xbf16, #tpu.memory_space<hbm>> -> memref<10240x128xbf16, #tpu.memory_space<hbm>>
      tpu.wait_indirect_dma semaphore(%arg21 : memref<!tpu.dma_semaphore, #tpu.memory_space<semaphore_mem>>) src(%dma_wait3A_297 : memref<10240x128xbf16, #tpu.memory_space<hbm>>) dst(%arg12 : memref<128x128xbf16, #tpu.memory_space<vmem>>)
    } else {
    }
    %barrier3A = arith.constant 0 : index
    tpu.barrier barrier_id(%barrier3A)
    %mul3A_7 = arith.constant 640 : i32
    %mul3A_8 = arith.muli %arg1, %mul3A_7 : i32
    %mul3A_9 = arith.constant 640 : i32
    %mul3A_10 = arith.muli %arg1, %mul3A_9 : i32
    "tpu.region"() ({
      %run_scoped3A = tpu.sem_alloc : memref<!tpu.dma_semaphore, #tpu.memory_space<semaphore_mem>>
      %dma_start3A = arith.constant 0 : i32
      %dma_start3A_11 = tpu.memref_slice %arg6[%arg0, %mul3A_10, %dma_start3A] : memref<2x10240x128xbf16, #tpu.memory_space<hbm>> -> memref<1x640x128xbf16, #tpu.memory_space<hbm>>
      %dma_start3A_12 = tpu.memref_squeeze %dma_start3A_11 : memref<1x640x128xbf16, #tpu.memory_space<hbm>> -> memref<640x128xbf16, #tpu.memory_space<hbm>>
      %dma_start3A_13 = arith.constant 0 : i32
      %dma_start3A_14 = tpu.memref_slice %arg17[%mul3A_8, %dma_start3A_13] : memref<10240x128xbf16, #tpu.memory_space<vmem_shared>> -> memref<640x128xbf16, #tpu.memory_space<vmem_shared>>
      tpu.enqueue_dma source(%dma_start3A_14 : memref<640x128xbf16, #tpu.memory_space<vmem_shared>>) target(%dma_start3A_12 : memref<640x128xbf16, #tpu.memory_space<hbm>>) target_semaphore(%run_scoped3A : memref<!tpu.dma_semaphore, #tpu.memory_space<semaphore_mem>>)
      %dma_wait3A = arith.constant 0 : i32
      %dma_wait3A_15 = tpu.memref_slice %arg6[%arg0, %mul3A_10, %dma_wait3A] : memref<2x10240x128xbf16, #tpu.memory_space<hbm>> -> memref<1x640x128xbf16, #tpu.memory_space<hbm>>
      %dma_wait3A_16 = tpu.memref_squeeze %dma_wait3A_15 : memref<1x640x128xbf16, #tpu.memory_space<hbm>> -> memref<640x128xbf16, #tpu.memory_space<hbm>>
      %dma_wait3A_17 = arith.constant 0 : i32
      %dma_wait3A_18 = tpu.memref_slice %arg17[%mul3A_8, %dma_wait3A_17] : memref<10240x128xbf16, #tpu.memory_space<vmem_shared>> -> memref<640x128xbf16, #tpu.memory_space<vmem_shared>>
      tpu.wait_dma2 semaphore(%run_scoped3A : memref<!tpu.dma_semaphore, #tpu.memory_space<semaphore_mem>>) src(%dma_wait3A_18 : memref<640x128xbf16, #tpu.memory_space<vmem_shared>>) dst(%dma_wait3A_16 : memref<640x128xbf16, #tpu.memory_space<hbm>>)
      tpu.yield
    }) : () -> ()
    return
  }
}

module attributes {stable_mosaic.version = 14 : i64} {
  func.func @_tc1_body(%arg0: i32, %arg1: memref<5120x128xf32, #tpu.memory_space<vmem>>, %arg2: memref<128x128xf32, #tpu.memory_space<vmem>>, %arg3: memref<2x5120x8xf32, #tpu.memory_space<vmem>>, %arg4: memref<5120x128xbf16, #tpu.memory_space<vmem>>) attributes {dimension_semantics = [#tpu.dimension_semantics<arbitrary>], iteration_bounds = array<i64: 2>, scalar_prefetch = 0 : i64, scratch_operands = 0 : i64, tpu.core_type = #tpu.core_type<tc>, window_params = [{transform_indices = @transform_0, window_bounds = array<i64: 5120, 128>}, {pipeline_mode = #tpu.pipeline_mode<synchronous>, transform_indices = @transform_1, window_bounds = array<i64: 128, 128>}, {transform_indices = @transform_2, window_bounds = array<i64: 2, 5120, 8>}, {transform_indices = @transform_3, window_bounds = array<i64: 5120, 128>}]} {
    %get3A = arith.constant 0 : index
    %get3A_0 = arith.constant 0 : index
    %get3A_1 = arith.constant 0 : index
    %get3A_2 = vector.load %arg3[%get3A, %get3A_0, %get3A_1] : memref<2x5120x8xf32, #tpu.memory_space<vmem>>, vector<1x5120x1xf32>
    %get3A_3 = vector.shape_cast %get3A_2 : vector<1x5120x1xf32> to vector<5120x1xf32>
    %get3A_4 = arith.constant 1 : index
    %get3A_5 = arith.constant 0 : index
    %get3A_6 = arith.constant 0 : index
    %get3A_7 = vector.load %arg3[%get3A_4, %get3A_5, %get3A_6] : memref<2x5120x8xf32, #tpu.memory_space<vmem>>, vector<1x5120x1xf32>
    %get3A_8 = vector.shape_cast %get3A_7 : vector<1x5120x1xf32> to vector<5120x1xf32>
    %add3A = arith.addf %get3A_3, %get3A_8 : vector<5120x1xf32>
    %add3A_9 = arith.constant 1.000000e+00 : f32
    %add3A_10 = vector.broadcast %add3A_9 : f32 to vector<5120x1xf32>
    %add3A_11 = arith.addf %add3A, %add3A_10 : vector<5120x1xf32>
    %rsqrt3A = math.rsqrt %add3A_11 : vector<5120x1xf32>
    %get3A_12 = arith.constant 0 : index
    %get3A_13 = arith.constant 0 : index
    %get3A_14 = vector.load %arg1[%get3A_12, %get3A_13] : memref<5120x128xf32, #tpu.memory_space<vmem>>, vector<5120x128xf32>
    %get3A_15 = arith.constant 0 : index
    %get3A_16 = arith.constant 0 : index
    %get3A_17 = vector.load %arg2[%get3A_15, %get3A_16] : memref<128x128xf32, #tpu.memory_space<vmem>>, vector<128x128xf32>
    %dot_general3A = arith.constant dense<0.000000e+00> : vector<5120x128xf32>
    %dot_general3A_18 = tpu.matmul %get3A_14, %get3A_17, %dot_general3A {dimension_numbers = #tpu.dot_dimension_numbers<[1], [0], [0], [1], [0, 0, 1, 1], [], []>, transpose_lhs_hint = false} : vector<5120x128xf32>, vector<128x128xf32>, vector<5120x128xf32> -> vector<5120x128xf32>
    %mul3A = vector.broadcast %rsqrt3A : vector<5120x1xf32> to vector<5120x128xf32>
    %mul3A_19 = arith.mulf %dot_general3A_18, %mul3A : vector<5120x128xf32>
    %convert_element_type3A = arith.truncf %mul3A_19 : vector<5120x128xf32> to vector<5120x128xbf16>
    %swap3A = arith.constant 0 : index
    %swap3A_20 = arith.constant 0 : index
    %swap3A_21 = vector.load %arg4[%swap3A, %swap3A_20] : memref<5120x128xbf16, #tpu.memory_space<vmem>>, vector<5120x128xbf16>
    tpu.vector_store %arg4[%swap3A, %swap3A_20], %convert_element_type3A {strides = array<i32>} : memref<5120x128xbf16, #tpu.memory_space<vmem>>, vector<5120x128xbf16>,
    return
  }
  func.func @transform_0(%arg0: i32) -> (i32, i32) {
    %c0_i32 = arith.constant 0 : i32
    %c0_i32_0 = arith.constant 0 : i32
    return %arg0, %c0_i32 : i32, i32
  }
  func.func @transform_1(%arg0: i32) -> (i32, i32) {
    %c0_i32 = arith.constant 0 : i32
    %c0_i32_0 = arith.constant 0 : i32
    %c0_i32_1 = arith.constant 0 : i32
    return %c0_i32, %c0_i32_0 : i32, i32
  }
  func.func @transform_2(%arg0: i32) -> (i32, i32, i32) {
    %c0_i32 = arith.constant 0 : i32
    %c0_i32_0 = arith.constant 0 : i32
    %c0_i32_1 = arith.constant 0 : i32
    return %c0_i32, %arg0, %c0_i32_0 : i32, i32, i32
  }
  func.func @transform_3(%arg0: i32) -> (i32, i32) {
    %c0_i32 = arith.constant 0 : i32
    %c0_i32_0 = arith.constant 0 : i32
    return %arg0, %c0_i32 : i32, i32
  }
}

module attributes {stable_mosaic.version = 14 : i64} {
  func.func @_tc2_body(%arg0: i32, %arg1: memref<2x5120x128xbf16, #tpu.memory_space<vmem>>, %arg2: memref<5120x128xbf16, #tpu.memory_space<vmem>>, %arg3: memref<2x5120x8xf32, #tpu.memory_space<vmem>>, %arg4: memref<1x128xf32, #tpu.memory_space<vmem>>, %arg5: memref<128x8xf32, #tpu.memory_space<vmem>>, %arg6: memref<5120x8xf32, #tpu.memory_space<vmem>>) attributes {dimension_semantics = [#tpu.dimension_semantics<arbitrary>], iteration_bounds = array<i64: 2>, scalar_prefetch = 0 : i64, scratch_operands = 0 : i64, tpu.core_type = #tpu.core_type<tc>, window_params = [{transform_indices = @transform_0, window_bounds = array<i64: 2, 5120, 128>}, {transform_indices = @transform_1, window_bounds = array<i64: 5120, 128>}, {transform_indices = @transform_2, window_bounds = array<i64: 2, 5120, 8>}, {pipeline_mode = #tpu.pipeline_mode<synchronous>, transform_indices = @transform_3, window_bounds = array<i64: 1, 128>}, {pipeline_mode = #tpu.pipeline_mode<synchronous>, transform_indices = @transform_4, window_bounds = array<i64: 128, 8>}, {transform_indices = @transform_5, window_bounds = array<i64: 5120, 8>}]} {
    %get3A = arith.constant 0 : index
    %get3A_0 = arith.constant 0 : index
    %get3A_1 = arith.constant 0 : index
    %get3A_2 = vector.load %arg3[%get3A, %get3A_0, %get3A_1] : memref<2x5120x8xf32, #tpu.memory_space<vmem>>, vector<1x5120x1xf32>
    %get3A_3 = vector.shape_cast %get3A_2 : vector<1x5120x1xf32> to vector<5120x1xf32>
    %get3A_4 = arith.constant 1 : index
    %get3A_5 = arith.constant 0 : index
    %get3A_6 = arith.constant 0 : index
    %get3A_7 = vector.load %arg3[%get3A_4, %get3A_5, %get3A_6] : memref<2x5120x8xf32, #tpu.memory_space<vmem>>, vector<1x5120x1xf32>
    %get3A_8 = vector.shape_cast %get3A_7 : vector<1x5120x1xf32> to vector<5120x1xf32>
    %add3A = arith.addf %get3A_3, %get3A_8 : vector<5120x1xf32>
    %add3A_9 = arith.constant 1.000000e+00 : f32
    %add3A_10 = vector.broadcast %add3A_9 : f32 to vector<5120x1xf32>
    %add3A_11 = arith.addf %add3A, %add3A_10 : vector<5120x1xf32>
    %rsqrt3A = math.rsqrt %add3A_11 : vector<5120x1xf32>
    %get3A_12 = arith.constant 0 : index
    %get3A_13 = arith.constant 0 : index
    %get3A_14 = arith.constant 0 : index
    %get3A_15 = vector.load %arg1[%get3A_12, %get3A_13, %get3A_14] : memref<2x5120x128xbf16, #tpu.memory_space<vmem>>, vector<1x5120x128xbf16>
    %get3A_16 = vector.shape_cast %get3A_15 : vector<1x5120x128xbf16> to vector<5120x128xbf16>
    %convert_element_type3A = arith.extf %get3A_16 : vector<5120x128xbf16> to vector<5120x128xf32>
    %get3A_17 = arith.constant 1 : index
    %get3A_18 = arith.constant 0 : index
    %get3A_19 = arith.constant 0 : index
    %get3A_20 = vector.load %arg1[%get3A_17, %get3A_18, %get3A_19] : memref<2x5120x128xbf16, #tpu.memory_space<vmem>>, vector<1x5120x128xbf16>
    %get3A_21 = vector.shape_cast %get3A_20 : vector<1x5120x128xbf16> to vector<5120x128xbf16>
    %convert_element_type3A_22 = arith.extf %get3A_21 : vector<5120x128xbf16> to vector<5120x128xf32>
    %add3A_23 = arith.addf %convert_element_type3A, %convert_element_type3A_22 : vector<5120x128xf32>
    %get3A_24 = arith.constant 0 : index
    %get3A_25 = arith.constant 0 : index
    %get3A_26 = vector.load %arg2[%get3A_24, %get3A_25] : memref<5120x128xbf16, #tpu.memory_space<vmem>>, vector<5120x128xbf16>
    %convert_element_type3A_27 = arith.extf %get3A_26 : vector<5120x128xbf16> to vector<5120x128xf32>
    %add3A_28 = arith.addf %add3A_23, %convert_element_type3A_27 : vector<5120x128xf32>
    %mul3A = vector.broadcast %rsqrt3A : vector<5120x1xf32> to vector<5120x128xf32>
    %mul3A_29 = arith.mulf %add3A_28, %mul3A : vector<5120x128xf32>
    %get3A_30 = arith.constant 0 : index
    %get3A_31 = arith.constant 0 : index
    %get3A_32 = vector.load %arg4[%get3A_30, %get3A_31] : memref<1x128xf32, #tpu.memory_space<vmem>>, vector<1x128xf32>
    %add3A_33 = vector.broadcast %get3A_32 : vector<1x128xf32> to vector<5120x128xf32>
    %add3A_34 = arith.addf %mul3A_29, %add3A_33 : vector<5120x128xf32>
    %max3A = arith.constant 0.000000e+00 : f32
    %max3A_35 = vector.broadcast %max3A : f32 to vector<5120x128xf32>
    %max3A_36 = arith.maximumf %add3A_34, %max3A_35 : vector<5120x128xf32>
    %get3A_37 = arith.constant 0 : index
    %get3A_38 = arith.constant 0 : index
    %get3A_39 = vector.load %arg5[%get3A_37, %get3A_38] : memref<128x8xf32, #tpu.memory_space<vmem>>, vector<128x8xf32>
    %dot_general3A = arith.constant dense<0.000000e+00> : vector<5120x8xf32>
    %dot_general3A_40 = tpu.matmul %max3A_36, %get3A_39, %dot_general3A {dimension_numbers = #tpu.dot_dimension_numbers<[1], [0], [0], [1], [0, 0, 1, 1], [], []>, transpose_lhs_hint = false} : vector<5120x128xf32>, vector<128x8xf32>, vector<5120x8xf32> -> vector<5120x8xf32>
    %mul3A_41 = vector.broadcast %rsqrt3A : vector<5120x1xf32> to vector<5120x8xf32>
    %mul3A_42 = arith.mulf %dot_general3A_40, %mul3A_41 : vector<5120x8xf32>
    %swap3A = arith.constant 0 : index
    %swap3A_43 = arith.constant 0 : index
    %swap3A_44 = vector.load %arg6[%swap3A, %swap3A_43] : memref<5120x8xf32, #tpu.memory_space<vmem>>, vector<5120x8xf32>
    tpu.vector_store %arg6[%swap3A, %swap3A_43], %mul3A_42 {strides = array<i32>} : memref<5120x8xf32, #tpu.memory_space<vmem>>, vector<5120x8xf32>,
    return
  }
  func.func @transform_0(%arg0: i32) -> (i32, i32, i32) {
    %c0_i32 = arith.constant 0 : i32
    %c0_i32_0 = arith.constant 0 : i32
    %c0_i32_1 = arith.constant 0 : i32
    return %c0_i32, %arg0, %c0_i32_0 : i32, i32, i32
  }
  func.func @transform_1(%arg0: i32) -> (i32, i32) {
    %c0_i32 = arith.constant 0 : i32
    %c0_i32_0 = arith.constant 0 : i32
    return %arg0, %c0_i32 : i32, i32
  }
  func.func @transform_2(%arg0: i32) -> (i32, i32, i32) {
    %c0_i32 = arith.constant 0 : i32
    %c0_i32_0 = arith.constant 0 : i32
    %c0_i32_1 = arith.constant 0 : i32
    return %c0_i32, %arg0, %c0_i32_0 : i32, i32, i32
  }
  func.func @transform_3(%arg0: i32) -> (i32, i32) {
    %c0_i32 = arith.constant 0 : i32
    %c0_i32_0 = arith.constant 0 : i32
    %c0_i32_1 = arith.constant 0 : i32
    return %c0_i32, %c0_i32_0 : i32, i32
  }
  func.func @transform_4(%arg0: i32) -> (i32, i32) {
    %c0_i32 = arith.constant 0 : i32
    %c0_i32_0 = arith.constant 0 : i32
    %c0_i32_1 = arith.constant 0 : i32
    return %c0_i32, %c0_i32_0 : i32, i32
  }
  func.func @transform_5(%arg0: i32) -> (i32, i32) {
    %c0_i32 = arith.constant 0 : i32
    %c0_i32_0 = arith.constant 0 : i32
    return %arg0, %c0_i32 : i32, i32
  }
}

module attributes {stable_mosaic.version = 14 : i64} {
  func.func @_tc3_body(%arg0: i32, %arg1: memref<2x5120x8xf32, #tpu.memory_space<vmem>>, %arg2: memref<5120x8xf32, #tpu.memory_space<vmem>>, %arg3: memref<2x5120x8xf32, #tpu.memory_space<vmem>>, %arg4: memref<5120x128xf32, #tpu.memory_space<vmem>>, %arg5: memref<128x8xf32, #tpu.memory_space<vmem>>, %arg6: memref<1x8xf32, #tpu.memory_space<vmem>>, %arg7: memref<5120x8xf32, #tpu.memory_space<vmem>>) attributes {dimension_semantics = [#tpu.dimension_semantics<arbitrary>], iteration_bounds = array<i64: 2>, scalar_prefetch = 0 : i64, scratch_operands = 0 : i64, tpu.core_type = #tpu.core_type<tc>, window_params = [{transform_indices = @transform_0, window_bounds = array<i64: 2, 5120, 8>}, {transform_indices = @transform_1, window_bounds = array<i64: 5120, 8>}, {transform_indices = @transform_2, window_bounds = array<i64: 2, 5120, 8>}, {transform_indices = @transform_3, window_bounds = array<i64: 5120, 128>}, {pipeline_mode = #tpu.pipeline_mode<synchronous>, transform_indices = @transform_4, window_bounds = array<i64: 128, 8>}, {pipeline_mode = #tpu.pipeline_mode<synchronous>, transform_indices = @transform_5, window_bounds = array<i64: 1, 8>}, {transform_indices = @transform_6, window_bounds = array<i64: 5120, 8>}]} {
    %get3A = arith.constant 0 : index
    %get3A_0 = arith.constant 0 : index
    %get3A_1 = arith.constant 0 : index
    %get3A_2 = vector.load %arg3[%get3A, %get3A_0, %get3A_1] : memref<2x5120x8xf32, #tpu.memory_space<vmem>>, vector<1x5120x1xf32>
    %get3A_3 = vector.shape_cast %get3A_2 : vector<1x5120x1xf32> to vector<5120x1xf32>
    %get3A_4 = arith.constant 1 : index
    %get3A_5 = arith.constant 0 : index
    %get3A_6 = arith.constant 0 : index
    %get3A_7 = vector.load %arg3[%get3A_4, %get3A_5, %get3A_6] : memref<2x5120x8xf32, #tpu.memory_space<vmem>>, vector<1x5120x1xf32>
    %get3A_8 = vector.shape_cast %get3A_7 : vector<1x5120x1xf32> to vector<5120x1xf32>
    %add3A = arith.addf %get3A_3, %get3A_8 : vector<5120x1xf32>
    %add3A_9 = arith.constant 1.000000e+00 : f32
    %add3A_10 = vector.broadcast %add3A_9 : f32 to vector<5120x1xf32>
    %add3A_11 = arith.addf %add3A, %add3A_10 : vector<5120x1xf32>
    %rsqrt3A = math.rsqrt %add3A_11 : vector<5120x1xf32>
    %get3A_12 = arith.constant 0 : index
    %get3A_13 = arith.constant 0 : index
    %get3A_14 = arith.constant 0 : index
    %get3A_15 = vector.load %arg1[%get3A_12, %get3A_13, %get3A_14] : memref<2x5120x8xf32, #tpu.memory_space<vmem>>, vector<1x5120x8xf32>
    %get3A_16 = vector.shape_cast %get3A_15 : vector<1x5120x8xf32> to vector<5120x8xf32>
    %get3A_17 = arith.constant 1 : index
    %get3A_18 = arith.constant 0 : index
    %get3A_19 = arith.constant 0 : index
    %get3A_20 = vector.load %arg1[%get3A_17, %get3A_18, %get3A_19] : memref<2x5120x8xf32, #tpu.memory_space<vmem>>, vector<1x5120x8xf32>
    %get3A_21 = vector.shape_cast %get3A_20 : vector<1x5120x8xf32> to vector<5120x8xf32>
    %add3A_22 = arith.addf %get3A_16, %get3A_21 : vector<5120x8xf32>
    %get3A_23 = arith.constant 0 : index
    %get3A_24 = arith.constant 0 : index
    %get3A_25 = vector.load %arg2[%get3A_23, %get3A_24] : memref<5120x8xf32, #tpu.memory_space<vmem>>, vector<5120x8xf32>
    %add3A_26 = arith.addf %add3A_22, %get3A_25 : vector<5120x8xf32>
    %mul3A = vector.broadcast %rsqrt3A : vector<5120x1xf32> to vector<5120x8xf32>
    %mul3A_27 = arith.mulf %add3A_26, %mul3A : vector<5120x8xf32>
    %get3A_28 = arith.constant 0 : index
    %get3A_29 = arith.constant 0 : index
    %get3A_30 = vector.load %arg4[%get3A_28, %get3A_29] : memref<5120x128xf32, #tpu.memory_space<vmem>>, vector<5120x128xf32>
    %get3A_31 = arith.constant 0 : index
    %get3A_32 = arith.constant 0 : index
    %get3A_33 = vector.load %arg5[%get3A_31, %get3A_32] : memref<128x8xf32, #tpu.memory_space<vmem>>, vector<128x8xf32>
    %dot_general3A = arith.constant dense<0.000000e+00> : vector<5120x8xf32>
    %dot_general3A_34 = tpu.matmul %get3A_30, %get3A_33, %dot_general3A {dimension_numbers = #tpu.dot_dimension_numbers<[1], [0], [0], [1], [0, 0, 1, 1], [], []>, transpose_lhs_hint = false} : vector<5120x128xf32>, vector<128x8xf32>, vector<5120x8xf32> -> vector<5120x8xf32>
    %add3A_35 = arith.addf %mul3A_27, %dot_general3A_34 : vector<5120x8xf32>
    %get3A_36 = arith.constant 0 : index
    %get3A_37 = arith.constant 0 : index
    %get3A_38 = vector.load %arg6[%get3A_36, %get3A_37] : memref<1x8xf32, #tpu.memory_space<vmem>>, vector<1x8xf32>
    %add3A_39 = vector.broadcast %get3A_38 : vector<1x8xf32> to vector<5120x8xf32>
    %add3A_40 = arith.addf %add3A_35, %add3A_39 : vector<5120x8xf32>
    %swap3A = arith.constant 0 : index
    %swap3A_41 = arith.constant 0 : index
    %swap3A_42 = vector.load %arg7[%swap3A, %swap3A_41] : memref<5120x8xf32, #tpu.memory_space<vmem>>, vector<5120x8xf32>
    tpu.vector_store %arg7[%swap3A, %swap3A_41], %add3A_40 {strides = array<i32>} : memref<5120x8xf32, #tpu.memory_space<vmem>>, vector<5120x8xf32>,
    return
  }
  func.func @transform_0(%arg0: i32) -> (i32, i32, i32) {
    %c0_i32 = arith.constant 0 : i32
    %c0_i32_0 = arith.constant 0 : i32
    %c0_i32_1 = arith.constant 0 : i32
    return %c0_i32, %arg0, %c0_i32_0 : i32, i32, i32
  }
  func.func @transform_1(%arg0: i32) -> (i32, i32) {
    %c0_i32 = arith.constant 0 : i32
    %c0_i32_0 = arith.constant 0 : i32
    return %arg0, %c0_i32 : i32, i32
  }
  func.func @transform_2(%arg0: i32) -> (i32, i32, i32) {
    %c0_i32 = arith.constant 0 : i32
    %c0_i32_0 = arith.constant 0 : i32
    %c0_i32_1 = arith.constant 0 : i32
    return %c0_i32, %arg0, %c0_i32_0 : i32, i32, i32
  }
  func.func @transform_3(%arg0: i32) -> (i32, i32) {
    %c0_i32 = arith.constant 0 : i32
    %c0_i32_0 = arith.constant 0 : i32
    return %arg0, %c0_i32 : i32, i32
  }
  func.func @transform_4(%arg0: i32) -> (i32, i32) {
    %c0_i32 = arith.constant 0 : i32
    %c0_i32_0 = arith.constant 0 : i32
    %c0_i32_1 = arith.constant 0 : i32
    return %c0_i32, %c0_i32_0 : i32, i32
  }
  func.func @transform_5(%arg0: i32) -> (i32, i32) {
    %c0_i32 = arith.constant 0 : i32
    %c0_i32_0 = arith.constant 0 : i32
    %c0_i32_1 = arith.constant 0 : i32
    return %c0_i32, %c0_i32_0 : i32, i32
  }
  func.func @transform_6(%arg0: i32) -> (i32, i32) {
    %c0_i32 = arith.constant 0 : i32
    %c0_i32_0 = arith.constant 0 : i32
    return %arg0, %c0_i32 : i32, i32
  }
}

</mosaic_0001>

<sc_bundles>
// kernel: kernel.11.cloned.1.call-start
scs
__scs_entry_jumppad:
0x0: {  	(pc) =	sbr.rel $0x88, $3  }
0x1: {  	(tag) =	ssettag $0x0;
	lr =	simm.s32 $0x1  }
0x2: {  	[smem:$0x3F99] =	sst lr;
	_ =	strace $0xD0000000  }
0x3: {  	_ = 	snop  }
0x4: {  	_ = 	snop  }
0x5: {  	_ = 	snop  }
0x6: {  	_ = 	snop  }
0x7: {  	_ = 	snop  }
__scs_overlays_trampoline_lowered:
0x8: {  	[smem:$0x3FA8] =	sst s0  }
0x9: {  	[smem:$0x3FA9] =	sst s1  }
0xa: {  	[smem:$0x3FAA] =	sst s2  }
0xb: {  	[smem:$0x3FAB] =	sst s3  }
0xc: {  	[smem:$0x3FAC] =	sst s4  }
0xd: {  	[smem:$0x3FAD] =	sst s5  }
0xe: {  	[smem:$0x3FAE] =	sst s6  }
0xf: {  	[smem:$0x3FAF] =	sst s7  }
0x10: {  	[smem:$0x3FB0] =	sst s8  }
0x11: {  	[smem:$0x3FB1] =	sst s9;
	s0 =	simm.s32 @!p0 $0x0  }
0x12: {  	s1 =	sld [smem:$0x3F97];
	s0 =	simm.s32 @p0 $0x1  }
0x13: {  	[smem:$0x3FB2] =	sst s0;
	s0 =	simm.s32 @!p1 $0x0  }
0x14: {  	s2 =	sld [smem:$0x3F96];
	s0 =	simm.s32 @p1 $0x1  }
0x15: {  	[smem:$0x3FB3] =	sst s0;
	s0 =	simm.s32 @!p2 $0x0  }
0x16: {  	s3 =	sld [smem:$0x3FDB];
	s0 =	simm.s32 @p2 $0x1  }
0x17: {  	s4 =	simm.s32 $0x1BF5;
	[smem:$0x3FB5] =	sst s0  }
0x18: {  	s0 =	sld [smem:$0x3F98];
	_ =	swait.ge [sflag:s4], $0x0  }
0x19: {  	s7 =	sld [smem:$0x3F99]  }
0x1a: {  	s8 =	sadd.s32 $0xFFFFE003, lr  }
0x1b: {  	s9 =	sadd.s32 $0xFFFFFEF7, lr;
	s5 =	simm.s32 $0xFFFFFFFF;
	p2 =	slt.u32 s8, $0xFFFFF086  }
0x1c: {  	p1 =	slt.u32 s9, $0xF7A;
	s5 =	simm.s32 @!p2 $0x0  }
0x1d: {  	s5 =	simm.s32 @p1 $0x1;
	p0 =	seq.s32 s7, s2  }
0x1e: {  	s7 =	smul.u32 @!p0 $0xF7A, s2;
	p2 =	seq.s32 @!p0 s5, $0x0  }
0x1f: {  	s9 =	smul.u32 $0xF7A, s1;
	s8 =	simm.s32 @!p0 $0x1BF5;
	p2 =	por !p2, p0  }
0x20: {  	[sflag:s8] =	ssyncset.s32 @!p0 $0xFFFFF086;
	s6 =	sadd.s32 @!p0 s3, s7;
	s7 =	simm.s32 @!p0 $0x108  }
0x21: {  	s3 =	sadd.s32 s3, s9;
	s6 =	sadd.s32 @!p0 $0x88, s6;
	s7 =	simm.s32 @p2 $0x1082  }
0x22: {  	[simem:s7], [sflag:s8] =	dma.local @!p0 [hbm:s6], $0xF7A  }
0x23: {  	s9 =	sor.u32 $0xD0000000, s2;
	s6 =	simm.s32 $0x108;
	_ =	swait.ge @!p0 [sflag:s8], $0x0  }
0x24: {  	s3 =	sadd.s32 $0x88, s3;
	s6 =	simm.s32 @!p1 $0x1082;
	[sflag:s4] =	ssyncset.s32 $0xFFFFF086  }
0x25: {  	[simem:s6], [sflag:s4] =	dma.local [hbm:s3], $0xF7A  }
0x26: {  	[smem:$0x3F99] =	sst s1;
	(tag) =	ssettag s2;
	_ =	strace s9  }
0x27: {  	s1 =	sld [smem:$0x3FA9]  }
0x28: {  	s2 =	sld [smem:$0x3FAA]  }
0x29: {  	s4 =	sld [smem:$0x3FAC]  }
0x2a: {  	p0 =	seq.s32 s5, $0x0;
	s5 =	sld [smem:$0x3FAD]  }
0x2b: {  	s6 =	sld [smem:$0x3FAE]  }
0x2c: {  	s7 =	sld [smem:$0x3FAF]  }
0x2d: {  	s3 =	simm.s32 $0x108;
	s8 =	sld [smem:$0x3FB0]  }
0x2e: {  	s3 =	simm.s32 @!p0 $0x1082;
	s9 =	sld [smem:$0x3FB1]  }
0x2f: {  	lr =	sadd.s32 s0, s3;
	s0 =	sld [smem:$0x3FA8]  }
0x30: {  	s3 =	sld [smem:$0x3FAB]  }
0x31: {  	[smem:$0x3FB4] =	sst s10  }
0x32: {  	s10 =	sld [smem:$0x3FB2];
	_ =	sdelay $0x3  }
0x33: {  	p0 =	seq.s32 s10, $0x1;
	s10 =	sld [smem:$0x3FB4];
	_ =	sdelay $0x3  }
0x34: {  	[smem:$0x3FB4] =	sst s10  }
0x35: {  	s10 =	sld [smem:$0x3FB3];
	_ =	sdelay $0x3  }
0x36: {  	p1 =	seq.s32 s10, $0x1;
	s10 =	sld [smem:$0x3FB4];
	_ =	sdelay $0x3  }
0x37: {  	[smem:$0x3FB4] =	sst s10  }
0x38: {  	s10 =	sld [smem:$0x3FB5]  }
0x39: {  	_ = 	snop;
	(pc) =	sbr.ind lr, $3  }
0x3a: {  	_ = 	snop  }
0x3b: {  	_ = 	snop  }
0x3c: {  	p2 =	seq.s32 s10, $0x1;
	s10 =	sld [smem:$0x3FB4]  }
0x3d: {  	_ =	shalt  }
0x3e: {  	_ =	shalt  }
0x3f: {  	_ =	shalt  }
0x40: {  	_ =	shalt  }
0x41: {  	_ =	shalt  }
0x42: {  	_ =	shalt  }
0x43: {  	_ =	shalt  }
0x44: {  	_ =	shalt  }
0x45: {  	_ =	shalt  }
0x46: {  	_ =	shalt  }
0x47: {  	_ =	shalt  }
0x48: {  	_ =	shalt  }
0x49: {  	_ =	shalt  }
0x4a: {  	_ =	shalt  }
0x4b: {  	_ =	shalt  }
0x4c: {  	_ =	shalt  }
0x4d: {  	_ =	shalt  }
0x4e: {  	_ =	shalt  }
0x4f: {  	_ =	shalt  }
0x50: {  	_ =	shalt  }
0x51: {  	_ =	shalt  }
0x52: {  	_ =	shalt  }
0x53: {  	_ =	shalt  }
0x54: {  	_ =	shalt  }
0x55: {  	_ =	shalt  }
0x56: {  	_ =	shalt  }
0x57: {  	_ =	shalt  }
0x58: {  	_ =	shalt  }
0x59: {  	_ =	shalt  }
0x5a: {  	_ =	shalt  }
0x5b: {  	_ =	shalt  }
0x5c: {  	_ =	shalt  }
0x5d: {  	_ =	shalt  }
0x5e: {  	_ =	shalt  }
0x5f: {  	_ =	shalt  }
0x60: {  	_ =	shalt  }
0x61: {  	_ =	shalt  }
0x62: {  	_ =	shalt  }
0x63: {  	_ =	shalt  }
0x64: {  	_ =	shalt  }
0x65: {  	_ =	shalt  }
0x66: {  	_ =	shalt  }
0x67: {  	_ =	shalt  }
0x68: {  	_ =	shalt  }
0x69: {  	_ =	shalt  }
0x6a: {  	_ =	shalt  }
0x6b: {  	_ =	shalt  }
0x6c: {  	_ =	shalt  }
0x6d: {  	_ =	shalt  }
0x6e: {  	_ =	shalt  }
0x6f: {  	_ =	shalt  }
0x70: {  	_ =	shalt  }
0x71: {  	_ =	shalt  }
0x72: {  	_ =	shalt  }
0x73: {  	_ =	shalt  }
0x74: {  	_ =	shalt  }
0x75: {  	_ =	shalt  }
0x76: {  	_ =	shalt  }
0x77: {  	_ =	shalt  }
0x78: {  	_ =	shalt  }
0x79: {  	_ =	shalt  }
0x7a: {  	_ =	shalt  }
0x7b: {  	_ =	shalt  }
0x7c: {  	_ =	shalt  }
0x7d: {  	_ =	shalt  }
0x7e: {  	_ =	shalt  }
0x7f: {  	_ =	shalt  }
0x80: {  	_ =	shalt  }
0x81: {  	_ =	shalt  }
0x82: {  	_ =	shalt  }
0x83: {  	_ =	shalt  }
0x84: {  	_ =	shalt  }
0x85: {  	_ =	shalt  }
0x86: {  	_ =	shalt  }
0x87: {  	_ =	shalt  }
.Lfunc_end0:
.L_simem_size_0:
called_computation.1_lowered:
.L_overlay_start_0:
0x88: {  	s2 =	sld [smem:$0x3FD9]  }
0x89: {  	s3 =	sld [smem:$0x3FFE];
	_ =	sdelay $0x1  }
0x8a: {  	s1 =	srdreg.scid  }
0x8b: {  	s0 =	sand.u32 $0x1, s1  }
0x8c: {  	s16 =	sshll.u32 s0, $0xA;
	s2 =	sadd.s32 s3, s2  }
0x8d: {  	s2 =	sadd.s32 s2, s16  }
0x8e: {  	[smem:$0x3FC0] =	sst s2  }
0x8f: {  	_ = 	snop  }
0x90: {  	(tm) =	ssettm $0x1  }
0x91: {  	s17 =	sld [smem:$0x3FFB];
	_ =	sdelay $0x3  }
0x92: {  	_ =	strace s17  }
0x93: {  	s2 =	sld [smem:$0x3FFC];
	_ =	sdelay $0x3  }
0x94: {  	_ =	strace s2  }
0x95: {  	s2 =	sld [smem:$0x3FFD];
	_ =	sdelay $0x3  }
0x96: {  	_ =	strace s2  }
0x97: {  	_ =	strace $0x8FFFFFFF  }
0x98: {  	s18 =	sld [smem:$0x3FDB];
	_ =	sdelay $0x1  }
0x99: {  	s19 =	simm.s32 $_scs_section_size  }
0x9a: {  	s4 =	simm.s32 $_size__tile_overlayer_lowered;
	s5 =	simm.s32 $_tile_overlayer_lowered  }
0x9b: {  	s22 =	simm.s32 $0x1BFF;
	s21 =	sshll.u32 s5, $0x1;
	s2 =	sadd.s32 s19, s18  }
0x9c: {  	s6 =	simm.s32 $0x0;
	s20 =	sshll.u32 s4, $0x1;
	s4 =	sadd.s32 s21, s2  }
0x9d: {  	[timem:s6], [sflag:s22] =	dma.local [hbm:s4], s20  }
0x9e: {  	_ =	swait.ge [sflag:s22], s20  }
0x9f: {  	s3 =	ssub.s32 $0x0, s20;
	[sflag:s22] =	ssyncset.done $0x0  }
0xa0: {  	[sflag:s22] =	ssyncadd.s32 s3;
	_ =	sdelay $0x1  }
0xa1: {  	s23 =	simm.s32 $0x1B8B  }
0xa2: {  	_ =	swait.ge [sflag:s23], $0x1  }
0xa3: {  	[sflag:s23] =	ssyncset.done $0x0  }
0xa4: {  	s25 =	simm.s32 $0x1B8E;
	s24 =	sld [smem:$0x3FFE];
	[sflag:s23] =	ssyncadd.s32 $0xFFFFFFFF  }
0xa5: {  	s26 =	simm.s32 $execute0_lowered;
	[smem:$0x3FD2] =	sst s25  }
0xa6: {  	s4 =	sshll.u32 s26, $0x1;
	_ =	strace $0x80000049;
	[dreg:$0x1] =	wrdreg $0xFFFFFFFF  }
0xa7: {  	s28 =	simm.s32 $_size_execute0_lowered;
	s2 =	sadd.s32 s2, s4;
	[dreg:$0x0] =	wrdreg $0x0  }
0xa8: {  	s4 =	sshll.u32 s28, $0x1;
	[dreg:$0x2] =	wrdreg s2  }
0xa9: {  	[dreg:$0x3] =	wrdreg s4  }
0xaa: {  	[dreg:$0x4] =	wrdreg $0xC0  }
0xab: {  	_ =	task [dreg:s6], $0x5FFFF  }
0xac: {  	[dreg:$0x1] =	wrdreg $0xFFFFFFFF  }
0xad: {  	[dreg:$0x0] =	wrdreg $0x60  }
0xae: {  	[dreg:$0x2] =	wrdreg s24  }
0xaf: {  	[dreg:$0x3] =	wrdreg $0x160000  }
0xb0: {  	[dreg:$0x4] =	wrdreg $0x9  }
0xb1: {  	_ =	task.clear_ibuf [dreg:s6], $0x5FFFF;
	_ =	strace $0x90000049  }
0xb2: {  	s29 =	simm.s32 $0x9;
	_ =	strace $0x8000004B  }
0xb3: {  	_ =	swait.ge [sflag:s29], $0x1  }
0xb4: {  	[sflag:s29] =	ssyncadd.s32 $0xFFFFFFFF  }
0xb5: {  	_ =	strace $0x9000004B  }
0xb6: {  	_ =	sfence  }
0xb7: {  	s30 =	sld [smem:$0x0];
	_ =	sdelay $0x2  }
0xb8: {  	s31 =	sshll.u32 s1, $0xD;
	s1 =	sshrl.u32 s1, $0x2  }
0xb9: {  	s3 =	sand.u32 $0x4000, s31;
	s1 =	sadd.s32 s1, s30  }
0xba: {  	s0 =	sor.u32 s3, s0;
	s1 =	sshll.u32 s1, $0x11  }
0xbb: {  	s0 =	sor.u32 s1, s0  }
0xbc: {  	s0 =	sadd.s32 $0x8F2B, s0  }
0xbd: {  	[sflag:s0] =	ssyncadd.remote.s32 $0x1  }
0xbe: {  	_ =	sfence.sel $0xFFFF  }
0xbf: {  	[dreg:$0x0] =	wrdreg $0xFFFFFFFF;
	(pc) =	sbr.abs _section_cstart, $3  }
0xc0: {  	[dreg:$0x1] =	wrdreg $0xFFFFFFFF  }
0xc1: {  	_ =	task.clear_ibuf [dreg:s6], $0x2FFFF;
	_ =	strace $0x9FFFFFFF  }
0xc2: {  	(tm) =	ssettm $0x7FFFFFFF  }
0xc3: {  	_ =	shalt  }
tec
execute0_lowered:
.L_overlay_start_1:
0x0: {  	(tag) =	ssettag $0x1  }
0x1: {  	s0 =	rddreg [dreg:$0x0]  }
0x2: {  	s2 =	rddreg [dreg:$0x1]  }
0x3: {  	s1 =	srdreg.scid;
	s3 =	stileid.u32;
	s13 =	simm.s32 $0x0  }
0x4: {  	s14 =	simm.s32 $0x11;
	s16 =	simm.s32 $0x80;
	s17 =	simm.s32 $0x6000  }
0x5: {  	s30 =	simm.s32 $0x10000;
	s31 =	simm.s32 $0x3;
	s29 =	simm.s32 $0x14000  }
0x6: {  	s28 =	simm.s32 $0xC;
	s15 =	simm.s32 $0xF;
	s12 =	simm.s32 $0x8  }
0x7: {  	s1 =	sand.u32 $0x1, s1;
	s5 =	smul.u32 $0x14000, s3;
	[smem:$0x7FF] =	sst s13  }
0x8: {  	s4 =	sadd.s32 $0x94E00, s0;
	s7 =	sadd.s32 $0x12C00, s0;
	s8 =	sadd.s32 $0x2400, s0  }
0x9: {  	s10 =	sadd.s32 $0x11800, s0;
	s19 =	sshll.u32 s3, $0xA;
	s11 =	smul.u32 $0x600, s3  }
0xa: {  	s20 =	sshll.u32 s3, $0x6;
	s6 =	smul.u32 $0x140000, s1;
	_ =	strace $0x8000004A  }
0xb: {  	s9 =	ssub.s32 $0x2, s1;
	[dreg:$0x4] =	wrdreg s10;
	s21 =	sor.u32 $0x1C11, s20  }
0xc: {  	p0 =	sne.s32 s1, $0x0;
	s20 =	simm.s32 $0xA000;
	s10 =	simm.s32 $0x6  }
0xd: {  	s1 =	simm.s32 $0xB;
	s18 =	sshrl.u32 s9, $0x1;
	[dreg:$0x5] =	wrdreg s21  }
0xe: {  	s24 =	sadd.s32 s7, s11;
	s25 =	sadd.s32 s8, s11;
	s21 =	simm.s32 $0x4  }
0xf: {  	s11 =	simm.s32 $0x10;
	s6 =	sadd.s32 s5, s6;
	[dreg:$0x8] =	wrdreg s24  }
0x10: {  	s5 =	sshrl.u32 s5, $0x1;
	[dreg:$0x9] =	wrdreg s25;
	s25 =	simm.s32 $0xE000  }
0x11: {  	s24 =	simm.s32 $0xA;
	s6 =	sshrl.u32 s6, $0x4;
	s5 =	sadd.s32 s5, s2  }
0x12: {  	s0 =	sadd.s32 s6, s0;
	s6 =	ssub.s32 s9, s18;
	s9 =	sadd.s32 $0x6000, s19  }
0x13: {  	s18 =	simm.s32 $0x8000;
	s19 =	simm.s32 $0x12000;
	s22 =	sadd.s32 s7, s9  }
0x14: {  	s23 =	sadd.s32 s8, s9;
	s0 =	sadd.s32 $0xA8E00, s0;
	s26 =	smax.u32 s6, $0x1  }
.Ltmp0:
0x15: {  	s6 =	sshrl.u32 s5, $0x3;
	[dreg:$0x6] =	wrdreg s22;
	(pc) =	sbr.rel .LBB2_1-.Ltmp0, $4  }
0x16: {  	s7 =	simm.s32 $0x5;
	s9 =	simm.s32 $0x9;
	[dreg:$0x7] =	wrdreg s23  }
0x17: {  	s8 =	simm.s32 $0x7;
	s5 =	simm.s32 $0xE;
	[dreg:$0xa] =	wrdreg s0  }
0x18: {  	[dreg:$0xb] =	wrdreg s26;
	s22 =	simm.s32 $0xC000;
	s23 =	simm.s32 $0x1  }
0x19: {  	s26 =	simm.s32 $0x2;
	s0 =	simm.s32 $0xD;
	[dreg:$0xc] =	wrdreg s6  }
.LBB2_7:
0x1a: {  	[tilespmem:s22], [sflag:$0x4] =	stream.indirect.gather [hbm4b:s4+s16], $0x40, s14, s16, $0xb8;
	v63 =	vld [tilespmem:$0x0]  }
0x1b: {  	s13 =	rddreg [dreg:$0x3]  }
.LBB2_8:
0x1c: {  	_ =	swait.ge [sflag:s0], $0x2000  }
0x1d: {  	[sflag:s0] =	ssyncset.done $0x0  }
0x1e: {  	[sflag:s0] =	ssyncadd.s32 $0xFFFFE000  }
0x1f: {  	_ =	swait.ge [sflag:s5], $0x2000  }
0x20: {  	[sflag:s5] =	ssyncset.done $0x0  }
0x21: {  	[sflag:s5] =	ssyncadd.s32 $0xFFFFE000  }
0x22: {  	_ =	swait.ge [sflag:s15], $0x2000  }
0x23: {  	[sflag:s15] =	ssyncset.done $0x0  }
0x24: {  	[sflag:s15] =	ssyncadd.s32 $0xFFFFE000  }
0x25: {  	_ =	swait.ge [sflag:s11], $0x2000  }
0x26: {  	[sflag:s11] =	ssyncset.done $0x0  }
0x27: {  	[sflag:s11] =	ssyncadd.s32 $0xFFFFE000  }
0x28: {  	_ =	swait.ge [sflag:s23], $0x2000  }
0x29: {  	[sflag:s23] =	ssyncset.done $0x0  }
0x2a: {  	[sflag:s23] =	ssyncadd.s32 $0xFFFFE000  }
0x2b: {  	_ =	swait.ge [sflag:s26], $0x2000  }
0x2c: {  	[sflag:s26] =	ssyncset.done $0x0  }
0x2d: {  	[sflag:s26] =	ssyncadd.s32 $0xFFFFE000  }
0x2e: {  	_ =	swait.ge [sflag:s31], $0x2000  }
0x2f: {  	[sflag:s31] =	ssyncset.done $0x0  }
0x30: {  	[sflag:s31] =	ssyncadd.s32 $0xFFFFE000  }
0x31: {  	_ =	swait.ge [sflag:s21], $0x2000  }
0x32: {  	[sflag:s21] =	ssyncset.done $0x0  }
0x33: {  	[sflag:s21] =	ssyncadd.s32 $0xFFFFE000  }
0x34: {  	[bflag:$0x0] =	sbarrier.arrive $0xFFFF  }
0x35: {  	s14 =	rddreg [dreg:$0x5]  }
0x36: {  	s3 =	rddreg [dreg:$0xa]  }
0x37: {  	s6 =	rddreg [dreg:$0xc]  }
0x38: {  	[hbm:s3], [sflag:s14] =	dma.local [spmem:s6], $0x1400  }
0x39: {  	s14 =	simm.s32 $0x11  }
0x3a: {  	_ =	swait.ge [sflag:s14], $0x1400  }
0x3b: {  	s13 =	sadd.s32 $0x1, s13;
	s3 =	rddreg [dreg:$0xb]  }
0x3c: {  	p1 =	sne.s32 s13, s3  }
.Ltmp1:
0x3d: {  	_ = 	snop;
	(pc) =	sbr.rel @!p1 .LBB2_9-.Ltmp1, $3  }
0x3e: {  	_ =	sdelay $0x1  }
0x3f: {  	[sflag:s14] =	ssyncset.done $0x0  }
0x40: {  	[sflag:s14] =	ssyncadd.s32 $0xFFFFEC00  }
.LBB2_1:
0x41: {  	[dreg:$0x3] =	wrdreg s13  }
0x42: {  	s3 =	rddreg [dreg:$0x4]  }
.Ltmp2:
0x43: {  	s13 =	rddreg [dreg:$0x5];
	(pc) =	sbr.rel @p0 .LBB2_5-.Ltmp2, $4  }
0x44: {  	[spmem:s6], [sflag:s13] =	dma.local [hbm:s3], $0x1400  }
0x45: {  	_ =	swait.ge [sflag:s14], $0x1400  }
0x46: {  	[sflag:s14] =	ssyncset.done $0x0  }
0x47: {  	s13 =	simm.s32 $0x11;
	[sflag:s14] =	ssyncadd.s32 $0xFFFFEC00  }
0x48: {  	s6 =	simm.s32 $0x0;
	s3 =	rddreg [dreg:$0x8]  }
0x49: {  	[tilespmem:s6], [sflag:$0x11] =	stream.linear.gather [hbm4b:s3+s6], $0x3000, $0x38;
	v63 =	vld [tilespmem:$0x0]  }
0x4a: {  	_ =	swait.ge [sflag:s13], $0x3000  }
0x4b: {  	[sflag:s13] =	ssyncset.done $0x0  }
0x4c: {  	s14 =	simm.s32 $0x3000;
	s3 =	rddreg [dreg:$0x9];
	[sflag:s13] =	ssyncadd.s32 $0xFFFFD000  }
0x4d: {  	[tilespmem:s14], [sflag:$0x11] =	stream.linear.gather [hbm4b:s3+s6], $0x3000, $0x38;
	v63 =	vld [tilespmem:$0x0]  }
0x4e: {  	_ =	swait.ge [sflag:s13], $0x3000  }
0x4f: {  	[sflag:s13] =	ssyncset.done $0x0  }
0x50: {  	[sflag:s13] =	ssyncadd.s32 $0xFFFFD000  }
0x51: {  	[bflag:$0x0] =	sbarrier.arrive $0xFFFF  }
0x52: {  	[tilespmem:s17], [sflag:$0x1] =	stream.indirect.gather [hbm4b:s4+s16], $0x40, s6, s16, $0xb8;
	v63 =	vld [tilespmem:$0x0]  }
0x53: {  	_ = 	snop  }
0x54: {  	[tilespmem:s18], [sflag:$0x2] =	stream.indirect.gather [hbm4b:s4+s16], $0x40, s16, s16, $0xb8;
	v63 =	vld [tilespmem:$0x0]  }
0x55: {  	s6 =	simm.s32 $0x100  }
0x56: {  	[tilespmem:s20], [sflag:$0x3] =	stream.indirect.gather [hbm4b:s4+s16], $0x40, s6, s16, $0xb8;
	v63 =	vld [tilespmem:$0x0]  }
0x57: {  	s13 =	simm.s32 $0x180  }
0x58: {  	[tilespmem:s22], [sflag:$0x4] =	stream.indirect.gather [hbm4b:s4+s16], $0x40, s13, s16, $0xb8;
	v63 =	vld [tilespmem:$0x0]  }
0x59: {  	_ =	swait.ge [sflag:s23], $0x2000  }
0x5a: {  	[sflag:s23] =	ssyncset.done $0x0  }
0x5b: {  	[sflag:s23] =	ssyncadd.s32 $0xFFFFE000  }
0x5c: {  	[spmem:s2] =	stream.indirect.scatter.add.bf16 [tilespmem:s17], [sflag:$0x9], $0x40, s14, s16, $0xb8;
	v63 =	vld [tilespmem:$0x0]  }
0x5d: {  	s6 =	simm.s32 $0x200  }
0x5e: {  	[tilespmem:s25], [sflag:$0x5] =	stream.indirect.gather [hbm4b:s4+s16], $0x40, s6, s16, $0xb8;
	v63 =	vld [tilespmem:$0x0]  }
0x5f: {  	_ =	swait.ge [sflag:s26], $0x2000  }
0x60: {  	[sflag:s26] =	ssyncset.done $0x0  }
0x61: {  	s13 =	simm.s32 $0x3080;
	[sflag:s26] =	ssyncadd.s32 $0xFFFFE000  }
0x62: {  	[spmem:s2] =	stream.indirect.scatter.add.bf16 [tilespmem:s18], [sflag:$0xA], $0x40, s13, s16, $0xb8;
	v63 =	vld [tilespmem:$0x0]  }
0x63: {  	s14 =	simm.s32 $0x280  }
0x64: {  	[tilespmem:s30], [sflag:$0x6] =	stream.indirect.gather [hbm4b:s4+s16], $0x40, s14, s16, $0xb8;
	v63 =	vld [tilespmem:$0x0]  }
0x65: {  	_ =	swait.ge [sflag:s31], $0x2000  }
0x66: {  	[sflag:s31] =	ssyncset.done $0x0  }
0x67: {  	s6 =	simm.s32 $0x3100;
	[sflag:s31] =	ssyncadd.s32 $0xFFFFE000  }
0x68: {  	[spmem:s2] =	stream.indirect.scatter.add.bf16 [tilespmem:s20], [sflag:$0xB], $0x40, s6, s16, $0xb8;
	v63 =	vld [tilespmem:$0x0]  }
0x69: {  	s13 =	simm.s32 $0x300  }
0x6a: {  	[tilespmem:s19], [sflag:$0x7] =	stream.indirect.gather [hbm4b:s4+s16], $0x40, s13, s16, $0xb8;
	v63 =	vld [tilespmem:$0x0]  }
0x6b: {  	_ =	swait.ge [sflag:s21], $0x2000  }
0x6c: {  	[sflag:s21] =	ssyncset.done $0x0  }
0x6d: {  	s14 =	simm.s32 $0x3180;
	[sflag:s21] =	ssyncadd.s32 $0xFFFFE000  }
0x6e: {  	[spmem:s2] =	stream.indirect.scatter.add.bf16 [tilespmem:s22], [sflag:$0xC], $0x40, s14, s16, $0xb8;
	v63 =	vld [tilespmem:$0x0]  }
0x6f: {  	s6 =	simm.s32 $0x380  }
0x70: {  	[tilespmem:s29], [sflag:$0x8] =	stream.indirect.gather [hbm4b:s4+s16], $0x40, s6, s16, $0xb8;
	v63 =	vld [tilespmem:$0x0]  }
0x71: {  	_ =	swait.ge [sflag:s7], $0x2000  }
0x72: {  	[sflag:s7] =	ssyncset.done $0x0  }
0x73: {  	s13 =	simm.s32 $0x3200;
	[sflag:s7] =	ssyncadd.s32 $0xFFFFE000  }
0x74: {  	[spmem:s2] =	stream.indirect.scatter.add.bf16 [tilespmem:s25], [sflag:$0xD], $0x40, s13, s16, $0xb8;
	v63 =	vld [tilespmem:$0x0]  }
0x75: {  	_ =	swait.ge [sflag:s9], $0x2000  }
0x76: {  	[sflag:s9] =	ssyncset.done $0x0  }
0x77: {  	s14 =	simm.s32 $0x400;
	[sflag:s9] =	ssyncadd.s32 $0xFFFFE000  }
0x78: {  	[tilespmem:s17], [sflag:$0x1] =	stream.indirect.gather [hbm4b:s4+s16], $0x40, s14, s16, $0xb8;
	v63 =	vld [tilespmem:$0x0]  }
0x79: {  	_ =	swait.ge [sflag:s10], $0x2000  }
0x7a: {  	[sflag:s10] =	ssyncset.done $0x0  }
0x7b: {  	s6 =	simm.s32 $0x3280;
	[sflag:s10] =	ssyncadd.s32 $0xFFFFE000  }
0x7c: {  	[spmem:s2] =	stream.indirect.scatter.add.bf16 [tilespmem:s30], [sflag:$0xE], $0x40, s6, s16, $0xb8;
	v63 =	vld [tilespmem:$0x0]  }
0x7d: {  	_ =	swait.ge [sflag:s24], $0x2000  }
0x7e: {  	[sflag:s24] =	ssyncset.done $0x0  }
0x7f: {  	s13 =	simm.s32 $0x480;
	[sflag:s24] =	ssyncadd.s32 $0xFFFFE000  }
0x80: {  	[tilespmem:s18], [sflag:$0x2] =	stream.indirect.gather [hbm4b:s4+s16], $0x40, s13, s16, $0xb8;
	v63 =	vld [tilespmem:$0x0]  }
0x81: {  	_ =	swait.ge [sflag:s8], $0x2000  }
0x82: {  	[sflag:s8] =	ssyncset.done $0x0  }
0x83: {  	s14 =	simm.s32 $0x3300;
	[sflag:s8] =	ssyncadd.s32 $0xFFFFE000  }
0x84: {  	[spmem:s2] =	stream.indirect.scatter.add.bf16 [tilespmem:s19], [sflag:$0xF], $0x40, s14, s16, $0xb8;
	v63 =	vld [tilespmem:$0x0]  }
0x85: {  	_ =	swait.ge [sflag:s1], $0x2000  }
0x86: {  	[sflag:s1] =	ssyncset.done $0x0  }
0x87: {  	s6 =	simm.s32 $0x500;
	[sflag:s1] =	ssyncadd.s32 $0xFFFFE000  }
0x88: {  	[tilespmem:s20], [sflag:$0x3] =	stream.indirect.gather [hbm4b:s4+s16], $0x40, s6, s16, $0xb8;
	v63 =	vld [tilespmem:$0x0]  }
0x89: {  	s6 =	simm.s32 $0x8  }
0x8a: {  	_ =	swait.ge [sflag:s6], $0x2000  }
0x8b: {  	[sflag:s6] =	ssyncset.done $0x0  }
0x8c: {  	s13 =	simm.s32 $0x3380;
	[sflag:s6] =	ssyncadd.s32 $0xFFFFE000  }
0x8d: {  	[spmem:s2] =	stream.indirect.scatter.add.bf16 [tilespmem:s29], [sflag:$0x10], $0x40, s13, s16, $0xb8;
	v63 =	vld [tilespmem:$0x0]  }
0x8e: {  	_ =	swait.ge [sflag:s28], $0x2000  }
0x8f: {  	[sflag:s28] =	ssyncset.done $0x0  }
0x90: {  	s14 =	simm.s32 $0x580;
	[sflag:s28] =	ssyncadd.s32 $0xFFFFE000  }
0x91: {  	[tilespmem:s22], [sflag:$0x4] =	stream.indirect.gather [hbm4b:s4+s16], $0x40, s14, s16, $0xb8;
	v63 =	vld [tilespmem:$0x0]  }
0x92: {  	_ =	swait.ge [sflag:s23], $0x2000  }
0x93: {  	[sflag:s23] =	ssyncset.done $0x0  }
0x94: {  	s3 =	simm.s32 $0x3400;
	[sflag:s23] =	ssyncadd.s32 $0xFFFFE000  }
0x95: {  	[spmem:s2] =	stream.indirect.scatter.add.bf16 [tilespmem:s17], [sflag:$0x9], $0x40, s3, s16, $0xb8;
	v63 =	vld [tilespmem:$0x0]  }
0x96: {  	_ =	swait.ge [sflag:s0], $0x2000  }
0x97: {  	[sflag:s0] =	ssyncset.done $0x0  }
0x98: {  	s14 =	simm.s32 $0x600;
	[sflag:s0] =	ssyncadd.s32 $0xFFFFE000  }
0x99: {  	[tilespmem:s25], [sflag:$0x5] =	stream.indirect.gather [hbm4b:s4+s16], $0x40, s14, s16, $0xb8;
	v63 =	vld [tilespmem:$0x0]  }
0x9a: {  	_ =	swait.ge [sflag:s26], $0x2000  }
0x9b: {  	[sflag:s26] =	ssyncset.done $0x0  }
0x9c: {  	s3 =	simm.s32 $0x3480;
	[sflag:s26] =	ssyncadd.s32 $0xFFFFE000  }
0x9d: {  	[spmem:s2] =	stream.indirect.scatter.add.bf16 [tilespmem:s18], [sflag:$0xA], $0x40, s3, s16, $0xb8;
	v63 =	vld [tilespmem:$0x0]  }
0x9e: {  	_ =	swait.ge [sflag:s5], $0x2000  }
0x9f: {  	[sflag:s5] =	ssyncset.done $0x0  }
0xa0: {  	s14 =	simm.s32 $0x680;
	[sflag:s5] =	ssyncadd.s32 $0xFFFFE000  }
0xa1: {  	[tilespmem:s30], [sflag:$0x6] =	stream.indirect.gather [hbm4b:s4+s16], $0x40, s14, s16, $0xb8;
	v63 =	vld [tilespmem:$0x0]  }
0xa2: {  	_ =	swait.ge [sflag:s31], $0x2000  }
0xa3: {  	[sflag:s31] =	ssyncset.done $0x0  }
0xa4: {  	s3 =	simm.s32 $0x3500;
	[sflag:s31] =	ssyncadd.s32 $0xFFFFE000  }
0xa5: {  	[spmem:s2] =	stream.indirect.scatter.add.bf16 [tilespmem:s20], [sflag:$0xB], $0x40, s3, s16, $0xb8;
	v63 =	vld [tilespmem:$0x0]  }
0xa6: {  	_ =	swait.ge [sflag:s15], $0x2000  }
0xa7: {  	[sflag:s15] =	ssyncset.done $0x0  }
0xa8: {  	s14 =	simm.s32 $0x700;
	[sflag:s15] =	ssyncadd.s32 $0xFFFFE000  }
0xa9: {  	[tilespmem:s19], [sflag:$0x7] =	stream.indirect.gather [hbm4b:s4+s16], $0x40, s14, s16, $0xb8;
	v63 =	vld [tilespmem:$0x0]  }
0xaa: {  	_ =	swait.ge [sflag:s21], $0x2000  }
0xab: {  	[sflag:s21] =	ssyncset.done $0x0  }
0xac: {  	s3 =	simm.s32 $0x3580;
	[sflag:s21] =	ssyncadd.s32 $0xFFFFE000  }
0xad: {  	[spmem:s2] =	stream.indirect.scatter.add.bf16 [tilespmem:s22], [sflag:$0xC], $0x40, s3, s16, $0xb8;
	v63 =	vld [tilespmem:$0x0]  }
0xae: {  	_ =	swait.ge [sflag:s11], $0x2000  }
0xaf: {  	[sflag:s11] =	ssyncset.done $0x0  }
0xb0: {  	s14 =	simm.s32 $0x780;
	[sflag:s11] =	ssyncadd.s32 $0xFFFFE000  }
0xb1: {  	[tilespmem:s29], [sflag:$0x8] =	stream.indirect.gather [hbm4b:s4+s16], $0x40, s14, s16, $0xb8;
	v63 =	vld [tilespmem:$0x0]  }
0xb2: {  	_ =	swait.ge [sflag:s7], $0x2000  }
0xb3: {  	[sflag:s7] =	ssyncset.done $0x0  }
0xb4: {  	s3 =	simm.s32 $0x3600;
	[sflag:s7] =	ssyncadd.s32 $0xFFFFE000  }
0xb5: {  	[spmem:s2] =	stream.indirect.scatter.add.bf16 [tilespmem:s25], [sflag:$0xD], $0x40, s3, s16, $0xb8;
	v63 =	vld [tilespmem:$0x0]  }
0xb6: {  	s14 =	smin.u32 s6, $0x57;
	_ =	swait.ge [sflag:s9], $0x2000  }
0xb7: {  	s13 =	sshll.u32 s14, $0x7;
	[sflag:s9] =	ssyncset.done $0x0  }
0xb8: {  	s13 =	sadd.s32 $0x400, s13;
	[sflag:s9] =	ssyncadd.s32 $0xFFFFE000  }
0xb9: {  	[tilespmem:s17], [sflag:$0x1] =	stream.indirect.gather [hbm4b:s4+s16], $0x40, s13, s16, $0xb8;
	v63 =	vld [tilespmem:$0x0]  }
0xba: {  	_ =	swait.ge [sflag:s10], $0x2000  }
0xbb: {  	[sflag:s10] =	ssyncset.done $0x0  }
0xbc: {  	s3 =	simm.s32 $0x3680;
	[sflag:s10] =	ssyncadd.s32 $0xFFFFE000  }
0xbd: {  	[spmem:s2] =	stream.indirect.scatter.add.bf16 [tilespmem:s30], [sflag:$0xE], $0x40, s3, s16, $0xb8;
	v63 =	vld [tilespmem:$0x0]  }
0xbe: {  	s14 =	smin.u32 s6, $0x56;
	_ =	swait.ge [sflag:s24], $0x2000  }
0xbf: {  	s13 =	sshll.u32 s14, $0x7;
	[sflag:s24] =	ssyncset.done $0x0  }
0xc0: {  	s13 =	sadd.s32 $0x480, s13;
	[sflag:s24] =	ssyncadd.s32 $0xFFFFE000  }
0xc1: {  	[tilespmem:s18], [sflag:$0x2] =	stream.indirect.gather [hbm4b:s4+s16], $0x40, s13, s16, $0xb8;
	v63 =	vld [tilespmem:$0x0]  }
0xc2: {  	_ =	swait.ge [sflag:s8], $0x2000  }
0xc3: {  	[sflag:s8] =	ssyncset.done $0x0  }
0xc4: {  	s3 =	simm.s32 $0x3700;
	[sflag:s8] =	ssyncadd.s32 $0xFFFFE000  }
0xc5: {  	[spmem:s2] =	stream.indirect.scatter.add.bf16 [tilespmem:s19], [sflag:$0xF], $0x40, s3, s16, $0xb8;
	v63 =	vld [tilespmem:$0x0]  }
0xc6: {  	s14 =	smin.u32 s6, $0x55;
	_ =	swait.ge [sflag:s1], $0x2000  }
0xc7: {  	s13 =	sshll.u32 s14, $0x7;
	[sflag:s1] =	ssyncset.done $0x0  }
0xc8: {  	s13 =	sadd.s32 $0x500, s13;
	[sflag:s1] =	ssyncadd.s32 $0xFFFFE000  }
0xc9: {  	[tilespmem:s20], [sflag:$0x3] =	stream.indirect.gather [hbm4b:s4+s16], $0x40, s13, s16, $0xb8;
	v63 =	vld [tilespmem:$0x0]  }
0xca: {  	_ =	swait.ge [sflag:s12], $0x2000  }
0xcb: {  	[sflag:s12] =	ssyncset.done $0x0  }
0xcc: {  	s3 =	simm.s32 $0x3780;
	[sflag:s12] =	ssyncadd.s32 $0xFFFFE000  }
0xcd: {  	[spmem:s2] =	stream.indirect.scatter.add.bf16 [tilespmem:s29], [sflag:$0x10], $0x40, s3, s16, $0xb8;
	v63 =	vld [tilespmem:$0x0]  }
0xce: {  	s14 =	smin.u32 s6, $0x54;
	_ =	swait.ge [sflag:s28], $0x2000  }
0xcf: {  	s6 =	simm.s32 $0x1000;
	s13 =	sshll.u32 s14, $0x7;
	[sflag:s28] =	ssyncset.done $0x0  }
0xd0: {  	s14 =	sadd.s32 $0x580, s13;
	s13 =	simm.s32 $0x10;
	[sflag:s28] =	ssyncadd.s32 $0xFFFFE000  }
.LBB2_3:
0xd1: {  	[tilespmem:s22], [sflag:$0x4] =	stream.indirect.gather [hbm4b:s4+s16], $0x40, s14, s16, $0xb8;
	v63 =	vld [tilespmem:$0x0]  }
0xd2: {  	s14 =	smov.u32 s6  }
0xd3: {  	p1 =	seq.s32 s6, $0xA000;
	s6 =	sadd.s32 $0x1000, s6;
	_ =	swait.ge [sflag:s23], $0x2000  }
0xd4: {  	s14 =	sshra.s32 s14, $0x2;
	[sflag:s23] =	ssyncset.done $0x0  }
0xd5: {  	s3 =	sadd.s32 $0x3400, s14;
	[sflag:s23] =	ssyncadd.s32 $0xFFFFE000  }
0xd6: {  	[spmem:s2] =	stream.indirect.scatter.add.bf16 [tilespmem:s17], [sflag:$0x9], $0x40, s3, s16, $0xb8;
	v63 =	vld [tilespmem:$0x0]  }
0xd7: {  	_ =	swait.ge [sflag:s0], $0x2000  }
0xd8: {  	[sflag:s0] =	ssyncset.done $0x0  }
0xd9: {  	s3 =	sadd.s32 $0x600, s14;
	[sflag:s0] =	ssyncadd.s32 $0xFFFFE000  }
0xda: {  	[tilespmem:s25], [sflag:$0x5] =	stream.indirect.gather [hbm4b:s4+s16], $0x40, s3, s16, $0xb8;
	v63 =	vld [tilespmem:$0x0]  }
0xdb: {  	_ =	swait.ge [sflag:s26], $0x2000  }
0xdc: {  	[sflag:s26] =	ssyncset.done $0x0  }
0xdd: {  	s3 =	sadd.s32 $0x3480, s14;
	[sflag:s26] =	ssyncadd.s32 $0xFFFFE000  }
0xde: {  	[spmem:s2] =	stream.indirect.scatter.add.bf16 [tilespmem:s18], [sflag:$0xA], $0x40, s3, s16, $0xb8;
	v63 =	vld [tilespmem:$0x0]  }
0xdf: {  	_ =	swait.ge [sflag:s5], $0x2000  }
0xe0: {  	[sflag:s5] =	ssyncset.done $0x0  }
0xe1: {  	s3 =	sadd.s32 $0x680, s14;
	[sflag:s5] =	ssyncadd.s32 $0xFFFFE000  }
0xe2: {  	[tilespmem:s30], [sflag:$0x6] =	stream.indirect.gather [hbm4b:s4+s16], $0x40, s3, s16, $0xb8;
	v63 =	vld [tilespmem:$0x0]  }
0xe3: {  	_ =	swait.ge [sflag:s31], $0x2000  }
0xe4: {  	[sflag:s31] =	ssyncset.done $0x0  }
0xe5: {  	s3 =	sadd.s32 $0x3500, s14;
	[sflag:s31] =	ssyncadd.s32 $0xFFFFE000  }
0xe6: {  	[spmem:s2] =	stream.indirect.scatter.add.bf16 [tilespmem:s20], [sflag:$0xB], $0x40, s3, s16, $0xb8;
	v63 =	vld [tilespmem:$0x0]  }
0xe7: {  	_ =	swait.ge [sflag:s15], $0x2000  }
0xe8: {  	[sflag:s15] =	ssyncset.done $0x0  }
0xe9: {  	s3 =	sadd.s32 $0x700, s14;
	[sflag:s15] =	ssyncadd.s32 $0xFFFFE000  }
0xea: {  	[tilespmem:s19], [sflag:$0x7] =	stream.indirect.gather [hbm4b:s4+s16], $0x40, s3, s16, $0xb8;
	v63 =	vld [tilespmem:$0x0]  }
0xeb: {  	_ =	swait.ge [sflag:s21], $0x2000  }
0xec: {  	[sflag:s21] =	ssyncset.done $0x0  }
0xed: {  	s3 =	sadd.s32 $0x3580, s14;
	[sflag:s21] =	ssyncadd.s32 $0xFFFFE000  }
0xee: {  	[spmem:s2] =	stream.indirect.scatter.add.bf16 [tilespmem:s22], [sflag:$0xC], $0x40, s3, s16, $0xb8;
	v63 =	vld [tilespmem:$0x0]  }
0xef: {  	_ =	swait.ge [sflag:s11], $0x2000  }
0xf0: {  	[sflag:s11] =	ssyncset.done $0x0  }
0xf1: {  	s3 =	sadd.s32 $0x780, s14;
	[sflag:s11] =	ssyncadd.s32 $0xFFFFE000  }
0xf2: {  	[tilespmem:s29], [sflag:$0x8] =	stream.indirect.gather [hbm4b:s4+s16], $0x40, s3, s16, $0xb8;
	v63 =	vld [tilespmem:$0x0]  }
0xf3: {  	_ =	swait.ge [sflag:s7], $0x2000  }
0xf4: {  	[sflag:s7] =	ssyncset.done $0x0  }
0xf5: {  	s3 =	sadd.s32 $0x3600, s14;
	[sflag:s7] =	ssyncadd.s32 $0xFFFFE000  }
0xf6: {  	[spmem:s2] =	stream.indirect.scatter.add.bf16 [tilespmem:s25], [sflag:$0xD], $0x40, s3, s16, $0xb8;
	v63 =	vld [tilespmem:$0x0]  }
0xf7: {  	s3 =	smin.u32 s13, $0x57;
	_ =	swait.ge [sflag:s9], $0x2000  }
0xf8: {  	s3 =	sshll.u32 s3, $0x7;
	[sflag:s9] =	ssyncset.done $0x0  }
0xf9: {  	s3 =	sadd.s32 $0x400, s3;
	[sflag:s9] =	ssyncadd.s32 $0xFFFFE000  }
0xfa: {  	[tilespmem:s17], [sflag:$0x1] =	stream.indirect.gather [hbm4b:s4+s16], $0x40, s3, s16, $0xb8;
	v63 =	vld [tilespmem:$0x0]  }
0xfb: {  	_ =	swait.ge [sflag:s10], $0x2000  }
0xfc: {  	[sflag:s10] =	ssyncset.done $0x0  }
0xfd: {  	s3 =	sadd.s32 $0x3680, s14;
	[sflag:s10] =	ssyncadd.s32 $0xFFFFE000  }
0xfe: {  	[spmem:s2] =	stream.indirect.scatter.add.bf16 [tilespmem:s30], [sflag:$0xE], $0x40, s3, s16, $0xb8;
	v63 =	vld [tilespmem:$0x0]  }
0xff: {  	s3 =	smin.u32 s13, $0x56;
	_ =	swait.ge [sflag:s24], $0x2000  }
0x100: {  	s3 =	sshll.u32 s3, $0x7;
	[sflag:s24] =	ssyncset.done $0x0  }
0x101: {  	s3 =	sadd.s32 $0x480, s3;
	[sflag:s24] =	ssyncadd.s32 $0xFFFFE000  }
0x102: {  	[tilespmem:s18], [sflag:$0x2] =	stream.indirect.gather [hbm4b:s4+s16], $0x40, s3, s16, $0xb8;
	v63 =	vld [tilespmem:$0x0]  }
0x103: {  	_ =	swait.ge [sflag:s8], $0x2000  }
0x104: {  	[sflag:s8] =	ssyncset.done $0x0  }
0x105: {  	s3 =	sadd.s32 $0x3700, s14;
	[sflag:s8] =	ssyncadd.s32 $0xFFFFE000  }
0x106: {  	[spmem:s2] =	stream.indirect.scatter.add.bf16 [tilespmem:s19], [sflag:$0xF], $0x40, s3, s16, $0xb8;
	v63 =	vld [tilespmem:$0x0]  }
0x107: {  	s3 =	smin.u32 s13, $0x55;
	_ =	swait.ge [sflag:s1], $0x2000  }
0x108: {  	s3 =	sshll.u32 s3, $0x7;
	[sflag:s1] =	ssyncset.done $0x0  }
0x109: {  	s3 =	sadd.s32 $0x500, s3;
	[sflag:s1] =	ssyncadd.s32 $0xFFFFE000  }
0x10a: {  	[tilespmem:s20], [sflag:$0x3] =	stream.indirect.gather [hbm4b:s4+s16], $0x40, s3, s16, $0xb8;
	v63 =	vld [tilespmem:$0x0]  }
0x10b: {  	_ =	swait.ge [sflag:s12], $0x2000  }
0x10c: {  	[sflag:s12] =	ssyncset.done $0x0  }
.Ltmp3:
0x10d: {  	s3 =	sadd.s32 $0x3780, s14;
	[sflag:s12] =	ssyncadd.s32 $0xFFFFE000;
	(pc) =	sbr.rel @!p1 .LBB2_3-.Ltmp3, $4  }
0x10e: {  	[spmem:s2] =	stream.indirect.scatter.add.bf16 [tilespmem:s29], [sflag:$0x10], $0x40, s3, s16, $0xb8;
	v63 =	vld [tilespmem:$0x0]  }
0x10f: {  	s3 =	smin.u32 s13, $0x54;
	_ =	swait.ge [sflag:s28], $0x2000  }
0x110: {  	s3 =	sshll.u32 s3, $0x7;
	[sflag:s28] =	ssyncset.done $0x0  }
0x111: {  	s13 =	sadd.s32 $0x8, s13;
	s14 =	sadd.s32 $0x580, s3;
	[sflag:s28] =	ssyncadd.s32 $0xFFFFE000  }
.Ltmp4:
0x112: {  	(pc) =	sbr.rel .LBB2_8-.Ltmp4, $3  }
0x113: {  	_ =	sdelay $0x1  }
0x114: {  	[tilespmem:s22], [sflag:$0x4] =	stream.indirect.gather [hbm4b:s4+s16], $0x40, s14, s16, $0xb8;
	v63 =	vld [tilespmem:$0x0]  }
0x115: {  	s13 =	rddreg [dreg:$0x3]  }
.LBB2_5:
0x116: {  	s3 =	simm.s32 $0x0;
	s6 =	rddreg [dreg:$0x6]  }
0x117: {  	[tilespmem:s3], [sflag:$0x11] =	stream.linear.gather [hbm4b:s6+s3], $0x2000, $0x38;
	v63 =	vld [tilespmem:$0x0]  }
0x118: {  	_ =	swait.ge [sflag:s13], $0x2000  }
0x119: {  	[sflag:s13] =	ssyncset.done $0x0  }
0x11a: {  	s14 =	simm.s32 $0x3000;
	s6 =	rddreg [dreg:$0x7];
	[sflag:s13] =	ssyncadd.s32 $0xFFFFE000  }
0x11b: {  	[tilespmem:s14], [sflag:$0x11] =	stream.linear.gather [hbm4b:s6+s3], $0x2000, $0x38;
	v63 =	vld [tilespmem:$0x0]  }
0x11c: {  	_ =	swait.ge [sflag:s13], $0x2000  }
0x11d: {  	[sflag:s13] =	ssyncset.done $0x0  }
0x11e: {  	[sflag:s13] =	ssyncadd.s32 $0xFFFFE000  }
0x11f: {  	[bflag:$0x0] =	sbarrier.arrive $0xFFFF  }
0x120: {  	[tilespmem:s17], [sflag:$0x1] =	stream.indirect.gather [hbm4b:s4+s16], $0x40, s3, s16, $0xb8;
	v63 =	vld [tilespmem:$0x0]  }
0x121: {  	_ = 	snop  }
0x122: {  	[tilespmem:s18], [sflag:$0x2] =	stream.indirect.gather [hbm4b:s4+s16], $0x40, s16, s16, $0xb8;
	v63 =	vld [tilespmem:$0x0]  }
0x123: {  	s6 =	simm.s32 $0x100  }
0x124: {  	[tilespmem:s20], [sflag:$0x3] =	stream.indirect.gather [hbm4b:s4+s16], $0x40, s6, s16, $0xb8;
	v63 =	vld [tilespmem:$0x0]  }
0x125: {  	s13 =	simm.s32 $0x180  }
0x126: {  	[tilespmem:s22], [sflag:$0x4] =	stream.indirect.gather [hbm4b:s4+s16], $0x40, s13, s16, $0xb8;
	v63 =	vld [tilespmem:$0x0]  }
0x127: {  	_ =	swait.ge [sflag:s23], $0x2000  }
0x128: {  	[sflag:s23] =	ssyncset.done $0x0  }
0x129: {  	[sflag:s23] =	ssyncadd.s32 $0xFFFFE000  }
0x12a: {  	[spmem:s2] =	stream.indirect.scatter.add.bf16 [tilespmem:s17], [sflag:$0x9], $0x40, s14, s16, $0xb8;
	v63 =	vld [tilespmem:$0x0]  }
0x12b: {  	s6 =	simm.s32 $0x200  }
0x12c: {  	[tilespmem:s25], [sflag:$0x5] =	stream.indirect.gather [hbm4b:s4+s16], $0x40, s6, s16, $0xb8;
	v63 =	vld [tilespmem:$0x0]  }
0x12d: {  	_ =	swait.ge [sflag:s26], $0x2000  }
0x12e: {  	[sflag:s26] =	ssyncset.done $0x0  }
0x12f: {  	s13 =	simm.s32 $0x3080;
	[sflag:s26] =	ssyncadd.s32 $0xFFFFE000  }
0x130: {  	[spmem:s2] =	stream.indirect.scatter.add.bf16 [tilespmem:s18], [sflag:$0xA], $0x40, s13, s16, $0xb8;
	v63 =	vld [tilespmem:$0x0]  }
0x131: {  	s14 =	simm.s32 $0x280  }
0x132: {  	[tilespmem:s30], [sflag:$0x6] =	stream.indirect.gather [hbm4b:s4+s16], $0x40, s14, s16, $0xb8;
	v63 =	vld [tilespmem:$0x0]  }
0x133: {  	_ =	swait.ge [sflag:s31], $0x2000  }
0x134: {  	[sflag:s31] =	ssyncset.done $0x0  }
0x135: {  	s6 =	simm.s32 $0x3100;
	[sflag:s31] =	ssyncadd.s32 $0xFFFFE000  }
0x136: {  	[spmem:s2] =	stream.indirect.scatter.add.bf16 [tilespmem:s20], [sflag:$0xB], $0x40, s6, s16, $0xb8;
	v63 =	vld [tilespmem:$0x0]  }
0x137: {  	s13 =	simm.s32 $0x300  }
0x138: {  	[tilespmem:s19], [sflag:$0x7] =	stream.indirect.gather [hbm4b:s4+s16], $0x40, s13, s16, $0xb8;
	v63 =	vld [tilespmem:$0x0]  }
0x139: {  	_ =	swait.ge [sflag:s21], $0x2000  }
0x13a: {  	[sflag:s21] =	ssyncset.done $0x0  }
0x13b: {  	s14 =	simm.s32 $0x3180;
	[sflag:s21] =	ssyncadd.s32 $0xFFFFE000  }
0x13c: {  	[spmem:s2] =	stream.indirect.scatter.add.bf16 [tilespmem:s22], [sflag:$0xC], $0x40, s14, s16, $0xb8;
	v63 =	vld [tilespmem:$0x0]  }
0x13d: {  	s6 =	simm.s32 $0x380  }
0x13e: {  	[tilespmem:s29], [sflag:$0x8] =	stream.indirect.gather [hbm4b:s4+s16], $0x40, s6, s16, $0xb8;
	v63 =	vld [tilespmem:$0x0]  }
0x13f: {  	_ =	swait.ge [sflag:s7], $0x2000  }
0x140: {  	[sflag:s7] =	ssyncset.done $0x0  }
0x141: {  	s13 =	simm.s32 $0x3200;
	[sflag:s7] =	ssyncadd.s32 $0xFFFFE000  }
0x142: {  	[spmem:s2] =	stream.indirect.scatter.add.bf16 [tilespmem:s25], [sflag:$0xD], $0x40, s13, s16, $0xb8;
	v63 =	vld [tilespmem:$0x0]  }
0x143: {  	_ =	swait.ge [sflag:s9], $0x2000  }
0x144: {  	[sflag:s9] =	ssyncset.done $0x0  }
0x145: {  	s14 =	simm.s32 $0x400;
	[sflag:s9] =	ssyncadd.s32 $0xFFFFE000  }
0x146: {  	[tilespmem:s17], [sflag:$0x1] =	stream.indirect.gather [hbm4b:s4+s16], $0x40, s14, s16, $0xb8;
	v63 =	vld [tilespmem:$0x0]  }
0x147: {  	_ =	swait.ge [sflag:s10], $0x2000  }
0x148: {  	[sflag:s10] =	ssyncset.done $0x0  }
0x149: {  	s6 =	simm.s32 $0x3280;
	[sflag:s10] =	ssyncadd.s32 $0xFFFFE000  }
0x14a: {  	[spmem:s2] =	stream.indirect.scatter.add.bf16 [tilespmem:s30], [sflag:$0xE], $0x40, s6, s16, $0xb8;
	v63 =	vld [tilespmem:$0x0]  }
0x14b: {  	_ =	swait.ge [sflag:s24], $0x2000  }
0x14c: {  	[sflag:s24] =	ssyncset.done $0x0  }
0x14d: {  	s13 =	simm.s32 $0x480;
	[sflag:s24] =	ssyncadd.s32 $0xFFFFE000  }
0x14e: {  	[tilespmem:s18], [sflag:$0x2] =	stream.indirect.gather [hbm4b:s4+s16], $0x40, s13, s16, $0xb8;
	v63 =	vld [tilespmem:$0x0]  }
0x14f: {  	_ =	swait.ge [sflag:s8], $0x2000  }
0x150: {  	[sflag:s8] =	ssyncset.done $0x0  }
0x151: {  	s14 =	simm.s32 $0x3300;
	[sflag:s8] =	ssyncadd.s32 $0xFFFFE000  }
0x152: {  	[spmem:s2] =	stream.indirect.scatter.add.bf16 [tilespmem:s19], [sflag:$0xF], $0x40, s14, s16, $0xb8;
	v63 =	vld [tilespmem:$0x0]  }
0x153: {  	_ =	swait.ge [sflag:s1], $0x2000  }
0x154: {  	[sflag:s1] =	ssyncset.done $0x0  }
0x155: {  	s6 =	simm.s32 $0x500;
	[sflag:s1] =	ssyncadd.s32 $0xFFFFE000  }
0x156: {  	[tilespmem:s20], [sflag:$0x3] =	stream.indirect.gather [hbm4b:s4+s16], $0x40, s6, s16, $0xb8;
	v63 =	vld [tilespmem:$0x0]  }
0x157: {  	s6 =	simm.s32 $0x8  }
0x158: {  	_ =	swait.ge [sflag:s6], $0x2000  }
0x159: {  	[sflag:s6] =	ssyncset.done $0x0  }
0x15a: {  	s13 =	simm.s32 $0x3380;
	[sflag:s6] =	ssyncadd.s32 $0xFFFFE000  }
0x15b: {  	[spmem:s2] =	stream.indirect.scatter.add.bf16 [tilespmem:s29], [sflag:$0x10], $0x40, s13, s16, $0xb8;
	v63 =	vld [tilespmem:$0x0]  }
0x15c: {  	_ =	swait.ge [sflag:s28], $0x2000  }
0x15d: {  	[sflag:s28] =	ssyncset.done $0x0  }
0x15e: {  	s14 =	simm.s32 $0x580;
	[sflag:s28] =	ssyncadd.s32 $0xFFFFE000  }
0x15f: {  	[tilespmem:s22], [sflag:$0x4] =	stream.indirect.gather [hbm4b:s4+s16], $0x40, s14, s16, $0xb8;
	v63 =	vld [tilespmem:$0x0]  }
0x160: {  	_ =	swait.ge [sflag:s23], $0x2000  }
0x161: {  	[sflag:s23] =	ssyncset.done $0x0  }
0x162: {  	s13 =	simm.s32 $0x3400;
	[sflag:s23] =	ssyncadd.s32 $0xFFFFE000  }
0x163: {  	[spmem:s2] =	stream.indirect.scatter.add.bf16 [tilespmem:s17], [sflag:$0x9], $0x40, s13, s16, $0xb8;
	v63 =	vld [tilespmem:$0x0]  }
0x164: {  	_ =	swait.ge [sflag:s0], $0x2000  }
0x165: {  	[sflag:s0] =	ssyncset.done $0x0  }
0x166: {  	s14 =	simm.s32 $0x600;
	[sflag:s0] =	ssyncadd.s32 $0xFFFFE000  }
0x167: {  	[tilespmem:s25], [sflag:$0x5] =	stream.indirect.gather [hbm4b:s4+s16], $0x40, s14, s16, $0xb8;
	v63 =	vld [tilespmem:$0x0]  }
0x168: {  	_ =	swait.ge [sflag:s26], $0x2000  }
0x169: {  	[sflag:s26] =	ssyncset.done $0x0  }
0x16a: {  	s13 =	simm.s32 $0x3480;
	[sflag:s26] =	ssyncadd.s32 $0xFFFFE000  }
0x16b: {  	[spmem:s2] =	stream.indirect.scatter.add.bf16 [tilespmem:s18], [sflag:$0xA], $0x40, s13, s16, $0xb8;
	v63 =	vld [tilespmem:$0x0]  }
0x16c: {  	_ =	swait.ge [sflag:s5], $0x2000  }
0x16d: {  	[sflag:s5] =	ssyncset.done $0x0  }
0x16e: {  	s14 =	simm.s32 $0x680;
	[sflag:s5] =	ssyncadd.s32 $0xFFFFE000  }
0x16f: {  	[tilespmem:s30], [sflag:$0x6] =	stream.indirect.gather [hbm4b:s4+s16], $0x40, s14, s16, $0xb8;
	v63 =	vld [tilespmem:$0x0]  }
0x170: {  	_ =	swait.ge [sflag:s31], $0x2000  }
0x171: {  	[sflag:s31] =	ssyncset.done $0x0  }
0x172: {  	s13 =	simm.s32 $0x3500;
	[sflag:s31] =	ssyncadd.s32 $0xFFFFE000  }
0x173: {  	[spmem:s2] =	stream.indirect.scatter.add.bf16 [tilespmem:s20], [sflag:$0xB], $0x40, s13, s16, $0xb8;
	v63 =	vld [tilespmem:$0x0]  }
0x174: {  	_ =	swait.ge [sflag:s15], $0x2000  }
0x175: {  	[sflag:s15] =	ssyncset.done $0x0  }
0x176: {  	s14 =	simm.s32 $0x700;
	[sflag:s15] =	ssyncadd.s32 $0xFFFFE000  }
0x177: {  	[tilespmem:s19], [sflag:$0x7] =	stream.indirect.gather [hbm4b:s4+s16], $0x40, s14, s16, $0xb8;
	v63 =	vld [tilespmem:$0x0]  }
0x178: {  	_ =	swait.ge [sflag:s21], $0x2000  }
0x179: {  	[sflag:s21] =	ssyncset.done $0x0  }
0x17a: {  	s13 =	simm.s32 $0x3580;
	[sflag:s21] =	ssyncadd.s32 $0xFFFFE000  }
0x17b: {  	[spmem:s2] =	stream.indirect.scatter.add.bf16 [tilespmem:s22], [sflag:$0xC], $0x40, s13, s16, $0xb8;
	v63 =	vld [tilespmem:$0x0]  }
0x17c: {  	_ =	swait.ge [sflag:s11], $0x2000  }
0x17d: {  	[sflag:s11] =	ssyncset.done $0x0  }
0x17e: {  	s14 =	simm.s32 $0x780;
	[sflag:s11] =	ssyncadd.s32 $0xFFFFE000  }
0x17f: {  	[tilespmem:s29], [sflag:$0x8] =	stream.indirect.gather [hbm4b:s4+s16], $0x40, s14, s16, $0xb8;
	v63 =	vld [tilespmem:$0x0]  }
0x180: {  	_ =	swait.ge [sflag:s7], $0x2000  }
0x181: {  	[sflag:s7] =	ssyncset.done $0x0  }
0x182: {  	s13 =	simm.s32 $0x3600;
	[sflag:s7] =	ssyncadd.s32 $0xFFFFE000  }
0x183: {  	[spmem:s2] =	stream.indirect.scatter.add.bf16 [tilespmem:s25], [sflag:$0xD], $0x40, s13, s16, $0xb8;
	v63 =	vld [tilespmem:$0x0]  }
0x184: {  	s14 =	smin.u32 s6, $0x37;
	_ =	swait.ge [sflag:s9], $0x2000  }
0x185: {  	s3 =	sshll.u32 s14, $0x7;
	[sflag:s9] =	ssyncset.done $0x0  }
0x186: {  	s3 =	sadd.s32 $0x400, s3;
	[sflag:s9] =	ssyncadd.s32 $0xFFFFE000  }
0x187: {  	[tilespmem:s17], [sflag:$0x1] =	stream.indirect.gather [hbm4b:s4+s16], $0x40, s3, s16, $0xb8;
	v63 =	vld [tilespmem:$0x0]  }
0x188: {  	_ =	swait.ge [sflag:s10], $0x2000  }
0x189: {  	[sflag:s10] =	ssyncset.done $0x0  }
0x18a: {  	s13 =	simm.s32 $0x3680;
	[sflag:s10] =	ssyncadd.s32 $0xFFFFE000  }
0x18b: {  	[spmem:s2] =	stream.indirect.scatter.add.bf16 [tilespmem:s30], [sflag:$0xE], $0x40, s13, s16, $0xb8;
	v63 =	vld [tilespmem:$0x0]  }
0x18c: {  	s14 =	smin.u32 s6, $0x36;
	_ =	swait.ge [sflag:s24], $0x2000  }
0x18d: {  	s3 =	sshll.u32 s14, $0x7;
	[sflag:s24] =	ssyncset.done $0x0  }
0x18e: {  	s3 =	sadd.s32 $0x480, s3;
	[sflag:s24] =	ssyncadd.s32 $0xFFFFE000  }
0x18f: {  	[tilespmem:s18], [sflag:$0x2] =	stream.indirect.gather [hbm4b:s4+s16], $0x40, s3, s16, $0xb8;
	v63 =	vld [tilespmem:$0x0]  }
0x190: {  	_ =	swait.ge [sflag:s8], $0x2000  }
0x191: {  	[sflag:s8] =	ssyncset.done $0x0  }
0x192: {  	s13 =	simm.s32 $0x3700;
	[sflag:s8] =	ssyncadd.s32 $0xFFFFE000  }
0x193: {  	[spmem:s2] =	stream.indirect.scatter.add.bf16 [tilespmem:s19], [sflag:$0xF], $0x40, s13, s16, $0xb8;
	v63 =	vld [tilespmem:$0x0]  }
0x194: {  	s14 =	smin.u32 s6, $0x35;
	_ =	swait.ge [sflag:s1], $0x2000  }
0x195: {  	s3 =	sshll.u32 s14, $0x7;
	[sflag:s1] =	ssyncset.done $0x0  }
0x196: {  	s3 =	sadd.s32 $0x500, s3;
	[sflag:s1] =	ssyncadd.s32 $0xFFFFE000  }
0x197: {  	[tilespmem:s20], [sflag:$0x3] =	stream.indirect.gather [hbm4b:s4+s16], $0x40, s3, s16, $0xb8;
	v63 =	vld [tilespmem:$0x0]  }
0x198: {  	_ =	swait.ge [sflag:s12], $0x2000  }
0x199: {  	[sflag:s12] =	ssyncset.done $0x0  }
0x19a: {  	s13 =	simm.s32 $0x3780;
	[sflag:s12] =	ssyncadd.s32 $0xFFFFE000  }
0x19b: {  	[spmem:s2] =	stream.indirect.scatter.add.bf16 [tilespmem:s29], [sflag:$0x10], $0x40, s13, s16, $0xb8;
	v63 =	vld [tilespmem:$0x0]  }
0x19c: {  	s14 =	smin.u32 s6, $0x34;
	_ =	swait.ge [sflag:s28], $0x2000  }
0x19d: {  	s6 =	simm.s32 $0x1000;
	s3 =	sshll.u32 s14, $0x7;
	[sflag:s28] =	ssyncset.done $0x0  }
0x19e: {  	s14 =	sadd.s32 $0x580, s3;
	s13 =	simm.s32 $0x10;
	[sflag:s28] =	ssyncadd.s32 $0xFFFFE000  }
.LBB2_6:
0x19f: {  	[tilespmem:s22], [sflag:$0x4] =	stream.indirect.gather [hbm4b:s4+s16], $0x40, s14, s16, $0xb8;
	v63 =	vld [tilespmem:$0x0]  }
0x1a0: {  	s3 =	smov.u32 s6  }
0x1a1: {  	p1 =	sne.s32 s6, $0x6000;
	s6 =	sadd.s32 $0x1000, s6;
	_ =	swait.ge [sflag:s23], $0x2000  }
0x1a2: {  	s14 =	sshra.s32 s3, $0x2;
	[sflag:s23] =	ssyncset.done $0x0  }
0x1a3: {  	s3 =	sadd.s32 $0x3400, s14;
	[sflag:s23] =	ssyncadd.s32 $0xFFFFE000  }
0x1a4: {  	[spmem:s2] =	stream.indirect.scatter.add.bf16 [tilespmem:s17], [sflag:$0x9], $0x40, s3, s16, $0xb8;
	v63 =	vld [tilespmem:$0x0]  }
0x1a5: {  	_ =	swait.ge [sflag:s0], $0x2000  }
0x1a6: {  	[sflag:s0] =	ssyncset.done $0x0  }
0x1a7: {  	s3 =	sadd.s32 $0x600, s14;
	[sflag:s0] =	ssyncadd.s32 $0xFFFFE000  }
0x1a8: {  	[tilespmem:s25], [sflag:$0x5] =	stream.indirect.gather [hbm4b:s4+s16], $0x40, s3, s16, $0xb8;
	v63 =	vld [tilespmem:$0x0]  }
0x1a9: {  	_ =	swait.ge [sflag:s26], $0x2000  }
0x1aa: {  	[sflag:s26] =	ssyncset.done $0x0  }
0x1ab: {  	s3 =	sadd.s32 $0x3480, s14;
	[sflag:s26] =	ssyncadd.s32 $0xFFFFE000  }
0x1ac: {  	[spmem:s2] =	stream.indirect.scatter.add.bf16 [tilespmem:s18], [sflag:$0xA], $0x40, s3, s16, $0xb8;
	v63 =	vld [tilespmem:$0x0]  }
0x1ad: {  	_ =	swait.ge [sflag:s5], $0x2000  }
0x1ae: {  	[sflag:s5] =	ssyncset.done $0x0  }
0x1af: {  	s3 =	sadd.s32 $0x680, s14;
	[sflag:s5] =	ssyncadd.s32 $0xFFFFE000  }
0x1b0: {  	[tilespmem:s30], [sflag:$0x6] =	stream.indirect.gather [hbm4b:s4+s16], $0x40, s3, s16, $0xb8;
	v63 =	vld [tilespmem:$0x0]  }
0x1b1: {  	_ =	swait.ge [sflag:s31], $0x2000  }
0x1b2: {  	[sflag:s31] =	ssyncset.done $0x0  }
0x1b3: {  	s3 =	sadd.s32 $0x3500, s14;
	[sflag:s31] =	ssyncadd.s32 $0xFFFFE000  }
0x1b4: {  	[spmem:s2] =	stream.indirect.scatter.add.bf16 [tilespmem:s20], [sflag:$0xB], $0x40, s3, s16, $0xb8;
	v63 =	vld [tilespmem:$0x0]  }
0x1b5: {  	_ =	swait.ge [sflag:s15], $0x2000  }
0x1b6: {  	[sflag:s15] =	ssyncset.done $0x0  }
0x1b7: {  	s3 =	sadd.s32 $0x700, s14;
	[sflag:s15] =	ssyncadd.s32 $0xFFFFE000  }
0x1b8: {  	[tilespmem:s19], [sflag:$0x7] =	stream.indirect.gather [hbm4b:s4+s16], $0x40, s3, s16, $0xb8;
	v63 =	vld [tilespmem:$0x0]  }
0x1b9: {  	_ =	swait.ge [sflag:s21], $0x2000  }
0x1ba: {  	[sflag:s21] =	ssyncset.done $0x0  }
0x1bb: {  	s3 =	sadd.s32 $0x3580, s14;
	[sflag:s21] =	ssyncadd.s32 $0xFFFFE000  }
0x1bc: {  	[spmem:s2] =	stream.indirect.scatter.add.bf16 [tilespmem:s22], [sflag:$0xC], $0x40, s3, s16, $0xb8;
	v63 =	vld [tilespmem:$0x0]  }
0x1bd: {  	_ =	swait.ge [sflag:s11], $0x2000  }
0x1be: {  	[sflag:s11] =	ssyncset.done $0x0  }
0x1bf: {  	s3 =	sadd.s32 $0x780, s14;
	[sflag:s11] =	ssyncadd.s32 $0xFFFFE000  }
0x1c0: {  	[tilespmem:s29], [sflag:$0x8] =	stream.indirect.gather [hbm4b:s4+s16], $0x40, s3, s16, $0xb8;
	v63 =	vld [tilespmem:$0x0]  }
0x1c1: {  	_ =	swait.ge [sflag:s7], $0x2000  }
0x1c2: {  	[sflag:s7] =	ssyncset.done $0x0  }
0x1c3: {  	s3 =	sadd.s32 $0x3600, s14;
	[sflag:s7] =	ssyncadd.s32 $0xFFFFE000  }
0x1c4: {  	[spmem:s2] =	stream.indirect.scatter.add.bf16 [tilespmem:s25], [sflag:$0xD], $0x40, s3, s16, $0xb8;
	v63 =	vld [tilespmem:$0x0]  }
0x1c5: {  	s3 =	smin.u32 s13, $0x37;
	_ =	swait.ge [sflag:s9], $0x2000  }
0x1c6: {  	s3 =	sshll.u32 s3, $0x7;
	[sflag:s9] =	ssyncset.done $0x0  }
0x1c7: {  	s3 =	sadd.s32 $0x400, s3;
	[sflag:s9] =	ssyncadd.s32 $0xFFFFE000  }
0x1c8: {  	[tilespmem:s17], [sflag:$0x1] =	stream.indirect.gather [hbm4b:s4+s16], $0x40, s3, s16, $0xb8;
	v63 =	vld [tilespmem:$0x0]  }
0x1c9: {  	_ =	swait.ge [sflag:s10], $0x2000  }
0x1ca: {  	[sflag:s10] =	ssyncset.done $0x0  }
0x1cb: {  	s3 =	sadd.s32 $0x3680, s14;
	[sflag:s10] =	ssyncadd.s32 $0xFFFFE000  }
0x1cc: {  	[spmem:s2] =	stream.indirect.scatter.add.bf16 [tilespmem:s30], [sflag:$0xE], $0x40, s3, s16, $0xb8;
	v63 =	vld [tilespmem:$0x0]  }
0x1cd: {  	s3 =	smin.u32 s13, $0x36;
	_ =	swait.ge [sflag:s24], $0x2000  }
0x1ce: {  	s3 =	sshll.u32 s3, $0x7;
	[sflag:s24] =	ssyncset.done $0x0  }
0x1cf: {  	s3 =	sadd.s32 $0x480, s3;
	[sflag:s24] =	ssyncadd.s32 $0xFFFFE000  }
0x1d0: {  	[tilespmem:s18], [sflag:$0x2] =	stream.indirect.gather [hbm4b:s4+s16], $0x40, s3, s16, $0xb8;
	v63 =	vld [tilespmem:$0x0]  }
0x1d1: {  	_ =	swait.ge [sflag:s8], $0x2000  }
0x1d2: {  	[sflag:s8] =	ssyncset.done $0x0  }
0x1d3: {  	s3 =	sadd.s32 $0x3700, s14;
	[sflag:s8] =	ssyncadd.s32 $0xFFFFE000  }
0x1d4: {  	[spmem:s2] =	stream.indirect.scatter.add.bf16 [tilespmem:s19], [sflag:$0xF], $0x40, s3, s16, $0xb8;
	v63 =	vld [tilespmem:$0x0]  }
0x1d5: {  	s3 =	smin.u32 s13, $0x35;
	_ =	swait.ge [sflag:s1], $0x2000  }
0x1d6: {  	s3 =	sshll.u32 s3, $0x7;
	[sflag:s1] =	ssyncset.done $0x0  }
0x1d7: {  	s3 =	sadd.s32 $0x500, s3;
	[sflag:s1] =	ssyncadd.s32 $0xFFFFE000  }
0x1d8: {  	[tilespmem:s20], [sflag:$0x3] =	stream.indirect.gather [hbm4b:s4+s16], $0x40, s3, s16, $0xb8;
	v63 =	vld [tilespmem:$0x0]  }
0x1d9: {  	_ =	swait.ge [sflag:s12], $0x2000  }
0x1da: {  	[sflag:s12] =	ssyncset.done $0x0  }
.Ltmp5:
0x1db: {  	s3 =	sadd.s32 $0x3780, s14;
	[sflag:s12] =	ssyncadd.s32 $0xFFFFE000;
	(pc) =	sbr.rel @p1 .LBB2_6-.Ltmp5, $4  }
0x1dc: {  	[spmem:s2] =	stream.indirect.scatter.add.bf16 [tilespmem:s29], [sflag:$0x10], $0x40, s3, s16, $0xb8;
	v63 =	vld [tilespmem:$0x0]  }
0x1dd: {  	s3 =	smin.u32 s13, $0x34;
	_ =	swait.ge [sflag:s28], $0x2000  }
0x1de: {  	s3 =	sshll.u32 s3, $0x7;
	[sflag:s28] =	ssyncset.done $0x0  }
0x1df: {  	s13 =	sadd.s32 $0x8, s13;
	s14 =	sadd.s32 $0x580, s3;
	[sflag:s28] =	ssyncadd.s32 $0xFFFFE000  }
.Ltmp6:
0x1e0: {  	_ = 	snop;
	(pc) =	sbr.rel .LBB2_7-.Ltmp6, $1  }
0x1e1: {  	_ =	sdelay $0x3  }
.LBB2_9:
0x1e2: {  	_ =	sfence.sel $0x180000  }
0x1e3: {  	[bflag:$0x0] =	sbarrier.arrive $0xFFFF  }
0x1e4: {  	_ =	strace $0x9000004A  }
0x1e5: {  	s0 =	stileid.u32;
	[bflag:$0x2] =	sbarrier.arrive $0xFFFF  }
0x1e6: {  	p0 =	sne.s32 s0, $0x0;
	s0 =	rddreg [dreg:$0x2]  }
0x1e7: {  	s0 =	sadd.s32 @!p0 $0x100000, s0  }
0x1e8: {  	[sflag:s0] =	ssyncadd.tile.s32 @!p0 $0x1;
	_ =	shalt  }
.Lfunc_end2:
_tile_overlayer_lowered:
.L_overlay_start_2:
0x1e9: {  	(tag) =	ssettag $0x2  }
0x1ea: {  	s0 =	rddreg [dreg:$0x0];
	s2 =	stileid.u32  }
0x1eb: {  	s1 =	rddreg [dreg:$0x1];
	p0 =	sne.s32 s2, $0x0  }
0x1ec: {  	s3 =	rddreg [dreg:$0x2];
	[bflag:$0x3] =	sbarrier.arrive $0xFFFF;
	s2 =	simm.s32 @!p0 $0x1C11  }
0x1ed: {  	[timem:s3], [sflag:s2] =	dma.local @!p0 [hbm:s0], s1  }
0x1ee: {  	s0 =	simm.s32 @!p0 $0x11  }
0x1ef: {  	_ =	swait.ge @!p0 [sflag:s0], s1  }
0x1f0: {  	s1 =	ssub.s32 @!p0 $0x0, s1;
	[sflag:s0] =	ssyncset.done @!p0 $0x0  }
0x1f1: {  	[sflag:s0] =	ssyncadd.s32 @!p0 s1  }
0x1f2: {  	[bflag:$0x3] =	sbarrier.arrive $0xFFFF  }
0x1f3: {  	_ =	shalt  }

// kernel: kernel.14.cloned.1.call-start
scs
__scs_entry_jumppad:
0x0: {  	(pc) =	sbr.rel $0x88, $3  }
0x1: {  	(tag) =	ssettag $0x0;
	lr =	simm.s32 $0x1  }
0x2: {  	[smem:$0x3F99] =	sst lr;
	_ =	strace $0xD0000000  }
0x3: {  	_ = 	snop  }
0x4: {  	_ = 	snop  }
0x5: {  	_ = 	snop  }
0x6: {  	_ = 	snop  }
0x7: {  	_ = 	snop  }
__scs_overlays_trampoline_lowered:
0x8: {  	[smem:$0x3FA8] =	sst s0  }
0x9: {  	[smem:$0x3FA9] =	sst s1  }
0xa: {  	[smem:$0x3FAA] =	sst s2  }
0xb: {  	[smem:$0x3FAB] =	sst s3  }
0xc: {  	[smem:$0x3FAC] =	sst s4  }
0xd: {  	[smem:$0x3FAD] =	sst s5  }
0xe: {  	[smem:$0x3FAE] =	sst s6  }
0xf: {  	[smem:$0x3FAF] =	sst s7  }
0x10: {  	[smem:$0x3FB0] =	sst s8  }
0x11: {  	[smem:$0x3FB1] =	sst s9;
	s0 =	simm.s32 @!p0 $0x0  }
0x12: {  	s1 =	sld [smem:$0x3F97];
	s0 =	simm.s32 @p0 $0x1  }
0x13: {  	[smem:$0x3FB2] =	sst s0;
	s0 =	simm.s32 @!p1 $0x0  }
0x14: {  	s2 =	sld [smem:$0x3F96];
	s0 =	simm.s32 @p1 $0x1  }
0x15: {  	[smem:$0x3FB3] =	sst s0;
	s0 =	simm.s32 @!p2 $0x0  }
0x16: {  	s3 =	sld [smem:$0x3FDB];
	s0 =	simm.s32 @p2 $0x1  }
0x17: {  	s4 =	simm.s32 $0x1BF5;
	[smem:$0x3FB5] =	sst s0  }
0x18: {  	s0 =	sld [smem:$0x3F98];
	_ =	swait.ge [sflag:s4], $0x0  }
0x19: {  	s7 =	sld [smem:$0x3F99]  }
0x1a: {  	s8 =	sadd.s32 $0xFFFFE003, lr  }
0x1b: {  	s9 =	sadd.s32 $0xFFFFFEF7, lr;
	s5 =	simm.s32 $0xFFFFFFFF;
	p2 =	slt.u32 s8, $0xFFFFF086  }
0x1c: {  	p1 =	slt.u32 s9, $0xF7A;
	s5 =	simm.s32 @!p2 $0x0  }
0x1d: {  	s5 =	simm.s32 @p1 $0x1;
	p0 =	seq.s32 s7, s2  }
0x1e: {  	s7 =	smul.u32 @!p0 $0xF7A, s2;
	p2 =	seq.s32 @!p0 s5, $0x0  }
0x1f: {  	s9 =	smul.u32 $0xF7A, s1;
	s8 =	simm.s32 @!p0 $0x1BF5;
	p2 =	por !p2, p0  }
0x20: {  	[sflag:s8] =	ssyncset.s32 @!p0 $0xFFFFF086;
	s6 =	sadd.s32 @!p0 s3, s7;
	s7 =	simm.s32 @!p0 $0x108  }
0x21: {  	s3 =	sadd.s32 s3, s9;
	s6 =	sadd.s32 @!p0 $0x88, s6;
	s7 =	simm.s32 @p2 $0x1082  }
0x22: {  	[simem:s7], [sflag:s8] =	dma.local @!p0 [hbm:s6], $0xF7A  }
0x23: {  	s9 =	sor.u32 $0xD0000000, s2;
	s6 =	simm.s32 $0x108;
	_ =	swait.ge @!p0 [sflag:s8], $0x0  }
0x24: {  	s3 =	sadd.s32 $0x88, s3;
	s6 =	simm.s32 @!p1 $0x1082;
	[sflag:s4] =	ssyncset.s32 $0xFFFFF086  }
0x25: {  	[simem:s6], [sflag:s4] =	dma.local [hbm:s3], $0xF7A  }
0x26: {  	[smem:$0x3F99] =	sst s1;
	(tag) =	ssettag s2;
	_ =	strace s9  }
0x27: {  	s1 =	sld [smem:$0x3FA9]  }
0x28: {  	s2 =	sld [smem:$0x3FAA]  }
0x29: {  	s4 =	sld [smem:$0x3FAC]  }
0x2a: {  	p0 =	seq.s32 s5, $0x0;
	s5 =	sld [smem:$0x3FAD]  }
0x2b: {  	s6 =	sld [smem:$0x3FAE]  }
0x2c: {  	s7 =	sld [smem:$0x3FAF]  }
0x2d: {  	s3 =	simm.s32 $0x108;
	s8 =	sld [smem:$0x3FB0]  }
0x2e: {  	s3 =	simm.s32 @!p0 $0x1082;
	s9 =	sld [smem:$0x3FB1]  }
0x2f: {  	lr =	sadd.s32 s0, s3;
	s0 =	sld [smem:$0x3FA8]  }
0x30: {  	s3 =	sld [smem:$0x3FAB]  }
0x31: {  	[smem:$0x3FB4] =	sst s10  }
0x32: {  	s10 =	sld [smem:$0x3FB2];
	_ =	sdelay $0x3  }
0x33: {  	p0 =	seq.s32 s10, $0x1;
	s10 =	sld [smem:$0x3FB4];
	_ =	sdelay $0x3  }
0x34: {  	[smem:$0x3FB4] =	sst s10  }
0x35: {  	s10 =	sld [smem:$0x3FB3];
	_ =	sdelay $0x3  }
0x36: {  	p1 =	seq.s32 s10, $0x1;
	s10 =	sld [smem:$0x3FB4];
	_ =	sdelay $0x3  }
0x37: {  	[smem:$0x3FB4] =	sst s10  }
0x38: {  	s10 =	sld [smem:$0x3FB5]  }
0x39: {  	_ = 	snop;
	(pc) =	sbr.ind lr, $3  }
0x3a: {  	_ = 	snop  }
0x3b: {  	_ = 	snop  }
0x3c: {  	p2 =	seq.s32 s10, $0x1;
	s10 =	sld [smem:$0x3FB4]  }
0x3d: {  	_ =	shalt  }
0x3e: {  	_ =	shalt  }
0x3f: {  	_ =	shalt  }
0x40: {  	_ =	shalt  }
0x41: {  	_ =	shalt  }
0x42: {  	_ =	shalt  }
0x43: {  	_ =	shalt  }
0x44: {  	_ =	shalt  }
0x45: {  	_ =	shalt  }
0x46: {  	_ =	shalt  }
0x47: {  	_ =	shalt  }
0x48: {  	_ =	shalt  }
0x49: {  	_ =	shalt  }
0x4a: {  	_ =	shalt  }
0x4b: {  	_ =	shalt  }
0x4c: {  	_ =	shalt  }
0x4d: {  	_ =	shalt  }
0x4e: {  	_ =	shalt  }
0x4f: {  	_ =	shalt  }
0x50: {  	_ =	shalt  }
0x51: {  	_ =	shalt  }
0x52: {  	_ =	shalt  }
0x53: {  	_ =	shalt  }
0x54: {  	_ =	shalt  }
0x55: {  	_ =	shalt  }
0x56: {  	_ =	shalt  }
0x57: {  	_ =	shalt  }
0x58: {  	_ =	shalt  }
0x59: {  	_ =	shalt  }
0x5a: {  	_ =	shalt  }
0x5b: {  	_ =	shalt  }
0x5c: {  	_ =	shalt  }
0x5d: {  	_ =	shalt  }
0x5e: {  	_ =	shalt  }
0x5f: {  	_ =	shalt  }
0x60: {  	_ =	shalt  }
0x61: {  	_ =	shalt  }
0x62: {  	_ =	shalt  }
0x63: {  	_ =	shalt  }
0x64: {  	_ =	shalt  }
0x65: {  	_ =	shalt  }
0x66: {  	_ =	shalt  }
0x67: {  	_ =	shalt  }
0x68: {  	_ =	shalt  }
0x69: {  	_ =	shalt  }
0x6a: {  	_ =	shalt  }
0x6b: {  	_ =	shalt  }
0x6c: {  	_ =	shalt  }
0x6d: {  	_ =	shalt  }
0x6e: {  	_ =	shalt  }
0x6f: {  	_ =	shalt  }
0x70: {  	_ =	shalt  }
0x71: {  	_ =	shalt  }
0x72: {  	_ =	shalt  }
0x73: {  	_ =	shalt  }
0x74: {  	_ =	shalt  }
0x75: {  	_ =	shalt  }
0x76: {  	_ =	shalt  }
0x77: {  	_ =	shalt  }
0x78: {  	_ =	shalt  }
0x79: {  	_ =	shalt  }
0x7a: {  	_ =	shalt  }
0x7b: {  	_ =	shalt  }
0x7c: {  	_ =	shalt  }
0x7d: {  	_ =	shalt  }
0x7e: {  	_ =	shalt  }
0x7f: {  	_ =	shalt  }
0x80: {  	_ =	shalt  }
0x81: {  	_ =	shalt  }
0x82: {  	_ =	shalt  }
0x83: {  	_ =	shalt  }
0x84: {  	_ =	shalt  }
0x85: {  	_ =	shalt  }
0x86: {  	_ =	shalt  }
0x87: {  	_ =	shalt  }
.Lfunc_end0:
.L_simem_size_0:
called_computation.2_lowered:
.L_overlay_start_0:
0x88: {  	s2 =	sld [smem:$0x3FD9]  }
0x89: {  	s3 =	sld [smem:$0x3FFE];
	_ =	sdelay $0x1  }
0x8a: {  	s1 =	srdreg.scid  }
0x8b: {  	s0 =	sand.u32 $0x1, s1  }
0x8c: {  	s17 =	sshll.u32 s0, $0xA;
	s2 =	sadd.s32 s3, s2  }
0x8d: {  	s2 =	sadd.s32 s2, s17  }
0x8e: {  	[smem:$0x3FC0] =	sst s2  }
0x8f: {  	_ = 	snop  }
0x90: {  	s2 =	sld [smem:$0x3FD0];
	(tm) =	ssettm $0x1  }
0x91: {  	s18 =	sld [smem:$0x3FFB];
	_ =	sdelay $0x3  }
0x92: {  	_ =	strace s18  }
0x93: {  	s3 =	sld [smem:$0x3FFC];
	_ =	sdelay $0x3  }
0x94: {  	_ =	strace s3  }
0x95: {  	s3 =	sld [smem:$0x3FFD];
	_ =	sdelay $0x3  }
0x96: {  	_ =	strace s3  }
0x97: {  	_ =	strace $0x8FFFFFFF  }
0x98: {  	s19 =	sld [smem:$0x3FDB];
	_ =	sdelay $0x1  }
0x99: {  	s4 =	simm.s32 $_scs_section_size  }
0x9a: {  	s5 =	simm.s32 $_size__tile_overlayer_lowered;
	s6 =	simm.s32 $_tile_overlayer_lowered  }
0x9b: {  	s22 =	simm.s32 $0x1BFF;
	s21 =	sshll.u32 s6, $0x1;
	s3 =	sadd.s32 s4, s19  }
0x9c: {  	s7 =	simm.s32 $0x0;
	s20 =	sshll.u32 s5, $0x1;
	s5 =	sadd.s32 s21, s3  }
0x9d: {  	[timem:s7], [sflag:s22] =	dma.local [hbm:s5], s20  }
0x9e: {  	_ =	swait.ge [sflag:s22], s20  }
0x9f: {  	s4 =	ssub.s32 $0x0, s20;
	[sflag:s22] =	ssyncset.done $0x0  }
0xa0: {  	[sflag:s22] =	ssyncadd.s32 s4;
	_ =	sdelay $0x1  }
0xa1: {  	s23 =	simm.s32 $0x1B8B  }
0xa2: {  	_ =	swait.ge [sflag:s23], $0x1  }
0xa3: {  	[sflag:s23] =	ssyncset.done $0x0  }
0xa4: {  	s25 =	simm.s32 $0x1B8E;
	s24 =	sld [smem:$0x3FFE];
	[sflag:s23] =	ssyncadd.s32 $0xFFFFFFFF  }
0xa5: {  	s26 =	simm.s32 $execute0_lowered;
	[smem:$0x3FD2] =	sst s25  }
0xa6: {  	s5 =	sshll.u32 s26, $0x1;
	_ =	strace $0x8000004C;
	[dreg:$0x1] =	wrdreg $0xFFFFFFFF  }
0xa7: {  	s28 =	simm.s32 $_size_execute0_lowered;
	s3 =	sadd.s32 s3, s5;
	[dreg:$0x0] =	wrdreg $0x0  }
0xa8: {  	s5 =	sshll.u32 s28, $0x1;
	[dreg:$0x2] =	wrdreg s3  }
0xa9: {  	[dreg:$0x3] =	wrdreg s5  }
0xaa: {  	[dreg:$0x4] =	wrdreg $0xC0  }
0xab: {  	_ =	task [dreg:s7], $0x5FFFF  }
0xac: {  	[dreg:$0x1] =	wrdreg $0xFFFFFFFF  }
0xad: {  	[dreg:$0x0] =	wrdreg $0x60  }
0xae: {  	[dreg:$0x2] =	wrdreg s24  }
0xaf: {  	[dreg:$0x3] =	wrdreg s2  }
0xb0: {  	[dreg:$0x4] =	wrdreg $0x70000  }
0xb1: {  	[dreg:$0x5] =	wrdreg $0x9  }
0xb2: {  	_ =	task.clear_ibuf [dreg:s7], $0x6FFFF;
	_ =	strace $0x9000004C  }
0xb3: {  	s29 =	simm.s32 $0x9;
	_ =	strace $0x8000004E  }
0xb4: {  	_ =	swait.ge [sflag:s29], $0x1  }
0xb5: {  	[sflag:s29] =	ssyncadd.s32 $0xFFFFFFFF  }
0xb6: {  	_ =	strace $0x9000004E  }
0xb7: {  	_ =	sfence  }
0xb8: {  	s30 =	sld [smem:$0x0];
	_ =	sdelay $0x2  }
0xb9: {  	s31 =	sshll.u32 s1, $0xD;
	s1 =	sshrl.u32 s1, $0x2  }
0xba: {  	s3 =	sand.u32 $0x4000, s31;
	s1 =	sadd.s32 s1, s30  }
0xbb: {  	s0 =	sor.u32 s3, s0;
	s1 =	sshll.u32 s1, $0x11  }
0xbc: {  	s0 =	sor.u32 s1, s0  }
0xbd: {  	s0 =	sadd.s32 $0x8F2B, s0  }
0xbe: {  	[sflag:s0] =	ssyncadd.remote.s32 $0x1  }
0xbf: {  	_ =	sfence.sel $0xFFFF  }
0xc0: {  	[dreg:$0x0] =	wrdreg $0xFFFFFFFF;
	(pc) =	sbr.abs _section_cstart, $3  }
0xc1: {  	[dreg:$0x1] =	wrdreg $0xFFFFFFFF  }
0xc2: {  	_ =	task.clear_ibuf [dreg:s7], $0x2FFFF;
	_ =	strace $0x9FFFFFFF  }
0xc3: {  	(tm) =	ssettm $0x7FFFFFFF  }
tec
execute0_lowered:
.L_overlay_start_1:
0x0: {  	(tag) =	ssettag $0x1  }
0x1: {  	s0 =	rddreg [dreg:$0x0]  }
0x2: {  	s3 =	rddreg [dreg:$0x2];
	s1 =	srdreg.scid  }
0x3: {  	s7 =	stileid.u32;
	s6 =	simm.s32 $0x0;
	s12 =	simm.s32 $0x11  }
0x4: {  	s14 =	simm.s32 $0x80;
	s15 =	simm.s32 $0x5000;
	s16 =	simm.s32 $0x5400  }
0x5: {  	s18 =	simm.s32 $0x5800;
	s20 =	simm.s32 $0x5C00;
	s21 =	simm.s32 $0x1  }
0x6: {  	s28 =	simm.s32 $0x6400;
	s29 =	simm.s32 $0x3;
	s19 =	simm.s32 $0x6C00  }
0x7: {  	s31 =	simm.s32 $0x6;
	s17 =	simm.s32 $0xA;
	s30 =	simm.s32 $0x7  }
0x8: {  	s13 =	simm.s32 $0xD;
	s8 =	simm.s32 $0xF;
	s9 =	simm.s32 $0x10  }
0x9: {  	s10 =	simm.s32 $0x8;
	s1 =	sand.u32 $0x1, s1;
	s2 =	smul.u32 $0x1400, s7  }
0xa: {  	s4 =	sshll.u32 s7, $0x1;
	[smem:$0x7FF] =	sst s6;
	s24 =	sshll.u32 s7, $0x6  }
0xb: {  	s7 =	simm.s32 $0xE;
	s5 =	smul.u32 $0x14000, s1;
	s4 =	sor.u32 s1, s4  }
0xc: {  	_ =	strace $0x8000004D;
	s1 =	ssub.s32 $0x2, s1;
	s4 =	smul.u32 $0x500, s4  }
0xd: {  	s23 =	sshrl.u32 s1, $0x1;
	s22 =	sadd.s32 s2, s5;
	s5 =	sadd.s32 $0xC600, s0  }
0xe: {  	s1 =	ssub.s32 s1, s23;
	s2 =	sadd.s32 s2, s3;
	s23 =	simm.s32 $0x6000  }
0xf: {  	s6 =	sshrl.u32 s22, $0x3;
	s4 =	sadd.s32 s4, s0;
	s26 =	smax.u32 s1, $0x1  }
0x10: {  	s11 =	sshrl.u32 s2, $0x3;
	s1 =	simm.s32 $0x4;
	[dreg:$0x8] =	wrdreg s26  }
0x11: {  	s22 =	simm.s32 $0x5;
	s25 =	sadd.s32 $0x12C00, s4;
	[dreg:$0x9] =	wrdreg s11  }
0x12: {  	s2 =	simm.s32 $0xC;
	s4 =	sadd.s32 $0x2400, s4;
	[dreg:$0x5] =	wrdreg s25  }
0x13: {  	s0 =	sadd.s32 s6, s0;
	s6 =	sor.u32 $0x1C11, s24;
	[dreg:$0x6] =	wrdreg s4  }
0x14: {  	s24 =	simm.s32 $0x2;
	s0 =	sadd.s32 $0x94E00, s0;
	[dreg:$0x4] =	wrdreg s6  }
0x15: {  	s26 =	simm.s32 $0x9;
	s4 =	simm.s32 $0x0;
	[dreg:$0x7] =	wrdreg s0  }
0x16: {  	s25 =	simm.s32 $0xB;
	s0 =	simm.s32 $0x6800;
	[dreg:$0xa] =	wrdreg s4  }
.LBB2_1:
0x17: {  	s4 =	rddreg [dreg:$0x1]  }
0x18: {  	[spmem:s11], [sflag:s6] =	dma.local [hbm:s4], $0x280  }
0x19: {  	_ =	swait.ge [sflag:s12], $0x280  }
0x1a: {  	[sflag:s12] =	ssyncset.done $0x0  }
0x1b: {  	s4 =	simm.s32 $0x0;
	s11 =	rddreg [dreg:$0x5];
	[sflag:s12] =	ssyncadd.s32 $0xFFFFFD80  }
0x1c: {  	[tilespmem:s4], [sflag:$0x11] =	stream.linear.gather [hbm4b:s11+s4], $0x2800, $0x38;
	[tilespmem:$0x8400] =	vst v63  }
0x1d: {  	_ =	swait.ge [sflag:s12], $0x2800  }
0x1e: {  	[sflag:s12] =	ssyncset.done $0x0  }
0x1f: {  	s11 =	simm.s32 $0x2800;
	s6 =	rddreg [dreg:$0x6];
	[sflag:s12] =	ssyncadd.s32 $0xFFFFD800  }
0x20: {  	[tilespmem:s11], [sflag:$0x11] =	stream.linear.gather [hbm4b:s6+s4], $0x2800, $0x38;
	[tilespmem:$0x8400] =	vst v63  }
0x21: {  	_ =	swait.ge [sflag:s12], $0x2800  }
0x22: {  	[sflag:s12] =	ssyncset.done $0x0  }
0x23: {  	[sflag:s12] =	ssyncadd.s32 $0xFFFFD800  }
0x24: {  	[bflag:$0x0] =	sbarrier.arrive $0xFFFF  }
0x25: {  	[tilespmem:s15], [sflag:$0x1] =	stream.indirect.gather [hbm4b:s5+s14], $0x8, s4, s14, $0xb8;
	[tilespmem:$0x8400] =	vst v63  }
0x26: {  	_ = 	snop  }
0x27: {  	[tilespmem:s16], [sflag:$0x2] =	stream.indirect.gather [hbm4b:s5+s14], $0x8, s14, s14, $0xb8;
	[tilespmem:$0x8400] =	vst v63  }
0x28: {  	s12 =	simm.s32 $0x100  }
0x29: {  	[tilespmem:s18], [sflag:$0x3] =	stream.indirect.gather [hbm4b:s5+s14], $0x8, s12, s14, $0xb8;
	[tilespmem:$0x8400] =	vst v63  }
0x2a: {  	s6 =	simm.s32 $0x180  }
0x2b: {  	[tilespmem:s20], [sflag:$0x4] =	stream.indirect.gather [hbm4b:s5+s14], $0x8, s6, s14, $0xb8;
	[tilespmem:$0x8400] =	vst v63  }
0x2c: {  	_ =	swait.ge [sflag:s21], $0x400  }
0x2d: {  	[sflag:s21] =	ssyncset.done $0x0  }
0x2e: {  	[sflag:s21] =	ssyncadd.s32 $0xFFFFFC00  }
0x2f: {  	[spmem:s3] =	stream.indirect.scatter.add.f32 [tilespmem:s15], [sflag:$0x9], $0x8, s11, s14, $0xb8;
	[tilespmem:$0x8400] =	vst v63  }
0x30: {  	s12 =	simm.s32 $0x200  }
0x31: {  	[tilespmem:s23], [sflag:$0x5] =	stream.indirect.gather [hbm4b:s5+s14], $0x8, s12, s14, $0xb8;
	[tilespmem:$0x8400] =	vst v63  }
0x32: {  	_ =	swait.ge [sflag:s24], $0x400  }
0x33: {  	[sflag:s24] =	ssyncset.done $0x0  }
0x34: {  	s6 =	simm.s32 $0x2880;
	[sflag:s24] =	ssyncadd.s32 $0xFFFFFC00  }
0x35: {  	[spmem:s3] =	stream.indirect.scatter.add.f32 [tilespmem:s16], [sflag:$0xA], $0x8, s6, s14, $0xb8;
	[tilespmem:$0x8400] =	vst v63  }
0x36: {  	s11 =	simm.s32 $0x280  }
0x37: {  	[tilespmem:s28], [sflag:$0x6] =	stream.indirect.gather [hbm4b:s5+s14], $0x8, s11, s14, $0xb8;
	[tilespmem:$0x8400] =	vst v63  }
0x38: {  	_ =	swait.ge [sflag:s29], $0x400  }
0x39: {  	[sflag:s29] =	ssyncset.done $0x0  }
0x3a: {  	s12 =	simm.s32 $0x2900;
	[sflag:s29] =	ssyncadd.s32 $0xFFFFFC00  }
0x3b: {  	[spmem:s3] =	stream.indirect.scatter.add.f32 [tilespmem:s18], [sflag:$0xB], $0x8, s12, s14, $0xb8;
	[tilespmem:$0x8400] =	vst v63  }
0x3c: {  	s6 =	simm.s32 $0x300  }
0x3d: {  	[tilespmem:s0], [sflag:$0x7] =	stream.indirect.gather [hbm4b:s5+s14], $0x8, s6, s14, $0xb8;
	[tilespmem:$0x8400] =	vst v63  }
0x3e: {  	_ =	swait.ge [sflag:s1], $0x400  }
0x3f: {  	[sflag:s1] =	ssyncset.done $0x0  }
0x40: {  	s11 =	simm.s32 $0x2980;
	[sflag:s1] =	ssyncadd.s32 $0xFFFFFC00  }
0x41: {  	[spmem:s3] =	stream.indirect.scatter.add.f32 [tilespmem:s20], [sflag:$0xC], $0x8, s11, s14, $0xb8;
	[tilespmem:$0x8400] =	vst v63  }
0x42: {  	s12 =	simm.s32 $0x380  }
0x43: {  	[tilespmem:s19], [sflag:$0x8] =	stream.indirect.gather [hbm4b:s5+s14], $0x8, s12, s14, $0xb8;
	[tilespmem:$0x8400] =	vst v63  }
0x44: {  	_ =	swait.ge [sflag:s22], $0x400  }
0x45: {  	[sflag:s22] =	ssyncset.done $0x0  }
0x46: {  	s6 =	simm.s32 $0x2A00;
	[sflag:s22] =	ssyncadd.s32 $0xFFFFFC00  }
0x47: {  	[spmem:s3] =	stream.indirect.scatter.add.f32 [tilespmem:s23], [sflag:$0xD], $0x8, s6, s14, $0xb8;
	[tilespmem:$0x8400] =	vst v63  }
0x48: {  	_ =	swait.ge [sflag:s26], $0x400  }
0x49: {  	[sflag:s26] =	ssyncset.done $0x0  }
0x4a: {  	s11 =	simm.s32 $0x400;
	[sflag:s26] =	ssyncadd.s32 $0xFFFFFC00  }
0x4b: {  	[tilespmem:s15], [sflag:$0x1] =	stream.indirect.gather [hbm4b:s5+s14], $0x8, s11, s14, $0xb8;
	[tilespmem:$0x8400] =	vst v63  }
0x4c: {  	_ =	swait.ge [sflag:s31], $0x400  }
0x4d: {  	[sflag:s31] =	ssyncset.done $0x0  }
0x4e: {  	s12 =	simm.s32 $0x2A80;
	[sflag:s31] =	ssyncadd.s32 $0xFFFFFC00  }
0x4f: {  	[spmem:s3] =	stream.indirect.scatter.add.f32 [tilespmem:s28], [sflag:$0xE], $0x8, s12, s14, $0xb8;
	[tilespmem:$0x8400] =	vst v63  }
0x50: {  	_ =	swait.ge [sflag:s17], $0x400  }
0x51: {  	[sflag:s17] =	ssyncset.done $0x0  }
0x52: {  	s6 =	simm.s32 $0x480;
	[sflag:s17] =	ssyncadd.s32 $0xFFFFFC00  }
0x53: {  	[tilespmem:s16], [sflag:$0x2] =	stream.indirect.gather [hbm4b:s5+s14], $0x8, s6, s14, $0xb8;
	[tilespmem:$0x8400] =	vst v63  }
0x54: {  	_ =	swait.ge [sflag:s30], $0x400  }
0x55: {  	[sflag:s30] =	ssyncset.done $0x0  }
0x56: {  	s11 =	simm.s32 $0x2B00;
	[sflag:s30] =	ssyncadd.s32 $0xFFFFFC00  }
0x57: {  	[spmem:s3] =	stream.indirect.scatter.add.f32 [tilespmem:s0], [sflag:$0xF], $0x8, s11, s14, $0xb8;
	[tilespmem:$0x8400] =	vst v63  }
0x58: {  	_ =	swait.ge [sflag:s25], $0x400  }
0x59: {  	[sflag:s25] =	ssyncset.done $0x0  }
0x5a: {  	s12 =	simm.s32 $0x500;
	[sflag:s25] =	ssyncadd.s32 $0xFFFFFC00  }
0x5b: {  	[tilespmem:s18], [sflag:$0x3] =	stream.indirect.gather [hbm4b:s5+s14], $0x8, s12, s14, $0xb8;
	[tilespmem:$0x8400] =	vst v63  }
0x5c: {  	_ =	swait.ge [sflag:s10], $0x400  }
0x5d: {  	[sflag:s10] =	ssyncset.done $0x0  }
0x5e: {  	s6 =	simm.s32 $0x2B80;
	[sflag:s10] =	ssyncadd.s32 $0xFFFFFC00  }
0x5f: {  	[spmem:s3] =	stream.indirect.scatter.add.f32 [tilespmem:s19], [sflag:$0x10], $0x8, s6, s14, $0xb8;
	[tilespmem:$0x8400] =	vst v63  }
0x60: {  	_ =	swait.ge [sflag:s2], $0x400  }
0x61: {  	[sflag:s2] =	ssyncset.done $0x0  }
0x62: {  	s11 =	simm.s32 $0x580;
	[sflag:s2] =	ssyncadd.s32 $0xFFFFFC00  }
0x63: {  	[tilespmem:s20], [sflag:$0x4] =	stream.indirect.gather [hbm4b:s5+s14], $0x8, s11, s14, $0xb8;
	[tilespmem:$0x8400] =	vst v63  }
0x64: {  	_ =	swait.ge [sflag:s21], $0x400  }
0x65: {  	[sflag:s21] =	ssyncset.done $0x0  }
0x66: {  	s12 =	simm.s32 $0x2C00;
	[sflag:s21] =	ssyncadd.s32 $0xFFFFFC00  }
0x67: {  	[spmem:s3] =	stream.indirect.scatter.add.f32 [tilespmem:s15], [sflag:$0x9], $0x8, s12, s14, $0xb8;
	[tilespmem:$0x8400] =	vst v63  }
0x68: {  	_ =	swait.ge [sflag:s13], $0x400  }
0x69: {  	[sflag:s13] =	ssyncset.done $0x0  }
0x6a: {  	s4 =	simm.s32 $0x600;
	[sflag:s13] =	ssyncadd.s32 $0xFFFFFC00  }
0x6b: {  	[tilespmem:s23], [sflag:$0x5] =	stream.indirect.gather [hbm4b:s5+s14], $0x8, s4, s14, $0xb8;
	[tilespmem:$0x8400] =	vst v63  }
0x6c: {  	_ =	swait.ge [sflag:s24], $0x400  }
0x6d: {  	[sflag:s24] =	ssyncset.done $0x0  }
0x6e: {  	s11 =	simm.s32 $0x2C80;
	[sflag:s24] =	ssyncadd.s32 $0xFFFFFC00  }
0x6f: {  	[spmem:s3] =	stream.indirect.scatter.add.f32 [tilespmem:s16], [sflag:$0xA], $0x8, s11, s14, $0xb8;
	[tilespmem:$0x8400] =	vst v63  }
0x70: {  	_ =	swait.ge [sflag:s7], $0x400  }
0x71: {  	[sflag:s7] =	ssyncset.done $0x0  }
0x72: {  	s12 =	simm.s32 $0x680;
	[sflag:s7] =	ssyncadd.s32 $0xFFFFFC00  }
0x73: {  	[tilespmem:s28], [sflag:$0x6] =	stream.indirect.gather [hbm4b:s5+s14], $0x8, s12, s14, $0xb8;
	[tilespmem:$0x8400] =	vst v63  }
0x74: {  	_ =	swait.ge [sflag:s29], $0x400  }
0x75: {  	[sflag:s29] =	ssyncset.done $0x0  }
0x76: {  	s4 =	simm.s32 $0x2D00;
	[sflag:s29] =	ssyncadd.s32 $0xFFFFFC00  }
0x77: {  	[spmem:s3] =	stream.indirect.scatter.add.f32 [tilespmem:s18], [sflag:$0xB], $0x8, s4, s14, $0xb8;
	[tilespmem:$0x8400] =	vst v63  }
0x78: {  	_ =	swait.ge [sflag:s8], $0x400  }
0x79: {  	[sflag:s8] =	ssyncset.done $0x0  }
0x7a: {  	s11 =	simm.s32 $0x700;
	[sflag:s8] =	ssyncadd.s32 $0xFFFFFC00  }
0x7b: {  	[tilespmem:s0], [sflag:$0x7] =	stream.indirect.gather [hbm4b:s5+s14], $0x8, s11, s14, $0xb8;
	[tilespmem:$0x8400] =	vst v63  }
0x7c: {  	_ =	swait.ge [sflag:s1], $0x400  }
0x7d: {  	[sflag:s1] =	ssyncset.done $0x0  }
0x7e: {  	s12 =	simm.s32 $0x2D80;
	[sflag:s1] =	ssyncadd.s32 $0xFFFFFC00  }
0x7f: {  	[spmem:s3] =	stream.indirect.scatter.add.f32 [tilespmem:s20], [sflag:$0xC], $0x8, s12, s14, $0xb8;
	[tilespmem:$0x8400] =	vst v63  }
0x80: {  	_ =	swait.ge [sflag:s9], $0x400  }
0x81: {  	[sflag:s9] =	ssyncset.done $0x0  }
0x82: {  	s4 =	simm.s32 $0x780;
	[sflag:s9] =	ssyncadd.s32 $0xFFFFFC00  }
0x83: {  	[tilespmem:s19], [sflag:$0x8] =	stream.indirect.gather [hbm4b:s5+s14], $0x8, s4, s14, $0xb8;
	[tilespmem:$0x8400] =	vst v63  }
0x84: {  	_ =	swait.ge [sflag:s22], $0x400  }
0x85: {  	[sflag:s22] =	ssyncset.done $0x0  }
0x86: {  	s11 =	simm.s32 $0x2E00;
	[sflag:s22] =	ssyncadd.s32 $0xFFFFFC00  }
0x87: {  	[spmem:s3] =	stream.indirect.scatter.add.f32 [tilespmem:s23], [sflag:$0xD], $0x8, s11, s14, $0xb8;
	[tilespmem:$0x8400] =	vst v63  }
0x88: {  	s12 =	smin.u32 s10, $0x47;
	_ =	swait.ge [sflag:s26], $0x400  }
0x89: {  	s6 =	sshll.u32 s12, $0x7;
	[sflag:s26] =	ssyncset.done $0x0  }
0x8a: {  	s6 =	sadd.s32 $0x400, s6;
	[sflag:s26] =	ssyncadd.s32 $0xFFFFFC00  }
0x8b: {  	[tilespmem:s15], [sflag:$0x1] =	stream.indirect.gather [hbm4b:s5+s14], $0x8, s6, s14, $0xb8;
	[tilespmem:$0x8400] =	vst v63  }
0x8c: {  	_ =	swait.ge [sflag:s31], $0x400  }
0x8d: {  	[sflag:s31] =	ssyncset.done $0x0  }
0x8e: {  	s4 =	simm.s32 $0x2E80;
	[sflag:s31] =	ssyncadd.s32 $0xFFFFFC00  }
0x8f: {  	[spmem:s3] =	stream.indirect.scatter.add.f32 [tilespmem:s28], [sflag:$0xE], $0x8, s4, s14, $0xb8;
	[tilespmem:$0x8400] =	vst v63  }
0x90: {  	s11 =	smin.u32 s10, $0x46;
	_ =	swait.ge [sflag:s17], $0x400  }
0x91: {  	s6 =	sshll.u32 s11, $0x7;
	[sflag:s17] =	ssyncset.done $0x0  }
0x92: {  	s6 =	sadd.s32 $0x480, s6;
	[sflag:s17] =	ssyncadd.s32 $0xFFFFFC00  }
0x93: {  	[tilespmem:s16], [sflag:$0x2] =	stream.indirect.gather [hbm4b:s5+s14], $0x8, s6, s14, $0xb8;
	[tilespmem:$0x8400] =	vst v63  }
0x94: {  	_ =	swait.ge [sflag:s30], $0x400  }
0x95: {  	[sflag:s30] =	ssyncset.done $0x0  }
0x96: {  	s12 =	simm.s32 $0x2F00;
	[sflag:s30] =	ssyncadd.s32 $0xFFFFFC00  }
0x97: {  	[spmem:s3] =	stream.indirect.scatter.add.f32 [tilespmem:s0], [sflag:$0xF], $0x8, s12, s14, $0xb8;
	[tilespmem:$0x8400] =	vst v63  }
0x98: {  	s4 =	smin.u32 s10, $0x45;
	_ =	swait.ge [sflag:s25], $0x400  }
0x99: {  	s6 =	sshll.u32 s4, $0x7;
	[sflag:s25] =	ssyncset.done $0x0  }
0x9a: {  	s6 =	sadd.s32 $0x500, s6;
	[sflag:s25] =	ssyncadd.s32 $0xFFFFFC00  }
0x9b: {  	[tilespmem:s18], [sflag:$0x3] =	stream.indirect.gather [hbm4b:s5+s14], $0x8, s6, s14, $0xb8;
	[tilespmem:$0x8400] =	vst v63  }
0x9c: {  	_ =	swait.ge [sflag:s10], $0x400  }
0x9d: {  	[sflag:s10] =	ssyncset.done $0x0  }
0x9e: {  	s11 =	simm.s32 $0x2F80;
	[sflag:s10] =	ssyncadd.s32 $0xFFFFFC00  }
0x9f: {  	[spmem:s3] =	stream.indirect.scatter.add.f32 [tilespmem:s19], [sflag:$0x10], $0x8, s11, s14, $0xb8;
	[tilespmem:$0x8400] =	vst v63  }
0xa0: {  	s12 =	smin.u32 s10, $0x44;
	_ =	swait.ge [sflag:s2], $0x400  }
0xa1: {  	s6 =	simm.s32 $0x1000;
	s11 =	sshll.u32 s12, $0x7;
	[sflag:s2] =	ssyncset.done $0x0  }
0xa2: {  	s12 =	sadd.s32 $0x580, s11;
	s11 =	simm.s32 $0x10;
	[sflag:s2] =	ssyncadd.s32 $0xFFFFFC00  }
.LBB2_2:
0xa3: {  	[tilespmem:s20], [sflag:$0x4] =	stream.indirect.gather [hbm4b:s5+s14], $0x8, s12, s14, $0xb8;
	[tilespmem:$0x8400] =	vst v63  }
0xa4: {  	s12 =	smov.u32 s6  }
0xa5: {  	p0 =	sne.s32 s6, $0x8000;
	s6 =	sadd.s32 $0x1000, s6;
	_ =	swait.ge [sflag:s21], $0x400  }
0xa6: {  	s12 =	sshra.s32 s12, $0x2;
	[sflag:s21] =	ssyncset.done $0x0  }
0xa7: {  	s4 =	sadd.s32 $0x2C00, s12;
	[sflag:s21] =	ssyncadd.s32 $0xFFFFFC00  }
0xa8: {  	[spmem:s3] =	stream.indirect.scatter.add.f32 [tilespmem:s15], [sflag:$0x9], $0x8, s4, s14, $0xb8;
	[tilespmem:$0x8400] =	vst v63  }
0xa9: {  	_ =	swait.ge [sflag:s13], $0x400  }
0xaa: {  	[sflag:s13] =	ssyncset.done $0x0  }
0xab: {  	s4 =	sadd.s32 $0x600, s12;
	[sflag:s13] =	ssyncadd.s32 $0xFFFFFC00  }
0xac: {  	[tilespmem:s23], [sflag:$0x5] =	stream.indirect.gather [hbm4b:s5+s14], $0x8, s4, s14, $0xb8;
	[tilespmem:$0x8400] =	vst v63  }
0xad: {  	_ =	swait.ge [sflag:s24], $0x400  }
0xae: {  	[sflag:s24] =	ssyncset.done $0x0  }
0xaf: {  	s4 =	sadd.s32 $0x2C80, s12;
	[sflag:s24] =	ssyncadd.s32 $0xFFFFFC00  }
0xb0: {  	[spmem:s3] =	stream.indirect.scatter.add.f32 [tilespmem:s16], [sflag:$0xA], $0x8, s4, s14, $0xb8;
	[tilespmem:$0x8400] =	vst v63  }
0xb1: {  	_ =	swait.ge [sflag:s7], $0x400  }
0xb2: {  	[sflag:s7] =	ssyncset.done $0x0  }
0xb3: {  	s4 =	sadd.s32 $0x680, s12;
	[sflag:s7] =	ssyncadd.s32 $0xFFFFFC00  }
0xb4: {  	[tilespmem:s28], [sflag:$0x6] =	stream.indirect.gather [hbm4b:s5+s14], $0x8, s4, s14, $0xb8;
	[tilespmem:$0x8400] =	vst v63  }
0xb5: {  	_ =	swait.ge [sflag:s29], $0x400  }
0xb6: {  	[sflag:s29] =	ssyncset.done $0x0  }
0xb7: {  	s4 =	sadd.s32 $0x2D00, s12;
	[sflag:s29] =	ssyncadd.s32 $0xFFFFFC00  }
0xb8: {  	[spmem:s3] =	stream.indirect.scatter.add.f32 [tilespmem:s18], [sflag:$0xB], $0x8, s4, s14, $0xb8;
	[tilespmem:$0x8400] =	vst v63  }
0xb9: {  	_ =	swait.ge [sflag:s8], $0x400  }
0xba: {  	[sflag:s8] =	ssyncset.done $0x0  }
0xbb: {  	s4 =	sadd.s32 $0x700, s12;
	[sflag:s8] =	ssyncadd.s32 $0xFFFFFC00  }
0xbc: {  	[tilespmem:s0], [sflag:$0x7] =	stream.indirect.gather [hbm4b:s5+s14], $0x8, s4, s14, $0xb8;
	[tilespmem:$0x8400] =	vst v63  }
0xbd: {  	_ =	swait.ge [sflag:s1], $0x400  }
0xbe: {  	[sflag:s1] =	ssyncset.done $0x0  }
0xbf: {  	s4 =	sadd.s32 $0x2D80, s12;
	[sflag:s1] =	ssyncadd.s32 $0xFFFFFC00  }
0xc0: {  	[spmem:s3] =	stream.indirect.scatter.add.f32 [tilespmem:s20], [sflag:$0xC], $0x8, s4, s14, $0xb8;
	[tilespmem:$0x8400] =	vst v63  }
0xc1: {  	_ =	swait.ge [sflag:s9], $0x400  }
0xc2: {  	[sflag:s9] =	ssyncset.done $0x0  }
0xc3: {  	s4 =	sadd.s32 $0x780, s12;
	[sflag:s9] =	ssyncadd.s32 $0xFFFFFC00  }
0xc4: {  	[tilespmem:s19], [sflag:$0x8] =	stream.indirect.gather [hbm4b:s5+s14], $0x8, s4, s14, $0xb8;
	[tilespmem:$0x8400] =	vst v63  }
0xc5: {  	_ =	swait.ge [sflag:s22], $0x400  }
0xc6: {  	[sflag:s22] =	ssyncset.done $0x0  }
0xc7: {  	s4 =	sadd.s32 $0x2E00, s12;
	[sflag:s22] =	ssyncadd.s32 $0xFFFFFC00  }
0xc8: {  	[spmem:s3] =	stream.indirect.scatter.add.f32 [tilespmem:s23], [sflag:$0xD], $0x8, s4, s14, $0xb8;
	[tilespmem:$0x8400] =	vst v63  }
0xc9: {  	s4 =	smin.u32 s11, $0x47;
	_ =	swait.ge [sflag:s26], $0x400  }
0xca: {  	s4 =	sshll.u32 s4, $0x7;
	[sflag:s26] =	ssyncset.done $0x0  }
0xcb: {  	s4 =	sadd.s32 $0x400, s4;
	[sflag:s26] =	ssyncadd.s32 $0xFFFFFC00  }
0xcc: {  	[tilespmem:s15], [sflag:$0x1] =	stream.indirect.gather [hbm4b:s5+s14], $0x8, s4, s14, $0xb8;
	[tilespmem:$0x8400] =	vst v63  }
0xcd: {  	_ =	swait.ge [sflag:s31], $0x400  }
0xce: {  	[sflag:s31] =	ssyncset.done $0x0  }
0xcf: {  	s4 =	sadd.s32 $0x2E80, s12;
	[sflag:s31] =	ssyncadd.s32 $0xFFFFFC00  }
0xd0: {  	[spmem:s3] =	stream.indirect.scatter.add.f32 [tilespmem:s28], [sflag:$0xE], $0x8, s4, s14, $0xb8;
	[tilespmem:$0x8400] =	vst v63  }
0xd1: {  	s4 =	smin.u32 s11, $0x46;
	_ =	swait.ge [sflag:s17], $0x400  }
0xd2: {  	s4 =	sshll.u32 s4, $0x7;
	[sflag:s17] =	ssyncset.done $0x0  }
0xd3: {  	s4 =	sadd.s32 $0x480, s4;
	[sflag:s17] =	ssyncadd.s32 $0xFFFFFC00  }
0xd4: {  	[tilespmem:s16], [sflag:$0x2] =	stream.indirect.gather [hbm4b:s5+s14], $0x8, s4, s14, $0xb8;
	[tilespmem:$0x8400] =	vst v63  }
0xd5: {  	_ =	swait.ge [sflag:s30], $0x400  }
0xd6: {  	[sflag:s30] =	ssyncset.done $0x0  }
0xd7: {  	s4 =	sadd.s32 $0x2F00, s12;
	[sflag:s30] =	ssyncadd.s32 $0xFFFFFC00  }
0xd8: {  	[spmem:s3] =	stream.indirect.scatter.add.f32 [tilespmem:s0], [sflag:$0xF], $0x8, s4, s14, $0xb8;
	[tilespmem:$0x8400] =	vst v63  }
0xd9: {  	s4 =	smin.u32 s11, $0x45;
	_ =	swait.ge [sflag:s25], $0x400  }
0xda: {  	s4 =	sshll.u32 s4, $0x7;
	[sflag:s25] =	ssyncset.done $0x0  }
0xdb: {  	s4 =	sadd.s32 $0x500, s4;
	[sflag:s25] =	ssyncadd.s32 $0xFFFFFC00  }
0xdc: {  	[tilespmem:s18], [sflag:$0x3] =	stream.indirect.gather [hbm4b:s5+s14], $0x8, s4, s14, $0xb8;
	[tilespmem:$0x8400] =	vst v63  }
0xdd: {  	_ =	swait.ge [sflag:s10], $0x400  }
0xde: {  	[sflag:s10] =	ssyncset.done $0x0  }
.Ltmp0:
0xdf: {  	s4 =	sadd.s32 $0x2F80, s12;
	[sflag:s10] =	ssyncadd.s32 $0xFFFFFC00;
	(pc) =	sbr.rel @p0 .LBB2_2-.Ltmp0, $4  }
0xe0: {  	[spmem:s3] =	stream.indirect.scatter.add.f32 [tilespmem:s19], [sflag:$0x10], $0x8, s4, s14, $0xb8;
	[tilespmem:$0x8400] =	vst v63  }
0xe1: {  	s4 =	smin.u32 s11, $0x44;
	_ =	swait.ge [sflag:s2], $0x400  }
0xe2: {  	s4 =	sshll.u32 s4, $0x7;
	[sflag:s2] =	ssyncset.done $0x0  }
0xe3: {  	s11 =	sadd.s32 $0x8, s11;
	s12 =	sadd.s32 $0x580, s4;
	[sflag:s2] =	ssyncadd.s32 $0xFFFFFC00  }
0xe4: {  	[tilespmem:s20], [sflag:$0x4] =	stream.indirect.gather [hbm4b:s5+s14], $0x8, s12, s14, $0xb8;
	[tilespmem:$0x8400] =	vst v63  }
0xe5: {  	_ =	swait.ge [sflag:s13], $0x400  }
0xe6: {  	[sflag:s13] =	ssyncset.done $0x0  }
0xe7: {  	[sflag:s13] =	ssyncadd.s32 $0xFFFFFC00  }
0xe8: {  	_ =	swait.ge [sflag:s7], $0x400  }
0xe9: {  	[sflag:s7] =	ssyncset.done $0x0  }
0xea: {  	[sflag:s7] =	ssyncadd.s32 $0xFFFFFC00  }
0xeb: {  	_ =	swait.ge [sflag:s8], $0x400  }
0xec: {  	[sflag:s8] =	ssyncset.done $0x0  }
0xed: {  	[sflag:s8] =	ssyncadd.s32 $0xFFFFFC00  }
0xee: {  	_ =	swait.ge [sflag:s9], $0x400  }
0xef: {  	[sflag:s9] =	ssyncset.done $0x0  }
0xf0: {  	[sflag:s9] =	ssyncadd.s32 $0xFFFFFC00  }
0xf1: {  	_ =	swait.ge [sflag:s21], $0x400  }
0xf2: {  	[sflag:s21] =	ssyncset.done $0x0  }
0xf3: {  	[sflag:s21] =	ssyncadd.s32 $0xFFFFFC00  }
0xf4: {  	_ =	swait.ge [sflag:s24], $0x400  }
0xf5: {  	[sflag:s24] =	ssyncset.done $0x0  }
0xf6: {  	[sflag:s24] =	ssyncadd.s32 $0xFFFFFC00  }
0xf7: {  	_ =	swait.ge [sflag:s29], $0x400  }
0xf8: {  	[sflag:s29] =	ssyncset.done $0x0  }
0xf9: {  	[sflag:s29] =	ssyncadd.s32 $0xFFFFFC00  }
0xfa: {  	_ =	swait.ge [sflag:s1], $0x400  }
0xfb: {  	[sflag:s1] =	ssyncset.done $0x0  }
0xfc: {  	[sflag:s1] =	ssyncadd.s32 $0xFFFFFC00  }
0xfd: {  	[bflag:$0x0] =	sbarrier.arrive $0xFFFF  }
0xfe: {  	s6 =	rddreg [dreg:$0x4]  }
0xff: {  	s4 =	rddreg [dreg:$0x7]  }
0x100: {  	s12 =	simm.s32 $0x11;
	s11 =	rddreg [dreg:$0x9]  }
0x101: {  	[hbm:s4], [sflag:s6] =	dma.local [spmem:s11], $0x280  }
0x102: {  	_ =	swait.ge [sflag:s12], $0x280  }
0x103: {  	s4 =	rddreg [dreg:$0xa]  }
0x104: {  	s6 =	sadd.s32 $0x1, s4;
	s4 =	rddreg [dreg:$0x8]  }
0x105: {  	p0 =	sne.s32 s6, s4  }
.Ltmp1:
0x106: {  	_ = 	snop;
	(pc) =	sbr.rel @p0 .LBB2_1-.Ltmp1, $3  }
0x107: {  	_ =	sdelay $0x1  }
0x108: {  	[sflag:s12] =	ssyncset.done $0x0;
	[dreg:$0xa] =	wrdreg s6  }
0x109: {  	[sflag:s12] =	ssyncadd.s32 $0xFFFFFD80;
	s6 =	rddreg [dreg:$0x4]  }
0x10a: {  	_ =	sfence.sel $0x180000  }
0x10b: {  	[bflag:$0x0] =	sbarrier.arrive $0xFFFF  }
0x10c: {  	_ =	strace $0x9000004D  }
0x10d: {  	s0 =	stileid.u32;
	[bflag:$0x2] =	sbarrier.arrive $0xFFFF  }
0x10e: {  	p0 =	sne.s32 s0, $0x0;
	s0 =	rddreg [dreg:$0x3]  }
0x10f: {  	s0 =	sadd.s32 @!p0 $0x100000, s0  }
0x110: {  	[sflag:s0] =	ssyncadd.tile.s32 @!p0 $0x1;
	_ =	shalt  }
.Lfunc_end2:
_tile_overlayer_lowered:
.L_overlay_start_2:
0x111: {  	(tag) =	ssettag $0x2  }
0x112: {  	s0 =	rddreg [dreg:$0x0];
	s2 =	stileid.u32  }
0x113: {  	s1 =	rddreg [dreg:$0x1];
	p0 =	sne.s32 s2, $0x0  }
0x114: {  	s3 =	rddreg [dreg:$0x2];
	[bflag:$0x3] =	sbarrier.arrive $0xFFFF;
	s2 =	simm.s32 @!p0 $0x1C11  }
0x115: {  	[timem:s3], [sflag:s2] =	dma.local @!p0 [hbm:s0], s1  }
0x116: {  	s0 =	simm.s32 @!p0 $0x11  }
0x117: {  	_ =	swait.ge @!p0 [sflag:s0], s1  }
0x118: {  	s1 =	ssub.s32 @!p0 $0x0, s1;
	[sflag:s0] =	ssyncset.done @!p0 $0x0  }
0x119: {  	[sflag:s0] =	ssyncadd.s32 @!p0 s1  }
0x11a: {  	[bflag:$0x3] =	sbarrier.arrive $0xFFFF  }
0x11b: {  	_ =	shalt  }

// kernel: kernel.8.cloned.1.call-start
scs
__scs_entry_jumppad:
0x0: {  	(pc) =	sbr.rel $0x88, $3  }
0x1: {  	(tag) =	ssettag $0x0;
	lr =	simm.s32 $0x1  }
0x2: {  	[smem:$0x3F99] =	sst lr;
	_ =	strace $0xD0000000  }
0x3: {  	_ = 	snop  }
0x4: {  	_ = 	snop  }
0x5: {  	_ = 	snop  }
0x6: {  	_ = 	snop  }
0x7: {  	_ = 	snop  }
__scs_overlays_trampoline_lowered:
0x8: {  	[smem:$0x3FA8] =	sst s0  }
0x9: {  	[smem:$0x3FA9] =	sst s1  }
0xa: {  	[smem:$0x3FAA] =	sst s2  }
0xb: {  	[smem:$0x3FAB] =	sst s3  }
0xc: {  	[smem:$0x3FAC] =	sst s4  }
0xd: {  	[smem:$0x3FAD] =	sst s5  }
0xe: {  	[smem:$0x3FAE] =	sst s6  }
0xf: {  	[smem:$0x3FAF] =	sst s7  }
0x10: {  	[smem:$0x3FB0] =	sst s8  }
0x11: {  	[smem:$0x3FB1] =	sst s9;
	s0 =	simm.s32 @!p0 $0x0  }
0x12: {  	s1 =	sld [smem:$0x3F97];
	s0 =	simm.s32 @p0 $0x1  }
0x13: {  	[smem:$0x3FB2] =	sst s0;
	s0 =	simm.s32 @!p1 $0x0  }
0x14: {  	s2 =	sld [smem:$0x3F96];
	s0 =	simm.s32 @p1 $0x1  }
0x15: {  	[smem:$0x3FB3] =	sst s0;
	s0 =	simm.s32 @!p2 $0x0  }
0x16: {  	s3 =	sld [smem:$0x3FDB];
	s0 =	simm.s32 @p2 $0x1  }
0x17: {  	s4 =	simm.s32 $0x1BF5;
	[smem:$0x3FB5] =	sst s0  }
0x18: {  	s0 =	sld [smem:$0x3F98];
	_ =	swait.ge [sflag:s4], $0x0  }
0x19: {  	s7 =	sld [smem:$0x3F99]  }
0x1a: {  	s8 =	sadd.s32 $0xFFFFE003, lr  }
0x1b: {  	s9 =	sadd.s32 $0xFFFFFEF7, lr;
	s5 =	simm.s32 $0xFFFFFFFF;
	p2 =	slt.u32 s8, $0xFFFFF086  }
0x1c: {  	p1 =	slt.u32 s9, $0xF7A;
	s5 =	simm.s32 @!p2 $0x0  }
0x1d: {  	s5 =	simm.s32 @p1 $0x1;
	p0 =	seq.s32 s7, s2  }
0x1e: {  	s7 =	smul.u32 @!p0 $0xF7A, s2;
	p2 =	seq.s32 @!p0 s5, $0x0  }
0x1f: {  	s9 =	smul.u32 $0xF7A, s1;
	s8 =	simm.s32 @!p0 $0x1BF5;
	p2 =	por !p2, p0  }
0x20: {  	[sflag:s8] =	ssyncset.s32 @!p0 $0xFFFFF086;
	s6 =	sadd.s32 @!p0 s3, s7;
	s7 =	simm.s32 @!p0 $0x108  }
0x21: {  	s3 =	sadd.s32 s3, s9;
	s6 =	sadd.s32 @!p0 $0x88, s6;
	s7 =	simm.s32 @p2 $0x1082  }
0x22: {  	[simem:s7], [sflag:s8] =	dma.local @!p0 [hbm:s6], $0xF7A  }
0x23: {  	s9 =	sor.u32 $0xD0000000, s2;
	s6 =	simm.s32 $0x108;
	_ =	swait.ge @!p0 [sflag:s8], $0x0  }
0x24: {  	s3 =	sadd.s32 $0x88, s3;
	s6 =	simm.s32 @!p1 $0x1082;
	[sflag:s4] =	ssyncset.s32 $0xFFFFF086  }
0x25: {  	[simem:s6], [sflag:s4] =	dma.local [hbm:s3], $0xF7A  }
0x26: {  	[smem:$0x3F99] =	sst s1;
	(tag) =	ssettag s2;
	_ =	strace s9  }
0x27: {  	s1 =	sld [smem:$0x3FA9]  }
0x28: {  	s2 =	sld [smem:$0x3FAA]  }
0x29: {  	s4 =	sld [smem:$0x3FAC]  }
0x2a: {  	p0 =	seq.s32 s5, $0x0;
	s5 =	sld [smem:$0x3FAD]  }
0x2b: {  	s6 =	sld [smem:$0x3FAE]  }
0x2c: {  	s7 =	sld [smem:$0x3FAF]  }
0x2d: {  	s3 =	simm.s32 $0x108;
	s8 =	sld [smem:$0x3FB0]  }
0x2e: {  	s3 =	simm.s32 @!p0 $0x1082;
	s9 =	sld [smem:$0x3FB1]  }
0x2f: {  	lr =	sadd.s32 s0, s3;
	s0 =	sld [smem:$0x3FA8]  }
0x30: {  	s3 =	sld [smem:$0x3FAB]  }
0x31: {  	[smem:$0x3FB4] =	sst s10  }
0x32: {  	s10 =	sld [smem:$0x3FB2];
	_ =	sdelay $0x3  }
0x33: {  	p0 =	seq.s32 s10, $0x1;
	s10 =	sld [smem:$0x3FB4];
	_ =	sdelay $0x3  }
0x34: {  	[smem:$0x3FB4] =	sst s10  }
0x35: {  	s10 =	sld [smem:$0x3FB3];
	_ =	sdelay $0x3  }
0x36: {  	p1 =	seq.s32 s10, $0x1;
	s10 =	sld [smem:$0x3FB4];
	_ =	sdelay $0x3  }
0x37: {  	[smem:$0x3FB4] =	sst s10  }
0x38: {  	s10 =	sld [smem:$0x3FB5]  }
0x39: {  	_ = 	snop;
	(pc) =	sbr.ind lr, $3  }
0x3a: {  	_ = 	snop  }
0x3b: {  	_ = 	snop  }
0x3c: {  	p2 =	seq.s32 s10, $0x1;
	s10 =	sld [smem:$0x3FB4]  }
0x3d: {  	_ =	shalt  }
0x3e: {  	_ =	shalt  }
0x3f: {  	_ =	shalt  }
0x40: {  	_ =	shalt  }
0x41: {  	_ =	shalt  }
0x42: {  	_ =	shalt  }
0x43: {  	_ =	shalt  }
0x44: {  	_ =	shalt  }
0x45: {  	_ =	shalt  }
0x46: {  	_ =	shalt  }
0x47: {  	_ =	shalt  }
0x48: {  	_ =	shalt  }
0x49: {  	_ =	shalt  }
0x4a: {  	_ =	shalt  }
0x4b: {  	_ =	shalt  }
0x4c: {  	_ =	shalt  }
0x4d: {  	_ =	shalt  }
0x4e: {  	_ =	shalt  }
0x4f: {  	_ =	shalt  }
0x50: {  	_ =	shalt  }
0x51: {  	_ =	shalt  }
0x52: {  	_ =	shalt  }
0x53: {  	_ =	shalt  }
0x54: {  	_ =	shalt  }
0x55: {  	_ =	shalt  }
0x56: {  	_ =	shalt  }
0x57: {  	_ =	shalt  }
0x58: {  	_ =	shalt  }
0x59: {  	_ =	shalt  }
0x5a: {  	_ =	shalt  }
0x5b: {  	_ =	shalt  }
0x5c: {  	_ =	shalt  }
0x5d: {  	_ =	shalt  }
0x5e: {  	_ =	shalt  }
0x5f: {  	_ =	shalt  }
0x60: {  	_ =	shalt  }
0x61: {  	_ =	shalt  }
0x62: {  	_ =	shalt  }
0x63: {  	_ =	shalt  }
0x64: {  	_ =	shalt  }
0x65: {  	_ =	shalt  }
0x66: {  	_ =	shalt  }
0x67: {  	_ =	shalt  }
0x68: {  	_ =	shalt  }
0x69: {  	_ =	shalt  }
0x6a: {  	_ =	shalt  }
0x6b: {  	_ =	shalt  }
0x6c: {  	_ =	shalt  }
0x6d: {  	_ =	shalt  }
0x6e: {  	_ =	shalt  }
0x6f: {  	_ =	shalt  }
0x70: {  	_ =	shalt  }
0x71: {  	_ =	shalt  }
0x72: {  	_ =	shalt  }
0x73: {  	_ =	shalt  }
0x74: {  	_ =	shalt  }
0x75: {  	_ =	shalt  }
0x76: {  	_ =	shalt  }
0x77: {  	_ =	shalt  }
0x78: {  	_ =	shalt  }
0x79: {  	_ =	shalt  }
0x7a: {  	_ =	shalt  }
0x7b: {  	_ =	shalt  }
0x7c: {  	_ =	shalt  }
0x7d: {  	_ =	shalt  }
0x7e: {  	_ =	shalt  }
0x7f: {  	_ =	shalt  }
0x80: {  	_ =	shalt  }
0x81: {  	_ =	shalt  }
0x82: {  	_ =	shalt  }
0x83: {  	_ =	shalt  }
0x84: {  	_ =	shalt  }
0x85: {  	_ =	shalt  }
0x86: {  	_ =	shalt  }
0x87: {  	_ =	shalt  }
.Lfunc_end0:
.L_simem_size_0:
called_computation_lowered:
.L_overlay_start_0:
0x88: {  	s2 =	sld [smem:$0x3FD9]  }
0x89: {  	s3 =	sld [smem:$0x3FFE];
	_ =	sdelay $0x1  }
0x8a: {  	s1 =	srdreg.scid  }
0x8b: {  	s0 =	sand.u32 $0x1, s1  }
0x8c: {  	s17 =	sshll.u32 s0, $0xA;
	s2 =	sadd.s32 s3, s2  }
0x8d: {  	s2 =	sadd.s32 s2, s17  }
0x8e: {  	[smem:$0x3FC0] =	sst s2  }
0x8f: {  	_ = 	snop  }
0x90: {  	s2 =	sld [smem:$0x3FD0];
	(tm) =	ssettm $0x1  }
0x91: {  	s18 =	sld [smem:$0x3FFB];
	_ =	sdelay $0x3  }
0x92: {  	_ =	strace s18  }
0x93: {  	s3 =	sld [smem:$0x3FFC];
	_ =	sdelay $0x3  }
0x94: {  	_ =	strace s3  }
0x95: {  	s3 =	sld [smem:$0x3FFD];
	_ =	sdelay $0x3  }
0x96: {  	_ =	strace s3  }
0x97: {  	_ =	strace $0x8FFFFFFF  }
0x98: {  	s19 =	sld [smem:$0x3FDB];
	_ =	sdelay $0x1  }
0x99: {  	s4 =	simm.s32 $_scs_section_size  }
0x9a: {  	s5 =	simm.s32 $_size__tile_overlayer_lowered;
	s6 =	simm.s32 $_tile_overlayer_lowered  }
0x9b: {  	s22 =	simm.s32 $0x1BFF;
	s21 =	sshll.u32 s6, $0x1;
	s3 =	sadd.s32 s4, s19  }
0x9c: {  	s7 =	simm.s32 $0x0;
	s20 =	sshll.u32 s5, $0x1;
	s5 =	sadd.s32 s21, s3  }
0x9d: {  	[timem:s7], [sflag:s22] =	dma.local [hbm:s5], s20  }
0x9e: {  	_ =	swait.ge [sflag:s22], s20  }
0x9f: {  	s4 =	ssub.s32 $0x0, s20;
	[sflag:s22] =	ssyncset.done $0x0  }
0xa0: {  	[sflag:s22] =	ssyncadd.s32 s4;
	_ =	sdelay $0x1  }
0xa1: {  	s23 =	simm.s32 $0x1B8B  }
0xa2: {  	_ =	swait.ge [sflag:s23], $0x1  }
0xa3: {  	[sflag:s23] =	ssyncset.done $0x0  }
0xa4: {  	s25 =	simm.s32 $0x1B8E;
	s24 =	sld [smem:$0x3FFE];
	[sflag:s23] =	ssyncadd.s32 $0xFFFFFFFF  }
0xa5: {  	s26 =	simm.s32 $execute0_lowered;
	[smem:$0x3FD2] =	sst s25  }
0xa6: {  	s5 =	sshll.u32 s26, $0x1;
	_ =	strace $0x80000046;
	[dreg:$0x1] =	wrdreg $0xFFFFFFFF  }
0xa7: {  	s28 =	simm.s32 $_size_execute0_lowered;
	s3 =	sadd.s32 s3, s5;
	[dreg:$0x0] =	wrdreg $0x0  }
0xa8: {  	s5 =	sshll.u32 s28, $0x1;
	[dreg:$0x2] =	wrdreg s3  }
0xa9: {  	[dreg:$0x3] =	wrdreg s5  }
0xaa: {  	[dreg:$0x4] =	wrdreg $0xC0  }
0xab: {  	_ =	task [dreg:s7], $0x5FFFF  }
0xac: {  	[dreg:$0x1] =	wrdreg $0xFFFFFFFF  }
0xad: {  	[dreg:$0x0] =	wrdreg $0x60  }
0xae: {  	[dreg:$0x2] =	wrdreg s24  }
0xaf: {  	[dreg:$0x3] =	wrdreg s2  }
0xb0: {  	[dreg:$0x4] =	wrdreg $0x2C000  }
0xb1: {  	[dreg:$0x5] =	wrdreg $0x9  }
0xb2: {  	_ =	task.clear_ibuf [dreg:s7], $0x6FFFF;
	_ =	strace $0x90000046  }
0xb3: {  	s29 =	simm.s32 $0x9;
	_ =	strace $0x80000048  }
0xb4: {  	_ =	swait.ge [sflag:s29], $0x1  }
0xb5: {  	[sflag:s29] =	ssyncadd.s32 $0xFFFFFFFF  }
0xb6: {  	_ =	strace $0x90000048  }
0xb7: {  	_ =	sfence  }
0xb8: {  	s30 =	sld [smem:$0x0];
	_ =	sdelay $0x2  }
0xb9: {  	s31 =	sshll.u32 s1, $0xD;
	s1 =	sshrl.u32 s1, $0x2  }
0xba: {  	s3 =	sand.u32 $0x4000, s31;
	s1 =	sadd.s32 s1, s30  }
0xbb: {  	s0 =	sor.u32 s3, s0;
	s1 =	sshll.u32 s1, $0x11  }
0xbc: {  	s0 =	sor.u32 s1, s0  }
0xbd: {  	s0 =	sadd.s32 $0x8F2B, s0  }
0xbe: {  	[sflag:s0] =	ssyncadd.remote.s32 $0x1  }
0xbf: {  	_ =	sfence.sel $0xFFFF  }
0xc0: {  	[dreg:$0x0] =	wrdreg $0xFFFFFFFF;
	(pc) =	sbr.abs _section_cstart, $3  }
0xc1: {  	[dreg:$0x1] =	wrdreg $0xFFFFFFFF  }
0xc2: {  	_ =	task.clear_ibuf [dreg:s7], $0x2FFFF;
	_ =	strace $0x9FFFFFFF  }
0xc3: {  	(tm) =	ssettm $0x7FFFFFFF  }
tec
execute0_lowered:
.L_overlay_start_1:
0x0: {  	(tag) =	ssettag $0x1  }
0x1: {  	s6 =	rddreg [dreg:$0x0]  }
0x2: {  	s2 =	rddreg [dreg:$0x1]  }
0x3: {  	s3 =	rddreg [dreg:$0x2]  }
0x4: {  	s0 =	rddreg [dreg:$0x3]  }
0x5: {  	s4 =	srdreg.scid;
	s1 =	stileid.u32;
	s12 =	simm.s32 $0x2800  }
0x6: {  	s13 =	simm.s32 $0x80;
	s14 =	simm.s32 $0x100;
	s15 =	simm.s32 $0x180  }
0x7: {  	s16 =	simm.s32 $0x1;
	s17 =	simm.s32 $0x2;
	s18 =	simm.s32 $0x3  }
0x8: {  	s19 =	simm.s32 $0x4;
	s20 =	simm.s32 $0x0;
	s5 =	sand.u32 $0x1, s4  }
0x9: {  	s7 =	sshll.u32 s1, $0x1;
	s8 =	smul.u32 $0x1400, s1;
	s4 =	simm.s32 $0x0  }
0xa: {  	s31 =	sshll.u32 s1, $0x6;
	s7 =	sor.u32 s5, s7;
	s9 =	smul.u32 $0x14000, s5  }
0xb: {  	[smem:$0x7FF] =	sst s4;
	s10 =	ssub.s32 $0x2, s5;
	s5 =	sadd.s32 $0xC600, s6  }
0xc: {  	s7 =	smul.u32 $0x500, s7;
	_ =	strace $0x80000047;
	s9 =	sadd.s32 s8, s9  }
0xd: {  	s30 =	sshrl.u32 s10, $0x1;
	s11 =	sadd.s32 s8, s3;
	s9 =	sshrl.u32 s9, $0x3  }
0xe: {  	s10 =	ssub.s32 s10, s30;
	s7 =	sadd.s32 s7, s6;
	s9 =	sadd.s32 s9, s6  }
0xf: {  	s6 =	sor.u32 $0x1C05, s31;
	s7 =	sadd.s32 $0x2400, s7;
	s8 =	sadd.s32 $0xC800, s9  }
0x10: {  	s9 =	smax.u32 s10, $0x1;
	s10 =	sshrl.u32 s11, $0x3;
	s11 =	simm.s32 $0x5  }
.LBB2_1:
0x11: {  	[spmem:s10], [sflag:s6] =	dma.local [hbm:s2], $0x280  }
0x12: {  	_ =	swait.ge [sflag:s11], $0x280  }
0x13: {  	[sflag:s11] =	ssyncset.done $0x0  }
0x14: {  	[sflag:s11] =	ssyncadd.s32 $0xFFFFFD80  }
0x15: {  	[tilespmem:s12], [sflag:$0x5] =	stream.linear.gather [hbm4b:s5+s4], $0x400, $0x38;
	[tilespmem:$0x4000] =	vst v63  }
0x16: {  	_ =	swait.ge [sflag:s11], $0x400  }
0x17: {  	[sflag:s11] =	ssyncset.done $0x0  }
0x18: {  	[sflag:s11] =	ssyncadd.s32 $0xFFFFFC00  }
0x19: {  	[tilespmem:s4], [sflag:$0x5] =	stream.linear.gather [hbm4b:s7+s4], $0x2800, $0x38;
	[tilespmem:$0x4000] =	vst v63  }
0x1a: {  	_ =	swait.ge [sflag:s11], $0x2800  }
0x1b: {  	[sflag:s11] =	ssyncset.done $0x0  }
0x1c: {  	[sflag:s11] =	ssyncadd.s32 $0xFFFFD800  }
0x1d: {  	[bflag:$0x0] =	sbarrier.arrive $0xFFFF  }
0x1e: {  	[spmem:s3] =	stream.indirect.scatter.add.f32 [tilespmem:s12], [sflag:$0x1], $0x8, s4, s13, $0xb8;
	[tilespmem:$0x4000] =	vst v63  }
0x1f: {  	_ = 	snop  }
0x20: {  	[spmem:s3] =	stream.indirect.scatter.add.f32 [tilespmem:s12], [sflag:$0x2], $0x8, s13, s13, $0xb8;
	[tilespmem:$0x4000] =	vst v63  }
0x21: {  	_ = 	snop  }
0x22: {  	[spmem:s3] =	stream.indirect.scatter.add.f32 [tilespmem:s12], [sflag:$0x3], $0x8, s14, s13, $0xb8;
	[tilespmem:$0x4000] =	vst v63  }
0x23: {  	_ = 	snop  }
0x24: {  	[spmem:s3] =	stream.indirect.scatter.add.f32 [tilespmem:s12], [sflag:$0x4], $0x8, s15, s13, $0xb8;
	[tilespmem:$0x4000] =	vst v63  }
0x25: {  	_ =	swait.ge [sflag:s16], $0x400  }
0x26: {  	[sflag:s16] =	ssyncset.done $0x0  }
0x27: {  	s21 =	simm.s32 $0x200;
	[sflag:s16] =	ssyncadd.s32 $0xFFFFFC00  }
0x28: {  	[spmem:s3] =	stream.indirect.scatter.add.f32 [tilespmem:s12], [sflag:$0x1], $0x8, s21, s13, $0xb8;
	[tilespmem:$0x4000] =	vst v63  }
0x29: {  	_ =	swait.ge [sflag:s17], $0x400  }
0x2a: {  	[sflag:s17] =	ssyncset.done $0x0  }
0x2b: {  	s30 =	simm.s32 $0x280;
	[sflag:s17] =	ssyncadd.s32 $0xFFFFFC00  }
0x2c: {  	[spmem:s3] =	stream.indirect.scatter.add.f32 [tilespmem:s12], [sflag:$0x2], $0x8, s30, s13, $0xb8;
	[tilespmem:$0x4000] =	vst v63  }
0x2d: {  	_ =	swait.ge [sflag:s18], $0x400  }
0x2e: {  	[sflag:s18] =	ssyncset.done $0x0  }
0x2f: {  	s31 =	simm.s32 $0x300;
	[sflag:s18] =	ssyncadd.s32 $0xFFFFFC00  }
0x30: {  	[spmem:s3] =	stream.indirect.scatter.add.f32 [tilespmem:s12], [sflag:$0x3], $0x8, s31, s13, $0xb8;
	[tilespmem:$0x4000] =	vst v63  }
0x31: {  	_ =	swait.ge [sflag:s19], $0x400  }
0x32: {  	[sflag:s19] =	ssyncset.done $0x0  }
0x33: {  	s22 =	simm.s32 $0x380;
	s21 =	simm.s32 $0xFFFF7000;
	[sflag:s19] =	ssyncadd.s32 $0xFFFFFC00  }
.LBB2_2:
0x34: {  	[spmem:s3] =	stream.indirect.scatter.add.f32 [tilespmem:s12], [sflag:$0x4], $0x8, s22, s13, $0xb8;
	[tilespmem:$0x4000] =	vst v63  }
0x35: {  	s22 =	smov.u32 s21  }
0x36: {  	p0 =	sne.s32 s21, $0xFFFFF800;
	s21 =	sadd.s32 $0x800, s21;
	_ =	swait.ge [sflag:s16], $0x400  }
0x37: {  	s22 =	sshra.s32 s22, $0x2;
	[sflag:s16] =	ssyncset.done $0x0  }
0x38: {  	s23 =	sadd.s32 $0x2800, s22;
	[sflag:s16] =	ssyncadd.s32 $0xFFFFFC00  }
0x39: {  	[spmem:s3] =	stream.indirect.scatter.add.f32 [tilespmem:s12], [sflag:$0x1], $0x8, s23, s13, $0xb8;
	[tilespmem:$0x4000] =	vst v63  }
0x3a: {  	_ =	swait.ge [sflag:s17], $0x400  }
0x3b: {  	[sflag:s17] =	ssyncset.done $0x0  }
0x3c: {  	s23 =	sadd.s32 $0x2880, s22;
	[sflag:s17] =	ssyncadd.s32 $0xFFFFFC00  }
0x3d: {  	[spmem:s3] =	stream.indirect.scatter.add.f32 [tilespmem:s12], [sflag:$0x2], $0x8, s23, s13, $0xb8;
	[tilespmem:$0x4000] =	vst v63  }
0x3e: {  	_ =	swait.ge [sflag:s18], $0x400  }
0x3f: {  	[sflag:s18] =	ssyncset.done $0x0  }
.Ltmp0:
0x40: {  	s23 =	sadd.s32 $0x2900, s22;
	[sflag:s18] =	ssyncadd.s32 $0xFFFFFC00;
	(pc) =	sbr.rel @p0 .LBB2_2-.Ltmp0, $4  }
0x41: {  	[spmem:s3] =	stream.indirect.scatter.add.f32 [tilespmem:s12], [sflag:$0x3], $0x8, s23, s13, $0xb8;
	[tilespmem:$0x4000] =	vst v63  }
0x42: {  	_ =	swait.ge [sflag:s19], $0x400  }
0x43: {  	[sflag:s19] =	ssyncset.done $0x0  }
0x44: {  	s22 =	sadd.s32 $0x2980, s22;
	[sflag:s19] =	ssyncadd.s32 $0xFFFFFC00  }
0x45: {  	[spmem:s3] =	stream.indirect.scatter.add.f32 [tilespmem:s12], [sflag:$0x4], $0x8, s22, s13, $0xb8;
	[tilespmem:$0x4000] =	vst v63  }
0x46: {  	_ =	swait.ge [sflag:s16], $0x400  }
0x47: {  	[sflag:s16] =	ssyncset.done $0x0  }
0x48: {  	[sflag:s16] =	ssyncadd.s32 $0xFFFFFC00  }
0x49: {  	_ =	swait.ge [sflag:s17], $0x400  }
0x4a: {  	[sflag:s17] =	ssyncset.done $0x0  }
0x4b: {  	[sflag:s17] =	ssyncadd.s32 $0xFFFFFC00  }
0x4c: {  	_ =	swait.ge [sflag:s18], $0x400  }
0x4d: {  	[sflag:s18] =	ssyncset.done $0x0  }
0x4e: {  	[sflag:s18] =	ssyncadd.s32 $0xFFFFFC00  }
0x4f: {  	_ =	swait.ge [sflag:s19], $0x400  }
0x50: {  	s20 =	sadd.s32 $0x1, s20;
	[sflag:s19] =	ssyncset.done $0x0  }
0x51: {  	p0 =	sne.s32 s20, s9;
	[sflag:s19] =	ssyncadd.s32 $0xFFFFFC00  }
.Ltmp1:
0x52: {  	[bflag:$0x0] =	sbarrier.arrive $0xFFFF;
	(pc) =	sbr.rel @p0 .LBB2_1-.Ltmp1, $4  }
0x53: {  	[hbm:s8], [sflag:s6] =	dma.local [spmem:s10], $0x280  }
0x54: {  	_ =	swait.ge [sflag:s11], $0x280  }
0x55: {  	[sflag:s11] =	ssyncset.done $0x0  }
0x56: {  	[sflag:s11] =	ssyncadd.s32 $0xFFFFFD80  }
0x57: {  	_ =	sfence.sel $0x180000  }
0x58: {  	[bflag:$0x0] =	sbarrier.arrive $0xFFFF  }
0x59: {  	p0 =	sne.s32 s1, $0x0;
	_ =	strace $0x90000047  }
0x5a: {  	s0 =	sadd.s32 @!p0 $0x100000, s0;
	[bflag:$0x2] =	sbarrier.arrive $0xFFFF  }
0x5b: {  	[sflag:s0] =	ssyncadd.tile.s32 @!p0 $0x1;
	_ =	shalt  }
.Lfunc_end2:
_tile_overlayer_lowered:
.L_overlay_start_2:
0x5c: {  	(tag) =	ssettag $0x2  }
0x5d: {  	s0 =	rddreg [dreg:$0x0];
	s2 =	stileid.u32  }
0x5e: {  	s1 =	rddreg [dreg:$0x1];
	p0 =	sne.s32 s2, $0x0  }
0x5f: {  	s3 =	rddreg [dreg:$0x2];
	[bflag:$0x3] =	sbarrier.arrive $0xFFFF;
	s2 =	simm.s32 @!p0 $0x1C05  }
0x60: {  	[timem:s3], [sflag:s2] =	dma.local @!p0 [hbm:s0], s1  }
0x61: {  	s0 =	simm.s32 @!p0 $0x5  }
0x62: {  	_ =	swait.ge @!p0 [sflag:s0], s1  }
0x63: {  	s1 =	ssub.s32 @!p0 $0x0, s1;
	[sflag:s0] =	ssyncset.done @!p0 $0x0  }
0x64: {  	[sflag:s0] =	ssyncadd.s32 @!p0 s1  }
0x65: {  	[bflag:$0x3] =	sbarrier.arrive $0xFFFF  }
0x66: {  	_ =	shalt  }

</sc_bundles>
